<compile_context>
chip_gen: v7x
topology: tpu7x:2x2x1
jax: 0.10.2.dev20260603
libtpu: 0.0.44.dev20260713+nightly
codegen_flags: <defaults>
</compile_context>

<pallas_src>
import functools

import jax
import jax.numpy as jnp
from jax import lax
from jax.experimental import pallas as pl
from jax.experimental.pallas import tpu as pltpu
from jax.experimental.pallas import tpu_sc as plsc

BATCH = 16384
NCORE = 2
NSUB = 16
NW = NCORE * NSUB
B_W = BATCH // NW

TABLES = ((32, 0), (32, 32), (16, 64), (16, 80), (16, 96), (16, 112),
          (16, 128), (16, 144))
EMB_D = 160
DENSE_OFF = 160
DENSE_D = 17
OUT_D = 177


def _body(i0, i1, i2, i3, i4, i5, i6, i7, w0, w1, w2, w3, w4, w5, w6, w7,
          dense_hbm, out_hbm, asm_v, idx_v, sem_iv, sem_g, sem_d):
    tables = (w0, w1, w2, w3, w4, w5, w6, w7)
    idxs = (i0, i1, i2, i3, i4, i5, i6, i7)
    wid = lax.axis_index("s") * NCORE + lax.axis_index("c")
    base = pl.multiple_of(wid * B_W, B_W)

    dense_cp = pltpu.async_copy(
        dense_hbm.at[pl.ds(base, B_W), :],
        asm_v.at[:, pl.ds(DENSE_OFF, DENSE_D)], sem_d)

    icps = [pltpu.async_copy(idxs[t].at[pl.ds(base, B_W)], idx_v.at[t],
                             sem_iv) for t in range(8)]
    for cp in icps:
        cp.wait()

    for t, (d, off) in enumerate(TABLES):
        def group_body(g, carry, t=t, d=d, off=off):
            gbase = pl.multiple_of(g * 16, 16)
            ivec = idx_v[t, pl.ds(gbase, 16)]
            for r in range(16):
                pltpu.async_copy(
                    tables[t].at[pl.ds(ivec[r], 1), :],
                    asm_v.at[pl.ds(gbase + r, 1), pl.ds(off, d)], sem_g)
            return carry

        lax.fori_loop(0, B_W // 16, group_body, 0)

    pltpu.make_async_copy(
        out_hbm.at[pl.ds(0, B_W), pl.ds(0, EMB_D)],
        asm_v.at[:, pl.ds(0, EMB_D)], sem_g).wait()
    dense_cp.wait()

    pltpu.sync_copy(asm_v, out_hbm.at[pl.ds(base, B_W), :])


@jax.jit
def kernel(user_id, W_user_id, item_id, W_item_id, cat_0, W_cat_0,
           cat_1, W_cat_1, cat_2, W_cat_2, cat_3, W_cat_3,
           cat_4, W_cat_4, cat_5, W_cat_5, cont, ord_feat):
    idxs = [x.astype(jnp.int32) for x in
            (user_id, item_id, cat_0, cat_1, cat_2, cat_3, cat_4, cat_5)]
    dense = jnp.concatenate([cont, ord_feat], axis=-1)

    mesh = plsc.VectorSubcoreMesh(core_axis_name="c", subcore_axis_name="s")
    run = functools.partial(
        pl.kernel,
        out_type=jax.ShapeDtypeStruct((BATCH, OUT_D), jnp.float32),
        mesh=mesh,
        compiler_params=pltpu.CompilerParams(use_tc_tiling_on_sc=False),
        scratch_types=[
            pltpu.VMEM((B_W, OUT_D), jnp.float32),
            pltpu.VMEM((8, B_W), jnp.int32),
            pltpu.SemaphoreType.DMA,
            pltpu.SemaphoreType.DMA,
            pltpu.SemaphoreType.DMA,
        ],
    )(_body)
    return run(*idxs, W_user_id, W_item_id, W_cat_0, W_cat_1, W_cat_2,
               W_cat_3, W_cat_4, W_cat_5, dense)

# --- scband reference (transcript-rebuilt; emitter-appended) ---
"""Pipeline reference for scband-feature-embedding-46995532153470 (READ-ONLY COPY).

The authoritative reference and input builder live on the scoring server;
editing this copy changes nothing except your own understanding.
"""

import jax, jax.numpy as jnp
import numpy as np

EMB_DIMS = {
    "user_id": (1000000, 32),
    "item_id": (1000000, 32),
    "cat_0": (100000, 16),
    "cat_1": (100000, 16),
    "cat_2": (100000, 16),
    "cat_3": (100000, 16),
    "cat_4": (10000, 16),
    "cat_5": (10000, 16),
}
BATCH = 16384


def setup_inputs(seed: int = 0) -> dict:
    key = jax.random.key(seed)
    inp = {}
    i = 0
    for name, (nc, d) in EMB_DIMS.items():
        inp[name] = jax.random.randint(jax.random.fold_in(key, i), (BATCH,), 0, nc)
        i += 1
        # nn.Embedding(num_classes + 1, embed_dim, padding_idx=num_classes)
        W = jax.random.normal(jax.random.fold_in(key, i), (nc + 1, d), dtype=jnp.float32) * 0.02
        W = W.at[nc].set(0.0)  # padding row zeroed, matching padding_idx init
        inp["W_" + name] = W
        i += 1
    inp["cont"] = jax.random.normal(jax.random.fold_in(key, i), (BATCH, 13), dtype=jnp.float32)
    i += 1
    inp["ord_feat"] = jax.random.normal(jax.random.fold_in(key, i), (BATCH, 4), dtype=jnp.float32)
    return inp


def reference(
    user_id,
    W_user_id,
    item_id,
    W_item_id,
    cat_0,
    W_cat_0,
    cat_1,
    W_cat_1,
    cat_2,
    W_cat_2,
    cat_3,
    W_cat_3,
    cat_4,
    W_cat_4,
    cat_5,
    W_cat_5,
    cont,
    ord_feat,
) -> jnp.ndarray:
    kw = {
        "user_id": user_id,
        "W_user_id": W_user_id,
        "item_id": item_id,
        "W_item_id": W_item_id,
        "cat_0": cat_0,
        "W_cat_0": W_cat_0,
        "cat_1": cat_1,
        "W_cat_1": W_cat_1,
        "cat_2": cat_2,
        "W_cat_2": W_cat_2,
        "cat_3": cat_3,
        "W_cat_3": W_cat_3,
        "cat_4": cat_4,
        "W_cat_4": W_cat_4,
        "cat_5": cat_5,
        "W_cat_5": W_cat_5,
        "cont": cont,
        "ord_feat": ord_feat,
    }
    embeds = []
    for name, (nc, d) in EMB_DIMS.items():
        x = kw[name]
        x = jnp.where((x < 0) | (x >= nc), nc, x)  # clamp OOV to padding row
        embeds.append(jnp.take(kw["W_" + name], x, axis=0))
    return jnp.concatenate(embeds + [kw["cont"], kw["ord_feat"]], axis=-1)

if __name__ == "__main__":
    import jax
    _d = setup_inputs()
    print(jax.jit(kernel)(*tuple(_d.values())))

</pallas_src>

<mosaic_0001>
#map = affine_map<(d0, d1) -> (0)>
#map1 = affine_map<(d0, d1) -> (0, 0)>
module attributes {stable_mosaic.version = 14 : i64} {
  func.func @_body(%arg0: i32, %arg1: i32, %arg2: memref<16384xi32, #tpu.memory_space<hbm>>, %arg3: memref<16384xi32, #tpu.memory_space<hbm>>, %arg4: memref<16384xi32, #tpu.memory_space<hbm>>, %arg5: memref<16384xi32, #tpu.memory_space<hbm>>, %arg6: memref<16384xi32, #tpu.memory_space<hbm>>, %arg7: memref<16384xi32, #tpu.memory_space<hbm>>, %arg8: memref<16384xi32, #tpu.memory_space<hbm>>, %arg9: memref<16384xi32, #tpu.memory_space<hbm>>, %arg10: memref<1000001x32xf32, #tpu.memory_space<hbm>>, %arg11: memref<1000001x32xf32, #tpu.memory_space<hbm>>, %arg12: memref<100001x16xf32, #tpu.memory_space<hbm>>, %arg13: memref<100001x16xf32, #tpu.memory_space<hbm>>, %arg14: memref<100001x16xf32, #tpu.memory_space<hbm>>, %arg15: memref<100001x16xf32, #tpu.memory_space<hbm>>, %arg16: memref<10001x16xf32, #tpu.memory_space<hbm>>, %arg17: memref<10001x16xf32, #tpu.memory_space<hbm>>, %arg18: memref<16384x17xf32, #tpu.memory_space<hbm>>, %arg19: memref<16384x177xf32, #tpu.memory_space<hbm>>, %arg20: memref<512x177xf32, #tpu.memory_space<vmem>>, %arg21: memref<8x512xi32, #tpu.memory_space<vmem>>, %arg22: memref<!tpu.dma_semaphore, #tpu.memory_space<semaphore_mem>>, %arg23: memref<!tpu.dma_semaphore, #tpu.memory_space<semaphore_mem>>, %arg24: memref<!tpu.dma_semaphore, #tpu.memory_space<semaphore_mem>>) attributes {dimension_semantics = [#tpu.dimension_semantics<core_parallel>, #tpu.dimension_semantics<subcore_parallel>], iteration_bounds = array<i64: 2, 16>, scalar_prefetch = 0 : i64, scratch_operands = 5 : i64, tpu.core_type = #tpu.core_type<sc_vector_subcore>, window_params = [{transform_indices = #map}, {transform_indices = #map}, {transform_indices = #map}, {transform_indices = #map}, {transform_indices = #map}, {transform_indices = #map}, {transform_indices = #map}, {transform_indices = #map}, {transform_indices = #map1}, {transform_indices = #map1}, {transform_indices = #map1}, {transform_indices = #map1}, {transform_indices = #map1}, {transform_indices = #map1}, {transform_indices = #map1}, {transform_indices = #map1}, {transform_indices = #map1}, {transform_indices = #map1}]} {
    %mul3A = arith.constant 2 : i32
    %mul3A_0 = arith.muli %arg1, %mul3A : i32
    %add3A = arith.addi %mul3A_0, %arg0 : i32
    %mul3A_1 = arith.constant 512 : i32
    %mul3A_2 = arith.muli %add3A, %mul3A_1 : i32
    %multiple_of3A = tpu.assume_multiple %mul3A_2, 512 : i32
    %dma_start3A = arith.constant 0 : i32
    %dma_start3A_3 = arith.constant 160 : i32
    %dma_start3A_4 = tpu.memref_slice %arg20[%dma_start3A, %dma_start3A_3] : memref<512x177xf32, #tpu.memory_space<vmem>> -> memref<512x17xf32, #tpu.memory_space<vmem>>
    %dma_start3A_5 = arith.constant 0 : i32
    %dma_start3A_6 = tpu.memref_slice %arg18[%multiple_of3A, %dma_start3A_5] : memref<16384x17xf32, #tpu.memory_space<hbm>> -> memref<512x17xf32, #tpu.memory_space<hbm>>
    %dma_start3A_7 = arith.constant 0 : i32
    %dma_start3A_8 = arith.constant 160 : i32
    %dma_start3A_9 = tpu.memref_slice %arg20[%dma_start3A_7, %dma_start3A_8] : memref<512x177xf32, #tpu.memory_space<vmem>> -> memref<512x17xf32, #tpu.memory_space<vmem>>
    %dma_start3A_10 = arith.constant 0 : i32
    %dma_start3A_11 = tpu.memref_slice %arg18[%multiple_of3A, %dma_start3A_10] : memref<16384x17xf32, #tpu.memory_space<hbm>> -> memref<512x17xf32, #tpu.memory_space<hbm>>
    tpu.enqueue_dma source(%dma_start3A_11 : memref<512x17xf32, #tpu.memory_space<hbm>>) target(%dma_start3A_9 : memref<512x17xf32, #tpu.memory_space<vmem>>) target_semaphore(%arg24 : memref<!tpu.dma_semaphore, #tpu.memory_space<semaphore_mem>>)
    %dma_start3A_12 = arith.constant 0 : i32
    %dma_start3A_13 = arith.constant 0 : i32
    %dma_start3A_14 = tpu.memref_slice %arg21[%dma_start3A_12, %dma_start3A_13] : memref<8x512xi32, #tpu.memory_space<vmem>> -> memref<1x512xi32, #tpu.memory_space<vmem>>
    %dma_start3A_15 = tpu.memref_squeeze %dma_start3A_14 : memref<1x512xi32, #tpu.memory_space<vmem>> -> memref<512xi32, #tpu.memory_space<vmem>>
    %dma_start3A_16 = tpu.memref_slice %arg2[%multiple_of3A] : memref<16384xi32, #tpu.memory_space<hbm>> -> memref<512xi32, #tpu.memory_space<hbm>>
    %dma_start3A_17 = arith.constant 0 : i32
    %dma_start3A_18 = tpu.memref_slice %arg21[%dma_start3A_12, %dma_start3A_17] : memref<8x512xi32, #tpu.memory_space<vmem>> -> memref<1x512xi32, #tpu.memory_space<vmem>>
    %dma_start3A_19 = tpu.memref_squeeze %dma_start3A_18 : memref<1x512xi32, #tpu.memory_space<vmem>> -> memref<512xi32, #tpu.memory_space<vmem>>
    %dma_start3A_20 = tpu.memref_slice %arg2[%multiple_of3A] : memref<16384xi32, #tpu.memory_space<hbm>> -> memref<512xi32, #tpu.memory_space<hbm>>
    tpu.enqueue_dma source(%dma_start3A_20 : memref<512xi32, #tpu.memory_space<hbm>>) target(%dma_start3A_19 : memref<512xi32, #tpu.memory_space<vmem>>) target_semaphore(%arg22 : memref<!tpu.dma_semaphore, #tpu.memory_space<semaphore_mem>>)
    %dma_start3A_21 = arith.constant 1 : i32
    %dma_start3A_22 = arith.constant 0 : i32
    %dma_start3A_23 = tpu.memref_slice %arg21[%dma_start3A_21, %dma_start3A_22] : memref<8x512xi32, #tpu.memory_space<vmem>> -> memref<1x512xi32, #tpu.memory_space<vmem>>
    %dma_start3A_24 = tpu.memref_squeeze %dma_start3A_23 : memref<1x512xi32, #tpu.memory_space<vmem>> -> memref<512xi32, #tpu.memory_space<vmem>>
    %dma_start3A_25 = tpu.memref_slice %arg3[%multiple_of3A] : memref<16384xi32, #tpu.memory_space<hbm>> -> memref<512xi32, #tpu.memory_space<hbm>>
    %dma_start3A_26 = arith.constant 0 : i32
    %dma_start3A_27 = tpu.memref_slice %arg21[%dma_start3A_21, %dma_start3A_26] : memref<8x512xi32, #tpu.memory_space<vmem>> -> memref<1x512xi32, #tpu.memory_space<vmem>>
    %dma_start3A_28 = tpu.memref_squeeze %dma_start3A_27 : memref<1x512xi32, #tpu.memory_space<vmem>> -> memref<512xi32, #tpu.memory_space<vmem>>
    %dma_start3A_29 = tpu.memref_slice %arg3[%multiple_of3A] : memref<16384xi32, #tpu.memory_space<hbm>> -> memref<512xi32, #tpu.memory_space<hbm>>
    tpu.enqueue_dma source(%dma_start3A_29 : memref<512xi32, #tpu.memory_space<hbm>>) target(%dma_start3A_28 : memref<512xi32, #tpu.memory_space<vmem>>) target_semaphore(%arg22 : memref<!tpu.dma_semaphore, #tpu.memory_space<semaphore_mem>>)
    %dma_start3A_30 = arith.constant 2 : i32
    %dma_start3A_31 = arith.constant 0 : i32
    %dma_start3A_32 = tpu.memref_slice %arg21[%dma_start3A_30, %dma_start3A_31] : memref<8x512xi32, #tpu.memory_space<vmem>> -> memref<1x512xi32, #tpu.memory_space<vmem>>
    %dma_start3A_33 = tpu.memref_squeeze %dma_start3A_32 : memref<1x512xi32, #tpu.memory_space<vmem>> -> memref<512xi32, #tpu.memory_space<vmem>>
    %dma_start3A_34 = tpu.memref_slice %arg4[%multiple_of3A] : memref<16384xi32, #tpu.memory_space<hbm>> -> memref<512xi32, #tpu.memory_space<hbm>>
    %dma_start3A_35 = arith.constant 0 : i32
    %dma_start3A_36 = tpu.memref_slice %arg21[%dma_start3A_30, %dma_start3A_35] : memref<8x512xi32, #tpu.memory_space<vmem>> -> memref<1x512xi32, #tpu.memory_space<vmem>>
    %dma_start3A_37 = tpu.memref_squeeze %dma_start3A_36 : memref<1x512xi32, #tpu.memory_space<vmem>> -> memref<512xi32, #tpu.memory_space<vmem>>
    %dma_start3A_38 = tpu.memref_slice %arg4[%multiple_of3A] : memref<16384xi32, #tpu.memory_space<hbm>> -> memref<512xi32, #tpu.memory_space<hbm>>
    tpu.enqueue_dma source(%dma_start3A_38 : memref<512xi32, #tpu.memory_space<hbm>>) target(%dma_start3A_37 : memref<512xi32, #tpu.memory_space<vmem>>) target_semaphore(%arg22 : memref<!tpu.dma_semaphore, #tpu.memory_space<semaphore_mem>>)
    %dma_start3A_39 = arith.constant 3 : i32
    %dma_start3A_40 = arith.constant 0 : i32
    %dma_start3A_41 = tpu.memref_slice %arg21[%dma_start3A_39, %dma_start3A_40] : memref<8x512xi32, #tpu.memory_space<vmem>> -> memref<1x512xi32, #tpu.memory_space<vmem>>
    %dma_start3A_42 = tpu.memref_squeeze %dma_start3A_41 : memref<1x512xi32, #tpu.memory_space<vmem>> -> memref<512xi32, #tpu.memory_space<vmem>>
    %dma_start3A_43 = tpu.memref_slice %arg5[%multiple_of3A] : memref<16384xi32, #tpu.memory_space<hbm>> -> memref<512xi32, #tpu.memory_space<hbm>>
    %dma_start3A_44 = arith.constant 0 : i32
    %dma_start3A_45 = tpu.memref_slice %arg21[%dma_start3A_39, %dma_start3A_44] : memref<8x512xi32, #tpu.memory_space<vmem>> -> memref<1x512xi32, #tpu.memory_space<vmem>>
    %dma_start3A_46 = tpu.memref_squeeze %dma_start3A_45 : memref<1x512xi32, #tpu.memory_space<vmem>> -> memref<512xi32, #tpu.memory_space<vmem>>
    %dma_start3A_47 = tpu.memref_slice %arg5[%multiple_of3A] : memref<16384xi32, #tpu.memory_space<hbm>> -> memref<512xi32, #tpu.memory_space<hbm>>
    tpu.enqueue_dma source(%dma_start3A_47 : memref<512xi32, #tpu.memory_space<hbm>>) target(%dma_start3A_46 : memref<512xi32, #tpu.memory_space<vmem>>) target_semaphore(%arg22 : memref<!tpu.dma_semaphore, #tpu.memory_space<semaphore_mem>>)
    %dma_start3A_48 = arith.constant 4 : i32
    %dma_start3A_49 = arith.constant 0 : i32
    %dma_start3A_50 = tpu.memref_slice %arg21[%dma_start3A_48, %dma_start3A_49] : memref<8x512xi32, #tpu.memory_space<vmem>> -> memref<1x512xi32, #tpu.memory_space<vmem>>
    %dma_start3A_51 = tpu.memref_squeeze %dma_start3A_50 : memref<1x512xi32, #tpu.memory_space<vmem>> -> memref<512xi32, #tpu.memory_space<vmem>>
    %dma_start3A_52 = tpu.memref_slice %arg6[%multiple_of3A] : memref<16384xi32, #tpu.memory_space<hbm>> -> memref<512xi32, #tpu.memory_space<hbm>>
    %dma_start3A_53 = arith.constant 0 : i32
    %dma_start3A_54 = tpu.memref_slice %arg21[%dma_start3A_48, %dma_start3A_53] : memref<8x512xi32, #tpu.memory_space<vmem>> -> memref<1x512xi32, #tpu.memory_space<vmem>>
    %dma_start3A_55 = tpu.memref_squeeze %dma_start3A_54 : memref<1x512xi32, #tpu.memory_space<vmem>> -> memref<512xi32, #tpu.memory_space<vmem>>
    %dma_start3A_56 = tpu.memref_slice %arg6[%multiple_of3A] : memref<16384xi32, #tpu.memory_space<hbm>> -> memref<512xi32, #tpu.memory_space<hbm>>
    tpu.enqueue_dma source(%dma_start3A_56 : memref<512xi32, #tpu.memory_space<hbm>>) target(%dma_start3A_55 : memref<512xi32, #tpu.memory_space<vmem>>) target_semaphore(%arg22 : memref<!tpu.dma_semaphore, #tpu.memory_space<semaphore_mem>>)
    %dma_start3A_57 = arith.constant 5 : i32
    %dma_start3A_58 = arith.constant 0 : i32
    %dma_start3A_59 = tpu.memref_slice %arg21[%dma_start3A_57, %dma_start3A_58] : memref<8x512xi32, #tpu.memory_space<vmem>> -> memref<1x512xi32, #tpu.memory_space<vmem>>
    %dma_start3A_60 = tpu.memref_squeeze %dma_start3A_59 : memref<1x512xi32, #tpu.memory_space<vmem>> -> memref<512xi32, #tpu.memory_space<vmem>>
    %dma_start3A_61 = tpu.memref_slice %arg7[%multiple_of3A] : memref<16384xi32, #tpu.memory_space<hbm>> -> memref<512xi32, #tpu.memory_space<hbm>>
    %dma_start3A_62 = arith.constant 0 : i32
    %dma_start3A_63 = tpu.memref_slice %arg21[%dma_start3A_57, %dma_start3A_62] : memref<8x512xi32, #tpu.memory_space<vmem>> -> memref<1x512xi32, #tpu.memory_space<vmem>>
    %dma_start3A_64 = tpu.memref_squeeze %dma_start3A_63 : memref<1x512xi32, #tpu.memory_space<vmem>> -> memref<512xi32, #tpu.memory_space<vmem>>
    %dma_start3A_65 = tpu.memref_slice %arg7[%multiple_of3A] : memref<16384xi32, #tpu.memory_space<hbm>> -> memref<512xi32, #tpu.memory_space<hbm>>
    tpu.enqueue_dma source(%dma_start3A_65 : memref<512xi32, #tpu.memory_space<hbm>>) target(%dma_start3A_64 : memref<512xi32, #tpu.memory_space<vmem>>) target_semaphore(%arg22 : memref<!tpu.dma_semaphore, #tpu.memory_space<semaphore_mem>>)
    %dma_start3A_66 = arith.constant 6 : i32
    %dma_start3A_67 = arith.constant 0 : i32
    %dma_start3A_68 = tpu.memref_slice %arg21[%dma_start3A_66, %dma_start3A_67] : memref<8x512xi32, #tpu.memory_space<vmem>> -> memref<1x512xi32, #tpu.memory_space<vmem>>
    %dma_start3A_69 = tpu.memref_squeeze %dma_start3A_68 : memref<1x512xi32, #tpu.memory_space<vmem>> -> memref<512xi32, #tpu.memory_space<vmem>>
    %dma_start3A_70 = tpu.memref_slice %arg8[%multiple_of3A] : memref<16384xi32, #tpu.memory_space<hbm>> -> memref<512xi32, #tpu.memory_space<hbm>>
    %dma_start3A_71 = arith.constant 0 : i32
    %dma_start3A_72 = tpu.memref_slice %arg21[%dma_start3A_66, %dma_start3A_71] : memref<8x512xi32, #tpu.memory_space<vmem>> -> memref<1x512xi32, #tpu.memory_space<vmem>>
    %dma_start3A_73 = tpu.memref_squeeze %dma_start3A_72 : memref<1x512xi32, #tpu.memory_space<vmem>> -> memref<512xi32, #tpu.memory_space<vmem>>
    %dma_start3A_74 = tpu.memref_slice %arg8[%multiple_of3A] : memref<16384xi32, #tpu.memory_space<hbm>> -> memref<512xi32, #tpu.memory_space<hbm>>
    tpu.enqueue_dma source(%dma_start3A_74 : memref<512xi32, #tpu.memory_space<hbm>>) target(%dma_start3A_73 : memref<512xi32, #tpu.memory_space<vmem>>) target_semaphore(%arg22 : memref<!tpu.dma_semaphore, #tpu.memory_space<semaphore_mem>>)
    %dma_start3A_75 = arith.constant 7 : i32
    %dma_start3A_76 = arith.constant 0 : i32
    %dma_start3A_77 = tpu.memref_slice %arg21[%dma_start3A_75, %dma_start3A_76] : memref<8x512xi32, #tpu.memory_space<vmem>> -> memref<1x512xi32, #tpu.memory_space<vmem>>
    %dma_start3A_78 = tpu.memref_squeeze %dma_start3A_77 : memref<1x512xi32, #tpu.memory_space<vmem>> -> memref<512xi32, #tpu.memory_space<vmem>>
    %dma_start3A_79 = tpu.memref_slice %arg9[%multiple_of3A] : memref<16384xi32, #tpu.memory_space<hbm>> -> memref<512xi32, #tpu.memory_space<hbm>>
    %dma_start3A_80 = arith.constant 0 : i32
    %dma_start3A_81 = tpu.memref_slice %arg21[%dma_start3A_75, %dma_start3A_80] : memref<8x512xi32, #tpu.memory_space<vmem>> -> memref<1x512xi32, #tpu.memory_space<vmem>>
    %dma_start3A_82 = tpu.memref_squeeze %dma_start3A_81 : memref<1x512xi32, #tpu.memory_space<vmem>> -> memref<512xi32, #tpu.memory_space<vmem>>
    %dma_start3A_83 = tpu.memref_slice %arg9[%multiple_of3A] : memref<16384xi32, #tpu.memory_space<hbm>> -> memref<512xi32, #tpu.memory_space<hbm>>
    tpu.enqueue_dma source(%dma_start3A_83 : memref<512xi32, #tpu.memory_space<hbm>>) target(%dma_start3A_82 : memref<512xi32, #tpu.memory_space<vmem>>) target_semaphore(%arg22 : memref<!tpu.dma_semaphore, #tpu.memory_space<semaphore_mem>>)
    %dma_wait3A = arith.constant 0 : i32
    %dma_wait3A_84 = arith.constant 0 : i32
    %dma_wait3A_85 = tpu.memref_slice %arg21[%dma_wait3A, %dma_wait3A_84] : memref<8x512xi32, #tpu.memory_space<vmem>> -> memref<1x512xi32, #tpu.memory_space<vmem>>
    %dma_wait3A_86 = tpu.memref_squeeze %dma_wait3A_85 : memref<1x512xi32, #tpu.memory_space<vmem>> -> memref<512xi32, #tpu.memory_space<vmem>>
    %dma_wait3A_87 = tpu.memref_slice %arg2[%multiple_of3A] : memref<16384xi32, #tpu.memory_space<hbm>> -> memref<512xi32, #tpu.memory_space<hbm>>
    %dma_wait3A_88 = arith.constant 0 : i32
    %dma_wait3A_89 = tpu.memref_slice %arg21[%dma_wait3A, %dma_wait3A_88] : memref<8x512xi32, #tpu.memory_space<vmem>> -> memref<1x512xi32, #tpu.memory_space<vmem>>
    %dma_wait3A_90 = tpu.memref_squeeze %dma_wait3A_89 : memref<1x512xi32, #tpu.memory_space<vmem>> -> memref<512xi32, #tpu.memory_space<vmem>>
    %dma_wait3A_91 = tpu.memref_slice %arg2[%multiple_of3A] : memref<16384xi32, #tpu.memory_space<hbm>> -> memref<512xi32, #tpu.memory_space<hbm>>
    tpu.wait_dma2 semaphore(%arg22 : memref<!tpu.dma_semaphore, #tpu.memory_space<semaphore_mem>>) src(%dma_wait3A_91 : memref<512xi32, #tpu.memory_space<hbm>>) dst(%dma_wait3A_90 : memref<512xi32, #tpu.memory_space<vmem>>)
    %dma_wait3A_92 = arith.constant 1 : i32
    %dma_wait3A_93 = arith.constant 0 : i32
    %dma_wait3A_94 = tpu.memref_slice %arg21[%dma_wait3A_92, %dma_wait3A_93] : memref<8x512xi32, #tpu.memory_space<vmem>> -> memref<1x512xi32, #tpu.memory_space<vmem>>
    %dma_wait3A_95 = tpu.memref_squeeze %dma_wait3A_94 : memref<1x512xi32, #tpu.memory_space<vmem>> -> memref<512xi32, #tpu.memory_space<vmem>>
    %dma_wait3A_96 = tpu.memref_slice %arg3[%multiple_of3A] : memref<16384xi32, #tpu.memory_space<hbm>> -> memref<512xi32, #tpu.memory_space<hbm>>
    %dma_wait3A_97 = arith.constant 0 : i32
    %dma_wait3A_98 = tpu.memref_slice %arg21[%dma_wait3A_92, %dma_wait3A_97] : memref<8x512xi32, #tpu.memory_space<vmem>> -> memref<1x512xi32, #tpu.memory_space<vmem>>
    %dma_wait3A_99 = tpu.memref_squeeze %dma_wait3A_98 : memref<1x512xi32, #tpu.memory_space<vmem>> -> memref<512xi32, #tpu.memory_space<vmem>>
    %dma_wait3A_100 = tpu.memref_slice %arg3[%multiple_of3A] : memref<16384xi32, #tpu.memory_space<hbm>> -> memref<512xi32, #tpu.memory_space<hbm>>
    tpu.wait_dma2 semaphore(%arg22 : memref<!tpu.dma_semaphore, #tpu.memory_space<semaphore_mem>>) src(%dma_wait3A_100 : memref<512xi32, #tpu.memory_space<hbm>>) dst(%dma_wait3A_99 : memref<512xi32, #tpu.memory_space<vmem>>)
    %dma_wait3A_101 = arith.constant 2 : i32
    %dma_wait3A_102 = arith.constant 0 : i32
    %dma_wait3A_103 = tpu.memref_slice %arg21[%dma_wait3A_101, %dma_wait3A_102] : memref<8x512xi32, #tpu.memory_space<vmem>> -> memref<1x512xi32, #tpu.memory_space<vmem>>
    %dma_wait3A_104 = tpu.memref_squeeze %dma_wait3A_103 : memref<1x512xi32, #tpu.memory_space<vmem>> -> memref<512xi32, #tpu.memory_space<vmem>>
    %dma_wait3A_105 = tpu.memref_slice %arg4[%multiple_of3A] : memref<16384xi32, #tpu.memory_space<hbm>> -> memref<512xi32, #tpu.memory_space<hbm>>
    %dma_wait3A_106 = arith.constant 0 : i32
    %dma_wait3A_107 = tpu.memref_slice %arg21[%dma_wait3A_101, %dma_wait3A_106] : memref<8x512xi32, #tpu.memory_space<vmem>> -> memref<1x512xi32, #tpu.memory_space<vmem>>
    %dma_wait3A_108 = tpu.memref_squeeze %dma_wait3A_107 : memref<1x512xi32, #tpu.memory_space<vmem>> -> memref<512xi32, #tpu.memory_space<vmem>>
    %dma_wait3A_109 = tpu.memref_slice %arg4[%multiple_of3A] : memref<16384xi32, #tpu.memory_space<hbm>> -> memref<512xi32, #tpu.memory_space<hbm>>
    tpu.wait_dma2 semaphore(%arg22 : memref<!tpu.dma_semaphore, #tpu.memory_space<semaphore_mem>>) src(%dma_wait3A_109 : memref<512xi32, #tpu.memory_space<hbm>>) dst(%dma_wait3A_108 : memref<512xi32, #tpu.memory_space<vmem>>)
    %dma_wait3A_110 = arith.constant 3 : i32
    %dma_wait3A_111 = arith.constant 0 : i32
    %dma_wait3A_112 = tpu.memref_slice %arg21[%dma_wait3A_110, %dma_wait3A_111] : memref<8x512xi32, #tpu.memory_space<vmem>> -> memref<1x512xi32, #tpu.memory_space<vmem>>
    %dma_wait3A_113 = tpu.memref_squeeze %dma_wait3A_112 : memref<1x512xi32, #tpu.memory_space<vmem>> -> memref<512xi32, #tpu.memory_space<vmem>>
    %dma_wait3A_114 = tpu.memref_slice %arg5[%multiple_of3A] : memref<16384xi32, #tpu.memory_space<hbm>> -> memref<512xi32, #tpu.memory_space<hbm>>
    %dma_wait3A_115 = arith.constant 0 : i32
    %dma_wait3A_116 = tpu.memref_slice %arg21[%dma_wait3A_110, %dma_wait3A_115] : memref<8x512xi32, #tpu.memory_space<vmem>> -> memref<1x512xi32, #tpu.memory_space<vmem>>
    %dma_wait3A_117 = tpu.memref_squeeze %dma_wait3A_116 : memref<1x512xi32, #tpu.memory_space<vmem>> -> memref<512xi32, #tpu.memory_space<vmem>>
    %dma_wait3A_118 = tpu.memref_slice %arg5[%multiple_of3A] : memref<16384xi32, #tpu.memory_space<hbm>> -> memref<512xi32, #tpu.memory_space<hbm>>
    tpu.wait_dma2 semaphore(%arg22 : memref<!tpu.dma_semaphore, #tpu.memory_space<semaphore_mem>>) src(%dma_wait3A_118 : memref<512xi32, #tpu.memory_space<hbm>>) dst(%dma_wait3A_117 : memref<512xi32, #tpu.memory_space<vmem>>)
    %dma_wait3A_119 = arith.constant 4 : i32
    %dma_wait3A_120 = arith.constant 0 : i32
    %dma_wait3A_121 = tpu.memref_slice %arg21[%dma_wait3A_119, %dma_wait3A_120] : memref<8x512xi32, #tpu.memory_space<vmem>> -> memref<1x512xi32, #tpu.memory_space<vmem>>
    %dma_wait3A_122 = tpu.memref_squeeze %dma_wait3A_121 : memref<1x512xi32, #tpu.memory_space<vmem>> -> memref<512xi32, #tpu.memory_space<vmem>>
    %dma_wait3A_123 = tpu.memref_slice %arg6[%multiple_of3A] : memref<16384xi32, #tpu.memory_space<hbm>> -> memref<512xi32, #tpu.memory_space<hbm>>
    %dma_wait3A_124 = arith.constant 0 : i32
    %dma_wait3A_125 = tpu.memref_slice %arg21[%dma_wait3A_119, %dma_wait3A_124] : memref<8x512xi32, #tpu.memory_space<vmem>> -> memref<1x512xi32, #tpu.memory_space<vmem>>
    %dma_wait3A_126 = tpu.memref_squeeze %dma_wait3A_125 : memref<1x512xi32, #tpu.memory_space<vmem>> -> memref<512xi32, #tpu.memory_space<vmem>>
    %dma_wait3A_127 = tpu.memref_slice %arg6[%multiple_of3A] : memref<16384xi32, #tpu.memory_space<hbm>> -> memref<512xi32, #tpu.memory_space<hbm>>
    tpu.wait_dma2 semaphore(%arg22 : memref<!tpu.dma_semaphore, #tpu.memory_space<semaphore_mem>>) src(%dma_wait3A_127 : memref<512xi32, #tpu.memory_space<hbm>>) dst(%dma_wait3A_126 : memref<512xi32, #tpu.memory_space<vmem>>)
    %dma_wait3A_128 = arith.constant 5 : i32
    %dma_wait3A_129 = arith.constant 0 : i32
    %dma_wait3A_130 = tpu.memref_slice %arg21[%dma_wait3A_128, %dma_wait3A_129] : memref<8x512xi32, #tpu.memory_space<vmem>> -> memref<1x512xi32, #tpu.memory_space<vmem>>
    %dma_wait3A_131 = tpu.memref_squeeze %dma_wait3A_130 : memref<1x512xi32, #tpu.memory_space<vmem>> -> memref<512xi32, #tpu.memory_space<vmem>>
    %dma_wait3A_132 = tpu.memref_slice %arg7[%multiple_of3A] : memref<16384xi32, #tpu.memory_space<hbm>> -> memref<512xi32, #tpu.memory_space<hbm>>
    %dma_wait3A_133 = arith.constant 0 : i32
    %dma_wait3A_134 = tpu.memref_slice %arg21[%dma_wait3A_128, %dma_wait3A_133] : memref<8x512xi32, #tpu.memory_space<vmem>> -> memref<1x512xi32, #tpu.memory_space<vmem>>
    %dma_wait3A_135 = tpu.memref_squeeze %dma_wait3A_134 : memref<1x512xi32, #tpu.memory_space<vmem>> -> memref<512xi32, #tpu.memory_space<vmem>>
    %dma_wait3A_136 = tpu.memref_slice %arg7[%multiple_of3A] : memref<16384xi32, #tpu.memory_space<hbm>> -> memref<512xi32, #tpu.memory_space<hbm>>
    tpu.wait_dma2 semaphore(%arg22 : memref<!tpu.dma_semaphore, #tpu.memory_space<semaphore_mem>>) src(%dma_wait3A_136 : memref<512xi32, #tpu.memory_space<hbm>>) dst(%dma_wait3A_135 : memref<512xi32, #tpu.memory_space<vmem>>)
    %dma_wait3A_137 = arith.constant 6 : i32
    %dma_wait3A_138 = arith.constant 0 : i32
    %dma_wait3A_139 = tpu.memref_slice %arg21[%dma_wait3A_137, %dma_wait3A_138] : memref<8x512xi32, #tpu.memory_space<vmem>> -> memref<1x512xi32, #tpu.memory_space<vmem>>
    %dma_wait3A_140 = tpu.memref_squeeze %dma_wait3A_139 : memref<1x512xi32, #tpu.memory_space<vmem>> -> memref<512xi32, #tpu.memory_space<vmem>>
    %dma_wait3A_141 = tpu.memref_slice %arg8[%multiple_of3A] : memref<16384xi32, #tpu.memory_space<hbm>> -> memref<512xi32, #tpu.memory_space<hbm>>
    %dma_wait3A_142 = arith.constant 0 : i32
    %dma_wait3A_143 = tpu.memref_slice %arg21[%dma_wait3A_137, %dma_wait3A_142] : memref<8x512xi32, #tpu.memory_space<vmem>> -> memref<1x512xi32, #tpu.memory_space<vmem>>
    %dma_wait3A_144 = tpu.memref_squeeze %dma_wait3A_143 : memref<1x512xi32, #tpu.memory_space<vmem>> -> memref<512xi32, #tpu.memory_space<vmem>>
    %dma_wait3A_145 = tpu.memref_slice %arg8[%multiple_of3A] : memref<16384xi32, #tpu.memory_space<hbm>> -> memref<512xi32, #tpu.memory_space<hbm>>
    tpu.wait_dma2 semaphore(%arg22 : memref<!tpu.dma_semaphore, #tpu.memory_space<semaphore_mem>>) src(%dma_wait3A_145 : memref<512xi32, #tpu.memory_space<hbm>>) dst(%dma_wait3A_144 : memref<512xi32, #tpu.memory_space<vmem>>)
    %dma_wait3A_146 = arith.constant 7 : i32
    %dma_wait3A_147 = arith.constant 0 : i32
    %dma_wait3A_148 = tpu.memref_slice %arg21[%dma_wait3A_146, %dma_wait3A_147] : memref<8x512xi32, #tpu.memory_space<vmem>> -> memref<1x512xi32, #tpu.memory_space<vmem>>
    %dma_wait3A_149 = tpu.memref_squeeze %dma_wait3A_148 : memref<1x512xi32, #tpu.memory_space<vmem>> -> memref<512xi32, #tpu.memory_space<vmem>>
    %dma_wait3A_150 = tpu.memref_slice %arg9[%multiple_of3A] : memref<16384xi32, #tpu.memory_space<hbm>> -> memref<512xi32, #tpu.memory_space<hbm>>
    %dma_wait3A_151 = arith.constant 0 : i32
    %dma_wait3A_152 = tpu.memref_slice %arg21[%dma_wait3A_146, %dma_wait3A_151] : memref<8x512xi32, #tpu.memory_space<vmem>> -> memref<1x512xi32, #tpu.memory_space<vmem>>
    %dma_wait3A_153 = tpu.memref_squeeze %dma_wait3A_152 : memref<1x512xi32, #tpu.memory_space<vmem>> -> memref<512xi32, #tpu.memory_space<vmem>>
    %dma_wait3A_154 = tpu.memref_slice %arg9[%multiple_of3A] : memref<16384xi32, #tpu.memory_space<hbm>> -> memref<512xi32, #tpu.memory_space<hbm>>
    tpu.wait_dma2 semaphore(%arg22 : memref<!tpu.dma_semaphore, #tpu.memory_space<semaphore_mem>>) src(%dma_wait3A_154 : memref<512xi32, #tpu.memory_space<hbm>>) dst(%dma_wait3A_153 : memref<512xi32, #tpu.memory_space<vmem>>)
    %scan3A = arith.constant 0 : i32
    %scan3A_155 = arith.constant 0 : i32
    %scan3A_156 = arith.constant 32 : i32
    %scan3A_157 = arith.addi %scan3A_155, %scan3A_156 : i32
    %scan3A_158 = arith.constant 1 : i32
    scf.for %scan3A_224 = %scan3A_155 to %scan3A_157 step %scan3A_158  : i32 {
      %mul3A_225 = arith.constant 16 : i32
      %mul3A_226 = arith.muli %scan3A_224, %mul3A_225 : i32
      %multiple_of3A_227 = tpu.assume_multiple %mul3A_226, 16 : i32
      %get3A = arith.constant 0 : i32
      %get3A_228 = arith.index_cast %get3A : i32 to index
      %get3A_229 = arith.index_cast %multiple_of3A_227 : i32 to index
      %get3A_230 = tpu.vector_load %arg21[%get3A_228, %get3A_229] {strides = array<i32>} : memref<8x512xi32, #tpu.memory_space<vmem>>, vector<1x16xi32>,
      %get3A_231 = vector.shape_cast %get3A_230 : vector<1x16xi32> to vector<16xi32>
      %slice3A = vector.extract_strided_slice %get3A_231 {offsets = [0], sizes = [1], strides = [1]} : vector<16xi32> to vector<1xi32>
      %squeeze3A = vector.extract %slice3A[0] : i32 from vector<1xi32>
      %add3A_232 = arith.constant 0 : i32
      %add3A_233 = arith.addi %multiple_of3A_227, %add3A_232 : i32
      %dma_start3A_234 = arith.constant 0 : i32
      %dma_start3A_235 = tpu.memref_slice %arg20[%add3A_233, %dma_start3A_234] : memref<512x177xf32, #tpu.memory_space<vmem>> -> memref<1x32xf32, #tpu.memory_space<vmem>>
      %dma_start3A_236 = arith.constant 0 : i32
      %dma_start3A_237 = tpu.memref_slice %arg10[%squeeze3A, %dma_start3A_236] : memref<1000001x32xf32, #tpu.memory_space<hbm>> -> memref<1x32xf32, #tpu.memory_space<hbm>>
      %dma_start3A_238 = arith.constant 0 : i32
      %dma_start3A_239 = tpu.memref_slice %arg20[%add3A_233, %dma_start3A_238] : memref<512x177xf32, #tpu.memory_space<vmem>> -> memref<1x32xf32, #tpu.memory_space<vmem>>
      %dma_start3A_240 = arith.constant 0 : i32
      %dma_start3A_241 = tpu.memref_slice %arg10[%squeeze3A, %dma_start3A_240] : memref<1000001x32xf32, #tpu.memory_space<hbm>> -> memref<1x32xf32, #tpu.memory_space<hbm>>
      tpu.enqueue_dma source(%dma_start3A_241 : memref<1x32xf32, #tpu.memory_space<hbm>>) target(%dma_start3A_239 : memref<1x32xf32, #tpu.memory_space<vmem>>) target_semaphore(%arg23 : memref<!tpu.dma_semaphore, #tpu.memory_space<semaphore_mem>>)
      %slice3A_242 = vector.extract_strided_slice %get3A_231 {offsets = [1], sizes = [1], strides = [1]} : vector<16xi32> to vector<1xi32>
      %squeeze3A_243 = vector.extract %slice3A_242[0] : i32 from vector<1xi32>
      %add3A_244 = arith.constant 1 : i32
      %add3A_245 = arith.addi %multiple_of3A_227, %add3A_244 : i32
      %dma_start3A_246 = arith.constant 0 : i32
      %dma_start3A_247 = tpu.memref_slice %arg20[%add3A_245, %dma_start3A_246] : memref<512x177xf32, #tpu.memory_space<vmem>> -> memref<1x32xf32, #tpu.memory_space<vmem>>
      %dma_start3A_248 = arith.constant 0 : i32
      %dma_start3A_249 = tpu.memref_slice %arg10[%squeeze3A_243, %dma_start3A_248] : memref<1000001x32xf32, #tpu.memory_space<hbm>> -> memref<1x32xf32, #tpu.memory_space<hbm>>
      %dma_start3A_250 = arith.constant 0 : i32
      %dma_start3A_251 = tpu.memref_slice %arg20[%add3A_245, %dma_start3A_250] : memref<512x177xf32, #tpu.memory_space<vmem>> -> memref<1x32xf32, #tpu.memory_space<vmem>>
      %dma_start3A_252 = arith.constant 0 : i32
      %dma_start3A_253 = tpu.memref_slice %arg10[%squeeze3A_243, %dma_start3A_252] : memref<1000001x32xf32, #tpu.memory_space<hbm>> -> memref<1x32xf32, #tpu.memory_space<hbm>>
      tpu.enqueue_dma source(%dma_start3A_253 : memref<1x32xf32, #tpu.memory_space<hbm>>) target(%dma_start3A_251 : memref<1x32xf32, #tpu.memory_space<vmem>>) target_semaphore(%arg23 : memref<!tpu.dma_semaphore, #tpu.memory_space<semaphore_mem>>)
      %slice3A_254 = vector.extract_strided_slice %get3A_231 {offsets = [2], sizes = [1], strides = [1]} : vector<16xi32> to vector<1xi32>
      %squeeze3A_255 = vector.extract %slice3A_254[0] : i32 from vector<1xi32>
      %add3A_256 = arith.constant 2 : i32
      %add3A_257 = arith.addi %multiple_of3A_227, %add3A_256 : i32
      %dma_start3A_258 = arith.constant 0 : i32
      %dma_start3A_259 = tpu.memref_slice %arg20[%add3A_257, %dma_start3A_258] : memref<512x177xf32, #tpu.memory_space<vmem>> -> memref<1x32xf32, #tpu.memory_space<vmem>>
      %dma_start3A_260 = arith.constant 0 : i32
      %dma_start3A_261 = tpu.memref_slice %arg10[%squeeze3A_255, %dma_start3A_260] : memref<1000001x32xf32, #tpu.memory_space<hbm>> -> memref<1x32xf32, #tpu.memory_space<hbm>>
      %dma_start3A_262 = arith.constant 0 : i32
      %dma_start3A_263 = tpu.memref_slice %arg20[%add3A_257, %dma_start3A_262] : memref<512x177xf32, #tpu.memory_space<vmem>> -> memref<1x32xf32, #tpu.memory_space<vmem>>
      %dma_start3A_264 = arith.constant 0 : i32
      %dma_start3A_265 = tpu.memref_slice %arg10[%squeeze3A_255, %dma_start3A_264] : memref<1000001x32xf32, #tpu.memory_space<hbm>> -> memref<1x32xf32, #tpu.memory_space<hbm>>
      tpu.enqueue_dma source(%dma_start3A_265 : memref<1x32xf32, #tpu.memory_space<hbm>>) target(%dma_start3A_263 : memref<1x32xf32, #tpu.memory_space<vmem>>) target_semaphore(%arg23 : memref<!tpu.dma_semaphore, #tpu.memory_space<semaphore_mem>>)
      %slice3A_266 = vector.extract_strided_slice %get3A_231 {offsets = [3], sizes = [1], strides = [1]} : vector<16xi32> to vector<1xi32>
      %squeeze3A_267 = vector.extract %slice3A_266[0] : i32 from vector<1xi32>
      %add3A_268 = arith.constant 3 : i32
      %add3A_269 = arith.addi %multiple_of3A_227, %add3A_268 : i32
      %dma_start3A_270 = arith.constant 0 : i32
      %dma_start3A_271 = tpu.memref_slice %arg20[%add3A_269, %dma_start3A_270] : memref<512x177xf32, #tpu.memory_space<vmem>> -> memref<1x32xf32, #tpu.memory_space<vmem>>
      %dma_start3A_272 = arith.constant 0 : i32
      %dma_start3A_273 = tpu.memref_slice %arg10[%squeeze3A_267, %dma_start3A_272] : memref<1000001x32xf32, #tpu.memory_space<hbm>> -> memref<1x32xf32, #tpu.memory_space<hbm>>
      %dma_start3A_274 = arith.constant 0 : i32
      %dma_start3A_275 = tpu.memref_slice %arg20[%add3A_269, %dma_start3A_274] : memref<512x177xf32, #tpu.memory_space<vmem>> -> memref<1x32xf32, #tpu.memory_space<vmem>>
      %dma_start3A_276 = arith.constant 0 : i32
      %dma_start3A_277 = tpu.memref_slice %arg10[%squeeze3A_267, %dma_start3A_276] : memref<1000001x32xf32, #tpu.memory_space<hbm>> -> memref<1x32xf32, #tpu.memory_space<hbm>>
      tpu.enqueue_dma source(%dma_start3A_277 : memref<1x32xf32, #tpu.memory_space<hbm>>) target(%dma_start3A_275 : memref<1x32xf32, #tpu.memory_space<vmem>>) target_semaphore(%arg23 : memref<!tpu.dma_semaphore, #tpu.memory_space<semaphore_mem>>)
      %slice3A_278 = vector.extract_strided_slice %get3A_231 {offsets = [4], sizes = [1], strides = [1]} : vector<16xi32> to vector<1xi32>
      %squeeze3A_279 = vector.extract %slice3A_278[0] : i32 from vector<1xi32>
      %add3A_280 = arith.constant 4 : i32
      %add3A_281 = arith.addi %multiple_of3A_227, %add3A_280 : i32
      %dma_start3A_282 = arith.constant 0 : i32
      %dma_start3A_283 = tpu.memref_slice %arg20[%add3A_281, %dma_start3A_282] : memref<512x177xf32, #tpu.memory_space<vmem>> -> memref<1x32xf32, #tpu.memory_space<vmem>>
      %dma_start3A_284 = arith.constant 0 : i32
      %dma_start3A_285 = tpu.memref_slice %arg10[%squeeze3A_279, %dma_start3A_284] : memref<1000001x32xf32, #tpu.memory_space<hbm>> -> memref<1x32xf32, #tpu.memory_space<hbm>>
      %dma_start3A_286 = arith.constant 0 : i32
      %dma_start3A_287 = tpu.memref_slice %arg20[%add3A_281, %dma_start3A_286] : memref<512x177xf32, #tpu.memory_space<vmem>> -> memref<1x32xf32, #tpu.memory_space<vmem>>
      %dma_start3A_288 = arith.constant 0 : i32
      %dma_start3A_289 = tpu.memref_slice %arg10[%squeeze3A_279, %dma_start3A_288] : memref<1000001x32xf32, #tpu.memory_space<hbm>> -> memref<1x32xf32, #tpu.memory_space<hbm>>
      tpu.enqueue_dma source(%dma_start3A_289 : memref<1x32xf32, #tpu.memory_space<hbm>>) target(%dma_start3A_287 : memref<1x32xf32, #tpu.memory_space<vmem>>) target_semaphore(%arg23 : memref<!tpu.dma_semaphore, #tpu.memory_space<semaphore_mem>>)
      %slice3A_290 = vector.extract_strided_slice %get3A_231 {offsets = [5], sizes = [1], strides = [1]} : vector<16xi32> to vector<1xi32>
      %squeeze3A_291 = vector.extract %slice3A_290[0] : i32 from vector<1xi32>
      %add3A_292 = arith.constant 5 : i32
      %add3A_293 = arith.addi %multiple_of3A_227, %add3A_292 : i32
      %dma_start3A_294 = arith.constant 0 : i32
      %dma_start3A_295 = tpu.memref_slice %arg20[%add3A_293, %dma_start3A_294] : memref<512x177xf32, #tpu.memory_space<vmem>> -> memref<1x32xf32, #tpu.memory_space<vmem>>
      %dma_start3A_296 = arith.constant 0 : i32
      %dma_start3A_297 = tpu.memref_slice %arg10[%squeeze3A_291, %dma_start3A_296] : memref<1000001x32xf32, #tpu.memory_space<hbm>> -> memref<1x32xf32, #tpu.memory_space<hbm>>
      %dma_start3A_298 = arith.constant 0 : i32
      %dma_start3A_299 = tpu.memref_slice %arg20[%add3A_293, %dma_start3A_298] : memref<512x177xf32, #tpu.memory_space<vmem>> -> memref<1x32xf32, #tpu.memory_space<vmem>>
      %dma_start3A_300 = arith.constant 0 : i32
      %dma_start3A_301 = tpu.memref_slice %arg10[%squeeze3A_291, %dma_start3A_300] : memref<1000001x32xf32, #tpu.memory_space<hbm>> -> memref<1x32xf32, #tpu.memory_space<hbm>>
      tpu.enqueue_dma source(%dma_start3A_301 : memref<1x32xf32, #tpu.memory_space<hbm>>) target(%dma_start3A_299 : memref<1x32xf32, #tpu.memory_space<vmem>>) target_semaphore(%arg23 : memref<!tpu.dma_semaphore, #tpu.memory_space<semaphore_mem>>)
      %slice3A_302 = vector.extract_strided_slice %get3A_231 {offsets = [6], sizes = [1], strides = [1]} : vector<16xi32> to vector<1xi32>
      %squeeze3A_303 = vector.extract %slice3A_302[0] : i32 from vector<1xi32>
      %add3A_304 = arith.constant 6 : i32
      %add3A_305 = arith.addi %multiple_of3A_227, %add3A_304 : i32
      %dma_start3A_306 = arith.constant 0 : i32
      %dma_start3A_307 = tpu.memref_slice %arg20[%add3A_305, %dma_start3A_306] : memref<512x177xf32, #tpu.memory_space<vmem>> -> memref<1x32xf32, #tpu.memory_space<vmem>>
      %dma_start3A_308 = arith.constant 0 : i32
      %dma_start3A_309 = tpu.memref_slice %arg10[%squeeze3A_303, %dma_start3A_308] : memref<1000001x32xf32, #tpu.memory_space<hbm>> -> memref<1x32xf32, #tpu.memory_space<hbm>>
      %dma_start3A_310 = arith.constant 0 : i32
      %dma_start3A_311 = tpu.memref_slice %arg20[%add3A_305, %dma_start3A_310] : memref<512x177xf32, #tpu.memory_space<vmem>> -> memref<1x32xf32, #tpu.memory_space<vmem>>
      %dma_start3A_312 = arith.constant 0 : i32
      %dma_start3A_313 = tpu.memref_slice %arg10[%squeeze3A_303, %dma_start3A_312] : memref<1000001x32xf32, #tpu.memory_space<hbm>> -> memref<1x32xf32, #tpu.memory_space<hbm>>
      tpu.enqueue_dma source(%dma_start3A_313 : memref<1x32xf32, #tpu.memory_space<hbm>>) target(%dma_start3A_311 : memref<1x32xf32, #tpu.memory_space<vmem>>) target_semaphore(%arg23 : memref<!tpu.dma_semaphore, #tpu.memory_space<semaphore_mem>>)
      %slice3A_314 = vector.extract_strided_slice %get3A_231 {offsets = [7], sizes = [1], strides = [1]} : vector<16xi32> to vector<1xi32>
      %squeeze3A_315 = vector.extract %slice3A_314[0] : i32 from vector<1xi32>
      %add3A_316 = arith.constant 7 : i32
      %add3A_317 = arith.addi %multiple_of3A_227, %add3A_316 : i32
      %dma_start3A_318 = arith.constant 0 : i32
      %dma_start3A_319 = tpu.memref_slice %arg20[%add3A_317, %dma_start3A_318] : memref<512x177xf32, #tpu.memory_space<vmem>> -> memref<1x32xf32, #tpu.memory_space<vmem>>
      %dma_start3A_320 = arith.constant 0 : i32
      %dma_start3A_321 = tpu.memref_slice %arg10[%squeeze3A_315, %dma_start3A_320] : memref<1000001x32xf32, #tpu.memory_space<hbm>> -> memref<1x32xf32, #tpu.memory_space<hbm>>
      %dma_start3A_322 = arith.constant 0 : i32
      %dma_start3A_323 = tpu.memref_slice %arg20[%add3A_317, %dma_start3A_322] : memref<512x177xf32, #tpu.memory_space<vmem>> -> memref<1x32xf32, #tpu.memory_space<vmem>>
      %dma_start3A_324 = arith.constant 0 : i32
      %dma_start3A_325 = tpu.memref_slice %arg10[%squeeze3A_315, %dma_start3A_324] : memref<1000001x32xf32, #tpu.memory_space<hbm>> -> memref<1x32xf32, #tpu.memory_space<hbm>>
      tpu.enqueue_dma source(%dma_start3A_325 : memref<1x32xf32, #tpu.memory_space<hbm>>) target(%dma_start3A_323 : memref<1x32xf32, #tpu.memory_space<vmem>>) target_semaphore(%arg23 : memref<!tpu.dma_semaphore, #tpu.memory_space<semaphore_mem>>)
      %slice3A_326 = vector.extract_strided_slice %get3A_231 {offsets = [8], sizes = [1], strides = [1]} : vector<16xi32> to vector<1xi32>
      %squeeze3A_327 = vector.extract %slice3A_326[0] : i32 from vector<1xi32>
      %add3A_328 = arith.constant 8 : i32
      %add3A_329 = arith.addi %multiple_of3A_227, %add3A_328 : i32
      %dma_start3A_330 = arith.constant 0 : i32
      %dma_start3A_331 = tpu.memref_slice %arg20[%add3A_329, %dma_start3A_330] : memref<512x177xf32, #tpu.memory_space<vmem>> -> memref<1x32xf32, #tpu.memory_space<vmem>>
      %dma_start3A_332 = arith.constant 0 : i32
      %dma_start3A_333 = tpu.memref_slice %arg10[%squeeze3A_327, %dma_start3A_332] : memref<1000001x32xf32, #tpu.memory_space<hbm>> -> memref<1x32xf32, #tpu.memory_space<hbm>>
      %dma_start3A_334 = arith.constant 0 : i32
      %dma_start3A_335 = tpu.memref_slice %arg20[%add3A_329, %dma_start3A_334] : memref<512x177xf32, #tpu.memory_space<vmem>> -> memref<1x32xf32, #tpu.memory_space<vmem>>
      %dma_start3A_336 = arith.constant 0 : i32
      %dma_start3A_337 = tpu.memref_slice %arg10[%squeeze3A_327, %dma_start3A_336] : memref<1000001x32xf32, #tpu.memory_space<hbm>> -> memref<1x32xf32, #tpu.memory_space<hbm>>
      tpu.enqueue_dma source(%dma_start3A_337 : memref<1x32xf32, #tpu.memory_space<hbm>>) target(%dma_start3A_335 : memref<1x32xf32, #tpu.memory_space<vmem>>) target_semaphore(%arg23 : memref<!tpu.dma_semaphore, #tpu.memory_space<semaphore_mem>>)
      %slice3A_338 = vector.extract_strided_slice %get3A_231 {offsets = [9], sizes = [1], strides = [1]} : vector<16xi32> to vector<1xi32>
      %squeeze3A_339 = vector.extract %slice3A_338[0] : i32 from vector<1xi32>
      %add3A_340 = arith.constant 9 : i32
      %add3A_341 = arith.addi %multiple_of3A_227, %add3A_340 : i32
      %dma_start3A_342 = arith.constant 0 : i32
      %dma_start3A_343 = tpu.memref_slice %arg20[%add3A_341, %dma_start3A_342] : memref<512x177xf32, #tpu.memory_space<vmem>> -> memref<1x32xf32, #tpu.memory_space<vmem>>
      %dma_start3A_344 = arith.constant 0 : i32
      %dma_start3A_345 = tpu.memref_slice %arg10[%squeeze3A_339, %dma_start3A_344] : memref<1000001x32xf32, #tpu.memory_space<hbm>> -> memref<1x32xf32, #tpu.memory_space<hbm>>
      %dma_start3A_346 = arith.constant 0 : i32
      %dma_start3A_347 = tpu.memref_slice %arg20[%add3A_341, %dma_start3A_346] : memref<512x177xf32, #tpu.memory_space<vmem>> -> memref<1x32xf32, #tpu.memory_space<vmem>>
      %dma_start3A_348 = arith.constant 0 : i32
      %dma_start3A_349 = tpu.memref_slice %arg10[%squeeze3A_339, %dma_start3A_348] : memref<1000001x32xf32, #tpu.memory_space<hbm>> -> memref<1x32xf32, #tpu.memory_space<hbm>>
      tpu.enqueue_dma source(%dma_start3A_349 : memref<1x32xf32, #tpu.memory_space<hbm>>) target(%dma_start3A_347 : memref<1x32xf32, #tpu.memory_space<vmem>>) target_semaphore(%arg23 : memref<!tpu.dma_semaphore, #tpu.memory_space<semaphore_mem>>)
      %slice3A_350 = vector.extract_strided_slice %get3A_231 {offsets = [10], sizes = [1], strides = [1]} : vector<16xi32> to vector<1xi32>
      %squeeze3A_351 = vector.extract %slice3A_350[0] : i32 from vector<1xi32>
      %add3A_352 = arith.constant 10 : i32
      %add3A_353 = arith.addi %multiple_of3A_227, %add3A_352 : i32
      %dma_start3A_354 = arith.constant 0 : i32
      %dma_start3A_355 = tpu.memref_slice %arg20[%add3A_353, %dma_start3A_354] : memref<512x177xf32, #tpu.memory_space<vmem>> -> memref<1x32xf32, #tpu.memory_space<vmem>>
      %dma_start3A_356 = arith.constant 0 : i32
      %dma_start3A_357 = tpu.memref_slice %arg10[%squeeze3A_351, %dma_start3A_356] : memref<1000001x32xf32, #tpu.memory_space<hbm>> -> memref<1x32xf32, #tpu.memory_space<hbm>>
      %dma_start3A_358 = arith.constant 0 : i32
      %dma_start3A_359 = tpu.memref_slice %arg20[%add3A_353, %dma_start3A_358] : memref<512x177xf32, #tpu.memory_space<vmem>> -> memref<1x32xf32, #tpu.memory_space<vmem>>
      %dma_start3A_360 = arith.constant 0 : i32
      %dma_start3A_361 = tpu.memref_slice %arg10[%squeeze3A_351, %dma_start3A_360] : memref<1000001x32xf32, #tpu.memory_space<hbm>> -> memref<1x32xf32, #tpu.memory_space<hbm>>
      tpu.enqueue_dma source(%dma_start3A_361 : memref<1x32xf32, #tpu.memory_space<hbm>>) target(%dma_start3A_359 : memref<1x32xf32, #tpu.memory_space<vmem>>) target_semaphore(%arg23 : memref<!tpu.dma_semaphore, #tpu.memory_space<semaphore_mem>>)
      %slice3A_362 = vector.extract_strided_slice %get3A_231 {offsets = [11], sizes = [1], strides = [1]} : vector<16xi32> to vector<1xi32>
      %squeeze3A_363 = vector.extract %slice3A_362[0] : i32 from vector<1xi32>
      %add3A_364 = arith.constant 11 : i32
      %add3A_365 = arith.addi %multiple_of3A_227, %add3A_364 : i32
      %dma_start3A_366 = arith.constant 0 : i32
      %dma_start3A_367 = tpu.memref_slice %arg20[%add3A_365, %dma_start3A_366] : memref<512x177xf32, #tpu.memory_space<vmem>> -> memref<1x32xf32, #tpu.memory_space<vmem>>
      %dma_start3A_368 = arith.constant 0 : i32
      %dma_start3A_369 = tpu.memref_slice %arg10[%squeeze3A_363, %dma_start3A_368] : memref<1000001x32xf32, #tpu.memory_space<hbm>> -> memref<1x32xf32, #tpu.memory_space<hbm>>
      %dma_start3A_370 = arith.constant 0 : i32
      %dma_start3A_371 = tpu.memref_slice %arg20[%add3A_365, %dma_start3A_370] : memref<512x177xf32, #tpu.memory_space<vmem>> -> memref<1x32xf32, #tpu.memory_space<vmem>>
      %dma_start3A_372 = arith.constant 0 : i32
      %dma_start3A_373 = tpu.memref_slice %arg10[%squeeze3A_363, %dma_start3A_372] : memref<1000001x32xf32, #tpu.memory_space<hbm>> -> memref<1x32xf32, #tpu.memory_space<hbm>>
      tpu.enqueue_dma source(%dma_start3A_373 : memref<1x32xf32, #tpu.memory_space<hbm>>) target(%dma_start3A_371 : memref<1x32xf32, #tpu.memory_space<vmem>>) target_semaphore(%arg23 : memref<!tpu.dma_semaphore, #tpu.memory_space<semaphore_mem>>)
      %slice3A_374 = vector.extract_strided_slice %get3A_231 {offsets = [12], sizes = [1], strides = [1]} : vector<16xi32> to vector<1xi32>
      %squeeze3A_375 = vector.extract %slice3A_374[0] : i32 from vector<1xi32>
      %add3A_376 = arith.constant 12 : i32
      %add3A_377 = arith.addi %multiple_of3A_227, %add3A_376 : i32
      %dma_start3A_378 = arith.constant 0 : i32
      %dma_start3A_379 = tpu.memref_slice %arg20[%add3A_377, %dma_start3A_378] : memref<512x177xf32, #tpu.memory_space<vmem>> -> memref<1x32xf32, #tpu.memory_space<vmem>>
      %dma_start3A_380 = arith.constant 0 : i32
      %dma_start3A_381 = tpu.memref_slice %arg10[%squeeze3A_375, %dma_start3A_380] : memref<1000001x32xf32, #tpu.memory_space<hbm>> -> memref<1x32xf32, #tpu.memory_space<hbm>>
      %dma_start3A_382 = arith.constant 0 : i32
      %dma_start3A_383 = tpu.memref_slice %arg20[%add3A_377, %dma_start3A_382] : memref<512x177xf32, #tpu.memory_space<vmem>> -> memref<1x32xf32, #tpu.memory_space<vmem>>
      %dma_start3A_384 = arith.constant 0 : i32
      %dma_start3A_385 = tpu.memref_slice %arg10[%squeeze3A_375, %dma_start3A_384] : memref<1000001x32xf32, #tpu.memory_space<hbm>> -> memref<1x32xf32, #tpu.memory_space<hbm>>
      tpu.enqueue_dma source(%dma_start3A_385 : memref<1x32xf32, #tpu.memory_space<hbm>>) target(%dma_start3A_383 : memref<1x32xf32, #tpu.memory_space<vmem>>) target_semaphore(%arg23 : memref<!tpu.dma_semaphore, #tpu.memory_space<semaphore_mem>>)
      %slice3A_386 = vector.extract_strided_slice %get3A_231 {offsets = [13], sizes = [1], strides = [1]} : vector<16xi32> to vector<1xi32>
      %squeeze3A_387 = vector.extract %slice3A_386[0] : i32 from vector<1xi32>
      %add3A_388 = arith.constant 13 : i32
      %add3A_389 = arith.addi %multiple_of3A_227, %add3A_388 : i32
      %dma_start3A_390 = arith.constant 0 : i32
      %dma_start3A_391 = tpu.memref_slice %arg20[%add3A_389, %dma_start3A_390] : memref<512x177xf32, #tpu.memory_space<vmem>> -> memref<1x32xf32, #tpu.memory_space<vmem>>
      %dma_start3A_392 = arith.constant 0 : i32
      %dma_start3A_393 = tpu.memref_slice %arg10[%squeeze3A_387, %dma_start3A_392] : memref<1000001x32xf32, #tpu.memory_space<hbm>> -> memref<1x32xf32, #tpu.memory_space<hbm>>
      %dma_start3A_394 = arith.constant 0 : i32
      %dma_start3A_395 = tpu.memref_slice %arg20[%add3A_389, %dma_start3A_394] : memref<512x177xf32, #tpu.memory_space<vmem>> -> memref<1x32xf32, #tpu.memory_space<vmem>>
      %dma_start3A_396 = arith.constant 0 : i32
      %dma_start3A_397 = tpu.memref_slice %arg10[%squeeze3A_387, %dma_start3A_396] : memref<1000001x32xf32, #tpu.memory_space<hbm>> -> memref<1x32xf32, #tpu.memory_space<hbm>>
      tpu.enqueue_dma source(%dma_start3A_397 : memref<1x32xf32, #tpu.memory_space<hbm>>) target(%dma_start3A_395 : memref<1x32xf32, #tpu.memory_space<vmem>>) target_semaphore(%arg23 : memref<!tpu.dma_semaphore, #tpu.memory_space<semaphore_mem>>)
      %slice3A_398 = vector.extract_strided_slice %get3A_231 {offsets = [14], sizes = [1], strides = [1]} : vector<16xi32> to vector<1xi32>
      %squeeze3A_399 = vector.extract %slice3A_398[0] : i32 from vector<1xi32>
      %add3A_400 = arith.constant 14 : i32
      %add3A_401 = arith.addi %multiple_of3A_227, %add3A_400 : i32
      %dma_start3A_402 = arith.constant 0 : i32
      %dma_start3A_403 = tpu.memref_slice %arg20[%add3A_401, %dma_start3A_402] : memref<512x177xf32, #tpu.memory_space<vmem>> -> memref<1x32xf32, #tpu.memory_space<vmem>>
      %dma_start3A_404 = arith.constant 0 : i32
      %dma_start3A_405 = tpu.memref_slice %arg10[%squeeze3A_399, %dma_start3A_404] : memref<1000001x32xf32, #tpu.memory_space<hbm>> -> memref<1x32xf32, #tpu.memory_space<hbm>>
      %dma_start3A_406 = arith.constant 0 : i32
      %dma_start3A_407 = tpu.memref_slice %arg20[%add3A_401, %dma_start3A_406] : memref<512x177xf32, #tpu.memory_space<vmem>> -> memref<1x32xf32, #tpu.memory_space<vmem>>
      %dma_start3A_408 = arith.constant 0 : i32
      %dma_start3A_409 = tpu.memref_slice %arg10[%squeeze3A_399, %dma_start3A_408] : memref<1000001x32xf32, #tpu.memory_space<hbm>> -> memref<1x32xf32, #tpu.memory_space<hbm>>
      tpu.enqueue_dma source(%dma_start3A_409 : memref<1x32xf32, #tpu.memory_space<hbm>>) target(%dma_start3A_407 : memref<1x32xf32, #tpu.memory_space<vmem>>) target_semaphore(%arg23 : memref<!tpu.dma_semaphore, #tpu.memory_space<semaphore_mem>>)
      %slice3A_410 = vector.extract_strided_slice %get3A_231 {offsets = [15], sizes = [1], strides = [1]} : vector<16xi32> to vector<1xi32>
      %squeeze3A_411 = vector.extract %slice3A_410[0] : i32 from vector<1xi32>
      %add3A_412 = arith.constant 15 : i32
      %add3A_413 = arith.addi %multiple_of3A_227, %add3A_412 : i32
      %dma_start3A_414 = arith.constant 0 : i32
      %dma_start3A_415 = tpu.memref_slice %arg20[%add3A_413, %dma_start3A_414] : memref<512x177xf32, #tpu.memory_space<vmem>> -> memref<1x32xf32, #tpu.memory_space<vmem>>
      %dma_start3A_416 = arith.constant 0 : i32
      %dma_start3A_417 = tpu.memref_slice %arg10[%squeeze3A_411, %dma_start3A_416] : memref<1000001x32xf32, #tpu.memory_space<hbm>> -> memref<1x32xf32, #tpu.memory_space<hbm>>
      %dma_start3A_418 = arith.constant 0 : i32
      %dma_start3A_419 = tpu.memref_slice %arg20[%add3A_413, %dma_start3A_418] : memref<512x177xf32, #tpu.memory_space<vmem>> -> memref<1x32xf32, #tpu.memory_space<vmem>>
      %dma_start3A_420 = arith.constant 0 : i32
      %dma_start3A_421 = tpu.memref_slice %arg10[%squeeze3A_411, %dma_start3A_420] : memref<1000001x32xf32, #tpu.memory_space<hbm>> -> memref<1x32xf32, #tpu.memory_space<hbm>>
      tpu.enqueue_dma source(%dma_start3A_421 : memref<1x32xf32, #tpu.memory_space<hbm>>) target(%dma_start3A_419 : memref<1x32xf32, #tpu.memory_space<vmem>>) target_semaphore(%arg23 : memref<!tpu.dma_semaphore, #tpu.memory_space<semaphore_mem>>)
    }
    %scan3A_159 = arith.constant 32 : i32
    %scan3A_160 = arith.constant 0 : i32
    %scan3A_161 = arith.constant 0 : i32
    %scan3A_162 = arith.constant 32 : i32
    %scan3A_163 = arith.addi %scan3A_161, %scan3A_162 : i32
    %scan3A_164 = arith.constant 1 : i32
    scf.for %scan3A_224 = %scan3A_161 to %scan3A_163 step %scan3A_164  : i32 {
      %mul3A_225 = arith.constant 16 : i32
      %mul3A_226 = arith.muli %scan3A_224, %mul3A_225 : i32
      %multiple_of3A_227 = tpu.assume_multiple %mul3A_226, 16 : i32
      %get3A = arith.constant 1 : i32
      %get3A_228 = arith.index_cast %get3A : i32 to index
      %get3A_229 = arith.index_cast %multiple_of3A_227 : i32 to index
      %get3A_230 = tpu.vector_load %arg21[%get3A_228, %get3A_229] {strides = array<i32>} : memref<8x512xi32, #tpu.memory_space<vmem>>, vector<1x16xi32>,
      %get3A_231 = vector.shape_cast %get3A_230 : vector<1x16xi32> to vector<16xi32>
      %slice3A = vector.extract_strided_slice %get3A_231 {offsets = [0], sizes = [1], strides = [1]} : vector<16xi32> to vector<1xi32>
      %squeeze3A = vector.extract %slice3A[0] : i32 from vector<1xi32>
      %add3A_232 = arith.constant 0 : i32
      %add3A_233 = arith.addi %multiple_of3A_227, %add3A_232 : i32
      %dma_start3A_234 = arith.constant 32 : i32
      %dma_start3A_235 = tpu.memref_slice %arg20[%add3A_233, %dma_start3A_234] : memref<512x177xf32, #tpu.memory_space<vmem>> -> memref<1x32xf32, #tpu.memory_space<vmem>>
      %dma_start3A_236 = arith.constant 0 : i32
      %dma_start3A_237 = tpu.memref_slice %arg11[%squeeze3A, %dma_start3A_236] : memref<1000001x32xf32, #tpu.memory_space<hbm>> -> memref<1x32xf32, #tpu.memory_space<hbm>>
      %dma_start3A_238 = arith.constant 32 : i32
      %dma_start3A_239 = tpu.memref_slice %arg20[%add3A_233, %dma_start3A_238] : memref<512x177xf32, #tpu.memory_space<vmem>> -> memref<1x32xf32, #tpu.memory_space<vmem>>
      %dma_start3A_240 = arith.constant 0 : i32
      %dma_start3A_241 = tpu.memref_slice %arg11[%squeeze3A, %dma_start3A_240] : memref<1000001x32xf32, #tpu.memory_space<hbm>> -> memref<1x32xf32, #tpu.memory_space<hbm>>
      tpu.enqueue_dma source(%dma_start3A_241 : memref<1x32xf32, #tpu.memory_space<hbm>>) target(%dma_start3A_239 : memref<1x32xf32, #tpu.memory_space<vmem>>) target_semaphore(%arg23 : memref<!tpu.dma_semaphore, #tpu.memory_space<semaphore_mem>>)
      %slice3A_242 = vector.extract_strided_slice %get3A_231 {offsets = [1], sizes = [1], strides = [1]} : vector<16xi32> to vector<1xi32>
      %squeeze3A_243 = vector.extract %slice3A_242[0] : i32 from vector<1xi32>
      %add3A_244 = arith.constant 1 : i32
      %add3A_245 = arith.addi %multiple_of3A_227, %add3A_244 : i32
      %dma_start3A_246 = arith.constant 32 : i32
      %dma_start3A_247 = tpu.memref_slice %arg20[%add3A_245, %dma_start3A_246] : memref<512x177xf32, #tpu.memory_space<vmem>> -> memref<1x32xf32, #tpu.memory_space<vmem>>
      %dma_start3A_248 = arith.constant 0 : i32
      %dma_start3A_249 = tpu.memref_slice %arg11[%squeeze3A_243, %dma_start3A_248] : memref<1000001x32xf32, #tpu.memory_space<hbm>> -> memref<1x32xf32, #tpu.memory_space<hbm>>
      %dma_start3A_250 = arith.constant 32 : i32
      %dma_start3A_251 = tpu.memref_slice %arg20[%add3A_245, %dma_start3A_250] : memref<512x177xf32, #tpu.memory_space<vmem>> -> memref<1x32xf32, #tpu.memory_space<vmem>>
      %dma_start3A_252 = arith.constant 0 : i32
      %dma_start3A_253 = tpu.memref_slice %arg11[%squeeze3A_243, %dma_start3A_252] : memref<1000001x32xf32, #tpu.memory_space<hbm>> -> memref<1x32xf32, #tpu.memory_space<hbm>>
      tpu.enqueue_dma source(%dma_start3A_253 : memref<1x32xf32, #tpu.memory_space<hbm>>) target(%dma_start3A_251 : memref<1x32xf32, #tpu.memory_space<vmem>>) target_semaphore(%arg23 : memref<!tpu.dma_semaphore, #tpu.memory_space<semaphore_mem>>)
      %slice3A_254 = vector.extract_strided_slice %get3A_231 {offsets = [2], sizes = [1], strides = [1]} : vector<16xi32> to vector<1xi32>
      %squeeze3A_255 = vector.extract %slice3A_254[0] : i32 from vector<1xi32>
      %add3A_256 = arith.constant 2 : i32
      %add3A_257 = arith.addi %multiple_of3A_227, %add3A_256 : i32
      %dma_start3A_258 = arith.constant 32 : i32
      %dma_start3A_259 = tpu.memref_slice %arg20[%add3A_257, %dma_start3A_258] : memref<512x177xf32, #tpu.memory_space<vmem>> -> memref<1x32xf32, #tpu.memory_space<vmem>>
      %dma_start3A_260 = arith.constant 0 : i32
      %dma_start3A_261 = tpu.memref_slice %arg11[%squeeze3A_255, %dma_start3A_260] : memref<1000001x32xf32, #tpu.memory_space<hbm>> -> memref<1x32xf32, #tpu.memory_space<hbm>>
      %dma_start3A_262 = arith.constant 32 : i32
      %dma_start3A_263 = tpu.memref_slice %arg20[%add3A_257, %dma_start3A_262] : memref<512x177xf32, #tpu.memory_space<vmem>> -> memref<1x32xf32, #tpu.memory_space<vmem>>
      %dma_start3A_264 = arith.constant 0 : i32
      %dma_start3A_265 = tpu.memref_slice %arg11[%squeeze3A_255, %dma_start3A_264] : memref<1000001x32xf32, #tpu.memory_space<hbm>> -> memref<1x32xf32, #tpu.memory_space<hbm>>
      tpu.enqueue_dma source(%dma_start3A_265 : memref<1x32xf32, #tpu.memory_space<hbm>>) target(%dma_start3A_263 : memref<1x32xf32, #tpu.memory_space<vmem>>) target_semaphore(%arg23 : memref<!tpu.dma_semaphore, #tpu.memory_space<semaphore_mem>>)
      %slice3A_266 = vector.extract_strided_slice %get3A_231 {offsets = [3], sizes = [1], strides = [1]} : vector<16xi32> to vector<1xi32>
      %squeeze3A_267 = vector.extract %slice3A_266[0] : i32 from vector<1xi32>
      %add3A_268 = arith.constant 3 : i32
      %add3A_269 = arith.addi %multiple_of3A_227, %add3A_268 : i32
      %dma_start3A_270 = arith.constant 32 : i32
      %dma_start3A_271 = tpu.memref_slice %arg20[%add3A_269, %dma_start3A_270] : memref<512x177xf32, #tpu.memory_space<vmem>> -> memref<1x32xf32, #tpu.memory_space<vmem>>
      %dma_start3A_272 = arith.constant 0 : i32
      %dma_start3A_273 = tpu.memref_slice %arg11[%squeeze3A_267, %dma_start3A_272] : memref<1000001x32xf32, #tpu.memory_space<hbm>> -> memref<1x32xf32, #tpu.memory_space<hbm>>
      %dma_start3A_274 = arith.constant 32 : i32
      %dma_start3A_275 = tpu.memref_slice %arg20[%add3A_269, %dma_start3A_274] : memref<512x177xf32, #tpu.memory_space<vmem>> -> memref<1x32xf32, #tpu.memory_space<vmem>>
      %dma_start3A_276 = arith.constant 0 : i32
      %dma_start3A_277 = tpu.memref_slice %arg11[%squeeze3A_267, %dma_start3A_276] : memref<1000001x32xf32, #tpu.memory_space<hbm>> -> memref<1x32xf32, #tpu.memory_space<hbm>>
      tpu.enqueue_dma source(%dma_start3A_277 : memref<1x32xf32, #tpu.memory_space<hbm>>) target(%dma_start3A_275 : memref<1x32xf32, #tpu.memory_space<vmem>>) target_semaphore(%arg23 : memref<!tpu.dma_semaphore, #tpu.memory_space<semaphore_mem>>)
      %slice3A_278 = vector.extract_strided_slice %get3A_231 {offsets = [4], sizes = [1], strides = [1]} : vector<16xi32> to vector<1xi32>
      %squeeze3A_279 = vector.extract %slice3A_278[0] : i32 from vector<1xi32>
      %add3A_280 = arith.constant 4 : i32
      %add3A_281 = arith.addi %multiple_of3A_227, %add3A_280 : i32
      %dma_start3A_282 = arith.constant 32 : i32
      %dma_start3A_283 = tpu.memref_slice %arg20[%add3A_281, %dma_start3A_282] : memref<512x177xf32, #tpu.memory_space<vmem>> -> memref<1x32xf32, #tpu.memory_space<vmem>>
      %dma_start3A_284 = arith.constant 0 : i32
      %dma_start3A_285 = tpu.memref_slice %arg11[%squeeze3A_279, %dma_start3A_284] : memref<1000001x32xf32, #tpu.memory_space<hbm>> -> memref<1x32xf32, #tpu.memory_space<hbm>>
      %dma_start3A_286 = arith.constant 32 : i32
      %dma_start3A_287 = tpu.memref_slice %arg20[%add3A_281, %dma_start3A_286] : memref<512x177xf32, #tpu.memory_space<vmem>> -> memref<1x32xf32, #tpu.memory_space<vmem>>
      %dma_start3A_288 = arith.constant 0 : i32
      %dma_start3A_289 = tpu.memref_slice %arg11[%squeeze3A_279, %dma_start3A_288] : memref<1000001x32xf32, #tpu.memory_space<hbm>> -> memref<1x32xf32, #tpu.memory_space<hbm>>
      tpu.enqueue_dma source(%dma_start3A_289 : memref<1x32xf32, #tpu.memory_space<hbm>>) target(%dma_start3A_287 : memref<1x32xf32, #tpu.memory_space<vmem>>) target_semaphore(%arg23 : memref<!tpu.dma_semaphore, #tpu.memory_space<semaphore_mem>>)
      %slice3A_290 = vector.extract_strided_slice %get3A_231 {offsets = [5], sizes = [1], strides = [1]} : vector<16xi32> to vector<1xi32>
      %squeeze3A_291 = vector.extract %slice3A_290[0] : i32 from vector<1xi32>
      %add3A_292 = arith.constant 5 : i32
      %add3A_293 = arith.addi %multiple_of3A_227, %add3A_292 : i32
      %dma_start3A_294 = arith.constant 32 : i32
      %dma_start3A_295 = tpu.memref_slice %arg20[%add3A_293, %dma_start3A_294] : memref<512x177xf32, #tpu.memory_space<vmem>> -> memref<1x32xf32, #tpu.memory_space<vmem>>
      %dma_start3A_296 = arith.constant 0 : i32
      %dma_start3A_297 = tpu.memref_slice %arg11[%squeeze3A_291, %dma_start3A_296] : memref<1000001x32xf32, #tpu.memory_space<hbm>> -> memref<1x32xf32, #tpu.memory_space<hbm>>
      %dma_start3A_298 = arith.constant 32 : i32
      %dma_start3A_299 = tpu.memref_slice %arg20[%add3A_293, %dma_start3A_298] : memref<512x177xf32, #tpu.memory_space<vmem>> -> memref<1x32xf32, #tpu.memory_space<vmem>>
      %dma_start3A_300 = arith.constant 0 : i32
      %dma_start3A_301 = tpu.memref_slice %arg11[%squeeze3A_291, %dma_start3A_300] : memref<1000001x32xf32, #tpu.memory_space<hbm>> -> memref<1x32xf32, #tpu.memory_space<hbm>>
      tpu.enqueue_dma source(%dma_start3A_301 : memref<1x32xf32, #tpu.memory_space<hbm>>) target(%dma_start3A_299 : memref<1x32xf32, #tpu.memory_space<vmem>>) target_semaphore(%arg23 : memref<!tpu.dma_semaphore, #tpu.memory_space<semaphore_mem>>)
      %slice3A_302 = vector.extract_strided_slice %get3A_231 {offsets = [6], sizes = [1], strides = [1]} : vector<16xi32> to vector<1xi32>
      %squeeze3A_303 = vector.extract %slice3A_302[0] : i32 from vector<1xi32>
      %add3A_304 = arith.constant 6 : i32
      %add3A_305 = arith.addi %multiple_of3A_227, %add3A_304 : i32
      %dma_start3A_306 = arith.constant 32 : i32
      %dma_start3A_307 = tpu.memref_slice %arg20[%add3A_305, %dma_start3A_306] : memref<512x177xf32, #tpu.memory_space<vmem>> -> memref<1x32xf32, #tpu.memory_space<vmem>>
      %dma_start3A_308 = arith.constant 0 : i32
      %dma_start3A_309 = tpu.memref_slice %arg11[%squeeze3A_303, %dma_start3A_308] : memref<1000001x32xf32, #tpu.memory_space<hbm>> -> memref<1x32xf32, #tpu.memory_space<hbm>>
      %dma_start3A_310 = arith.constant 32 : i32
      %dma_start3A_311 = tpu.memref_slice %arg20[%add3A_305, %dma_start3A_310] : memref<512x177xf32, #tpu.memory_space<vmem>> -> memref<1x32xf32, #tpu.memory_space<vmem>>
      %dma_start3A_312 = arith.constant 0 : i32
      %dma_start3A_313 = tpu.memref_slice %arg11[%squeeze3A_303, %dma_start3A_312] : memref<1000001x32xf32, #tpu.memory_space<hbm>> -> memref<1x32xf32, #tpu.memory_space<hbm>>
      tpu.enqueue_dma source(%dma_start3A_313 : memref<1x32xf32, #tpu.memory_space<hbm>>) target(%dma_start3A_311 : memref<1x32xf32, #tpu.memory_space<vmem>>) target_semaphore(%arg23 : memref<!tpu.dma_semaphore, #tpu.memory_space<semaphore_mem>>)
      %slice3A_314 = vector.extract_strided_slice %get3A_231 {offsets = [7], sizes = [1], strides = [1]} : vector<16xi32> to vector<1xi32>
      %squeeze3A_315 = vector.extract %slice3A_314[0] : i32 from vector<1xi32>
      %add3A_316 = arith.constant 7 : i32
      %add3A_317 = arith.addi %multiple_of3A_227, %add3A_316 : i32
      %dma_start3A_318 = arith.constant 32 : i32
      %dma_start3A_319 = tpu.memref_slice %arg20[%add3A_317, %dma_start3A_318] : memref<512x177xf32, #tpu.memory_space<vmem>> -> memref<1x32xf32, #tpu.memory_space<vmem>>
      %dma_start3A_320 = arith.constant 0 : i32
      %dma_start3A_321 = tpu.memref_slice %arg11[%squeeze3A_315, %dma_start3A_320] : memref<1000001x32xf32, #tpu.memory_space<hbm>> -> memref<1x32xf32, #tpu.memory_space<hbm>>
      %dma_start3A_322 = arith.constant 32 : i32
      %dma_start3A_323 = tpu.memref_slice %arg20[%add3A_317, %dma_start3A_322] : memref<512x177xf32, #tpu.memory_space<vmem>> -> memref<1x32xf32, #tpu.memory_space<vmem>>
      %dma_start3A_324 = arith.constant 0 : i32
      %dma_start3A_325 = tpu.memref_slice %arg11[%squeeze3A_315, %dma_start3A_324] : memref<1000001x32xf32, #tpu.memory_space<hbm>> -> memref<1x32xf32, #tpu.memory_space<hbm>>
      tpu.enqueue_dma source(%dma_start3A_325 : memref<1x32xf32, #tpu.memory_space<hbm>>) target(%dma_start3A_323 : memref<1x32xf32, #tpu.memory_space<vmem>>) target_semaphore(%arg23 : memref<!tpu.dma_semaphore, #tpu.memory_space<semaphore_mem>>)
      %slice3A_326 = vector.extract_strided_slice %get3A_231 {offsets = [8], sizes = [1], strides = [1]} : vector<16xi32> to vector<1xi32>
      %squeeze3A_327 = vector.extract %slice3A_326[0] : i32 from vector<1xi32>
      %add3A_328 = arith.constant 8 : i32
      %add3A_329 = arith.addi %multiple_of3A_227, %add3A_328 : i32
      %dma_start3A_330 = arith.constant 32 : i32
      %dma_start3A_331 = tpu.memref_slice %arg20[%add3A_329, %dma_start3A_330] : memref<512x177xf32, #tpu.memory_space<vmem>> -> memref<1x32xf32, #tpu.memory_space<vmem>>
      %dma_start3A_332 = arith.constant 0 : i32
      %dma_start3A_333 = tpu.memref_slice %arg11[%squeeze3A_327, %dma_start3A_332] : memref<1000001x32xf32, #tpu.memory_space<hbm>> -> memref<1x32xf32, #tpu.memory_space<hbm>>
      %dma_start3A_334 = arith.constant 32 : i32
      %dma_start3A_335 = tpu.memref_slice %arg20[%add3A_329, %dma_start3A_334] : memref<512x177xf32, #tpu.memory_space<vmem>> -> memref<1x32xf32, #tpu.memory_space<vmem>>
      %dma_start3A_336 = arith.constant 0 : i32
      %dma_start3A_337 = tpu.memref_slice %arg11[%squeeze3A_327, %dma_start3A_336] : memref<1000001x32xf32, #tpu.memory_space<hbm>> -> memref<1x32xf32, #tpu.memory_space<hbm>>
      tpu.enqueue_dma source(%dma_start3A_337 : memref<1x32xf32, #tpu.memory_space<hbm>>) target(%dma_start3A_335 : memref<1x32xf32, #tpu.memory_space<vmem>>) target_semaphore(%arg23 : memref<!tpu.dma_semaphore, #tpu.memory_space<semaphore_mem>>)
      %slice3A_338 = vector.extract_strided_slice %get3A_231 {offsets = [9], sizes = [1], strides = [1]} : vector<16xi32> to vector<1xi32>
      %squeeze3A_339 = vector.extract %slice3A_338[0] : i32 from vector<1xi32>
      %add3A_340 = arith.constant 9 : i32
      %add3A_341 = arith.addi %multiple_of3A_227, %add3A_340 : i32
      %dma_start3A_342 = arith.constant 32 : i32
      %dma_start3A_343 = tpu.memref_slice %arg20[%add3A_341, %dma_start3A_342] : memref<512x177xf32, #tpu.memory_space<vmem>> -> memref<1x32xf32, #tpu.memory_space<vmem>>
      %dma_start3A_344 = arith.constant 0 : i32
      %dma_start3A_345 = tpu.memref_slice %arg11[%squeeze3A_339, %dma_start3A_344] : memref<1000001x32xf32, #tpu.memory_space<hbm>> -> memref<1x32xf32, #tpu.memory_space<hbm>>
      %dma_start3A_346 = arith.constant 32 : i32
      %dma_start3A_347 = tpu.memref_slice %arg20[%add3A_341, %dma_start3A_346] : memref<512x177xf32, #tpu.memory_space<vmem>> -> memref<1x32xf32, #tpu.memory_space<vmem>>
      %dma_start3A_348 = arith.constant 0 : i32
      %dma_start3A_349 = tpu.memref_slice %arg11[%squeeze3A_339, %dma_start3A_348] : memref<1000001x32xf32, #tpu.memory_space<hbm>> -> memref<1x32xf32, #tpu.memory_space<hbm>>
      tpu.enqueue_dma source(%dma_start3A_349 : memref<1x32xf32, #tpu.memory_space<hbm>>) target(%dma_start3A_347 : memref<1x32xf32, #tpu.memory_space<vmem>>) target_semaphore(%arg23 : memref<!tpu.dma_semaphore, #tpu.memory_space<semaphore_mem>>)
      %slice3A_350 = vector.extract_strided_slice %get3A_231 {offsets = [10], sizes = [1], strides = [1]} : vector<16xi32> to vector<1xi32>
      %squeeze3A_351 = vector.extract %slice3A_350[0] : i32 from vector<1xi32>
      %add3A_352 = arith.constant 10 : i32
      %add3A_353 = arith.addi %multiple_of3A_227, %add3A_352 : i32
      %dma_start3A_354 = arith.constant 32 : i32
      %dma_start3A_355 = tpu.memref_slice %arg20[%add3A_353, %dma_start3A_354] : memref<512x177xf32, #tpu.memory_space<vmem>> -> memref<1x32xf32, #tpu.memory_space<vmem>>
      %dma_start3A_356 = arith.constant 0 : i32
      %dma_start3A_357 = tpu.memref_slice %arg11[%squeeze3A_351, %dma_start3A_356] : memref<1000001x32xf32, #tpu.memory_space<hbm>> -> memref<1x32xf32, #tpu.memory_space<hbm>>
      %dma_start3A_358 = arith.constant 32 : i32
      %dma_start3A_359 = tpu.memref_slice %arg20[%add3A_353, %dma_start3A_358] : memref<512x177xf32, #tpu.memory_space<vmem>> -> memref<1x32xf32, #tpu.memory_space<vmem>>
      %dma_start3A_360 = arith.constant 0 : i32
      %dma_start3A_361 = tpu.memref_slice %arg11[%squeeze3A_351, %dma_start3A_360] : memref<1000001x32xf32, #tpu.memory_space<hbm>> -> memref<1x32xf32, #tpu.memory_space<hbm>>
      tpu.enqueue_dma source(%dma_start3A_361 : memref<1x32xf32, #tpu.memory_space<hbm>>) target(%dma_start3A_359 : memref<1x32xf32, #tpu.memory_space<vmem>>) target_semaphore(%arg23 : memref<!tpu.dma_semaphore, #tpu.memory_space<semaphore_mem>>)
      %slice3A_362 = vector.extract_strided_slice %get3A_231 {offsets = [11], sizes = [1], strides = [1]} : vector<16xi32> to vector<1xi32>
      %squeeze3A_363 = vector.extract %slice3A_362[0] : i32 from vector<1xi32>
      %add3A_364 = arith.constant 11 : i32
      %add3A_365 = arith.addi %multiple_of3A_227, %add3A_364 : i32
      %dma_start3A_366 = arith.constant 32 : i32
      %dma_start3A_367 = tpu.memref_slice %arg20[%add3A_365, %dma_start3A_366] : memref<512x177xf32, #tpu.memory_space<vmem>> -> memref<1x32xf32, #tpu.memory_space<vmem>>
      %dma_start3A_368 = arith.constant 0 : i32
      %dma_start3A_369 = tpu.memref_slice %arg11[%squeeze3A_363, %dma_start3A_368] : memref<1000001x32xf32, #tpu.memory_space<hbm>> -> memref<1x32xf32, #tpu.memory_space<hbm>>
      %dma_start3A_370 = arith.constant 32 : i32
      %dma_start3A_371 = tpu.memref_slice %arg20[%add3A_365, %dma_start3A_370] : memref<512x177xf32, #tpu.memory_space<vmem>> -> memref<1x32xf32, #tpu.memory_space<vmem>>
      %dma_start3A_372 = arith.constant 0 : i32
      %dma_start3A_373 = tpu.memref_slice %arg11[%squeeze3A_363, %dma_start3A_372] : memref<1000001x32xf32, #tpu.memory_space<hbm>> -> memref<1x32xf32, #tpu.memory_space<hbm>>
      tpu.enqueue_dma source(%dma_start3A_373 : memref<1x32xf32, #tpu.memory_space<hbm>>) target(%dma_start3A_371 : memref<1x32xf32, #tpu.memory_space<vmem>>) target_semaphore(%arg23 : memref<!tpu.dma_semaphore, #tpu.memory_space<semaphore_mem>>)
      %slice3A_374 = vector.extract_strided_slice %get3A_231 {offsets = [12], sizes = [1], strides = [1]} : vector<16xi32> to vector<1xi32>
      %squeeze3A_375 = vector.extract %slice3A_374[0] : i32 from vector<1xi32>
      %add3A_376 = arith.constant 12 : i32
      %add3A_377 = arith.addi %multiple_of3A_227, %add3A_376 : i32
      %dma_start3A_378 = arith.constant 32 : i32
      %dma_start3A_379 = tpu.memref_slice %arg20[%add3A_377, %dma_start3A_378] : memref<512x177xf32, #tpu.memory_space<vmem>> -> memref<1x32xf32, #tpu.memory_space<vmem>>
      %dma_start3A_380 = arith.constant 0 : i32
      %dma_start3A_381 = tpu.memref_slice %arg11[%squeeze3A_375, %dma_start3A_380] : memref<1000001x32xf32, #tpu.memory_space<hbm>> -> memref<1x32xf32, #tpu.memory_space<hbm>>
      %dma_start3A_382 = arith.constant 32 : i32
      %dma_start3A_383 = tpu.memref_slice %arg20[%add3A_377, %dma_start3A_382] : memref<512x177xf32, #tpu.memory_space<vmem>> -> memref<1x32xf32, #tpu.memory_space<vmem>>
      %dma_start3A_384 = arith.constant 0 : i32
      %dma_start3A_385 = tpu.memref_slice %arg11[%squeeze3A_375, %dma_start3A_384] : memref<1000001x32xf32, #tpu.memory_space<hbm>> -> memref<1x32xf32, #tpu.memory_space<hbm>>
      tpu.enqueue_dma source(%dma_start3A_385 : memref<1x32xf32, #tpu.memory_space<hbm>>) target(%dma_start3A_383 : memref<1x32xf32, #tpu.memory_space<vmem>>) target_semaphore(%arg23 : memref<!tpu.dma_semaphore, #tpu.memory_space<semaphore_mem>>)
      %slice3A_386 = vector.extract_strided_slice %get3A_231 {offsets = [13], sizes = [1], strides = [1]} : vector<16xi32> to vector<1xi32>
      %squeeze3A_387 = vector.extract %slice3A_386[0] : i32 from vector<1xi32>
      %add3A_388 = arith.constant 13 : i32
      %add3A_389 = arith.addi %multiple_of3A_227, %add3A_388 : i32
      %dma_start3A_390 = arith.constant 32 : i32
      %dma_start3A_391 = tpu.memref_slice %arg20[%add3A_389, %dma_start3A_390] : memref<512x177xf32, #tpu.memory_space<vmem>> -> memref<1x32xf32, #tpu.memory_space<vmem>>
      %dma_start3A_392 = arith.constant 0 : i32
      %dma_start3A_393 = tpu.memref_slice %arg11[%squeeze3A_387, %dma_start3A_392] : memref<1000001x32xf32, #tpu.memory_space<hbm>> -> memref<1x32xf32, #tpu.memory_space<hbm>>
      %dma_start3A_394 = arith.constant 32 : i32
      %dma_start3A_395 = tpu.memref_slice %arg20[%add3A_389, %dma_start3A_394] : memref<512x177xf32, #tpu.memory_space<vmem>> -> memref<1x32xf32, #tpu.memory_space<vmem>>
      %dma_start3A_396 = arith.constant 0 : i32
      %dma_start3A_397 = tpu.memref_slice %arg11[%squeeze3A_387, %dma_start3A_396] : memref<1000001x32xf32, #tpu.memory_space<hbm>> -> memref<1x32xf32, #tpu.memory_space<hbm>>
      tpu.enqueue_dma source(%dma_start3A_397 : memref<1x32xf32, #tpu.memory_space<hbm>>) target(%dma_start3A_395 : memref<1x32xf32, #tpu.memory_space<vmem>>) target_semaphore(%arg23 : memref<!tpu.dma_semaphore, #tpu.memory_space<semaphore_mem>>)
      %slice3A_398 = vector.extract_strided_slice %get3A_231 {offsets = [14], sizes = [1], strides = [1]} : vector<16xi32> to vector<1xi32>
      %squeeze3A_399 = vector.extract %slice3A_398[0] : i32 from vector<1xi32>
      %add3A_400 = arith.constant 14 : i32
      %add3A_401 = arith.addi %multiple_of3A_227, %add3A_400 : i32
      %dma_start3A_402 = arith.constant 32 : i32
      %dma_start3A_403 = tpu.memref_slice %arg20[%add3A_401, %dma_start3A_402] : memref<512x177xf32, #tpu.memory_space<vmem>> -> memref<1x32xf32, #tpu.memory_space<vmem>>
      %dma_start3A_404 = arith.constant 0 : i32
      %dma_start3A_405 = tpu.memref_slice %arg11[%squeeze3A_399, %dma_start3A_404] : memref<1000001x32xf32, #tpu.memory_space<hbm>> -> memref<1x32xf32, #tpu.memory_space<hbm>>
      %dma_start3A_406 = arith.constant 32 : i32
      %dma_start3A_407 = tpu.memref_slice %arg20[%add3A_401, %dma_start3A_406] : memref<512x177xf32, #tpu.memory_space<vmem>> -> memref<1x32xf32, #tpu.memory_space<vmem>>
      %dma_start3A_408 = arith.constant 0 : i32
      %dma_start3A_409 = tpu.memref_slice %arg11[%squeeze3A_399, %dma_start3A_408] : memref<1000001x32xf32, #tpu.memory_space<hbm>> -> memref<1x32xf32, #tpu.memory_space<hbm>>
      tpu.enqueue_dma source(%dma_start3A_409 : memref<1x32xf32, #tpu.memory_space<hbm>>) target(%dma_start3A_407 : memref<1x32xf32, #tpu.memory_space<vmem>>) target_semaphore(%arg23 : memref<!tpu.dma_semaphore, #tpu.memory_space<semaphore_mem>>)
      %slice3A_410 = vector.extract_strided_slice %get3A_231 {offsets = [15], sizes = [1], strides = [1]} : vector<16xi32> to vector<1xi32>
      %squeeze3A_411 = vector.extract %slice3A_410[0] : i32 from vector<1xi32>
      %add3A_412 = arith.constant 15 : i32
      %add3A_413 = arith.addi %multiple_of3A_227, %add3A_412 : i32
      %dma_start3A_414 = arith.constant 32 : i32
      %dma_start3A_415 = tpu.memref_slice %arg20[%add3A_413, %dma_start3A_414] : memref<512x177xf32, #tpu.memory_space<vmem>> -> memref<1x32xf32, #tpu.memory_space<vmem>>
      %dma_start3A_416 = arith.constant 0 : i32
      %dma_start3A_417 = tpu.memref_slice %arg11[%squeeze3A_411, %dma_start3A_416] : memref<1000001x32xf32, #tpu.memory_space<hbm>> -> memref<1x32xf32, #tpu.memory_space<hbm>>
      %dma_start3A_418 = arith.constant 32 : i32
      %dma_start3A_419 = tpu.memref_slice %arg20[%add3A_413, %dma_start3A_418] : memref<512x177xf32, #tpu.memory_space<vmem>> -> memref<1x32xf32, #tpu.memory_space<vmem>>
      %dma_start3A_420 = arith.constant 0 : i32
      %dma_start3A_421 = tpu.memref_slice %arg11[%squeeze3A_411, %dma_start3A_420] : memref<1000001x32xf32, #tpu.memory_space<hbm>> -> memref<1x32xf32, #tpu.memory_space<hbm>>
      tpu.enqueue_dma source(%dma_start3A_421 : memref<1x32xf32, #tpu.memory_space<hbm>>) target(%dma_start3A_419 : memref<1x32xf32, #tpu.memory_space<vmem>>) target_semaphore(%arg23 : memref<!tpu.dma_semaphore, #tpu.memory_space<semaphore_mem>>)
    }
    %scan3A_165 = arith.constant 32 : i32
    %scan3A_166 = arith.constant 0 : i32
    %scan3A_167 = arith.constant 0 : i32
    %scan3A_168 = arith.constant 32 : i32
    %scan3A_169 = arith.addi %scan3A_167, %scan3A_168 : i32
    %scan3A_170 = arith.constant 1 : i32
    scf.for %scan3A_224 = %scan3A_167 to %scan3A_169 step %scan3A_170  : i32 {
      %mul3A_225 = arith.constant 16 : i32
      %mul3A_226 = arith.muli %scan3A_224, %mul3A_225 : i32
      %multiple_of3A_227 = tpu.assume_multiple %mul3A_226, 16 : i32
      %get3A = arith.constant 2 : i32
      %get3A_228 = arith.index_cast %get3A : i32 to index
      %get3A_229 = arith.index_cast %multiple_of3A_227 : i32 to index
      %get3A_230 = tpu.vector_load %arg21[%get3A_228, %get3A_229] {strides = array<i32>} : memref<8x512xi32, #tpu.memory_space<vmem>>, vector<1x16xi32>,
      %get3A_231 = vector.shape_cast %get3A_230 : vector<1x16xi32> to vector<16xi32>
      %slice3A = vector.extract_strided_slice %get3A_231 {offsets = [0], sizes = [1], strides = [1]} : vector<16xi32> to vector<1xi32>
      %squeeze3A = vector.extract %slice3A[0] : i32 from vector<1xi32>
      %add3A_232 = arith.constant 0 : i32
      %add3A_233 = arith.addi %multiple_of3A_227, %add3A_232 : i32
      %dma_start3A_234 = arith.constant 64 : i32
      %dma_start3A_235 = tpu.memref_slice %arg20[%add3A_233, %dma_start3A_234] : memref<512x177xf32, #tpu.memory_space<vmem>> -> memref<1x16xf32, #tpu.memory_space<vmem>>
      %dma_start3A_236 = arith.constant 0 : i32
      %dma_start3A_237 = tpu.memref_slice %arg12[%squeeze3A, %dma_start3A_236] : memref<100001x16xf32, #tpu.memory_space<hbm>> -> memref<1x16xf32, #tpu.memory_space<hbm>>
      %dma_start3A_238 = arith.constant 64 : i32
      %dma_start3A_239 = tpu.memref_slice %arg20[%add3A_233, %dma_start3A_238] : memref<512x177xf32, #tpu.memory_space<vmem>> -> memref<1x16xf32, #tpu.memory_space<vmem>>
      %dma_start3A_240 = arith.constant 0 : i32
      %dma_start3A_241 = tpu.memref_slice %arg12[%squeeze3A, %dma_start3A_240] : memref<100001x16xf32, #tpu.memory_space<hbm>> -> memref<1x16xf32, #tpu.memory_space<hbm>>
      tpu.enqueue_dma source(%dma_start3A_241 : memref<1x16xf32, #tpu.memory_space<hbm>>) target(%dma_start3A_239 : memref<1x16xf32, #tpu.memory_space<vmem>>) target_semaphore(%arg23 : memref<!tpu.dma_semaphore, #tpu.memory_space<semaphore_mem>>)
      %slice3A_242 = vector.extract_strided_slice %get3A_231 {offsets = [1], sizes = [1], strides = [1]} : vector<16xi32> to vector<1xi32>
      %squeeze3A_243 = vector.extract %slice3A_242[0] : i32 from vector<1xi32>
      %add3A_244 = arith.constant 1 : i32
      %add3A_245 = arith.addi %multiple_of3A_227, %add3A_244 : i32
      %dma_start3A_246 = arith.constant 64 : i32
      %dma_start3A_247 = tpu.memref_slice %arg20[%add3A_245, %dma_start3A_246] : memref<512x177xf32, #tpu.memory_space<vmem>> -> memref<1x16xf32, #tpu.memory_space<vmem>>
      %dma_start3A_248 = arith.constant 0 : i32
      %dma_start3A_249 = tpu.memref_slice %arg12[%squeeze3A_243, %dma_start3A_248] : memref<100001x16xf32, #tpu.memory_space<hbm>> -> memref<1x16xf32, #tpu.memory_space<hbm>>
      %dma_start3A_250 = arith.constant 64 : i32
      %dma_start3A_251 = tpu.memref_slice %arg20[%add3A_245, %dma_start3A_250] : memref<512x177xf32, #tpu.memory_space<vmem>> -> memref<1x16xf32, #tpu.memory_space<vmem>>
      %dma_start3A_252 = arith.constant 0 : i32
      %dma_start3A_253 = tpu.memref_slice %arg12[%squeeze3A_243, %dma_start3A_252] : memref<100001x16xf32, #tpu.memory_space<hbm>> -> memref<1x16xf32, #tpu.memory_space<hbm>>
      tpu.enqueue_dma source(%dma_start3A_253 : memref<1x16xf32, #tpu.memory_space<hbm>>) target(%dma_start3A_251 : memref<1x16xf32, #tpu.memory_space<vmem>>) target_semaphore(%arg23 : memref<!tpu.dma_semaphore, #tpu.memory_space<semaphore_mem>>)
      %slice3A_254 = vector.extract_strided_slice %get3A_231 {offsets = [2], sizes = [1], strides = [1]} : vector<16xi32> to vector<1xi32>
      %squeeze3A_255 = vector.extract %slice3A_254[0] : i32 from vector<1xi32>
      %add3A_256 = arith.constant 2 : i32
      %add3A_257 = arith.addi %multiple_of3A_227, %add3A_256 : i32
      %dma_start3A_258 = arith.constant 64 : i32
      %dma_start3A_259 = tpu.memref_slice %arg20[%add3A_257, %dma_start3A_258] : memref<512x177xf32, #tpu.memory_space<vmem>> -> memref<1x16xf32, #tpu.memory_space<vmem>>
      %dma_start3A_260 = arith.constant 0 : i32
      %dma_start3A_261 = tpu.memref_slice %arg12[%squeeze3A_255, %dma_start3A_260] : memref<100001x16xf32, #tpu.memory_space<hbm>> -> memref<1x16xf32, #tpu.memory_space<hbm>>
      %dma_start3A_262 = arith.constant 64 : i32
      %dma_start3A_263 = tpu.memref_slice %arg20[%add3A_257, %dma_start3A_262] : memref<512x177xf32, #tpu.memory_space<vmem>> -> memref<1x16xf32, #tpu.memory_space<vmem>>
      %dma_start3A_264 = arith.constant 0 : i32
      %dma_start3A_265 = tpu.memref_slice %arg12[%squeeze3A_255, %dma_start3A_264] : memref<100001x16xf32, #tpu.memory_space<hbm>> -> memref<1x16xf32, #tpu.memory_space<hbm>>
      tpu.enqueue_dma source(%dma_start3A_265 : memref<1x16xf32, #tpu.memory_space<hbm>>) target(%dma_start3A_263 : memref<1x16xf32, #tpu.memory_space<vmem>>) target_semaphore(%arg23 : memref<!tpu.dma_semaphore, #tpu.memory_space<semaphore_mem>>)
      %slice3A_266 = vector.extract_strided_slice %get3A_231 {offsets = [3], sizes = [1], strides = [1]} : vector<16xi32> to vector<1xi32>
      %squeeze3A_267 = vector.extract %slice3A_266[0] : i32 from vector<1xi32>
      %add3A_268 = arith.constant 3 : i32
      %add3A_269 = arith.addi %multiple_of3A_227, %add3A_268 : i32
      %dma_start3A_270 = arith.constant 64 : i32
      %dma_start3A_271 = tpu.memref_slice %arg20[%add3A_269, %dma_start3A_270] : memref<512x177xf32, #tpu.memory_space<vmem>> -> memref<1x16xf32, #tpu.memory_space<vmem>>
      %dma_start3A_272 = arith.constant 0 : i32
      %dma_start3A_273 = tpu.memref_slice %arg12[%squeeze3A_267, %dma_start3A_272] : memref<100001x16xf32, #tpu.memory_space<hbm>> -> memref<1x16xf32, #tpu.memory_space<hbm>>
      %dma_start3A_274 = arith.constant 64 : i32
      %dma_start3A_275 = tpu.memref_slice %arg20[%add3A_269, %dma_start3A_274] : memref<512x177xf32, #tpu.memory_space<vmem>> -> memref<1x16xf32, #tpu.memory_space<vmem>>
      %dma_start3A_276 = arith.constant 0 : i32
      %dma_start3A_277 = tpu.memref_slice %arg12[%squeeze3A_267, %dma_start3A_276] : memref<100001x16xf32, #tpu.memory_space<hbm>> -> memref<1x16xf32, #tpu.memory_space<hbm>>
      tpu.enqueue_dma source(%dma_start3A_277 : memref<1x16xf32, #tpu.memory_space<hbm>>) target(%dma_start3A_275 : memref<1x16xf32, #tpu.memory_space<vmem>>) target_semaphore(%arg23 : memref<!tpu.dma_semaphore, #tpu.memory_space<semaphore_mem>>)
      %slice3A_278 = vector.extract_strided_slice %get3A_231 {offsets = [4], sizes = [1], strides = [1]} : vector<16xi32> to vector<1xi32>
      %squeeze3A_279 = vector.extract %slice3A_278[0] : i32 from vector<1xi32>
      %add3A_280 = arith.constant 4 : i32
      %add3A_281 = arith.addi %multiple_of3A_227, %add3A_280 : i32
      %dma_start3A_282 = arith.constant 64 : i32
      %dma_start3A_283 = tpu.memref_slice %arg20[%add3A_281, %dma_start3A_282] : memref<512x177xf32, #tpu.memory_space<vmem>> -> memref<1x16xf32, #tpu.memory_space<vmem>>
      %dma_start3A_284 = arith.constant 0 : i32
      %dma_start3A_285 = tpu.memref_slice %arg12[%squeeze3A_279, %dma_start3A_284] : memref<100001x16xf32, #tpu.memory_space<hbm>> -> memref<1x16xf32, #tpu.memory_space<hbm>>
      %dma_start3A_286 = arith.constant 64 : i32
      %dma_start3A_287 = tpu.memref_slice %arg20[%add3A_281, %dma_start3A_286] : memref<512x177xf32, #tpu.memory_space<vmem>> -> memref<1x16xf32, #tpu.memory_space<vmem>>
      %dma_start3A_288 = arith.constant 0 : i32
      %dma_start3A_289 = tpu.memref_slice %arg12[%squeeze3A_279, %dma_start3A_288] : memref<100001x16xf32, #tpu.memory_space<hbm>> -> memref<1x16xf32, #tpu.memory_space<hbm>>
      tpu.enqueue_dma source(%dma_start3A_289 : memref<1x16xf32, #tpu.memory_space<hbm>>) target(%dma_start3A_287 : memref<1x16xf32, #tpu.memory_space<vmem>>) target_semaphore(%arg23 : memref<!tpu.dma_semaphore, #tpu.memory_space<semaphore_mem>>)
      %slice3A_290 = vector.extract_strided_slice %get3A_231 {offsets = [5], sizes = [1], strides = [1]} : vector<16xi32> to vector<1xi32>
      %squeeze3A_291 = vector.extract %slice3A_290[0] : i32 from vector<1xi32>
      %add3A_292 = arith.constant 5 : i32
      %add3A_293 = arith.addi %multiple_of3A_227, %add3A_292 : i32
      %dma_start3A_294 = arith.constant 64 : i32
      %dma_start3A_295 = tpu.memref_slice %arg20[%add3A_293, %dma_start3A_294] : memref<512x177xf32, #tpu.memory_space<vmem>> -> memref<1x16xf32, #tpu.memory_space<vmem>>
      %dma_start3A_296 = arith.constant 0 : i32
      %dma_start3A_297 = tpu.memref_slice %arg12[%squeeze3A_291, %dma_start3A_296] : memref<100001x16xf32, #tpu.memory_space<hbm>> -> memref<1x16xf32, #tpu.memory_space<hbm>>
      %dma_start3A_298 = arith.constant 64 : i32
      %dma_start3A_299 = tpu.memref_slice %arg20[%add3A_293, %dma_start3A_298] : memref<512x177xf32, #tpu.memory_space<vmem>> -> memref<1x16xf32, #tpu.memory_space<vmem>>
      %dma_start3A_300 = arith.constant 0 : i32
      %dma_start3A_301 = tpu.memref_slice %arg12[%squeeze3A_291, %dma_start3A_300] : memref<100001x16xf32, #tpu.memory_space<hbm>> -> memref<1x16xf32, #tpu.memory_space<hbm>>
      tpu.enqueue_dma source(%dma_start3A_301 : memref<1x16xf32, #tpu.memory_space<hbm>>) target(%dma_start3A_299 : memref<1x16xf32, #tpu.memory_space<vmem>>) target_semaphore(%arg23 : memref<!tpu.dma_semaphore, #tpu.memory_space<semaphore_mem>>)
      %slice3A_302 = vector.extract_strided_slice %get3A_231 {offsets = [6], sizes = [1], strides = [1]} : vector<16xi32> to vector<1xi32>
      %squeeze3A_303 = vector.extract %slice3A_302[0] : i32 from vector<1xi32>
      %add3A_304 = arith.constant 6 : i32
      %add3A_305 = arith.addi %multiple_of3A_227, %add3A_304 : i32
      %dma_start3A_306 = arith.constant 64 : i32
      %dma_start3A_307 = tpu.memref_slice %arg20[%add3A_305, %dma_start3A_306] : memref<512x177xf32, #tpu.memory_space<vmem>> -> memref<1x16xf32, #tpu.memory_space<vmem>>
      %dma_start3A_308 = arith.constant 0 : i32
      %dma_start3A_309 = tpu.memref_slice %arg12[%squeeze3A_303, %dma_start3A_308] : memref<100001x16xf32, #tpu.memory_space<hbm>> -> memref<1x16xf32, #tpu.memory_space<hbm>>
      %dma_start3A_310 = arith.constant 64 : i32
      %dma_start3A_311 = tpu.memref_slice %arg20[%add3A_305, %dma_start3A_310] : memref<512x177xf32, #tpu.memory_space<vmem>> -> memref<1x16xf32, #tpu.memory_space<vmem>>
      %dma_start3A_312 = arith.constant 0 : i32
      %dma_start3A_313 = tpu.memref_slice %arg12[%squeeze3A_303, %dma_start3A_312] : memref<100001x16xf32, #tpu.memory_space<hbm>> -> memref<1x16xf32, #tpu.memory_space<hbm>>
      tpu.enqueue_dma source(%dma_start3A_313 : memref<1x16xf32, #tpu.memory_space<hbm>>) target(%dma_start3A_311 : memref<1x16xf32, #tpu.memory_space<vmem>>) target_semaphore(%arg23 : memref<!tpu.dma_semaphore, #tpu.memory_space<semaphore_mem>>)
      %slice3A_314 = vector.extract_strided_slice %get3A_231 {offsets = [7], sizes = [1], strides = [1]} : vector<16xi32> to vector<1xi32>
      %squeeze3A_315 = vector.extract %slice3A_314[0] : i32 from vector<1xi32>
      %add3A_316 = arith.constant 7 : i32
      %add3A_317 = arith.addi %multiple_of3A_227, %add3A_316 : i32
      %dma_start3A_318 = arith.constant 64 : i32
      %dma_start3A_319 = tpu.memref_slice %arg20[%add3A_317, %dma_start3A_318] : memref<512x177xf32, #tpu.memory_space<vmem>> -> memref<1x16xf32, #tpu.memory_space<vmem>>
      %dma_start3A_320 = arith.constant 0 : i32
      %dma_start3A_321 = tpu.memref_slice %arg12[%squeeze3A_315, %dma_start3A_320] : memref<100001x16xf32, #tpu.memory_space<hbm>> -> memref<1x16xf32, #tpu.memory_space<hbm>>
      %dma_start3A_322 = arith.constant 64 : i32
      %dma_start3A_323 = tpu.memref_slice %arg20[%add3A_317, %dma_start3A_322] : memref<512x177xf32, #tpu.memory_space<vmem>> -> memref<1x16xf32, #tpu.memory_space<vmem>>
      %dma_start3A_324 = arith.constant 0 : i32
      %dma_start3A_325 = tpu.memref_slice %arg12[%squeeze3A_315, %dma_start3A_324] : memref<100001x16xf32, #tpu.memory_space<hbm>> -> memref<1x16xf32, #tpu.memory_space<hbm>>
      tpu.enqueue_dma source(%dma_start3A_325 : memref<1x16xf32, #tpu.memory_space<hbm>>) target(%dma_start3A_323 : memref<1x16xf32, #tpu.memory_space<vmem>>) target_semaphore(%arg23 : memref<!tpu.dma_semaphore, #tpu.memory_space<semaphore_mem>>)
      %slice3A_326 = vector.extract_strided_slice %get3A_231 {offsets = [8], sizes = [1], strides = [1]} : vector<16xi32> to vector<1xi32>
      %squeeze3A_327 = vector.extract %slice3A_326[0] : i32 from vector<1xi32>
      %add3A_328 = arith.constant 8 : i32
      %add3A_329 = arith.addi %multiple_of3A_227, %add3A_328 : i32
      %dma_start3A_330 = arith.constant 64 : i32
      %dma_start3A_331 = tpu.memref_slice %arg20[%add3A_329, %dma_start3A_330] : memref<512x177xf32, #tpu.memory_space<vmem>> -> memref<1x16xf32, #tpu.memory_space<vmem>>
      %dma_start3A_332 = arith.constant 0 : i32
      %dma_start3A_333 = tpu.memref_slice %arg12[%squeeze3A_327, %dma_start3A_332] : memref<100001x16xf32, #tpu.memory_space<hbm>> -> memref<1x16xf32, #tpu.memory_space<hbm>>
      %dma_start3A_334 = arith.constant 64 : i32
      %dma_start3A_335 = tpu.memref_slice %arg20[%add3A_329, %dma_start3A_334] : memref<512x177xf32, #tpu.memory_space<vmem>> -> memref<1x16xf32, #tpu.memory_space<vmem>>
      %dma_start3A_336 = arith.constant 0 : i32
      %dma_start3A_337 = tpu.memref_slice %arg12[%squeeze3A_327, %dma_start3A_336] : memref<100001x16xf32, #tpu.memory_space<hbm>> -> memref<1x16xf32, #tpu.memory_space<hbm>>
      tpu.enqueue_dma source(%dma_start3A_337 : memref<1x16xf32, #tpu.memory_space<hbm>>) target(%dma_start3A_335 : memref<1x16xf32, #tpu.memory_space<vmem>>) target_semaphore(%arg23 : memref<!tpu.dma_semaphore, #tpu.memory_space<semaphore_mem>>)
      %slice3A_338 = vector.extract_strided_slice %get3A_231 {offsets = [9], sizes = [1], strides = [1]} : vector<16xi32> to vector<1xi32>
      %squeeze3A_339 = vector.extract %slice3A_338[0] : i32 from vector<1xi32>
      %add3A_340 = arith.constant 9 : i32
      %add3A_341 = arith.addi %multiple_of3A_227, %add3A_340 : i32
      %dma_start3A_342 = arith.constant 64 : i32
      %dma_start3A_343 = tpu.memref_slice %arg20[%add3A_341, %dma_start3A_342] : memref<512x177xf32, #tpu.memory_space<vmem>> -> memref<1x16xf32, #tpu.memory_space<vmem>>
      %dma_start3A_344 = arith.constant 0 : i32
      %dma_start3A_345 = tpu.memref_slice %arg12[%squeeze3A_339, %dma_start3A_344] : memref<100001x16xf32, #tpu.memory_space<hbm>> -> memref<1x16xf32, #tpu.memory_space<hbm>>
      %dma_start3A_346 = arith.constant 64 : i32
      %dma_start3A_347 = tpu.memref_slice %arg20[%add3A_341, %dma_start3A_346] : memref<512x177xf32, #tpu.memory_space<vmem>> -> memref<1x16xf32, #tpu.memory_space<vmem>>
      %dma_start3A_348 = arith.constant 0 : i32
      %dma_start3A_349 = tpu.memref_slice %arg12[%squeeze3A_339, %dma_start3A_348] : memref<100001x16xf32, #tpu.memory_space<hbm>> -> memref<1x16xf32, #tpu.memory_space<hbm>>
      tpu.enqueue_dma source(%dma_start3A_349 : memref<1x16xf32, #tpu.memory_space<hbm>>) target(%dma_start3A_347 : memref<1x16xf32, #tpu.memory_space<vmem>>) target_semaphore(%arg23 : memref<!tpu.dma_semaphore, #tpu.memory_space<semaphore_mem>>)
      %slice3A_350 = vector.extract_strided_slice %get3A_231 {offsets = [10], sizes = [1], strides = [1]} : vector<16xi32> to vector<1xi32>
      %squeeze3A_351 = vector.extract %slice3A_350[0] : i32 from vector<1xi32>
      %add3A_352 = arith.constant 10 : i32
      %add3A_353 = arith.addi %multiple_of3A_227, %add3A_352 : i32
      %dma_start3A_354 = arith.constant 64 : i32
      %dma_start3A_355 = tpu.memref_slice %arg20[%add3A_353, %dma_start3A_354] : memref<512x177xf32, #tpu.memory_space<vmem>> -> memref<1x16xf32, #tpu.memory_space<vmem>>
      %dma_start3A_356 = arith.constant 0 : i32
      %dma_start3A_357 = tpu.memref_slice %arg12[%squeeze3A_351, %dma_start3A_356] : memref<100001x16xf32, #tpu.memory_space<hbm>> -> memref<1x16xf32, #tpu.memory_space<hbm>>
      %dma_start3A_358 = arith.constant 64 : i32
      %dma_start3A_359 = tpu.memref_slice %arg20[%add3A_353, %dma_start3A_358] : memref<512x177xf32, #tpu.memory_space<vmem>> -> memref<1x16xf32, #tpu.memory_space<vmem>>
      %dma_start3A_360 = arith.constant 0 : i32
      %dma_start3A_361 = tpu.memref_slice %arg12[%squeeze3A_351, %dma_start3A_360] : memref<100001x16xf32, #tpu.memory_space<hbm>> -> memref<1x16xf32, #tpu.memory_space<hbm>>
      tpu.enqueue_dma source(%dma_start3A_361 : memref<1x16xf32, #tpu.memory_space<hbm>>) target(%dma_start3A_359 : memref<1x16xf32, #tpu.memory_space<vmem>>) target_semaphore(%arg23 : memref<!tpu.dma_semaphore, #tpu.memory_space<semaphore_mem>>)
      %slice3A_362 = vector.extract_strided_slice %get3A_231 {offsets = [11], sizes = [1], strides = [1]} : vector<16xi32> to vector<1xi32>
      %squeeze3A_363 = vector.extract %slice3A_362[0] : i32 from vector<1xi32>
      %add3A_364 = arith.constant 11 : i32
      %add3A_365 = arith.addi %multiple_of3A_227, %add3A_364 : i32
      %dma_start3A_366 = arith.constant 64 : i32
      %dma_start3A_367 = tpu.memref_slice %arg20[%add3A_365, %dma_start3A_366] : memref<512x177xf32, #tpu.memory_space<vmem>> -> memref<1x16xf32, #tpu.memory_space<vmem>>
      %dma_start3A_368 = arith.constant 0 : i32
      %dma_start3A_369 = tpu.memref_slice %arg12[%squeeze3A_363, %dma_start3A_368] : memref<100001x16xf32, #tpu.memory_space<hbm>> -> memref<1x16xf32, #tpu.memory_space<hbm>>
      %dma_start3A_370 = arith.constant 64 : i32
      %dma_start3A_371 = tpu.memref_slice %arg20[%add3A_365, %dma_start3A_370] : memref<512x177xf32, #tpu.memory_space<vmem>> -> memref<1x16xf32, #tpu.memory_space<vmem>>
      %dma_start3A_372 = arith.constant 0 : i32
      %dma_start3A_373 = tpu.memref_slice %arg12[%squeeze3A_363, %dma_start3A_372] : memref<100001x16xf32, #tpu.memory_space<hbm>> -> memref<1x16xf32, #tpu.memory_space<hbm>>
      tpu.enqueue_dma source(%dma_start3A_373 : memref<1x16xf32, #tpu.memory_space<hbm>>) target(%dma_start3A_371 : memref<1x16xf32, #tpu.memory_space<vmem>>) target_semaphore(%arg23 : memref<!tpu.dma_semaphore, #tpu.memory_space<semaphore_mem>>)
      %slice3A_374 = vector.extract_strided_slice %get3A_231 {offsets = [12], sizes = [1], strides = [1]} : vector<16xi32> to vector<1xi32>
      %squeeze3A_375 = vector.extract %slice3A_374[0] : i32 from vector<1xi32>
      %add3A_376 = arith.constant 12 : i32
      %add3A_377 = arith.addi %multiple_of3A_227, %add3A_376 : i32
      %dma_start3A_378 = arith.constant 64 : i32
      %dma_start3A_379 = tpu.memref_slice %arg20[%add3A_377, %dma_start3A_378] : memref<512x177xf32, #tpu.memory_space<vmem>> -> memref<1x16xf32, #tpu.memory_space<vmem>>
      %dma_start3A_380 = arith.constant 0 : i32
      %dma_start3A_381 = tpu.memref_slice %arg12[%squeeze3A_375, %dma_start3A_380] : memref<100001x16xf32, #tpu.memory_space<hbm>> -> memref<1x16xf32, #tpu.memory_space<hbm>>
      %dma_start3A_382 = arith.constant 64 : i32
      %dma_start3A_383 = tpu.memref_slice %arg20[%add3A_377, %dma_start3A_382] : memref<512x177xf32, #tpu.memory_space<vmem>> -> memref<1x16xf32, #tpu.memory_space<vmem>>
      %dma_start3A_384 = arith.constant 0 : i32
      %dma_start3A_385 = tpu.memref_slice %arg12[%squeeze3A_375, %dma_start3A_384] : memref<100001x16xf32, #tpu.memory_space<hbm>> -> memref<1x16xf32, #tpu.memory_space<hbm>>
      tpu.enqueue_dma source(%dma_start3A_385 : memref<1x16xf32, #tpu.memory_space<hbm>>) target(%dma_start3A_383 : memref<1x16xf32, #tpu.memory_space<vmem>>) target_semaphore(%arg23 : memref<!tpu.dma_semaphore, #tpu.memory_space<semaphore_mem>>)
      %slice3A_386 = vector.extract_strided_slice %get3A_231 {offsets = [13], sizes = [1], strides = [1]} : vector<16xi32> to vector<1xi32>
      %squeeze3A_387 = vector.extract %slice3A_386[0] : i32 from vector<1xi32>
      %add3A_388 = arith.constant 13 : i32
      %add3A_389 = arith.addi %multiple_of3A_227, %add3A_388 : i32
      %dma_start3A_390 = arith.constant 64 : i32
      %dma_start3A_391 = tpu.memref_slice %arg20[%add3A_389, %dma_start3A_390] : memref<512x177xf32, #tpu.memory_space<vmem>> -> memref<1x16xf32, #tpu.memory_space<vmem>>
      %dma_start3A_392 = arith.constant 0 : i32
      %dma_start3A_393 = tpu.memref_slice %arg12[%squeeze3A_387, %dma_start3A_392] : memref<100001x16xf32, #tpu.memory_space<hbm>> -> memref<1x16xf32, #tpu.memory_space<hbm>>
      %dma_start3A_394 = arith.constant 64 : i32
      %dma_start3A_395 = tpu.memref_slice %arg20[%add3A_389, %dma_start3A_394] : memref<512x177xf32, #tpu.memory_space<vmem>> -> memref<1x16xf32, #tpu.memory_space<vmem>>
      %dma_start3A_396 = arith.constant 0 : i32
      %dma_start3A_397 = tpu.memref_slice %arg12[%squeeze3A_387, %dma_start3A_396] : memref<100001x16xf32, #tpu.memory_space<hbm>> -> memref<1x16xf32, #tpu.memory_space<hbm>>
      tpu.enqueue_dma source(%dma_start3A_397 : memref<1x16xf32, #tpu.memory_space<hbm>>) target(%dma_start3A_395 : memref<1x16xf32, #tpu.memory_space<vmem>>) target_semaphore(%arg23 : memref<!tpu.dma_semaphore, #tpu.memory_space<semaphore_mem>>)
      %slice3A_398 = vector.extract_strided_slice %get3A_231 {offsets = [14], sizes = [1], strides = [1]} : vector<16xi32> to vector<1xi32>
      %squeeze3A_399 = vector.extract %slice3A_398[0] : i32 from vector<1xi32>
      %add3A_400 = arith.constant 14 : i32
      %add3A_401 = arith.addi %multiple_of3A_227, %add3A_400 : i32
      %dma_start3A_402 = arith.constant 64 : i32
      %dma_start3A_403 = tpu.memref_slice %arg20[%add3A_401, %dma_start3A_402] : memref<512x177xf32, #tpu.memory_space<vmem>> -> memref<1x16xf32, #tpu.memory_space<vmem>>
      %dma_start3A_404 = arith.constant 0 : i32
      %dma_start3A_405 = tpu.memref_slice %arg12[%squeeze3A_399, %dma_start3A_404] : memref<100001x16xf32, #tpu.memory_space<hbm>> -> memref<1x16xf32, #tpu.memory_space<hbm>>
      %dma_start3A_406 = arith.constant 64 : i32
      %dma_start3A_407 = tpu.memref_slice %arg20[%add3A_401, %dma_start3A_406] : memref<512x177xf32, #tpu.memory_space<vmem>> -> memref<1x16xf32, #tpu.memory_space<vmem>>
      %dma_start3A_408 = arith.constant 0 : i32
      %dma_start3A_409 = tpu.memref_slice %arg12[%squeeze3A_399, %dma_start3A_408] : memref<100001x16xf32, #tpu.memory_space<hbm>> -> memref<1x16xf32, #tpu.memory_space<hbm>>
      tpu.enqueue_dma source(%dma_start3A_409 : memref<1x16xf32, #tpu.memory_space<hbm>>) target(%dma_start3A_407 : memref<1x16xf32, #tpu.memory_space<vmem>>) target_semaphore(%arg23 : memref<!tpu.dma_semaphore, #tpu.memory_space<semaphore_mem>>)
      %slice3A_410 = vector.extract_strided_slice %get3A_231 {offsets = [15], sizes = [1], strides = [1]} : vector<16xi32> to vector<1xi32>
      %squeeze3A_411 = vector.extract %slice3A_410[0] : i32 from vector<1xi32>
      %add3A_412 = arith.constant 15 : i32
      %add3A_413 = arith.addi %multiple_of3A_227, %add3A_412 : i32
      %dma_start3A_414 = arith.constant 64 : i32
      %dma_start3A_415 = tpu.memref_slice %arg20[%add3A_413, %dma_start3A_414] : memref<512x177xf32, #tpu.memory_space<vmem>> -> memref<1x16xf32, #tpu.memory_space<vmem>>
      %dma_start3A_416 = arith.constant 0 : i32
      %dma_start3A_417 = tpu.memref_slice %arg12[%squeeze3A_411, %dma_start3A_416] : memref<100001x16xf32, #tpu.memory_space<hbm>> -> memref<1x16xf32, #tpu.memory_space<hbm>>
      %dma_start3A_418 = arith.constant 64 : i32
      %dma_start3A_419 = tpu.memref_slice %arg20[%add3A_413, %dma_start3A_418] : memref<512x177xf32, #tpu.memory_space<vmem>> -> memref<1x16xf32, #tpu.memory_space<vmem>>
      %dma_start3A_420 = arith.constant 0 : i32
      %dma_start3A_421 = tpu.memref_slice %arg12[%squeeze3A_411, %dma_start3A_420] : memref<100001x16xf32, #tpu.memory_space<hbm>> -> memref<1x16xf32, #tpu.memory_space<hbm>>
      tpu.enqueue_dma source(%dma_start3A_421 : memref<1x16xf32, #tpu.memory_space<hbm>>) target(%dma_start3A_419 : memref<1x16xf32, #tpu.memory_space<vmem>>) target_semaphore(%arg23 : memref<!tpu.dma_semaphore, #tpu.memory_space<semaphore_mem>>)
    }
    %scan3A_171 = arith.constant 32 : i32
    %scan3A_172 = arith.constant 0 : i32
    %scan3A_173 = arith.constant 0 : i32
    %scan3A_174 = arith.constant 32 : i32
    %scan3A_175 = arith.addi %scan3A_173, %scan3A_174 : i32
    %scan3A_176 = arith.constant 1 : i32
    scf.for %scan3A_224 = %scan3A_173 to %scan3A_175 step %scan3A_176  : i32 {
      %mul3A_225 = arith.constant 16 : i32
      %mul3A_226 = arith.muli %scan3A_224, %mul3A_225 : i32
      %multiple_of3A_227 = tpu.assume_multiple %mul3A_226, 16 : i32
      %get3A = arith.constant 3 : i32
      %get3A_228 = arith.index_cast %get3A : i32 to index
      %get3A_229 = arith.index_cast %multiple_of3A_227 : i32 to index
      %get3A_230 = tpu.vector_load %arg21[%get3A_228, %get3A_229] {strides = array<i32>} : memref<8x512xi32, #tpu.memory_space<vmem>>, vector<1x16xi32>,
      %get3A_231 = vector.shape_cast %get3A_230 : vector<1x16xi32> to vector<16xi32>
      %slice3A = vector.extract_strided_slice %get3A_231 {offsets = [0], sizes = [1], strides = [1]} : vector<16xi32> to vector<1xi32>
      %squeeze3A = vector.extract %slice3A[0] : i32 from vector<1xi32>
      %add3A_232 = arith.constant 0 : i32
      %add3A_233 = arith.addi %multiple_of3A_227, %add3A_232 : i32
      %dma_start3A_234 = arith.constant 80 : i32
      %dma_start3A_235 = tpu.memref_slice %arg20[%add3A_233, %dma_start3A_234] : memref<512x177xf32, #tpu.memory_space<vmem>> -> memref<1x16xf32, #tpu.memory_space<vmem>>
      %dma_start3A_236 = arith.constant 0 : i32
      %dma_start3A_237 = tpu.memref_slice %arg13[%squeeze3A, %dma_start3A_236] : memref<100001x16xf32, #tpu.memory_space<hbm>> -> memref<1x16xf32, #tpu.memory_space<hbm>>
      %dma_start3A_238 = arith.constant 80 : i32
      %dma_start3A_239 = tpu.memref_slice %arg20[%add3A_233, %dma_start3A_238] : memref<512x177xf32, #tpu.memory_space<vmem>> -> memref<1x16xf32, #tpu.memory_space<vmem>>
      %dma_start3A_240 = arith.constant 0 : i32
      %dma_start3A_241 = tpu.memref_slice %arg13[%squeeze3A, %dma_start3A_240] : memref<100001x16xf32, #tpu.memory_space<hbm>> -> memref<1x16xf32, #tpu.memory_space<hbm>>
      tpu.enqueue_dma source(%dma_start3A_241 : memref<1x16xf32, #tpu.memory_space<hbm>>) target(%dma_start3A_239 : memref<1x16xf32, #tpu.memory_space<vmem>>) target_semaphore(%arg23 : memref<!tpu.dma_semaphore, #tpu.memory_space<semaphore_mem>>)
      %slice3A_242 = vector.extract_strided_slice %get3A_231 {offsets = [1], sizes = [1], strides = [1]} : vector<16xi32> to vector<1xi32>
      %squeeze3A_243 = vector.extract %slice3A_242[0] : i32 from vector<1xi32>
      %add3A_244 = arith.constant 1 : i32
      %add3A_245 = arith.addi %multiple_of3A_227, %add3A_244 : i32
      %dma_start3A_246 = arith.constant 80 : i32
      %dma_start3A_247 = tpu.memref_slice %arg20[%add3A_245, %dma_start3A_246] : memref<512x177xf32, #tpu.memory_space<vmem>> -> memref<1x16xf32, #tpu.memory_space<vmem>>
      %dma_start3A_248 = arith.constant 0 : i32
      %dma_start3A_249 = tpu.memref_slice %arg13[%squeeze3A_243, %dma_start3A_248] : memref<100001x16xf32, #tpu.memory_space<hbm>> -> memref<1x16xf32, #tpu.memory_space<hbm>>
      %dma_start3A_250 = arith.constant 80 : i32
      %dma_start3A_251 = tpu.memref_slice %arg20[%add3A_245, %dma_start3A_250] : memref<512x177xf32, #tpu.memory_space<vmem>> -> memref<1x16xf32, #tpu.memory_space<vmem>>
      %dma_start3A_252 = arith.constant 0 : i32
      %dma_start3A_253 = tpu.memref_slice %arg13[%squeeze3A_243, %dma_start3A_252] : memref<100001x16xf32, #tpu.memory_space<hbm>> -> memref<1x16xf32, #tpu.memory_space<hbm>>
      tpu.enqueue_dma source(%dma_start3A_253 : memref<1x16xf32, #tpu.memory_space<hbm>>) target(%dma_start3A_251 : memref<1x16xf32, #tpu.memory_space<vmem>>) target_semaphore(%arg23 : memref<!tpu.dma_semaphore, #tpu.memory_space<semaphore_mem>>)
      %slice3A_254 = vector.extract_strided_slice %get3A_231 {offsets = [2], sizes = [1], strides = [1]} : vector<16xi32> to vector<1xi32>
      %squeeze3A_255 = vector.extract %slice3A_254[0] : i32 from vector<1xi32>
      %add3A_256 = arith.constant 2 : i32
      %add3A_257 = arith.addi %multiple_of3A_227, %add3A_256 : i32
      %dma_start3A_258 = arith.constant 80 : i32
      %dma_start3A_259 = tpu.memref_slice %arg20[%add3A_257, %dma_start3A_258] : memref<512x177xf32, #tpu.memory_space<vmem>> -> memref<1x16xf32, #tpu.memory_space<vmem>>
      %dma_start3A_260 = arith.constant 0 : i32
      %dma_start3A_261 = tpu.memref_slice %arg13[%squeeze3A_255, %dma_start3A_260] : memref<100001x16xf32, #tpu.memory_space<hbm>> -> memref<1x16xf32, #tpu.memory_space<hbm>>
      %dma_start3A_262 = arith.constant 80 : i32
      %dma_start3A_263 = tpu.memref_slice %arg20[%add3A_257, %dma_start3A_262] : memref<512x177xf32, #tpu.memory_space<vmem>> -> memref<1x16xf32, #tpu.memory_space<vmem>>
      %dma_start3A_264 = arith.constant 0 : i32
      %dma_start3A_265 = tpu.memref_slice %arg13[%squeeze3A_255, %dma_start3A_264] : memref<100001x16xf32, #tpu.memory_space<hbm>> -> memref<1x16xf32, #tpu.memory_space<hbm>>
      tpu.enqueue_dma source(%dma_start3A_265 : memref<1x16xf32, #tpu.memory_space<hbm>>) target(%dma_start3A_263 : memref<1x16xf32, #tpu.memory_space<vmem>>) target_semaphore(%arg23 : memref<!tpu.dma_semaphore, #tpu.memory_space<semaphore_mem>>)
      %slice3A_266 = vector.extract_strided_slice %get3A_231 {offsets = [3], sizes = [1], strides = [1]} : vector<16xi32> to vector<1xi32>
      %squeeze3A_267 = vector.extract %slice3A_266[0] : i32 from vector<1xi32>
      %add3A_268 = arith.constant 3 : i32
      %add3A_269 = arith.addi %multiple_of3A_227, %add3A_268 : i32
      %dma_start3A_270 = arith.constant 80 : i32
      %dma_start3A_271 = tpu.memref_slice %arg20[%add3A_269, %dma_start3A_270] : memref<512x177xf32, #tpu.memory_space<vmem>> -> memref<1x16xf32, #tpu.memory_space<vmem>>
      %dma_start3A_272 = arith.constant 0 : i32
      %dma_start3A_273 = tpu.memref_slice %arg13[%squeeze3A_267, %dma_start3A_272] : memref<100001x16xf32, #tpu.memory_space<hbm>> -> memref<1x16xf32, #tpu.memory_space<hbm>>
      %dma_start3A_274 = arith.constant 80 : i32
      %dma_start3A_275 = tpu.memref_slice %arg20[%add3A_269, %dma_start3A_274] : memref<512x177xf32, #tpu.memory_space<vmem>> -> memref<1x16xf32, #tpu.memory_space<vmem>>
      %dma_start3A_276 = arith.constant 0 : i32
      %dma_start3A_277 = tpu.memref_slice %arg13[%squeeze3A_267, %dma_start3A_276] : memref<100001x16xf32, #tpu.memory_space<hbm>> -> memref<1x16xf32, #tpu.memory_space<hbm>>
      tpu.enqueue_dma source(%dma_start3A_277 : memref<1x16xf32, #tpu.memory_space<hbm>>) target(%dma_start3A_275 : memref<1x16xf32, #tpu.memory_space<vmem>>) target_semaphore(%arg23 : memref<!tpu.dma_semaphore, #tpu.memory_space<semaphore_mem>>)
      %slice3A_278 = vector.extract_strided_slice %get3A_231 {offsets = [4], sizes = [1], strides = [1]} : vector<16xi32> to vector<1xi32>
      %squeeze3A_279 = vector.extract %slice3A_278[0] : i32 from vector<1xi32>
      %add3A_280 = arith.constant 4 : i32
      %add3A_281 = arith.addi %multiple_of3A_227, %add3A_280 : i32
      %dma_start3A_282 = arith.constant 80 : i32
      %dma_start3A_283 = tpu.memref_slice %arg20[%add3A_281, %dma_start3A_282] : memref<512x177xf32, #tpu.memory_space<vmem>> -> memref<1x16xf32, #tpu.memory_space<vmem>>
      %dma_start3A_284 = arith.constant 0 : i32
      %dma_start3A_285 = tpu.memref_slice %arg13[%squeeze3A_279, %dma_start3A_284] : memref<100001x16xf32, #tpu.memory_space<hbm>> -> memref<1x16xf32, #tpu.memory_space<hbm>>
      %dma_start3A_286 = arith.constant 80 : i32
      %dma_start3A_287 = tpu.memref_slice %arg20[%add3A_281, %dma_start3A_286] : memref<512x177xf32, #tpu.memory_space<vmem>> -> memref<1x16xf32, #tpu.memory_space<vmem>>
      %dma_start3A_288 = arith.constant 0 : i32
      %dma_start3A_289 = tpu.memref_slice %arg13[%squeeze3A_279, %dma_start3A_288] : memref<100001x16xf32, #tpu.memory_space<hbm>> -> memref<1x16xf32, #tpu.memory_space<hbm>>
      tpu.enqueue_dma source(%dma_start3A_289 : memref<1x16xf32, #tpu.memory_space<hbm>>) target(%dma_start3A_287 : memref<1x16xf32, #tpu.memory_space<vmem>>) target_semaphore(%arg23 : memref<!tpu.dma_semaphore, #tpu.memory_space<semaphore_mem>>)
      %slice3A_290 = vector.extract_strided_slice %get3A_231 {offsets = [5], sizes = [1], strides = [1]} : vector<16xi32> to vector<1xi32>
      %squeeze3A_291 = vector.extract %slice3A_290[0] : i32 from vector<1xi32>
      %add3A_292 = arith.constant 5 : i32
      %add3A_293 = arith.addi %multiple_of3A_227, %add3A_292 : i32
      %dma_start3A_294 = arith.constant 80 : i32
      %dma_start3A_295 = tpu.memref_slice %arg20[%add3A_293, %dma_start3A_294] : memref<512x177xf32, #tpu.memory_space<vmem>> -> memref<1x16xf32, #tpu.memory_space<vmem>>
      %dma_start3A_296 = arith.constant 0 : i32
      %dma_start3A_297 = tpu.memref_slice %arg13[%squeeze3A_291, %dma_start3A_296] : memref<100001x16xf32, #tpu.memory_space<hbm>> -> memref<1x16xf32, #tpu.memory_space<hbm>>
      %dma_start3A_298 = arith.constant 80 : i32
      %dma_start3A_299 = tpu.memref_slice %arg20[%add3A_293, %dma_start3A_298] : memref<512x177xf32, #tpu.memory_space<vmem>> -> memref<1x16xf32, #tpu.memory_space<vmem>>
      %dma_start3A_300 = arith.constant 0 : i32
      %dma_start3A_301 = tpu.memref_slice %arg13[%squeeze3A_291, %dma_start3A_300] : memref<100001x16xf32, #tpu.memory_space<hbm>> -> memref<1x16xf32, #tpu.memory_space<hbm>>
      tpu.enqueue_dma source(%dma_start3A_301 : memref<1x16xf32, #tpu.memory_space<hbm>>) target(%dma_start3A_299 : memref<1x16xf32, #tpu.memory_space<vmem>>) target_semaphore(%arg23 : memref<!tpu.dma_semaphore, #tpu.memory_space<semaphore_mem>>)
      %slice3A_302 = vector.extract_strided_slice %get3A_231 {offsets = [6], sizes = [1], strides = [1]} : vector<16xi32> to vector<1xi32>
      %squeeze3A_303 = vector.extract %slice3A_302[0] : i32 from vector<1xi32>
      %add3A_304 = arith.constant 6 : i32
      %add3A_305 = arith.addi %multiple_of3A_227, %add3A_304 : i32
      %dma_start3A_306 = arith.constant 80 : i32
      %dma_start3A_307 = tpu.memref_slice %arg20[%add3A_305, %dma_start3A_306] : memref<512x177xf32, #tpu.memory_space<vmem>> -> memref<1x16xf32, #tpu.memory_space<vmem>>
      %dma_start3A_308 = arith.constant 0 : i32
      %dma_start3A_309 = tpu.memref_slice %arg13[%squeeze3A_303, %dma_start3A_308] : memref<100001x16xf32, #tpu.memory_space<hbm>> -> memref<1x16xf32, #tpu.memory_space<hbm>>
      %dma_start3A_310 = arith.constant 80 : i32
      %dma_start3A_311 = tpu.memref_slice %arg20[%add3A_305, %dma_start3A_310] : memref<512x177xf32, #tpu.memory_space<vmem>> -> memref<1x16xf32, #tpu.memory_space<vmem>>
      %dma_start3A_312 = arith.constant 0 : i32
      %dma_start3A_313 = tpu.memref_slice %arg13[%squeeze3A_303, %dma_start3A_312] : memref<100001x16xf32, #tpu.memory_space<hbm>> -> memref<1x16xf32, #tpu.memory_space<hbm>>
      tpu.enqueue_dma source(%dma_start3A_313 : memref<1x16xf32, #tpu.memory_space<hbm>>) target(%dma_start3A_311 : memref<1x16xf32, #tpu.memory_space<vmem>>) target_semaphore(%arg23 : memref<!tpu.dma_semaphore, #tpu.memory_space<semaphore_mem>>)
      %slice3A_314 = vector.extract_strided_slice %get3A_231 {offsets = [7], sizes = [1], strides = [1]} : vector<16xi32> to vector<1xi32>
      %squeeze3A_315 = vector.extract %slice3A_314[0] : i32 from vector<1xi32>
      %add3A_316 = arith.constant 7 : i32
      %add3A_317 = arith.addi %multiple_of3A_227, %add3A_316 : i32
      %dma_start3A_318 = arith.constant 80 : i32
      %dma_start3A_319 = tpu.memref_slice %arg20[%add3A_317, %dma_start3A_318] : memref<512x177xf32, #tpu.memory_space<vmem>> -> memref<1x16xf32, #tpu.memory_space<vmem>>
      %dma_start3A_320 = arith.constant 0 : i32
      %dma_start3A_321 = tpu.memref_slice %arg13[%squeeze3A_315, %dma_start3A_320] : memref<100001x16xf32, #tpu.memory_space<hbm>> -> memref<1x16xf32, #tpu.memory_space<hbm>>
      %dma_start3A_322 = arith.constant 80 : i32
      %dma_start3A_323 = tpu.memref_slice %arg20[%add3A_317, %dma_start3A_322] : memref<512x177xf32, #tpu.memory_space<vmem>> -> memref<1x16xf32, #tpu.memory_space<vmem>>
      %dma_start3A_324 = arith.constant 0 : i32
      %dma_start3A_325 = tpu.memref_slice %arg13[%squeeze3A_315, %dma_start3A_324] : memref<100001x16xf32, #tpu.memory_space<hbm>> -> memref<1x16xf32, #tpu.memory_space<hbm>>
      tpu.enqueue_dma source(%dma_start3A_325 : memref<1x16xf32, #tpu.memory_space<hbm>>) target(%dma_start3A_323 : memref<1x16xf32, #tpu.memory_space<vmem>>) target_semaphore(%arg23 : memref<!tpu.dma_semaphore, #tpu.memory_space<semaphore_mem>>)
      %slice3A_326 = vector.extract_strided_slice %get3A_231 {offsets = [8], sizes = [1], strides = [1]} : vector<16xi32> to vector<1xi32>
      %squeeze3A_327 = vector.extract %slice3A_326[0] : i32 from vector<1xi32>
      %add3A_328 = arith.constant 8 : i32
      %add3A_329 = arith.addi %multiple_of3A_227, %add3A_328 : i32
      %dma_start3A_330 = arith.constant 80 : i32
      %dma_start3A_331 = tpu.memref_slice %arg20[%add3A_329, %dma_start3A_330] : memref<512x177xf32, #tpu.memory_space<vmem>> -> memref<1x16xf32, #tpu.memory_space<vmem>>
      %dma_start3A_332 = arith.constant 0 : i32
      %dma_start3A_333 = tpu.memref_slice %arg13[%squeeze3A_327, %dma_start3A_332] : memref<100001x16xf32, #tpu.memory_space<hbm>> -> memref<1x16xf32, #tpu.memory_space<hbm>>
      %dma_start3A_334 = arith.constant 80 : i32
      %dma_start3A_335 = tpu.memref_slice %arg20[%add3A_329, %dma_start3A_334] : memref<512x177xf32, #tpu.memory_space<vmem>> -> memref<1x16xf32, #tpu.memory_space<vmem>>
      %dma_start3A_336 = arith.constant 0 : i32
      %dma_start3A_337 = tpu.memref_slice %arg13[%squeeze3A_327, %dma_start3A_336] : memref<100001x16xf32, #tpu.memory_space<hbm>> -> memref<1x16xf32, #tpu.memory_space<hbm>>
      tpu.enqueue_dma source(%dma_start3A_337 : memref<1x16xf32, #tpu.memory_space<hbm>>) target(%dma_start3A_335 : memref<1x16xf32, #tpu.memory_space<vmem>>) target_semaphore(%arg23 : memref<!tpu.dma_semaphore, #tpu.memory_space<semaphore_mem>>)
      %slice3A_338 = vector.extract_strided_slice %get3A_231 {offsets = [9], sizes = [1], strides = [1]} : vector<16xi32> to vector<1xi32>
      %squeeze3A_339 = vector.extract %slice3A_338[0] : i32 from vector<1xi32>
      %add3A_340 = arith.constant 9 : i32
      %add3A_341 = arith.addi %multiple_of3A_227, %add3A_340 : i32
      %dma_start3A_342 = arith.constant 80 : i32
      %dma_start3A_343 = tpu.memref_slice %arg20[%add3A_341, %dma_start3A_342] : memref<512x177xf32, #tpu.memory_space<vmem>> -> memref<1x16xf32, #tpu.memory_space<vmem>>
      %dma_start3A_344 = arith.constant 0 : i32
      %dma_start3A_345 = tpu.memref_slice %arg13[%squeeze3A_339, %dma_start3A_344] : memref<100001x16xf32, #tpu.memory_space<hbm>> -> memref<1x16xf32, #tpu.memory_space<hbm>>
      %dma_start3A_346 = arith.constant 80 : i32
      %dma_start3A_347 = tpu.memref_slice %arg20[%add3A_341, %dma_start3A_346] : memref<512x177xf32, #tpu.memory_space<vmem>> -> memref<1x16xf32, #tpu.memory_space<vmem>>
      %dma_start3A_348 = arith.constant 0 : i32
      %dma_start3A_349 = tpu.memref_slice %arg13[%squeeze3A_339, %dma_start3A_348] : memref<100001x16xf32, #tpu.memory_space<hbm>> -> memref<1x16xf32, #tpu.memory_space<hbm>>
      tpu.enqueue_dma source(%dma_start3A_349 : memref<1x16xf32, #tpu.memory_space<hbm>>) target(%dma_start3A_347 : memref<1x16xf32, #tpu.memory_space<vmem>>) target_semaphore(%arg23 : memref<!tpu.dma_semaphore, #tpu.memory_space<semaphore_mem>>)
      %slice3A_350 = vector.extract_strided_slice %get3A_231 {offsets = [10], sizes = [1], strides = [1]} : vector<16xi32> to vector<1xi32>
      %squeeze3A_351 = vector.extract %slice3A_350[0] : i32 from vector<1xi32>
      %add3A_352 = arith.constant 10 : i32
      %add3A_353 = arith.addi %multiple_of3A_227, %add3A_352 : i32
      %dma_start3A_354 = arith.constant 80 : i32
      %dma_start3A_355 = tpu.memref_slice %arg20[%add3A_353, %dma_start3A_354] : memref<512x177xf32, #tpu.memory_space<vmem>> -> memref<1x16xf32, #tpu.memory_space<vmem>>
      %dma_start3A_356 = arith.constant 0 : i32
      %dma_start3A_357 = tpu.memref_slice %arg13[%squeeze3A_351, %dma_start3A_356] : memref<100001x16xf32, #tpu.memory_space<hbm>> -> memref<1x16xf32, #tpu.memory_space<hbm>>
      %dma_start3A_358 = arith.constant 80 : i32
      %dma_start3A_359 = tpu.memref_slice %arg20[%add3A_353, %dma_start3A_358] : memref<512x177xf32, #tpu.memory_space<vmem>> -> memref<1x16xf32, #tpu.memory_space<vmem>>
      %dma_start3A_360 = arith.constant 0 : i32
      %dma_start3A_361 = tpu.memref_slice %arg13[%squeeze3A_351, %dma_start3A_360] : memref<100001x16xf32, #tpu.memory_space<hbm>> -> memref<1x16xf32, #tpu.memory_space<hbm>>
      tpu.enqueue_dma source(%dma_start3A_361 : memref<1x16xf32, #tpu.memory_space<hbm>>) target(%dma_start3A_359 : memref<1x16xf32, #tpu.memory_space<vmem>>) target_semaphore(%arg23 : memref<!tpu.dma_semaphore, #tpu.memory_space<semaphore_mem>>)
      %slice3A_362 = vector.extract_strided_slice %get3A_231 {offsets = [11], sizes = [1], strides = [1]} : vector<16xi32> to vector<1xi32>
      %squeeze3A_363 = vector.extract %slice3A_362[0] : i32 from vector<1xi32>
      %add3A_364 = arith.constant 11 : i32
      %add3A_365 = arith.addi %multiple_of3A_227, %add3A_364 : i32
      %dma_start3A_366 = arith.constant 80 : i32
      %dma_start3A_367 = tpu.memref_slice %arg20[%add3A_365, %dma_start3A_366] : memref<512x177xf32, #tpu.memory_space<vmem>> -> memref<1x16xf32, #tpu.memory_space<vmem>>
      %dma_start3A_368 = arith.constant 0 : i32
      %dma_start3A_369 = tpu.memref_slice %arg13[%squeeze3A_363, %dma_start3A_368] : memref<100001x16xf32, #tpu.memory_space<hbm>> -> memref<1x16xf32, #tpu.memory_space<hbm>>
      %dma_start3A_370 = arith.constant 80 : i32
      %dma_start3A_371 = tpu.memref_slice %arg20[%add3A_365, %dma_start3A_370] : memref<512x177xf32, #tpu.memory_space<vmem>> -> memref<1x16xf32, #tpu.memory_space<vmem>>
      %dma_start3A_372 = arith.constant 0 : i32
      %dma_start3A_373 = tpu.memref_slice %arg13[%squeeze3A_363, %dma_start3A_372] : memref<100001x16xf32, #tpu.memory_space<hbm>> -> memref<1x16xf32, #tpu.memory_space<hbm>>
      tpu.enqueue_dma source(%dma_start3A_373 : memref<1x16xf32, #tpu.memory_space<hbm>>) target(%dma_start3A_371 : memref<1x16xf32, #tpu.memory_space<vmem>>) target_semaphore(%arg23 : memref<!tpu.dma_semaphore, #tpu.memory_space<semaphore_mem>>)
      %slice3A_374 = vector.extract_strided_slice %get3A_231 {offsets = [12], sizes = [1], strides = [1]} : vector<16xi32> to vector<1xi32>
      %squeeze3A_375 = vector.extract %slice3A_374[0] : i32 from vector<1xi32>
      %add3A_376 = arith.constant 12 : i32
      %add3A_377 = arith.addi %multiple_of3A_227, %add3A_376 : i32
      %dma_start3A_378 = arith.constant 80 : i32
      %dma_start3A_379 = tpu.memref_slice %arg20[%add3A_377, %dma_start3A_378] : memref<512x177xf32, #tpu.memory_space<vmem>> -> memref<1x16xf32, #tpu.memory_space<vmem>>
      %dma_start3A_380 = arith.constant 0 : i32
      %dma_start3A_381 = tpu.memref_slice %arg13[%squeeze3A_375, %dma_start3A_380] : memref<100001x16xf32, #tpu.memory_space<hbm>> -> memref<1x16xf32, #tpu.memory_space<hbm>>
      %dma_start3A_382 = arith.constant 80 : i32
      %dma_start3A_383 = tpu.memref_slice %arg20[%add3A_377, %dma_start3A_382] : memref<512x177xf32, #tpu.memory_space<vmem>> -> memref<1x16xf32, #tpu.memory_space<vmem>>
      %dma_start3A_384 = arith.constant 0 : i32
      %dma_start3A_385 = tpu.memref_slice %arg13[%squeeze3A_375, %dma_start3A_384] : memref<100001x16xf32, #tpu.memory_space<hbm>> -> memref<1x16xf32, #tpu.memory_space<hbm>>
      tpu.enqueue_dma source(%dma_start3A_385 : memref<1x16xf32, #tpu.memory_space<hbm>>) target(%dma_start3A_383 : memref<1x16xf32, #tpu.memory_space<vmem>>) target_semaphore(%arg23 : memref<!tpu.dma_semaphore, #tpu.memory_space<semaphore_mem>>)
      %slice3A_386 = vector.extract_strided_slice %get3A_231 {offsets = [13], sizes = [1], strides = [1]} : vector<16xi32> to vector<1xi32>
      %squeeze3A_387 = vector.extract %slice3A_386[0] : i32 from vector<1xi32>
      %add3A_388 = arith.constant 13 : i32
      %add3A_389 = arith.addi %multiple_of3A_227, %add3A_388 : i32
      %dma_start3A_390 = arith.constant 80 : i32
      %dma_start3A_391 = tpu.memref_slice %arg20[%add3A_389, %dma_start3A_390] : memref<512x177xf32, #tpu.memory_space<vmem>> -> memref<1x16xf32, #tpu.memory_space<vmem>>
      %dma_start3A_392 = arith.constant 0 : i32
      %dma_start3A_393 = tpu.memref_slice %arg13[%squeeze3A_387, %dma_start3A_392] : memref<100001x16xf32, #tpu.memory_space<hbm>> -> memref<1x16xf32, #tpu.memory_space<hbm>>
      %dma_start3A_394 = arith.constant 80 : i32
      %dma_start3A_395 = tpu.memref_slice %arg20[%add3A_389, %dma_start3A_394] : memref<512x177xf32, #tpu.memory_space<vmem>> -> memref<1x16xf32, #tpu.memory_space<vmem>>
      %dma_start3A_396 = arith.constant 0 : i32
      %dma_start3A_397 = tpu.memref_slice %arg13[%squeeze3A_387, %dma_start3A_396] : memref<100001x16xf32, #tpu.memory_space<hbm>> -> memref<1x16xf32, #tpu.memory_space<hbm>>
      tpu.enqueue_dma source(%dma_start3A_397 : memref<1x16xf32, #tpu.memory_space<hbm>>) target(%dma_start3A_395 : memref<1x16xf32, #tpu.memory_space<vmem>>) target_semaphore(%arg23 : memref<!tpu.dma_semaphore, #tpu.memory_space<semaphore_mem>>)
      %slice3A_398 = vector.extract_strided_slice %get3A_231 {offsets = [14], sizes = [1], strides = [1]} : vector<16xi32> to vector<1xi32>
      %squeeze3A_399 = vector.extract %slice3A_398[0] : i32 from vector<1xi32>
      %add3A_400 = arith.constant 14 : i32
      %add3A_401 = arith.addi %multiple_of3A_227, %add3A_400 : i32
      %dma_start3A_402 = arith.constant 80 : i32
      %dma_start3A_403 = tpu.memref_slice %arg20[%add3A_401, %dma_start3A_402] : memref<512x177xf32, #tpu.memory_space<vmem>> -> memref<1x16xf32, #tpu.memory_space<vmem>>
      %dma_start3A_404 = arith.constant 0 : i32
      %dma_start3A_405 = tpu.memref_slice %arg13[%squeeze3A_399, %dma_start3A_404] : memref<100001x16xf32, #tpu.memory_space<hbm>> -> memref<1x16xf32, #tpu.memory_space<hbm>>
      %dma_start3A_406 = arith.constant 80 : i32
      %dma_start3A_407 = tpu.memref_slice %arg20[%add3A_401, %dma_start3A_406] : memref<512x177xf32, #tpu.memory_space<vmem>> -> memref<1x16xf32, #tpu.memory_space<vmem>>
      %dma_start3A_408 = arith.constant 0 : i32
      %dma_start3A_409 = tpu.memref_slice %arg13[%squeeze3A_399, %dma_start3A_408] : memref<100001x16xf32, #tpu.memory_space<hbm>> -> memref<1x16xf32, #tpu.memory_space<hbm>>
      tpu.enqueue_dma source(%dma_start3A_409 : memref<1x16xf32, #tpu.memory_space<hbm>>) target(%dma_start3A_407 : memref<1x16xf32, #tpu.memory_space<vmem>>) target_semaphore(%arg23 : memref<!tpu.dma_semaphore, #tpu.memory_space<semaphore_mem>>)
      %slice3A_410 = vector.extract_strided_slice %get3A_231 {offsets = [15], sizes = [1], strides = [1]} : vector<16xi32> to vector<1xi32>
      %squeeze3A_411 = vector.extract %slice3A_410[0] : i32 from vector<1xi32>
      %add3A_412 = arith.constant 15 : i32
      %add3A_413 = arith.addi %multiple_of3A_227, %add3A_412 : i32
      %dma_start3A_414 = arith.constant 80 : i32
      %dma_start3A_415 = tpu.memref_slice %arg20[%add3A_413, %dma_start3A_414] : memref<512x177xf32, #tpu.memory_space<vmem>> -> memref<1x16xf32, #tpu.memory_space<vmem>>
      %dma_start3A_416 = arith.constant 0 : i32
      %dma_start3A_417 = tpu.memref_slice %arg13[%squeeze3A_411, %dma_start3A_416] : memref<100001x16xf32, #tpu.memory_space<hbm>> -> memref<1x16xf32, #tpu.memory_space<hbm>>
      %dma_start3A_418 = arith.constant 80 : i32
      %dma_start3A_419 = tpu.memref_slice %arg20[%add3A_413, %dma_start3A_418] : memref<512x177xf32, #tpu.memory_space<vmem>> -> memref<1x16xf32, #tpu.memory_space<vmem>>
      %dma_start3A_420 = arith.constant 0 : i32
      %dma_start3A_421 = tpu.memref_slice %arg13[%squeeze3A_411, %dma_start3A_420] : memref<100001x16xf32, #tpu.memory_space<hbm>> -> memref<1x16xf32, #tpu.memory_space<hbm>>
      tpu.enqueue_dma source(%dma_start3A_421 : memref<1x16xf32, #tpu.memory_space<hbm>>) target(%dma_start3A_419 : memref<1x16xf32, #tpu.memory_space<vmem>>) target_semaphore(%arg23 : memref<!tpu.dma_semaphore, #tpu.memory_space<semaphore_mem>>)
    }
    %scan3A_177 = arith.constant 32 : i32
    %scan3A_178 = arith.constant 0 : i32
    %scan3A_179 = arith.constant 0 : i32
    %scan3A_180 = arith.constant 32 : i32
    %scan3A_181 = arith.addi %scan3A_179, %scan3A_180 : i32
    %scan3A_182 = arith.constant 1 : i32
    scf.for %scan3A_224 = %scan3A_179 to %scan3A_181 step %scan3A_182  : i32 {
      %mul3A_225 = arith.constant 16 : i32
      %mul3A_226 = arith.muli %scan3A_224, %mul3A_225 : i32
      %multiple_of3A_227 = tpu.assume_multiple %mul3A_226, 16 : i32
      %get3A = arith.constant 4 : i32
      %get3A_228 = arith.index_cast %get3A : i32 to index
      %get3A_229 = arith.index_cast %multiple_of3A_227 : i32 to index
      %get3A_230 = tpu.vector_load %arg21[%get3A_228, %get3A_229] {strides = array<i32>} : memref<8x512xi32, #tpu.memory_space<vmem>>, vector<1x16xi32>,
      %get3A_231 = vector.shape_cast %get3A_230 : vector<1x16xi32> to vector<16xi32>
      %slice3A = vector.extract_strided_slice %get3A_231 {offsets = [0], sizes = [1], strides = [1]} : vector<16xi32> to vector<1xi32>
      %squeeze3A = vector.extract %slice3A[0] : i32 from vector<1xi32>
      %add3A_232 = arith.constant 0 : i32
      %add3A_233 = arith.addi %multiple_of3A_227, %add3A_232 : i32
      %dma_start3A_234 = arith.constant 96 : i32
      %dma_start3A_235 = tpu.memref_slice %arg20[%add3A_233, %dma_start3A_234] : memref<512x177xf32, #tpu.memory_space<vmem>> -> memref<1x16xf32, #tpu.memory_space<vmem>>
      %dma_start3A_236 = arith.constant 0 : i32
      %dma_start3A_237 = tpu.memref_slice %arg14[%squeeze3A, %dma_start3A_236] : memref<100001x16xf32, #tpu.memory_space<hbm>> -> memref<1x16xf32, #tpu.memory_space<hbm>>
      %dma_start3A_238 = arith.constant 96 : i32
      %dma_start3A_239 = tpu.memref_slice %arg20[%add3A_233, %dma_start3A_238] : memref<512x177xf32, #tpu.memory_space<vmem>> -> memref<1x16xf32, #tpu.memory_space<vmem>>
      %dma_start3A_240 = arith.constant 0 : i32
      %dma_start3A_241 = tpu.memref_slice %arg14[%squeeze3A, %dma_start3A_240] : memref<100001x16xf32, #tpu.memory_space<hbm>> -> memref<1x16xf32, #tpu.memory_space<hbm>>
      tpu.enqueue_dma source(%dma_start3A_241 : memref<1x16xf32, #tpu.memory_space<hbm>>) target(%dma_start3A_239 : memref<1x16xf32, #tpu.memory_space<vmem>>) target_semaphore(%arg23 : memref<!tpu.dma_semaphore, #tpu.memory_space<semaphore_mem>>)
      %slice3A_242 = vector.extract_strided_slice %get3A_231 {offsets = [1], sizes = [1], strides = [1]} : vector<16xi32> to vector<1xi32>
      %squeeze3A_243 = vector.extract %slice3A_242[0] : i32 from vector<1xi32>
      %add3A_244 = arith.constant 1 : i32
      %add3A_245 = arith.addi %multiple_of3A_227, %add3A_244 : i32
      %dma_start3A_246 = arith.constant 96 : i32
      %dma_start3A_247 = tpu.memref_slice %arg20[%add3A_245, %dma_start3A_246] : memref<512x177xf32, #tpu.memory_space<vmem>> -> memref<1x16xf32, #tpu.memory_space<vmem>>
      %dma_start3A_248 = arith.constant 0 : i32
      %dma_start3A_249 = tpu.memref_slice %arg14[%squeeze3A_243, %dma_start3A_248] : memref<100001x16xf32, #tpu.memory_space<hbm>> -> memref<1x16xf32, #tpu.memory_space<hbm>>
      %dma_start3A_250 = arith.constant 96 : i32
      %dma_start3A_251 = tpu.memref_slice %arg20[%add3A_245, %dma_start3A_250] : memref<512x177xf32, #tpu.memory_space<vmem>> -> memref<1x16xf32, #tpu.memory_space<vmem>>
      %dma_start3A_252 = arith.constant 0 : i32
      %dma_start3A_253 = tpu.memref_slice %arg14[%squeeze3A_243, %dma_start3A_252] : memref<100001x16xf32, #tpu.memory_space<hbm>> -> memref<1x16xf32, #tpu.memory_space<hbm>>
      tpu.enqueue_dma source(%dma_start3A_253 : memref<1x16xf32, #tpu.memory_space<hbm>>) target(%dma_start3A_251 : memref<1x16xf32, #tpu.memory_space<vmem>>) target_semaphore(%arg23 : memref<!tpu.dma_semaphore, #tpu.memory_space<semaphore_mem>>)
      %slice3A_254 = vector.extract_strided_slice %get3A_231 {offsets = [2], sizes = [1], strides = [1]} : vector<16xi32> to vector<1xi32>
      %squeeze3A_255 = vector.extract %slice3A_254[0] : i32 from vector<1xi32>
      %add3A_256 = arith.constant 2 : i32
      %add3A_257 = arith.addi %multiple_of3A_227, %add3A_256 : i32
      %dma_start3A_258 = arith.constant 96 : i32
      %dma_start3A_259 = tpu.memref_slice %arg20[%add3A_257, %dma_start3A_258] : memref<512x177xf32, #tpu.memory_space<vmem>> -> memref<1x16xf32, #tpu.memory_space<vmem>>
      %dma_start3A_260 = arith.constant 0 : i32
      %dma_start3A_261 = tpu.memref_slice %arg14[%squeeze3A_255, %dma_start3A_260] : memref<100001x16xf32, #tpu.memory_space<hbm>> -> memref<1x16xf32, #tpu.memory_space<hbm>>
      %dma_start3A_262 = arith.constant 96 : i32
      %dma_start3A_263 = tpu.memref_slice %arg20[%add3A_257, %dma_start3A_262] : memref<512x177xf32, #tpu.memory_space<vmem>> -> memref<1x16xf32, #tpu.memory_space<vmem>>
      %dma_start3A_264 = arith.constant 0 : i32
      %dma_start3A_265 = tpu.memref_slice %arg14[%squeeze3A_255, %dma_start3A_264] : memref<100001x16xf32, #tpu.memory_space<hbm>> -> memref<1x16xf32, #tpu.memory_space<hbm>>
      tpu.enqueue_dma source(%dma_start3A_265 : memref<1x16xf32, #tpu.memory_space<hbm>>) target(%dma_start3A_263 : memref<1x16xf32, #tpu.memory_space<vmem>>) target_semaphore(%arg23 : memref<!tpu.dma_semaphore, #tpu.memory_space<semaphore_mem>>)
      %slice3A_266 = vector.extract_strided_slice %get3A_231 {offsets = [3], sizes = [1], strides = [1]} : vector<16xi32> to vector<1xi32>
      %squeeze3A_267 = vector.extract %slice3A_266[0] : i32 from vector<1xi32>
      %add3A_268 = arith.constant 3 : i32
      %add3A_269 = arith.addi %multiple_of3A_227, %add3A_268 : i32
      %dma_start3A_270 = arith.constant 96 : i32
      %dma_start3A_271 = tpu.memref_slice %arg20[%add3A_269, %dma_start3A_270] : memref<512x177xf32, #tpu.memory_space<vmem>> -> memref<1x16xf32, #tpu.memory_space<vmem>>
      %dma_start3A_272 = arith.constant 0 : i32
      %dma_start3A_273 = tpu.memref_slice %arg14[%squeeze3A_267, %dma_start3A_272] : memref<100001x16xf32, #tpu.memory_space<hbm>> -> memref<1x16xf32, #tpu.memory_space<hbm>>
      %dma_start3A_274 = arith.constant 96 : i32
      %dma_start3A_275 = tpu.memref_slice %arg20[%add3A_269, %dma_start3A_274] : memref<512x177xf32, #tpu.memory_space<vmem>> -> memref<1x16xf32, #tpu.memory_space<vmem>>
      %dma_start3A_276 = arith.constant 0 : i32
      %dma_start3A_277 = tpu.memref_slice %arg14[%squeeze3A_267, %dma_start3A_276] : memref<100001x16xf32, #tpu.memory_space<hbm>> -> memref<1x16xf32, #tpu.memory_space<hbm>>
      tpu.enqueue_dma source(%dma_start3A_277 : memref<1x16xf32, #tpu.memory_space<hbm>>) target(%dma_start3A_275 : memref<1x16xf32, #tpu.memory_space<vmem>>) target_semaphore(%arg23 : memref<!tpu.dma_semaphore, #tpu.memory_space<semaphore_mem>>)
      %slice3A_278 = vector.extract_strided_slice %get3A_231 {offsets = [4], sizes = [1], strides = [1]} : vector<16xi32> to vector<1xi32>
      %squeeze3A_279 = vector.extract %slice3A_278[0] : i32 from vector<1xi32>
      %add3A_280 = arith.constant 4 : i32
      %add3A_281 = arith.addi %multiple_of3A_227, %add3A_280 : i32
      %dma_start3A_282 = arith.constant 96 : i32
      %dma_start3A_283 = tpu.memref_slice %arg20[%add3A_281, %dma_start3A_282] : memref<512x177xf32, #tpu.memory_space<vmem>> -> memref<1x16xf32, #tpu.memory_space<vmem>>
      %dma_start3A_284 = arith.constant 0 : i32
      %dma_start3A_285 = tpu.memref_slice %arg14[%squeeze3A_279, %dma_start3A_284] : memref<100001x16xf32, #tpu.memory_space<hbm>> -> memref<1x16xf32, #tpu.memory_space<hbm>>
      %dma_start3A_286 = arith.constant 96 : i32
      %dma_start3A_287 = tpu.memref_slice %arg20[%add3A_281, %dma_start3A_286] : memref<512x177xf32, #tpu.memory_space<vmem>> -> memref<1x16xf32, #tpu.memory_space<vmem>>
      %dma_start3A_288 = arith.constant 0 : i32
      %dma_start3A_289 = tpu.memref_slice %arg14[%squeeze3A_279, %dma_start3A_288] : memref<100001x16xf32, #tpu.memory_space<hbm>> -> memref<1x16xf32, #tpu.memory_space<hbm>>
      tpu.enqueue_dma source(%dma_start3A_289 : memref<1x16xf32, #tpu.memory_space<hbm>>) target(%dma_start3A_287 : memref<1x16xf32, #tpu.memory_space<vmem>>) target_semaphore(%arg23 : memref<!tpu.dma_semaphore, #tpu.memory_space<semaphore_mem>>)
      %slice3A_290 = vector.extract_strided_slice %get3A_231 {offsets = [5], sizes = [1], strides = [1]} : vector<16xi32> to vector<1xi32>
      %squeeze3A_291 = vector.extract %slice3A_290[0] : i32 from vector<1xi32>
      %add3A_292 = arith.constant 5 : i32
      %add3A_293 = arith.addi %multiple_of3A_227, %add3A_292 : i32
      %dma_start3A_294 = arith.constant 96 : i32
      %dma_start3A_295 = tpu.memref_slice %arg20[%add3A_293, %dma_start3A_294] : memref<512x177xf32, #tpu.memory_space<vmem>> -> memref<1x16xf32, #tpu.memory_space<vmem>>
      %dma_start3A_296 = arith.constant 0 : i32
      %dma_start3A_297 = tpu.memref_slice %arg14[%squeeze3A_291, %dma_start3A_296] : memref<100001x16xf32, #tpu.memory_space<hbm>> -> memref<1x16xf32, #tpu.memory_space<hbm>>
      %dma_start3A_298 = arith.constant 96 : i32
      %dma_start3A_299 = tpu.memref_slice %arg20[%add3A_293, %dma_start3A_298] : memref<512x177xf32, #tpu.memory_space<vmem>> -> memref<1x16xf32, #tpu.memory_space<vmem>>
      %dma_start3A_300 = arith.constant 0 : i32
      %dma_start3A_301 = tpu.memref_slice %arg14[%squeeze3A_291, %dma_start3A_300] : memref<100001x16xf32, #tpu.memory_space<hbm>> -> memref<1x16xf32, #tpu.memory_space<hbm>>
      tpu.enqueue_dma source(%dma_start3A_301 : memref<1x16xf32, #tpu.memory_space<hbm>>) target(%dma_start3A_299 : memref<1x16xf32, #tpu.memory_space<vmem>>) target_semaphore(%arg23 : memref<!tpu.dma_semaphore, #tpu.memory_space<semaphore_mem>>)
      %slice3A_302 = vector.extract_strided_slice %get3A_231 {offsets = [6], sizes = [1], strides = [1]} : vector<16xi32> to vector<1xi32>
      %squeeze3A_303 = vector.extract %slice3A_302[0] : i32 from vector<1xi32>
      %add3A_304 = arith.constant 6 : i32
      %add3A_305 = arith.addi %multiple_of3A_227, %add3A_304 : i32
      %dma_start3A_306 = arith.constant 96 : i32
      %dma_start3A_307 = tpu.memref_slice %arg20[%add3A_305, %dma_start3A_306] : memref<512x177xf32, #tpu.memory_space<vmem>> -> memref<1x16xf32, #tpu.memory_space<vmem>>
      %dma_start3A_308 = arith.constant 0 : i32
      %dma_start3A_309 = tpu.memref_slice %arg14[%squeeze3A_303, %dma_start3A_308] : memref<100001x16xf32, #tpu.memory_space<hbm>> -> memref<1x16xf32, #tpu.memory_space<hbm>>
      %dma_start3A_310 = arith.constant 96 : i32
      %dma_start3A_311 = tpu.memref_slice %arg20[%add3A_305, %dma_start3A_310] : memref<512x177xf32, #tpu.memory_space<vmem>> -> memref<1x16xf32, #tpu.memory_space<vmem>>
      %dma_start3A_312 = arith.constant 0 : i32
      %dma_start3A_313 = tpu.memref_slice %arg14[%squeeze3A_303, %dma_start3A_312] : memref<100001x16xf32, #tpu.memory_space<hbm>> -> memref<1x16xf32, #tpu.memory_space<hbm>>
      tpu.enqueue_dma source(%dma_start3A_313 : memref<1x16xf32, #tpu.memory_space<hbm>>) target(%dma_start3A_311 : memref<1x16xf32, #tpu.memory_space<vmem>>) target_semaphore(%arg23 : memref<!tpu.dma_semaphore, #tpu.memory_space<semaphore_mem>>)
      %slice3A_314 = vector.extract_strided_slice %get3A_231 {offsets = [7], sizes = [1], strides = [1]} : vector<16xi32> to vector<1xi32>
      %squeeze3A_315 = vector.extract %slice3A_314[0] : i32 from vector<1xi32>
      %add3A_316 = arith.constant 7 : i32
      %add3A_317 = arith.addi %multiple_of3A_227, %add3A_316 : i32
      %dma_start3A_318 = arith.constant 96 : i32
      %dma_start3A_319 = tpu.memref_slice %arg20[%add3A_317, %dma_start3A_318] : memref<512x177xf32, #tpu.memory_space<vmem>> -> memref<1x16xf32, #tpu.memory_space<vmem>>
      %dma_start3A_320 = arith.constant 0 : i32
      %dma_start3A_321 = tpu.memref_slice %arg14[%squeeze3A_315, %dma_start3A_320] : memref<100001x16xf32, #tpu.memory_space<hbm>> -> memref<1x16xf32, #tpu.memory_space<hbm>>
      %dma_start3A_322 = arith.constant 96 : i32
      %dma_start3A_323 = tpu.memref_slice %arg20[%add3A_317, %dma_start3A_322] : memref<512x177xf32, #tpu.memory_space<vmem>> -> memref<1x16xf32, #tpu.memory_space<vmem>>
      %dma_start3A_324 = arith.constant 0 : i32
      %dma_start3A_325 = tpu.memref_slice %arg14[%squeeze3A_315, %dma_start3A_324] : memref<100001x16xf32, #tpu.memory_space<hbm>> -> memref<1x16xf32, #tpu.memory_space<hbm>>
      tpu.enqueue_dma source(%dma_start3A_325 : memref<1x16xf32, #tpu.memory_space<hbm>>) target(%dma_start3A_323 : memref<1x16xf32, #tpu.memory_space<vmem>>) target_semaphore(%arg23 : memref<!tpu.dma_semaphore, #tpu.memory_space<semaphore_mem>>)
      %slice3A_326 = vector.extract_strided_slice %get3A_231 {offsets = [8], sizes = [1], strides = [1]} : vector<16xi32> to vector<1xi32>
      %squeeze3A_327 = vector.extract %slice3A_326[0] : i32 from vector<1xi32>
      %add3A_328 = arith.constant 8 : i32
      %add3A_329 = arith.addi %multiple_of3A_227, %add3A_328 : i32
      %dma_start3A_330 = arith.constant 96 : i32
      %dma_start3A_331 = tpu.memref_slice %arg20[%add3A_329, %dma_start3A_330] : memref<512x177xf32, #tpu.memory_space<vmem>> -> memref<1x16xf32, #tpu.memory_space<vmem>>
      %dma_start3A_332 = arith.constant 0 : i32
      %dma_start3A_333 = tpu.memref_slice %arg14[%squeeze3A_327, %dma_start3A_332] : memref<100001x16xf32, #tpu.memory_space<hbm>> -> memref<1x16xf32, #tpu.memory_space<hbm>>
      %dma_start3A_334 = arith.constant 96 : i32
      %dma_start3A_335 = tpu.memref_slice %arg20[%add3A_329, %dma_start3A_334] : memref<512x177xf32, #tpu.memory_space<vmem>> -> memref<1x16xf32, #tpu.memory_space<vmem>>
      %dma_start3A_336 = arith.constant 0 : i32
      %dma_start3A_337 = tpu.memref_slice %arg14[%squeeze3A_327, %dma_start3A_336] : memref<100001x16xf32, #tpu.memory_space<hbm>> -> memref<1x16xf32, #tpu.memory_space<hbm>>
      tpu.enqueue_dma source(%dma_start3A_337 : memref<1x16xf32, #tpu.memory_space<hbm>>) target(%dma_start3A_335 : memref<1x16xf32, #tpu.memory_space<vmem>>) target_semaphore(%arg23 : memref<!tpu.dma_semaphore, #tpu.memory_space<semaphore_mem>>)
      %slice3A_338 = vector.extract_strided_slice %get3A_231 {offsets = [9], sizes = [1], strides = [1]} : vector<16xi32> to vector<1xi32>
      %squeeze3A_339 = vector.extract %slice3A_338[0] : i32 from vector<1xi32>
      %add3A_340 = arith.constant 9 : i32
      %add3A_341 = arith.addi %multiple_of3A_227, %add3A_340 : i32
      %dma_start3A_342 = arith.constant 96 : i32
      %dma_start3A_343 = tpu.memref_slice %arg20[%add3A_341, %dma_start3A_342] : memref<512x177xf32, #tpu.memory_space<vmem>> -> memref<1x16xf32, #tpu.memory_space<vmem>>
      %dma_start3A_344 = arith.constant 0 : i32
      %dma_start3A_345 = tpu.memref_slice %arg14[%squeeze3A_339, %dma_start3A_344] : memref<100001x16xf32, #tpu.memory_space<hbm>> -> memref<1x16xf32, #tpu.memory_space<hbm>>
      %dma_start3A_346 = arith.constant 96 : i32
      %dma_start3A_347 = tpu.memref_slice %arg20[%add3A_341, %dma_start3A_346] : memref<512x177xf32, #tpu.memory_space<vmem>> -> memref<1x16xf32, #tpu.memory_space<vmem>>
      %dma_start3A_348 = arith.constant 0 : i32
      %dma_start3A_349 = tpu.memref_slice %arg14[%squeeze3A_339, %dma_start3A_348] : memref<100001x16xf32, #tpu.memory_space<hbm>> -> memref<1x16xf32, #tpu.memory_space<hbm>>
      tpu.enqueue_dma source(%dma_start3A_349 : memref<1x16xf32, #tpu.memory_space<hbm>>) target(%dma_start3A_347 : memref<1x16xf32, #tpu.memory_space<vmem>>) target_semaphore(%arg23 : memref<!tpu.dma_semaphore, #tpu.memory_space<semaphore_mem>>)
      %slice3A_350 = vector.extract_strided_slice %get3A_231 {offsets = [10], sizes = [1], strides = [1]} : vector<16xi32> to vector<1xi32>
      %squeeze3A_351 = vector.extract %slice3A_350[0] : i32 from vector<1xi32>
      %add3A_352 = arith.constant 10 : i32
      %add3A_353 = arith.addi %multiple_of3A_227, %add3A_352 : i32
      %dma_start3A_354 = arith.constant 96 : i32
      %dma_start3A_355 = tpu.memref_slice %arg20[%add3A_353, %dma_start3A_354] : memref<512x177xf32, #tpu.memory_space<vmem>> -> memref<1x16xf32, #tpu.memory_space<vmem>>
      %dma_start3A_356 = arith.constant 0 : i32
      %dma_start3A_357 = tpu.memref_slice %arg14[%squeeze3A_351, %dma_start3A_356] : memref<100001x16xf32, #tpu.memory_space<hbm>> -> memref<1x16xf32, #tpu.memory_space<hbm>>
      %dma_start3A_358 = arith.constant 96 : i32
      %dma_start3A_359 = tpu.memref_slice %arg20[%add3A_353, %dma_start3A_358] : memref<512x177xf32, #tpu.memory_space<vmem>> -> memref<1x16xf32, #tpu.memory_space<vmem>>
      %dma_start3A_360 = arith.constant 0 : i32
      %dma_start3A_361 = tpu.memref_slice %arg14[%squeeze3A_351, %dma_start3A_360] : memref<100001x16xf32, #tpu.memory_space<hbm>> -> memref<1x16xf32, #tpu.memory_space<hbm>>
      tpu.enqueue_dma source(%dma_start3A_361 : memref<1x16xf32, #tpu.memory_space<hbm>>) target(%dma_start3A_359 : memref<1x16xf32, #tpu.memory_space<vmem>>) target_semaphore(%arg23 : memref<!tpu.dma_semaphore, #tpu.memory_space<semaphore_mem>>)
      %slice3A_362 = vector.extract_strided_slice %get3A_231 {offsets = [11], sizes = [1], strides = [1]} : vector<16xi32> to vector<1xi32>
      %squeeze3A_363 = vector.extract %slice3A_362[0] : i32 from vector<1xi32>
      %add3A_364 = arith.constant 11 : i32
      %add3A_365 = arith.addi %multiple_of3A_227, %add3A_364 : i32
      %dma_start3A_366 = arith.constant 96 : i32
      %dma_start3A_367 = tpu.memref_slice %arg20[%add3A_365, %dma_start3A_366] : memref<512x177xf32, #tpu.memory_space<vmem>> -> memref<1x16xf32, #tpu.memory_space<vmem>>
      %dma_start3A_368 = arith.constant 0 : i32
      %dma_start3A_369 = tpu.memref_slice %arg14[%squeeze3A_363, %dma_start3A_368] : memref<100001x16xf32, #tpu.memory_space<hbm>> -> memref<1x16xf32, #tpu.memory_space<hbm>>
      %dma_start3A_370 = arith.constant 96 : i32
      %dma_start3A_371 = tpu.memref_slice %arg20[%add3A_365, %dma_start3A_370] : memref<512x177xf32, #tpu.memory_space<vmem>> -> memref<1x16xf32, #tpu.memory_space<vmem>>
      %dma_start3A_372 = arith.constant 0 : i32
      %dma_start3A_373 = tpu.memref_slice %arg14[%squeeze3A_363, %dma_start3A_372] : memref<100001x16xf32, #tpu.memory_space<hbm>> -> memref<1x16xf32, #tpu.memory_space<hbm>>
      tpu.enqueue_dma source(%dma_start3A_373 : memref<1x16xf32, #tpu.memory_space<hbm>>) target(%dma_start3A_371 : memref<1x16xf32, #tpu.memory_space<vmem>>) target_semaphore(%arg23 : memref<!tpu.dma_semaphore, #tpu.memory_space<semaphore_mem>>)
      %slice3A_374 = vector.extract_strided_slice %get3A_231 {offsets = [12], sizes = [1], strides = [1]} : vector<16xi32> to vector<1xi32>
      %squeeze3A_375 = vector.extract %slice3A_374[0] : i32 from vector<1xi32>
      %add3A_376 = arith.constant 12 : i32
      %add3A_377 = arith.addi %multiple_of3A_227, %add3A_376 : i32
      %dma_start3A_378 = arith.constant 96 : i32
      %dma_start3A_379 = tpu.memref_slice %arg20[%add3A_377, %dma_start3A_378] : memref<512x177xf32, #tpu.memory_space<vmem>> -> memref<1x16xf32, #tpu.memory_space<vmem>>
      %dma_start3A_380 = arith.constant 0 : i32
      %dma_start3A_381 = tpu.memref_slice %arg14[%squeeze3A_375, %dma_start3A_380] : memref<100001x16xf32, #tpu.memory_space<hbm>> -> memref<1x16xf32, #tpu.memory_space<hbm>>
      %dma_start3A_382 = arith.constant 96 : i32
      %dma_start3A_383 = tpu.memref_slice %arg20[%add3A_377, %dma_start3A_382] : memref<512x177xf32, #tpu.memory_space<vmem>> -> memref<1x16xf32, #tpu.memory_space<vmem>>
      %dma_start3A_384 = arith.constant 0 : i32
      %dma_start3A_385 = tpu.memref_slice %arg14[%squeeze3A_375, %dma_start3A_384] : memref<100001x16xf32, #tpu.memory_space<hbm>> -> memref<1x16xf32, #tpu.memory_space<hbm>>
      tpu.enqueue_dma source(%dma_start3A_385 : memref<1x16xf32, #tpu.memory_space<hbm>>) target(%dma_start3A_383 : memref<1x16xf32, #tpu.memory_space<vmem>>) target_semaphore(%arg23 : memref<!tpu.dma_semaphore, #tpu.memory_space<semaphore_mem>>)
      %slice3A_386 = vector.extract_strided_slice %get3A_231 {offsets = [13], sizes = [1], strides = [1]} : vector<16xi32> to vector<1xi32>
      %squeeze3A_387 = vector.extract %slice3A_386[0] : i32 from vector<1xi32>
      %add3A_388 = arith.constant 13 : i32
      %add3A_389 = arith.addi %multiple_of3A_227, %add3A_388 : i32
      %dma_start3A_390 = arith.constant 96 : i32
      %dma_start3A_391 = tpu.memref_slice %arg20[%add3A_389, %dma_start3A_390] : memref<512x177xf32, #tpu.memory_space<vmem>> -> memref<1x16xf32, #tpu.memory_space<vmem>>
      %dma_start3A_392 = arith.constant 0 : i32
      %dma_start3A_393 = tpu.memref_slice %arg14[%squeeze3A_387, %dma_start3A_392] : memref<100001x16xf32, #tpu.memory_space<hbm>> -> memref<1x16xf32, #tpu.memory_space<hbm>>
      %dma_start3A_394 = arith.constant 96 : i32
      %dma_start3A_395 = tpu.memref_slice %arg20[%add3A_389, %dma_start3A_394] : memref<512x177xf32, #tpu.memory_space<vmem>> -> memref<1x16xf32, #tpu.memory_space<vmem>>
      %dma_start3A_396 = arith.constant 0 : i32
      %dma_start3A_397 = tpu.memref_slice %arg14[%squeeze3A_387, %dma_start3A_396] : memref<100001x16xf32, #tpu.memory_space<hbm>> -> memref<1x16xf32, #tpu.memory_space<hbm>>
      tpu.enqueue_dma source(%dma_start3A_397 : memref<1x16xf32, #tpu.memory_space<hbm>>) target(%dma_start3A_395 : memref<1x16xf32, #tpu.memory_space<vmem>>) target_semaphore(%arg23 : memref<!tpu.dma_semaphore, #tpu.memory_space<semaphore_mem>>)
      %slice3A_398 = vector.extract_strided_slice %get3A_231 {offsets = [14], sizes = [1], strides = [1]} : vector<16xi32> to vector<1xi32>
      %squeeze3A_399 = vector.extract %slice3A_398[0] : i32 from vector<1xi32>
      %add3A_400 = arith.constant 14 : i32
      %add3A_401 = arith.addi %multiple_of3A_227, %add3A_400 : i32
      %dma_start3A_402 = arith.constant 96 : i32
      %dma_start3A_403 = tpu.memref_slice %arg20[%add3A_401, %dma_start3A_402] : memref<512x177xf32, #tpu.memory_space<vmem>> -> memref<1x16xf32, #tpu.memory_space<vmem>>
      %dma_start3A_404 = arith.constant 0 : i32
      %dma_start3A_405 = tpu.memref_slice %arg14[%squeeze3A_399, %dma_start3A_404] : memref<100001x16xf32, #tpu.memory_space<hbm>> -> memref<1x16xf32, #tpu.memory_space<hbm>>
      %dma_start3A_406 = arith.constant 96 : i32
      %dma_start3A_407 = tpu.memref_slice %arg20[%add3A_401, %dma_start3A_406] : memref<512x177xf32, #tpu.memory_space<vmem>> -> memref<1x16xf32, #tpu.memory_space<vmem>>
      %dma_start3A_408 = arith.constant 0 : i32
      %dma_start3A_409 = tpu.memref_slice %arg14[%squeeze3A_399, %dma_start3A_408] : memref<100001x16xf32, #tpu.memory_space<hbm>> -> memref<1x16xf32, #tpu.memory_space<hbm>>
      tpu.enqueue_dma source(%dma_start3A_409 : memref<1x16xf32, #tpu.memory_space<hbm>>) target(%dma_start3A_407 : memref<1x16xf32, #tpu.memory_space<vmem>>) target_semaphore(%arg23 : memref<!tpu.dma_semaphore, #tpu.memory_space<semaphore_mem>>)
      %slice3A_410 = vector.extract_strided_slice %get3A_231 {offsets = [15], sizes = [1], strides = [1]} : vector<16xi32> to vector<1xi32>
      %squeeze3A_411 = vector.extract %slice3A_410[0] : i32 from vector<1xi32>
      %add3A_412 = arith.constant 15 : i32
      %add3A_413 = arith.addi %multiple_of3A_227, %add3A_412 : i32
      %dma_start3A_414 = arith.constant 96 : i32
      %dma_start3A_415 = tpu.memref_slice %arg20[%add3A_413, %dma_start3A_414] : memref<512x177xf32, #tpu.memory_space<vmem>> -> memref<1x16xf32, #tpu.memory_space<vmem>>
      %dma_start3A_416 = arith.constant 0 : i32
      %dma_start3A_417 = tpu.memref_slice %arg14[%squeeze3A_411, %dma_start3A_416] : memref<100001x16xf32, #tpu.memory_space<hbm>> -> memref<1x16xf32, #tpu.memory_space<hbm>>
      %dma_start3A_418 = arith.constant 96 : i32
      %dma_start3A_419 = tpu.memref_slice %arg20[%add3A_413, %dma_start3A_418] : memref<512x177xf32, #tpu.memory_space<vmem>> -> memref<1x16xf32, #tpu.memory_space<vmem>>
      %dma_start3A_420 = arith.constant 0 : i32
      %dma_start3A_421 = tpu.memref_slice %arg14[%squeeze3A_411, %dma_start3A_420] : memref<100001x16xf32, #tpu.memory_space<hbm>> -> memref<1x16xf32, #tpu.memory_space<hbm>>
      tpu.enqueue_dma source(%dma_start3A_421 : memref<1x16xf32, #tpu.memory_space<hbm>>) target(%dma_start3A_419 : memref<1x16xf32, #tpu.memory_space<vmem>>) target_semaphore(%arg23 : memref<!tpu.dma_semaphore, #tpu.memory_space<semaphore_mem>>)
    }
    %scan3A_183 = arith.constant 32 : i32
    %scan3A_184 = arith.constant 0 : i32
    %scan3A_185 = arith.constant 0 : i32
    %scan3A_186 = arith.constant 32 : i32
    %scan3A_187 = arith.addi %scan3A_185, %scan3A_186 : i32
    %scan3A_188 = arith.constant 1 : i32
    scf.for %scan3A_224 = %scan3A_185 to %scan3A_187 step %scan3A_188  : i32 {
      %mul3A_225 = arith.constant 16 : i32
      %mul3A_226 = arith.muli %scan3A_224, %mul3A_225 : i32
      %multiple_of3A_227 = tpu.assume_multiple %mul3A_226, 16 : i32
      %get3A = arith.constant 5 : i32
      %get3A_228 = arith.index_cast %get3A : i32 to index
      %get3A_229 = arith.index_cast %multiple_of3A_227 : i32 to index
      %get3A_230 = tpu.vector_load %arg21[%get3A_228, %get3A_229] {strides = array<i32>} : memref<8x512xi32, #tpu.memory_space<vmem>>, vector<1x16xi32>,
      %get3A_231 = vector.shape_cast %get3A_230 : vector<1x16xi32> to vector<16xi32>
      %slice3A = vector.extract_strided_slice %get3A_231 {offsets = [0], sizes = [1], strides = [1]} : vector<16xi32> to vector<1xi32>
      %squeeze3A = vector.extract %slice3A[0] : i32 from vector<1xi32>
      %add3A_232 = arith.constant 0 : i32
      %add3A_233 = arith.addi %multiple_of3A_227, %add3A_232 : i32
      %dma_start3A_234 = arith.constant 112 : i32
      %dma_start3A_235 = tpu.memref_slice %arg20[%add3A_233, %dma_start3A_234] : memref<512x177xf32, #tpu.memory_space<vmem>> -> memref<1x16xf32, #tpu.memory_space<vmem>>
      %dma_start3A_236 = arith.constant 0 : i32
      %dma_start3A_237 = tpu.memref_slice %arg15[%squeeze3A, %dma_start3A_236] : memref<100001x16xf32, #tpu.memory_space<hbm>> -> memref<1x16xf32, #tpu.memory_space<hbm>>
      %dma_start3A_238 = arith.constant 112 : i32
      %dma_start3A_239 = tpu.memref_slice %arg20[%add3A_233, %dma_start3A_238] : memref<512x177xf32, #tpu.memory_space<vmem>> -> memref<1x16xf32, #tpu.memory_space<vmem>>
      %dma_start3A_240 = arith.constant 0 : i32
      %dma_start3A_241 = tpu.memref_slice %arg15[%squeeze3A, %dma_start3A_240] : memref<100001x16xf32, #tpu.memory_space<hbm>> -> memref<1x16xf32, #tpu.memory_space<hbm>>
      tpu.enqueue_dma source(%dma_start3A_241 : memref<1x16xf32, #tpu.memory_space<hbm>>) target(%dma_start3A_239 : memref<1x16xf32, #tpu.memory_space<vmem>>) target_semaphore(%arg23 : memref<!tpu.dma_semaphore, #tpu.memory_space<semaphore_mem>>)
      %slice3A_242 = vector.extract_strided_slice %get3A_231 {offsets = [1], sizes = [1], strides = [1]} : vector<16xi32> to vector<1xi32>
      %squeeze3A_243 = vector.extract %slice3A_242[0] : i32 from vector<1xi32>
      %add3A_244 = arith.constant 1 : i32
      %add3A_245 = arith.addi %multiple_of3A_227, %add3A_244 : i32
      %dma_start3A_246 = arith.constant 112 : i32
      %dma_start3A_247 = tpu.memref_slice %arg20[%add3A_245, %dma_start3A_246] : memref<512x177xf32, #tpu.memory_space<vmem>> -> memref<1x16xf32, #tpu.memory_space<vmem>>
      %dma_start3A_248 = arith.constant 0 : i32
      %dma_start3A_249 = tpu.memref_slice %arg15[%squeeze3A_243, %dma_start3A_248] : memref<100001x16xf32, #tpu.memory_space<hbm>> -> memref<1x16xf32, #tpu.memory_space<hbm>>
      %dma_start3A_250 = arith.constant 112 : i32
      %dma_start3A_251 = tpu.memref_slice %arg20[%add3A_245, %dma_start3A_250] : memref<512x177xf32, #tpu.memory_space<vmem>> -> memref<1x16xf32, #tpu.memory_space<vmem>>
      %dma_start3A_252 = arith.constant 0 : i32
      %dma_start3A_253 = tpu.memref_slice %arg15[%squeeze3A_243, %dma_start3A_252] : memref<100001x16xf32, #tpu.memory_space<hbm>> -> memref<1x16xf32, #tpu.memory_space<hbm>>
      tpu.enqueue_dma source(%dma_start3A_253 : memref<1x16xf32, #tpu.memory_space<hbm>>) target(%dma_start3A_251 : memref<1x16xf32, #tpu.memory_space<vmem>>) target_semaphore(%arg23 : memref<!tpu.dma_semaphore, #tpu.memory_space<semaphore_mem>>)
      %slice3A_254 = vector.extract_strided_slice %get3A_231 {offsets = [2], sizes = [1], strides = [1]} : vector<16xi32> to vector<1xi32>
      %squeeze3A_255 = vector.extract %slice3A_254[0] : i32 from vector<1xi32>
      %add3A_256 = arith.constant 2 : i32
      %add3A_257 = arith.addi %multiple_of3A_227, %add3A_256 : i32
      %dma_start3A_258 = arith.constant 112 : i32
      %dma_start3A_259 = tpu.memref_slice %arg20[%add3A_257, %dma_start3A_258] : memref<512x177xf32, #tpu.memory_space<vmem>> -> memref<1x16xf32, #tpu.memory_space<vmem>>
      %dma_start3A_260 = arith.constant 0 : i32
      %dma_start3A_261 = tpu.memref_slice %arg15[%squeeze3A_255, %dma_start3A_260] : memref<100001x16xf32, #tpu.memory_space<hbm>> -> memref<1x16xf32, #tpu.memory_space<hbm>>
      %dma_start3A_262 = arith.constant 112 : i32
      %dma_start3A_263 = tpu.memref_slice %arg20[%add3A_257, %dma_start3A_262] : memref<512x177xf32, #tpu.memory_space<vmem>> -> memref<1x16xf32, #tpu.memory_space<vmem>>
      %dma_start3A_264 = arith.constant 0 : i32
      %dma_start3A_265 = tpu.memref_slice %arg15[%squeeze3A_255, %dma_start3A_264] : memref<100001x16xf32, #tpu.memory_space<hbm>> -> memref<1x16xf32, #tpu.memory_space<hbm>>
      tpu.enqueue_dma source(%dma_start3A_265 : memref<1x16xf32, #tpu.memory_space<hbm>>) target(%dma_start3A_263 : memref<1x16xf32, #tpu.memory_space<vmem>>) target_semaphore(%arg23 : memref<!tpu.dma_semaphore, #tpu.memory_space<semaphore_mem>>)
      %slice3A_266 = vector.extract_strided_slice %get3A_231 {offsets = [3], sizes = [1], strides = [1]} : vector<16xi32> to vector<1xi32>
      %squeeze3A_267 = vector.extract %slice3A_266[0] : i32 from vector<1xi32>
      %add3A_268 = arith.constant 3 : i32
      %add3A_269 = arith.addi %multiple_of3A_227, %add3A_268 : i32
      %dma_start3A_270 = arith.constant 112 : i32
      %dma_start3A_271 = tpu.memref_slice %arg20[%add3A_269, %dma_start3A_270] : memref<512x177xf32, #tpu.memory_space<vmem>> -> memref<1x16xf32, #tpu.memory_space<vmem>>
      %dma_start3A_272 = arith.constant 0 : i32
      %dma_start3A_273 = tpu.memref_slice %arg15[%squeeze3A_267, %dma_start3A_272] : memref<100001x16xf32, #tpu.memory_space<hbm>> -> memref<1x16xf32, #tpu.memory_space<hbm>>
      %dma_start3A_274 = arith.constant 112 : i32
      %dma_start3A_275 = tpu.memref_slice %arg20[%add3A_269, %dma_start3A_274] : memref<512x177xf32, #tpu.memory_space<vmem>> -> memref<1x16xf32, #tpu.memory_space<vmem>>
      %dma_start3A_276 = arith.constant 0 : i32
      %dma_start3A_277 = tpu.memref_slice %arg15[%squeeze3A_267, %dma_start3A_276] : memref<100001x16xf32, #tpu.memory_space<hbm>> -> memref<1x16xf32, #tpu.memory_space<hbm>>
      tpu.enqueue_dma source(%dma_start3A_277 : memref<1x16xf32, #tpu.memory_space<hbm>>) target(%dma_start3A_275 : memref<1x16xf32, #tpu.memory_space<vmem>>) target_semaphore(%arg23 : memref<!tpu.dma_semaphore, #tpu.memory_space<semaphore_mem>>)
      %slice3A_278 = vector.extract_strided_slice %get3A_231 {offsets = [4], sizes = [1], strides = [1]} : vector<16xi32> to vector<1xi32>
      %squeeze3A_279 = vector.extract %slice3A_278[0] : i32 from vector<1xi32>
      %add3A_280 = arith.constant 4 : i32
      %add3A_281 = arith.addi %multiple_of3A_227, %add3A_280 : i32
      %dma_start3A_282 = arith.constant 112 : i32
      %dma_start3A_283 = tpu.memref_slice %arg20[%add3A_281, %dma_start3A_282] : memref<512x177xf32, #tpu.memory_space<vmem>> -> memref<1x16xf32, #tpu.memory_space<vmem>>
      %dma_start3A_284 = arith.constant 0 : i32
      %dma_start3A_285 = tpu.memref_slice %arg15[%squeeze3A_279, %dma_start3A_284] : memref<100001x16xf32, #tpu.memory_space<hbm>> -> memref<1x16xf32, #tpu.memory_space<hbm>>
      %dma_start3A_286 = arith.constant 112 : i32
      %dma_start3A_287 = tpu.memref_slice %arg20[%add3A_281, %dma_start3A_286] : memref<512x177xf32, #tpu.memory_space<vmem>> -> memref<1x16xf32, #tpu.memory_space<vmem>>
      %dma_start3A_288 = arith.constant 0 : i32
      %dma_start3A_289 = tpu.memref_slice %arg15[%squeeze3A_279, %dma_start3A_288] : memref<100001x16xf32, #tpu.memory_space<hbm>> -> memref<1x16xf32, #tpu.memory_space<hbm>>
      tpu.enqueue_dma source(%dma_start3A_289 : memref<1x16xf32, #tpu.memory_space<hbm>>) target(%dma_start3A_287 : memref<1x16xf32, #tpu.memory_space<vmem>>) target_semaphore(%arg23 : memref<!tpu.dma_semaphore, #tpu.memory_space<semaphore_mem>>)
      %slice3A_290 = vector.extract_strided_slice %get3A_231 {offsets = [5], sizes = [1], strides = [1]} : vector<16xi32> to vector<1xi32>
      %squeeze3A_291 = vector.extract %slice3A_290[0] : i32 from vector<1xi32>
      %add3A_292 = arith.constant 5 : i32
      %add3A_293 = arith.addi %multiple_of3A_227, %add3A_292 : i32
      %dma_start3A_294 = arith.constant 112 : i32
      %dma_start3A_295 = tpu.memref_slice %arg20[%add3A_293, %dma_start3A_294] : memref<512x177xf32, #tpu.memory_space<vmem>> -> memref<1x16xf32, #tpu.memory_space<vmem>>
      %dma_start3A_296 = arith.constant 0 : i32
      %dma_start3A_297 = tpu.memref_slice %arg15[%squeeze3A_291, %dma_start3A_296] : memref<100001x16xf32, #tpu.memory_space<hbm>> -> memref<1x16xf32, #tpu.memory_space<hbm>>
      %dma_start3A_298 = arith.constant 112 : i32
      %dma_start3A_299 = tpu.memref_slice %arg20[%add3A_293, %dma_start3A_298] : memref<512x177xf32, #tpu.memory_space<vmem>> -> memref<1x16xf32, #tpu.memory_space<vmem>>
      %dma_start3A_300 = arith.constant 0 : i32
      %dma_start3A_301 = tpu.memref_slice %arg15[%squeeze3A_291, %dma_start3A_300] : memref<100001x16xf32, #tpu.memory_space<hbm>> -> memref<1x16xf32, #tpu.memory_space<hbm>>
      tpu.enqueue_dma source(%dma_start3A_301 : memref<1x16xf32, #tpu.memory_space<hbm>>) target(%dma_start3A_299 : memref<1x16xf32, #tpu.memory_space<vmem>>) target_semaphore(%arg23 : memref<!tpu.dma_semaphore, #tpu.memory_space<semaphore_mem>>)
      %slice3A_302 = vector.extract_strided_slice %get3A_231 {offsets = [6], sizes = [1], strides = [1]} : vector<16xi32> to vector<1xi32>
      %squeeze3A_303 = vector.extract %slice3A_302[0] : i32 from vector<1xi32>
      %add3A_304 = arith.constant 6 : i32
      %add3A_305 = arith.addi %multiple_of3A_227, %add3A_304 : i32
      %dma_start3A_306 = arith.constant 112 : i32
      %dma_start3A_307 = tpu.memref_slice %arg20[%add3A_305, %dma_start3A_306] : memref<512x177xf32, #tpu.memory_space<vmem>> -> memref<1x16xf32, #tpu.memory_space<vmem>>
      %dma_start3A_308 = arith.constant 0 : i32
      %dma_start3A_309 = tpu.memref_slice %arg15[%squeeze3A_303, %dma_start3A_308] : memref<100001x16xf32, #tpu.memory_space<hbm>> -> memref<1x16xf32, #tpu.memory_space<hbm>>
      %dma_start3A_310 = arith.constant 112 : i32
      %dma_start3A_311 = tpu.memref_slice %arg20[%add3A_305, %dma_start3A_310] : memref<512x177xf32, #tpu.memory_space<vmem>> -> memref<1x16xf32, #tpu.memory_space<vmem>>
      %dma_start3A_312 = arith.constant 0 : i32
      %dma_start3A_313 = tpu.memref_slice %arg15[%squeeze3A_303, %dma_start3A_312] : memref<100001x16xf32, #tpu.memory_space<hbm>> -> memref<1x16xf32, #tpu.memory_space<hbm>>
      tpu.enqueue_dma source(%dma_start3A_313 : memref<1x16xf32, #tpu.memory_space<hbm>>) target(%dma_start3A_311 : memref<1x16xf32, #tpu.memory_space<vmem>>) target_semaphore(%arg23 : memref<!tpu.dma_semaphore, #tpu.memory_space<semaphore_mem>>)
      %slice3A_314 = vector.extract_strided_slice %get3A_231 {offsets = [7], sizes = [1], strides = [1]} : vector<16xi32> to vector<1xi32>
      %squeeze3A_315 = vector.extract %slice3A_314[0] : i32 from vector<1xi32>
      %add3A_316 = arith.constant 7 : i32
      %add3A_317 = arith.addi %multiple_of3A_227, %add3A_316 : i32
      %dma_start3A_318 = arith.constant 112 : i32
      %dma_start3A_319 = tpu.memref_slice %arg20[%add3A_317, %dma_start3A_318] : memref<512x177xf32, #tpu.memory_space<vmem>> -> memref<1x16xf32, #tpu.memory_space<vmem>>
      %dma_start3A_320 = arith.constant 0 : i32
      %dma_start3A_321 = tpu.memref_slice %arg15[%squeeze3A_315, %dma_start3A_320] : memref<100001x16xf32, #tpu.memory_space<hbm>> -> memref<1x16xf32, #tpu.memory_space<hbm>>
      %dma_start3A_322 = arith.constant 112 : i32
      %dma_start3A_323 = tpu.memref_slice %arg20[%add3A_317, %dma_start3A_322] : memref<512x177xf32, #tpu.memory_space<vmem>> -> memref<1x16xf32, #tpu.memory_space<vmem>>
      %dma_start3A_324 = arith.constant 0 : i32
      %dma_start3A_325 = tpu.memref_slice %arg15[%squeeze3A_315, %dma_start3A_324] : memref<100001x16xf32, #tpu.memory_space<hbm>> -> memref<1x16xf32, #tpu.memory_space<hbm>>
      tpu.enqueue_dma source(%dma_start3A_325 : memref<1x16xf32, #tpu.memory_space<hbm>>) target(%dma_start3A_323 : memref<1x16xf32, #tpu.memory_space<vmem>>) target_semaphore(%arg23 : memref<!tpu.dma_semaphore, #tpu.memory_space<semaphore_mem>>)
      %slice3A_326 = vector.extract_strided_slice %get3A_231 {offsets = [8], sizes = [1], strides = [1]} : vector<16xi32> to vector<1xi32>
      %squeeze3A_327 = vector.extract %slice3A_326[0] : i32 from vector<1xi32>
      %add3A_328 = arith.constant 8 : i32
      %add3A_329 = arith.addi %multiple_of3A_227, %add3A_328 : i32
      %dma_start3A_330 = arith.constant 112 : i32
      %dma_start3A_331 = tpu.memref_slice %arg20[%add3A_329, %dma_start3A_330] : memref<512x177xf32, #tpu.memory_space<vmem>> -> memref<1x16xf32, #tpu.memory_space<vmem>>
      %dma_start3A_332 = arith.constant 0 : i32
      %dma_start3A_333 = tpu.memref_slice %arg15[%squeeze3A_327, %dma_start3A_332] : memref<100001x16xf32, #tpu.memory_space<hbm>> -> memref<1x16xf32, #tpu.memory_space<hbm>>
      %dma_start3A_334 = arith.constant 112 : i32
      %dma_start3A_335 = tpu.memref_slice %arg20[%add3A_329, %dma_start3A_334] : memref<512x177xf32, #tpu.memory_space<vmem>> -> memref<1x16xf32, #tpu.memory_space<vmem>>
      %dma_start3A_336 = arith.constant 0 : i32
      %dma_start3A_337 = tpu.memref_slice %arg15[%squeeze3A_327, %dma_start3A_336] : memref<100001x16xf32, #tpu.memory_space<hbm>> -> memref<1x16xf32, #tpu.memory_space<hbm>>
      tpu.enqueue_dma source(%dma_start3A_337 : memref<1x16xf32, #tpu.memory_space<hbm>>) target(%dma_start3A_335 : memref<1x16xf32, #tpu.memory_space<vmem>>) target_semaphore(%arg23 : memref<!tpu.dma_semaphore, #tpu.memory_space<semaphore_mem>>)
      %slice3A_338 = vector.extract_strided_slice %get3A_231 {offsets = [9], sizes = [1], strides = [1]} : vector<16xi32> to vector<1xi32>
      %squeeze3A_339 = vector.extract %slice3A_338[0] : i32 from vector<1xi32>
      %add3A_340 = arith.constant 9 : i32
      %add3A_341 = arith.addi %multiple_of3A_227, %add3A_340 : i32
      %dma_start3A_342 = arith.constant 112 : i32
      %dma_start3A_343 = tpu.memref_slice %arg20[%add3A_341, %dma_start3A_342] : memref<512x177xf32, #tpu.memory_space<vmem>> -> memref<1x16xf32, #tpu.memory_space<vmem>>
      %dma_start3A_344 = arith.constant 0 : i32
      %dma_start3A_345 = tpu.memref_slice %arg15[%squeeze3A_339, %dma_start3A_344] : memref<100001x16xf32, #tpu.memory_space<hbm>> -> memref<1x16xf32, #tpu.memory_space<hbm>>
      %dma_start3A_346 = arith.constant 112 : i32
      %dma_start3A_347 = tpu.memref_slice %arg20[%add3A_341, %dma_start3A_346] : memref<512x177xf32, #tpu.memory_space<vmem>> -> memref<1x16xf32, #tpu.memory_space<vmem>>
      %dma_start3A_348 = arith.constant 0 : i32
      %dma_start3A_349 = tpu.memref_slice %arg15[%squeeze3A_339, %dma_start3A_348] : memref<100001x16xf32, #tpu.memory_space<hbm>> -> memref<1x16xf32, #tpu.memory_space<hbm>>
      tpu.enqueue_dma source(%dma_start3A_349 : memref<1x16xf32, #tpu.memory_space<hbm>>) target(%dma_start3A_347 : memref<1x16xf32, #tpu.memory_space<vmem>>) target_semaphore(%arg23 : memref<!tpu.dma_semaphore, #tpu.memory_space<semaphore_mem>>)
      %slice3A_350 = vector.extract_strided_slice %get3A_231 {offsets = [10], sizes = [1], strides = [1]} : vector<16xi32> to vector<1xi32>
      %squeeze3A_351 = vector.extract %slice3A_350[0] : i32 from vector<1xi32>
      %add3A_352 = arith.constant 10 : i32
      %add3A_353 = arith.addi %multiple_of3A_227, %add3A_352 : i32
      %dma_start3A_354 = arith.constant 112 : i32
      %dma_start3A_355 = tpu.memref_slice %arg20[%add3A_353, %dma_start3A_354] : memref<512x177xf32, #tpu.memory_space<vmem>> -> memref<1x16xf32, #tpu.memory_space<vmem>>
      %dma_start3A_356 = arith.constant 0 : i32
      %dma_start3A_357 = tpu.memref_slice %arg15[%squeeze3A_351, %dma_start3A_356] : memref<100001x16xf32, #tpu.memory_space<hbm>> -> memref<1x16xf32, #tpu.memory_space<hbm>>
      %dma_start3A_358 = arith.constant 112 : i32
      %dma_start3A_359 = tpu.memref_slice %arg20[%add3A_353, %dma_start3A_358] : memref<512x177xf32, #tpu.memory_space<vmem>> -> memref<1x16xf32, #tpu.memory_space<vmem>>
      %dma_start3A_360 = arith.constant 0 : i32
      %dma_start3A_361 = tpu.memref_slice %arg15[%squeeze3A_351, %dma_start3A_360] : memref<100001x16xf32, #tpu.memory_space<hbm>> -> memref<1x16xf32, #tpu.memory_space<hbm>>
      tpu.enqueue_dma source(%dma_start3A_361 : memref<1x16xf32, #tpu.memory_space<hbm>>) target(%dma_start3A_359 : memref<1x16xf32, #tpu.memory_space<vmem>>) target_semaphore(%arg23 : memref<!tpu.dma_semaphore, #tpu.memory_space<semaphore_mem>>)
      %slice3A_362 = vector.extract_strided_slice %get3A_231 {offsets = [11], sizes = [1], strides = [1]} : vector<16xi32> to vector<1xi32>
      %squeeze3A_363 = vector.extract %slice3A_362[0] : i32 from vector<1xi32>
      %add3A_364 = arith.constant 11 : i32
      %add3A_365 = arith.addi %multiple_of3A_227, %add3A_364 : i32
      %dma_start3A_366 = arith.constant 112 : i32
      %dma_start3A_367 = tpu.memref_slice %arg20[%add3A_365, %dma_start3A_366] : memref<512x177xf32, #tpu.memory_space<vmem>> -> memref<1x16xf32, #tpu.memory_space<vmem>>
      %dma_start3A_368 = arith.constant 0 : i32
      %dma_start3A_369 = tpu.memref_slice %arg15[%squeeze3A_363, %dma_start3A_368] : memref<100001x16xf32, #tpu.memory_space<hbm>> -> memref<1x16xf32, #tpu.memory_space<hbm>>
      %dma_start3A_370 = arith.constant 112 : i32
      %dma_start3A_371 = tpu.memref_slice %arg20[%add3A_365, %dma_start3A_370] : memref<512x177xf32, #tpu.memory_space<vmem>> -> memref<1x16xf32, #tpu.memory_space<vmem>>
      %dma_start3A_372 = arith.constant 0 : i32
      %dma_start3A_373 = tpu.memref_slice %arg15[%squeeze3A_363, %dma_start3A_372] : memref<100001x16xf32, #tpu.memory_space<hbm>> -> memref<1x16xf32, #tpu.memory_space<hbm>>
      tpu.enqueue_dma source(%dma_start3A_373 : memref<1x16xf32, #tpu.memory_space<hbm>>) target(%dma_start3A_371 : memref<1x16xf32, #tpu.memory_space<vmem>>) target_semaphore(%arg23 : memref<!tpu.dma_semaphore, #tpu.memory_space<semaphore_mem>>)
      %slice3A_374 = vector.extract_strided_slice %get3A_231 {offsets = [12], sizes = [1], strides = [1]} : vector<16xi32> to vector<1xi32>
      %squeeze3A_375 = vector.extract %slice3A_374[0] : i32 from vector<1xi32>
      %add3A_376 = arith.constant 12 : i32
      %add3A_377 = arith.addi %multiple_of3A_227, %add3A_376 : i32
      %dma_start3A_378 = arith.constant 112 : i32
      %dma_start3A_379 = tpu.memref_slice %arg20[%add3A_377, %dma_start3A_378] : memref<512x177xf32, #tpu.memory_space<vmem>> -> memref<1x16xf32, #tpu.memory_space<vmem>>
      %dma_start3A_380 = arith.constant 0 : i32
      %dma_start3A_381 = tpu.memref_slice %arg15[%squeeze3A_375, %dma_start3A_380] : memref<100001x16xf32, #tpu.memory_space<hbm>> -> memref<1x16xf32, #tpu.memory_space<hbm>>
      %dma_start3A_382 = arith.constant 112 : i32
      %dma_start3A_383 = tpu.memref_slice %arg20[%add3A_377, %dma_start3A_382] : memref<512x177xf32, #tpu.memory_space<vmem>> -> memref<1x16xf32, #tpu.memory_space<vmem>>
      %dma_start3A_384 = arith.constant 0 : i32
      %dma_start3A_385 = tpu.memref_slice %arg15[%squeeze3A_375, %dma_start3A_384] : memref<100001x16xf32, #tpu.memory_space<hbm>> -> memref<1x16xf32, #tpu.memory_space<hbm>>
      tpu.enqueue_dma source(%dma_start3A_385 : memref<1x16xf32, #tpu.memory_space<hbm>>) target(%dma_start3A_383 : memref<1x16xf32, #tpu.memory_space<vmem>>) target_semaphore(%arg23 : memref<!tpu.dma_semaphore, #tpu.memory_space<semaphore_mem>>)
      %slice3A_386 = vector.extract_strided_slice %get3A_231 {offsets = [13], sizes = [1], strides = [1]} : vector<16xi32> to vector<1xi32>
      %squeeze3A_387 = vector.extract %slice3A_386[0] : i32 from vector<1xi32>
      %add3A_388 = arith.constant 13 : i32
      %add3A_389 = arith.addi %multiple_of3A_227, %add3A_388 : i32
      %dma_start3A_390 = arith.constant 112 : i32
      %dma_start3A_391 = tpu.memref_slice %arg20[%add3A_389, %dma_start3A_390] : memref<512x177xf32, #tpu.memory_space<vmem>> -> memref<1x16xf32, #tpu.memory_space<vmem>>
      %dma_start3A_392 = arith.constant 0 : i32
      %dma_start3A_393 = tpu.memref_slice %arg15[%squeeze3A_387, %dma_start3A_392] : memref<100001x16xf32, #tpu.memory_space<hbm>> -> memref<1x16xf32, #tpu.memory_space<hbm>>
      %dma_start3A_394 = arith.constant 112 : i32
      %dma_start3A_395 = tpu.memref_slice %arg20[%add3A_389, %dma_start3A_394] : memref<512x177xf32, #tpu.memory_space<vmem>> -> memref<1x16xf32, #tpu.memory_space<vmem>>
      %dma_start3A_396 = arith.constant 0 : i32
      %dma_start3A_397 = tpu.memref_slice %arg15[%squeeze3A_387, %dma_start3A_396] : memref<100001x16xf32, #tpu.memory_space<hbm>> -> memref<1x16xf32, #tpu.memory_space<hbm>>
      tpu.enqueue_dma source(%dma_start3A_397 : memref<1x16xf32, #tpu.memory_space<hbm>>) target(%dma_start3A_395 : memref<1x16xf32, #tpu.memory_space<vmem>>) target_semaphore(%arg23 : memref<!tpu.dma_semaphore, #tpu.memory_space<semaphore_mem>>)
      %slice3A_398 = vector.extract_strided_slice %get3A_231 {offsets = [14], sizes = [1], strides = [1]} : vector<16xi32> to vector<1xi32>
      %squeeze3A_399 = vector.extract %slice3A_398[0] : i32 from vector<1xi32>
      %add3A_400 = arith.constant 14 : i32
      %add3A_401 = arith.addi %multiple_of3A_227, %add3A_400 : i32
      %dma_start3A_402 = arith.constant 112 : i32
      %dma_start3A_403 = tpu.memref_slice %arg20[%add3A_401, %dma_start3A_402] : memref<512x177xf32, #tpu.memory_space<vmem>> -> memref<1x16xf32, #tpu.memory_space<vmem>>
      %dma_start3A_404 = arith.constant 0 : i32
      %dma_start3A_405 = tpu.memref_slice %arg15[%squeeze3A_399, %dma_start3A_404] : memref<100001x16xf32, #tpu.memory_space<hbm>> -> memref<1x16xf32, #tpu.memory_space<hbm>>
      %dma_start3A_406 = arith.constant 112 : i32
      %dma_start3A_407 = tpu.memref_slice %arg20[%add3A_401, %dma_start3A_406] : memref<512x177xf32, #tpu.memory_space<vmem>> -> memref<1x16xf32, #tpu.memory_space<vmem>>
      %dma_start3A_408 = arith.constant 0 : i32
      %dma_start3A_409 = tpu.memref_slice %arg15[%squeeze3A_399, %dma_start3A_408] : memref<100001x16xf32, #tpu.memory_space<hbm>> -> memref<1x16xf32, #tpu.memory_space<hbm>>
      tpu.enqueue_dma source(%dma_start3A_409 : memref<1x16xf32, #tpu.memory_space<hbm>>) target(%dma_start3A_407 : memref<1x16xf32, #tpu.memory_space<vmem>>) target_semaphore(%arg23 : memref<!tpu.dma_semaphore, #tpu.memory_space<semaphore_mem>>)
      %slice3A_410 = vector.extract_strided_slice %get3A_231 {offsets = [15], sizes = [1], strides = [1]} : vector<16xi32> to vector<1xi32>
      %squeeze3A_411 = vector.extract %slice3A_410[0] : i32 from vector<1xi32>
      %add3A_412 = arith.constant 15 : i32
      %add3A_413 = arith.addi %multiple_of3A_227, %add3A_412 : i32
      %dma_start3A_414 = arith.constant 112 : i32
      %dma_start3A_415 = tpu.memref_slice %arg20[%add3A_413, %dma_start3A_414] : memref<512x177xf32, #tpu.memory_space<vmem>> -> memref<1x16xf32, #tpu.memory_space<vmem>>
      %dma_start3A_416 = arith.constant 0 : i32
      %dma_start3A_417 = tpu.memref_slice %arg15[%squeeze3A_411, %dma_start3A_416] : memref<100001x16xf32, #tpu.memory_space<hbm>> -> memref<1x16xf32, #tpu.memory_space<hbm>>
      %dma_start3A_418 = arith.constant 112 : i32
      %dma_start3A_419 = tpu.memref_slice %arg20[%add3A_413, %dma_start3A_418] : memref<512x177xf32, #tpu.memory_space<vmem>> -> memref<1x16xf32, #tpu.memory_space<vmem>>
      %dma_start3A_420 = arith.constant 0 : i32
      %dma_start3A_421 = tpu.memref_slice %arg15[%squeeze3A_411, %dma_start3A_420] : memref<100001x16xf32, #tpu.memory_space<hbm>> -> memref<1x16xf32, #tpu.memory_space<hbm>>
      tpu.enqueue_dma source(%dma_start3A_421 : memref<1x16xf32, #tpu.memory_space<hbm>>) target(%dma_start3A_419 : memref<1x16xf32, #tpu.memory_space<vmem>>) target_semaphore(%arg23 : memref<!tpu.dma_semaphore, #tpu.memory_space<semaphore_mem>>)
    }
    %scan3A_189 = arith.constant 32 : i32
    %scan3A_190 = arith.constant 0 : i32
    %scan3A_191 = arith.constant 0 : i32
    %scan3A_192 = arith.constant 32 : i32
    %scan3A_193 = arith.addi %scan3A_191, %scan3A_192 : i32
    %scan3A_194 = arith.constant 1 : i32
    scf.for %scan3A_224 = %scan3A_191 to %scan3A_193 step %scan3A_194  : i32 {
      %mul3A_225 = arith.constant 16 : i32
      %mul3A_226 = arith.muli %scan3A_224, %mul3A_225 : i32
      %multiple_of3A_227 = tpu.assume_multiple %mul3A_226, 16 : i32
      %get3A = arith.constant 6 : i32
      %get3A_228 = arith.index_cast %get3A : i32 to index
      %get3A_229 = arith.index_cast %multiple_of3A_227 : i32 to index
      %get3A_230 = tpu.vector_load %arg21[%get3A_228, %get3A_229] {strides = array<i32>} : memref<8x512xi32, #tpu.memory_space<vmem>>, vector<1x16xi32>,
      %get3A_231 = vector.shape_cast %get3A_230 : vector<1x16xi32> to vector<16xi32>
      %slice3A = vector.extract_strided_slice %get3A_231 {offsets = [0], sizes = [1], strides = [1]} : vector<16xi32> to vector<1xi32>
      %squeeze3A = vector.extract %slice3A[0] : i32 from vector<1xi32>
      %add3A_232 = arith.constant 0 : i32
      %add3A_233 = arith.addi %multiple_of3A_227, %add3A_232 : i32
      %dma_start3A_234 = arith.constant 128 : i32
      %dma_start3A_235 = tpu.memref_slice %arg20[%add3A_233, %dma_start3A_234] : memref<512x177xf32, #tpu.memory_space<vmem>> -> memref<1x16xf32, #tpu.memory_space<vmem>>
      %dma_start3A_236 = arith.constant 0 : i32
      %dma_start3A_237 = tpu.memref_slice %arg16[%squeeze3A, %dma_start3A_236] : memref<10001x16xf32, #tpu.memory_space<hbm>> -> memref<1x16xf32, #tpu.memory_space<hbm>>
      %dma_start3A_238 = arith.constant 128 : i32
      %dma_start3A_239 = tpu.memref_slice %arg20[%add3A_233, %dma_start3A_238] : memref<512x177xf32, #tpu.memory_space<vmem>> -> memref<1x16xf32, #tpu.memory_space<vmem>>
      %dma_start3A_240 = arith.constant 0 : i32
      %dma_start3A_241 = tpu.memref_slice %arg16[%squeeze3A, %dma_start3A_240] : memref<10001x16xf32, #tpu.memory_space<hbm>> -> memref<1x16xf32, #tpu.memory_space<hbm>>
      tpu.enqueue_dma source(%dma_start3A_241 : memref<1x16xf32, #tpu.memory_space<hbm>>) target(%dma_start3A_239 : memref<1x16xf32, #tpu.memory_space<vmem>>) target_semaphore(%arg23 : memref<!tpu.dma_semaphore, #tpu.memory_space<semaphore_mem>>)
      %slice3A_242 = vector.extract_strided_slice %get3A_231 {offsets = [1], sizes = [1], strides = [1]} : vector<16xi32> to vector<1xi32>
      %squeeze3A_243 = vector.extract %slice3A_242[0] : i32 from vector<1xi32>
      %add3A_244 = arith.constant 1 : i32
      %add3A_245 = arith.addi %multiple_of3A_227, %add3A_244 : i32
      %dma_start3A_246 = arith.constant 128 : i32
      %dma_start3A_247 = tpu.memref_slice %arg20[%add3A_245, %dma_start3A_246] : memref<512x177xf32, #tpu.memory_space<vmem>> -> memref<1x16xf32, #tpu.memory_space<vmem>>
      %dma_start3A_248 = arith.constant 0 : i32
      %dma_start3A_249 = tpu.memref_slice %arg16[%squeeze3A_243, %dma_start3A_248] : memref<10001x16xf32, #tpu.memory_space<hbm>> -> memref<1x16xf32, #tpu.memory_space<hbm>>
      %dma_start3A_250 = arith.constant 128 : i32
      %dma_start3A_251 = tpu.memref_slice %arg20[%add3A_245, %dma_start3A_250] : memref<512x177xf32, #tpu.memory_space<vmem>> -> memref<1x16xf32, #tpu.memory_space<vmem>>
      %dma_start3A_252 = arith.constant 0 : i32
      %dma_start3A_253 = tpu.memref_slice %arg16[%squeeze3A_243, %dma_start3A_252] : memref<10001x16xf32, #tpu.memory_space<hbm>> -> memref<1x16xf32, #tpu.memory_space<hbm>>
      tpu.enqueue_dma source(%dma_start3A_253 : memref<1x16xf32, #tpu.memory_space<hbm>>) target(%dma_start3A_251 : memref<1x16xf32, #tpu.memory_space<vmem>>) target_semaphore(%arg23 : memref<!tpu.dma_semaphore, #tpu.memory_space<semaphore_mem>>)
      %slice3A_254 = vector.extract_strided_slice %get3A_231 {offsets = [2], sizes = [1], strides = [1]} : vector<16xi32> to vector<1xi32>
      %squeeze3A_255 = vector.extract %slice3A_254[0] : i32 from vector<1xi32>
      %add3A_256 = arith.constant 2 : i32
      %add3A_257 = arith.addi %multiple_of3A_227, %add3A_256 : i32
      %dma_start3A_258 = arith.constant 128 : i32
      %dma_start3A_259 = tpu.memref_slice %arg20[%add3A_257, %dma_start3A_258] : memref<512x177xf32, #tpu.memory_space<vmem>> -> memref<1x16xf32, #tpu.memory_space<vmem>>
      %dma_start3A_260 = arith.constant 0 : i32
      %dma_start3A_261 = tpu.memref_slice %arg16[%squeeze3A_255, %dma_start3A_260] : memref<10001x16xf32, #tpu.memory_space<hbm>> -> memref<1x16xf32, #tpu.memory_space<hbm>>
      %dma_start3A_262 = arith.constant 128 : i32
      %dma_start3A_263 = tpu.memref_slice %arg20[%add3A_257, %dma_start3A_262] : memref<512x177xf32, #tpu.memory_space<vmem>> -> memref<1x16xf32, #tpu.memory_space<vmem>>
      %dma_start3A_264 = arith.constant 0 : i32
      %dma_start3A_265 = tpu.memref_slice %arg16[%squeeze3A_255, %dma_start3A_264] : memref<10001x16xf32, #tpu.memory_space<hbm>> -> memref<1x16xf32, #tpu.memory_space<hbm>>
      tpu.enqueue_dma source(%dma_start3A_265 : memref<1x16xf32, #tpu.memory_space<hbm>>) target(%dma_start3A_263 : memref<1x16xf32, #tpu.memory_space<vmem>>) target_semaphore(%arg23 : memref<!tpu.dma_semaphore, #tpu.memory_space<semaphore_mem>>)
      %slice3A_266 = vector.extract_strided_slice %get3A_231 {offsets = [3], sizes = [1], strides = [1]} : vector<16xi32> to vector<1xi32>
      %squeeze3A_267 = vector.extract %slice3A_266[0] : i32 from vector<1xi32>
      %add3A_268 = arith.constant 3 : i32
      %add3A_269 = arith.addi %multiple_of3A_227, %add3A_268 : i32
      %dma_start3A_270 = arith.constant 128 : i32
      %dma_start3A_271 = tpu.memref_slice %arg20[%add3A_269, %dma_start3A_270] : memref<512x177xf32, #tpu.memory_space<vmem>> -> memref<1x16xf32, #tpu.memory_space<vmem>>
      %dma_start3A_272 = arith.constant 0 : i32
      %dma_start3A_273 = tpu.memref_slice %arg16[%squeeze3A_267, %dma_start3A_272] : memref<10001x16xf32, #tpu.memory_space<hbm>> -> memref<1x16xf32, #tpu.memory_space<hbm>>
      %dma_start3A_274 = arith.constant 128 : i32
      %dma_start3A_275 = tpu.memref_slice %arg20[%add3A_269, %dma_start3A_274] : memref<512x177xf32, #tpu.memory_space<vmem>> -> memref<1x16xf32, #tpu.memory_space<vmem>>
      %dma_start3A_276 = arith.constant 0 : i32
      %dma_start3A_277 = tpu.memref_slice %arg16[%squeeze3A_267, %dma_start3A_276] : memref<10001x16xf32, #tpu.memory_space<hbm>> -> memref<1x16xf32, #tpu.memory_space<hbm>>
      tpu.enqueue_dma source(%dma_start3A_277 : memref<1x16xf32, #tpu.memory_space<hbm>>) target(%dma_start3A_275 : memref<1x16xf32, #tpu.memory_space<vmem>>) target_semaphore(%arg23 : memref<!tpu.dma_semaphore, #tpu.memory_space<semaphore_mem>>)
      %slice3A_278 = vector.extract_strided_slice %get3A_231 {offsets = [4], sizes = [1], strides = [1]} : vector<16xi32> to vector<1xi32>
      %squeeze3A_279 = vector.extract %slice3A_278[0] : i32 from vector<1xi32>
      %add3A_280 = arith.constant 4 : i32
      %add3A_281 = arith.addi %multiple_of3A_227, %add3A_280 : i32
      %dma_start3A_282 = arith.constant 128 : i32
      %dma_start3A_283 = tpu.memref_slice %arg20[%add3A_281, %dma_start3A_282] : memref<512x177xf32, #tpu.memory_space<vmem>> -> memref<1x16xf32, #tpu.memory_space<vmem>>
      %dma_start3A_284 = arith.constant 0 : i32
      %dma_start3A_285 = tpu.memref_slice %arg16[%squeeze3A_279, %dma_start3A_284] : memref<10001x16xf32, #tpu.memory_space<hbm>> -> memref<1x16xf32, #tpu.memory_space<hbm>>
      %dma_start3A_286 = arith.constant 128 : i32
      %dma_start3A_287 = tpu.memref_slice %arg20[%add3A_281, %dma_start3A_286] : memref<512x177xf32, #tpu.memory_space<vmem>> -> memref<1x16xf32, #tpu.memory_space<vmem>>
      %dma_start3A_288 = arith.constant 0 : i32
      %dma_start3A_289 = tpu.memref_slice %arg16[%squeeze3A_279, %dma_start3A_288] : memref<10001x16xf32, #tpu.memory_space<hbm>> -> memref<1x16xf32, #tpu.memory_space<hbm>>
      tpu.enqueue_dma source(%dma_start3A_289 : memref<1x16xf32, #tpu.memory_space<hbm>>) target(%dma_start3A_287 : memref<1x16xf32, #tpu.memory_space<vmem>>) target_semaphore(%arg23 : memref<!tpu.dma_semaphore, #tpu.memory_space<semaphore_mem>>)
      %slice3A_290 = vector.extract_strided_slice %get3A_231 {offsets = [5], sizes = [1], strides = [1]} : vector<16xi32> to vector<1xi32>
      %squeeze3A_291 = vector.extract %slice3A_290[0] : i32 from vector<1xi32>
      %add3A_292 = arith.constant 5 : i32
      %add3A_293 = arith.addi %multiple_of3A_227, %add3A_292 : i32
      %dma_start3A_294 = arith.constant 128 : i32
      %dma_start3A_295 = tpu.memref_slice %arg20[%add3A_293, %dma_start3A_294] : memref<512x177xf32, #tpu.memory_space<vmem>> -> memref<1x16xf32, #tpu.memory_space<vmem>>
      %dma_start3A_296 = arith.constant 0 : i32
      %dma_start3A_297 = tpu.memref_slice %arg16[%squeeze3A_291, %dma_start3A_296] : memref<10001x16xf32, #tpu.memory_space<hbm>> -> memref<1x16xf32, #tpu.memory_space<hbm>>
      %dma_start3A_298 = arith.constant 128 : i32
      %dma_start3A_299 = tpu.memref_slice %arg20[%add3A_293, %dma_start3A_298] : memref<512x177xf32, #tpu.memory_space<vmem>> -> memref<1x16xf32, #tpu.memory_space<vmem>>
      %dma_start3A_300 = arith.constant 0 : i32
      %dma_start3A_301 = tpu.memref_slice %arg16[%squeeze3A_291, %dma_start3A_300] : memref<10001x16xf32, #tpu.memory_space<hbm>> -> memref<1x16xf32, #tpu.memory_space<hbm>>
      tpu.enqueue_dma source(%dma_start3A_301 : memref<1x16xf32, #tpu.memory_space<hbm>>) target(%dma_start3A_299 : memref<1x16xf32, #tpu.memory_space<vmem>>) target_semaphore(%arg23 : memref<!tpu.dma_semaphore, #tpu.memory_space<semaphore_mem>>)
      %slice3A_302 = vector.extract_strided_slice %get3A_231 {offsets = [6], sizes = [1], strides = [1]} : vector<16xi32> to vector<1xi32>
      %squeeze3A_303 = vector.extract %slice3A_302[0] : i32 from vector<1xi32>
      %add3A_304 = arith.constant 6 : i32
      %add3A_305 = arith.addi %multiple_of3A_227, %add3A_304 : i32
      %dma_start3A_306 = arith.constant 128 : i32
      %dma_start3A_307 = tpu.memref_slice %arg20[%add3A_305, %dma_start3A_306] : memref<512x177xf32, #tpu.memory_space<vmem>> -> memref<1x16xf32, #tpu.memory_space<vmem>>
      %dma_start3A_308 = arith.constant 0 : i32
      %dma_start3A_309 = tpu.memref_slice %arg16[%squeeze3A_303, %dma_start3A_308] : memref<10001x16xf32, #tpu.memory_space<hbm>> -> memref<1x16xf32, #tpu.memory_space<hbm>>
      %dma_start3A_310 = arith.constant 128 : i32
      %dma_start3A_311 = tpu.memref_slice %arg20[%add3A_305, %dma_start3A_310] : memref<512x177xf32, #tpu.memory_space<vmem>> -> memref<1x16xf32, #tpu.memory_space<vmem>>
      %dma_start3A_312 = arith.constant 0 : i32
      %dma_start3A_313 = tpu.memref_slice %arg16[%squeeze3A_303, %dma_start3A_312] : memref<10001x16xf32, #tpu.memory_space<hbm>> -> memref<1x16xf32, #tpu.memory_space<hbm>>
      tpu.enqueue_dma source(%dma_start3A_313 : memref<1x16xf32, #tpu.memory_space<hbm>>) target(%dma_start3A_311 : memref<1x16xf32, #tpu.memory_space<vmem>>) target_semaphore(%arg23 : memref<!tpu.dma_semaphore, #tpu.memory_space<semaphore_mem>>)
      %slice3A_314 = vector.extract_strided_slice %get3A_231 {offsets = [7], sizes = [1], strides = [1]} : vector<16xi32> to vector<1xi32>
      %squeeze3A_315 = vector.extract %slice3A_314[0] : i32 from vector<1xi32>
      %add3A_316 = arith.constant 7 : i32
      %add3A_317 = arith.addi %multiple_of3A_227, %add3A_316 : i32
      %dma_start3A_318 = arith.constant 128 : i32
      %dma_start3A_319 = tpu.memref_slice %arg20[%add3A_317, %dma_start3A_318] : memref<512x177xf32, #tpu.memory_space<vmem>> -> memref<1x16xf32, #tpu.memory_space<vmem>>
      %dma_start3A_320 = arith.constant 0 : i32
      %dma_start3A_321 = tpu.memref_slice %arg16[%squeeze3A_315, %dma_start3A_320] : memref<10001x16xf32, #tpu.memory_space<hbm>> -> memref<1x16xf32, #tpu.memory_space<hbm>>
      %dma_start3A_322 = arith.constant 128 : i32
      %dma_start3A_323 = tpu.memref_slice %arg20[%add3A_317, %dma_start3A_322] : memref<512x177xf32, #tpu.memory_space<vmem>> -> memref<1x16xf32, #tpu.memory_space<vmem>>
      %dma_start3A_324 = arith.constant 0 : i32
      %dma_start3A_325 = tpu.memref_slice %arg16[%squeeze3A_315, %dma_start3A_324] : memref<10001x16xf32, #tpu.memory_space<hbm>> -> memref<1x16xf32, #tpu.memory_space<hbm>>
      tpu.enqueue_dma source(%dma_start3A_325 : memref<1x16xf32, #tpu.memory_space<hbm>>) target(%dma_start3A_323 : memref<1x16xf32, #tpu.memory_space<vmem>>) target_semaphore(%arg23 : memref<!tpu.dma_semaphore, #tpu.memory_space<semaphore_mem>>)
      %slice3A_326 = vector.extract_strided_slice %get3A_231 {offsets = [8], sizes = [1], strides = [1]} : vector<16xi32> to vector<1xi32>
      %squeeze3A_327 = vector.extract %slice3A_326[0] : i32 from vector<1xi32>
      %add3A_328 = arith.constant 8 : i32
      %add3A_329 = arith.addi %multiple_of3A_227, %add3A_328 : i32
      %dma_start3A_330 = arith.constant 128 : i32
      %dma_start3A_331 = tpu.memref_slice %arg20[%add3A_329, %dma_start3A_330] : memref<512x177xf32, #tpu.memory_space<vmem>> -> memref<1x16xf32, #tpu.memory_space<vmem>>
      %dma_start3A_332 = arith.constant 0 : i32
      %dma_start3A_333 = tpu.memref_slice %arg16[%squeeze3A_327, %dma_start3A_332] : memref<10001x16xf32, #tpu.memory_space<hbm>> -> memref<1x16xf32, #tpu.memory_space<hbm>>
      %dma_start3A_334 = arith.constant 128 : i32
      %dma_start3A_335 = tpu.memref_slice %arg20[%add3A_329, %dma_start3A_334] : memref<512x177xf32, #tpu.memory_space<vmem>> -> memref<1x16xf32, #tpu.memory_space<vmem>>
      %dma_start3A_336 = arith.constant 0 : i32
      %dma_start3A_337 = tpu.memref_slice %arg16[%squeeze3A_327, %dma_start3A_336] : memref<10001x16xf32, #tpu.memory_space<hbm>> -> memref<1x16xf32, #tpu.memory_space<hbm>>
      tpu.enqueue_dma source(%dma_start3A_337 : memref<1x16xf32, #tpu.memory_space<hbm>>) target(%dma_start3A_335 : memref<1x16xf32, #tpu.memory_space<vmem>>) target_semaphore(%arg23 : memref<!tpu.dma_semaphore, #tpu.memory_space<semaphore_mem>>)
      %slice3A_338 = vector.extract_strided_slice %get3A_231 {offsets = [9], sizes = [1], strides = [1]} : vector<16xi32> to vector<1xi32>
      %squeeze3A_339 = vector.extract %slice3A_338[0] : i32 from vector<1xi32>
      %add3A_340 = arith.constant 9 : i32
      %add3A_341 = arith.addi %multiple_of3A_227, %add3A_340 : i32
      %dma_start3A_342 = arith.constant 128 : i32
      %dma_start3A_343 = tpu.memref_slice %arg20[%add3A_341, %dma_start3A_342] : memref<512x177xf32, #tpu.memory_space<vmem>> -> memref<1x16xf32, #tpu.memory_space<vmem>>
      %dma_start3A_344 = arith.constant 0 : i32
      %dma_start3A_345 = tpu.memref_slice %arg16[%squeeze3A_339, %dma_start3A_344] : memref<10001x16xf32, #tpu.memory_space<hbm>> -> memref<1x16xf32, #tpu.memory_space<hbm>>
      %dma_start3A_346 = arith.constant 128 : i32
      %dma_start3A_347 = tpu.memref_slice %arg20[%add3A_341, %dma_start3A_346] : memref<512x177xf32, #tpu.memory_space<vmem>> -> memref<1x16xf32, #tpu.memory_space<vmem>>
      %dma_start3A_348 = arith.constant 0 : i32
      %dma_start3A_349 = tpu.memref_slice %arg16[%squeeze3A_339, %dma_start3A_348] : memref<10001x16xf32, #tpu.memory_space<hbm>> -> memref<1x16xf32, #tpu.memory_space<hbm>>
      tpu.enqueue_dma source(%dma_start3A_349 : memref<1x16xf32, #tpu.memory_space<hbm>>) target(%dma_start3A_347 : memref<1x16xf32, #tpu.memory_space<vmem>>) target_semaphore(%arg23 : memref<!tpu.dma_semaphore, #tpu.memory_space<semaphore_mem>>)
      %slice3A_350 = vector.extract_strided_slice %get3A_231 {offsets = [10], sizes = [1], strides = [1]} : vector<16xi32> to vector<1xi32>
      %squeeze3A_351 = vector.extract %slice3A_350[0] : i32 from vector<1xi32>
      %add3A_352 = arith.constant 10 : i32
      %add3A_353 = arith.addi %multiple_of3A_227, %add3A_352 : i32
      %dma_start3A_354 = arith.constant 128 : i32
      %dma_start3A_355 = tpu.memref_slice %arg20[%add3A_353, %dma_start3A_354] : memref<512x177xf32, #tpu.memory_space<vmem>> -> memref<1x16xf32, #tpu.memory_space<vmem>>
      %dma_start3A_356 = arith.constant 0 : i32
      %dma_start3A_357 = tpu.memref_slice %arg16[%squeeze3A_351, %dma_start3A_356] : memref<10001x16xf32, #tpu.memory_space<hbm>> -> memref<1x16xf32, #tpu.memory_space<hbm>>
      %dma_start3A_358 = arith.constant 128 : i32
      %dma_start3A_359 = tpu.memref_slice %arg20[%add3A_353, %dma_start3A_358] : memref<512x177xf32, #tpu.memory_space<vmem>> -> memref<1x16xf32, #tpu.memory_space<vmem>>
      %dma_start3A_360 = arith.constant 0 : i32
      %dma_start3A_361 = tpu.memref_slice %arg16[%squeeze3A_351, %dma_start3A_360] : memref<10001x16xf32, #tpu.memory_space<hbm>> -> memref<1x16xf32, #tpu.memory_space<hbm>>
      tpu.enqueue_dma source(%dma_start3A_361 : memref<1x16xf32, #tpu.memory_space<hbm>>) target(%dma_start3A_359 : memref<1x16xf32, #tpu.memory_space<vmem>>) target_semaphore(%arg23 : memref<!tpu.dma_semaphore, #tpu.memory_space<semaphore_mem>>)
      %slice3A_362 = vector.extract_strided_slice %get3A_231 {offsets = [11], sizes = [1], strides = [1]} : vector<16xi32> to vector<1xi32>
      %squeeze3A_363 = vector.extract %slice3A_362[0] : i32 from vector<1xi32>
      %add3A_364 = arith.constant 11 : i32
      %add3A_365 = arith.addi %multiple_of3A_227, %add3A_364 : i32
      %dma_start3A_366 = arith.constant 128 : i32
      %dma_start3A_367 = tpu.memref_slice %arg20[%add3A_365, %dma_start3A_366] : memref<512x177xf32, #tpu.memory_space<vmem>> -> memref<1x16xf32, #tpu.memory_space<vmem>>
      %dma_start3A_368 = arith.constant 0 : i32
      %dma_start3A_369 = tpu.memref_slice %arg16[%squeeze3A_363, %dma_start3A_368] : memref<10001x16xf32, #tpu.memory_space<hbm>> -> memref<1x16xf32, #tpu.memory_space<hbm>>
      %dma_start3A_370 = arith.constant 128 : i32
      %dma_start3A_371 = tpu.memref_slice %arg20[%add3A_365, %dma_start3A_370] : memref<512x177xf32, #tpu.memory_space<vmem>> -> memref<1x16xf32, #tpu.memory_space<vmem>>
      %dma_start3A_372 = arith.constant 0 : i32
      %dma_start3A_373 = tpu.memref_slice %arg16[%squeeze3A_363, %dma_start3A_372] : memref<10001x16xf32, #tpu.memory_space<hbm>> -> memref<1x16xf32, #tpu.memory_space<hbm>>
      tpu.enqueue_dma source(%dma_start3A_373 : memref<1x16xf32, #tpu.memory_space<hbm>>) target(%dma_start3A_371 : memref<1x16xf32, #tpu.memory_space<vmem>>) target_semaphore(%arg23 : memref<!tpu.dma_semaphore, #tpu.memory_space<semaphore_mem>>)
      %slice3A_374 = vector.extract_strided_slice %get3A_231 {offsets = [12], sizes = [1], strides = [1]} : vector<16xi32> to vector<1xi32>
      %squeeze3A_375 = vector.extract %slice3A_374[0] : i32 from vector<1xi32>
      %add3A_376 = arith.constant 12 : i32
      %add3A_377 = arith.addi %multiple_of3A_227, %add3A_376 : i32
      %dma_start3A_378 = arith.constant 128 : i32
      %dma_start3A_379 = tpu.memref_slice %arg20[%add3A_377, %dma_start3A_378] : memref<512x177xf32, #tpu.memory_space<vmem>> -> memref<1x16xf32, #tpu.memory_space<vmem>>
      %dma_start3A_380 = arith.constant 0 : i32
      %dma_start3A_381 = tpu.memref_slice %arg16[%squeeze3A_375, %dma_start3A_380] : memref<10001x16xf32, #tpu.memory_space<hbm>> -> memref<1x16xf32, #tpu.memory_space<hbm>>
      %dma_start3A_382 = arith.constant 128 : i32
      %dma_start3A_383 = tpu.memref_slice %arg20[%add3A_377, %dma_start3A_382] : memref<512x177xf32, #tpu.memory_space<vmem>> -> memref<1x16xf32, #tpu.memory_space<vmem>>
      %dma_start3A_384 = arith.constant 0 : i32
      %dma_start3A_385 = tpu.memref_slice %arg16[%squeeze3A_375, %dma_start3A_384] : memref<10001x16xf32, #tpu.memory_space<hbm>> -> memref<1x16xf32, #tpu.memory_space<hbm>>
      tpu.enqueue_dma source(%dma_start3A_385 : memref<1x16xf32, #tpu.memory_space<hbm>>) target(%dma_start3A_383 : memref<1x16xf32, #tpu.memory_space<vmem>>) target_semaphore(%arg23 : memref<!tpu.dma_semaphore, #tpu.memory_space<semaphore_mem>>)
      %slice3A_386 = vector.extract_strided_slice %get3A_231 {offsets = [13], sizes = [1], strides = [1]} : vector<16xi32> to vector<1xi32>
      %squeeze3A_387 = vector.extract %slice3A_386[0] : i32 from vector<1xi32>
      %add3A_388 = arith.constant 13 : i32
      %add3A_389 = arith.addi %multiple_of3A_227, %add3A_388 : i32
      %dma_start3A_390 = arith.constant 128 : i32
      %dma_start3A_391 = tpu.memref_slice %arg20[%add3A_389, %dma_start3A_390] : memref<512x177xf32, #tpu.memory_space<vmem>> -> memref<1x16xf32, #tpu.memory_space<vmem>>
      %dma_start3A_392 = arith.constant 0 : i32
      %dma_start3A_393 = tpu.memref_slice %arg16[%squeeze3A_387, %dma_start3A_392] : memref<10001x16xf32, #tpu.memory_space<hbm>> -> memref<1x16xf32, #tpu.memory_space<hbm>>
      %dma_start3A_394 = arith.constant 128 : i32
      %dma_start3A_395 = tpu.memref_slice %arg20[%add3A_389, %dma_start3A_394] : memref<512x177xf32, #tpu.memory_space<vmem>> -> memref<1x16xf32, #tpu.memory_space<vmem>>
      %dma_start3A_396 = arith.constant 0 : i32
      %dma_start3A_397 = tpu.memref_slice %arg16[%squeeze3A_387, %dma_start3A_396] : memref<10001x16xf32, #tpu.memory_space<hbm>> -> memref<1x16xf32, #tpu.memory_space<hbm>>
      tpu.enqueue_dma source(%dma_start3A_397 : memref<1x16xf32, #tpu.memory_space<hbm>>) target(%dma_start3A_395 : memref<1x16xf32, #tpu.memory_space<vmem>>) target_semaphore(%arg23 : memref<!tpu.dma_semaphore, #tpu.memory_space<semaphore_mem>>)
      %slice3A_398 = vector.extract_strided_slice %get3A_231 {offsets = [14], sizes = [1], strides = [1]} : vector<16xi32> to vector<1xi32>
      %squeeze3A_399 = vector.extract %slice3A_398[0] : i32 from vector<1xi32>
      %add3A_400 = arith.constant 14 : i32
      %add3A_401 = arith.addi %multiple_of3A_227, %add3A_400 : i32
      %dma_start3A_402 = arith.constant 128 : i32
      %dma_start3A_403 = tpu.memref_slice %arg20[%add3A_401, %dma_start3A_402] : memref<512x177xf32, #tpu.memory_space<vmem>> -> memref<1x16xf32, #tpu.memory_space<vmem>>
      %dma_start3A_404 = arith.constant 0 : i32
      %dma_start3A_405 = tpu.memref_slice %arg16[%squeeze3A_399, %dma_start3A_404] : memref<10001x16xf32, #tpu.memory_space<hbm>> -> memref<1x16xf32, #tpu.memory_space<hbm>>
      %dma_start3A_406 = arith.constant 128 : i32
      %dma_start3A_407 = tpu.memref_slice %arg20[%add3A_401, %dma_start3A_406] : memref<512x177xf32, #tpu.memory_space<vmem>> -> memref<1x16xf32, #tpu.memory_space<vmem>>
      %dma_start3A_408 = arith.constant 0 : i32
      %dma_start3A_409 = tpu.memref_slice %arg16[%squeeze3A_399, %dma_start3A_408] : memref<10001x16xf32, #tpu.memory_space<hbm>> -> memref<1x16xf32, #tpu.memory_space<hbm>>
      tpu.enqueue_dma source(%dma_start3A_409 : memref<1x16xf32, #tpu.memory_space<hbm>>) target(%dma_start3A_407 : memref<1x16xf32, #tpu.memory_space<vmem>>) target_semaphore(%arg23 : memref<!tpu.dma_semaphore, #tpu.memory_space<semaphore_mem>>)
      %slice3A_410 = vector.extract_strided_slice %get3A_231 {offsets = [15], sizes = [1], strides = [1]} : vector<16xi32> to vector<1xi32>
      %squeeze3A_411 = vector.extract %slice3A_410[0] : i32 from vector<1xi32>
      %add3A_412 = arith.constant 15 : i32
      %add3A_413 = arith.addi %multiple_of3A_227, %add3A_412 : i32
      %dma_start3A_414 = arith.constant 128 : i32
      %dma_start3A_415 = tpu.memref_slice %arg20[%add3A_413, %dma_start3A_414] : memref<512x177xf32, #tpu.memory_space<vmem>> -> memref<1x16xf32, #tpu.memory_space<vmem>>
      %dma_start3A_416 = arith.constant 0 : i32
      %dma_start3A_417 = tpu.memref_slice %arg16[%squeeze3A_411, %dma_start3A_416] : memref<10001x16xf32, #tpu.memory_space<hbm>> -> memref<1x16xf32, #tpu.memory_space<hbm>>
      %dma_start3A_418 = arith.constant 128 : i32
      %dma_start3A_419 = tpu.memref_slice %arg20[%add3A_413, %dma_start3A_418] : memref<512x177xf32, #tpu.memory_space<vmem>> -> memref<1x16xf32, #tpu.memory_space<vmem>>
      %dma_start3A_420 = arith.constant 0 : i32
      %dma_start3A_421 = tpu.memref_slice %arg16[%squeeze3A_411, %dma_start3A_420] : memref<10001x16xf32, #tpu.memory_space<hbm>> -> memref<1x16xf32, #tpu.memory_space<hbm>>
      tpu.enqueue_dma source(%dma_start3A_421 : memref<1x16xf32, #tpu.memory_space<hbm>>) target(%dma_start3A_419 : memref<1x16xf32, #tpu.memory_space<vmem>>) target_semaphore(%arg23 : memref<!tpu.dma_semaphore, #tpu.memory_space<semaphore_mem>>)
    }
    %scan3A_195 = arith.constant 32 : i32
    %scan3A_196 = arith.constant 0 : i32
    %scan3A_197 = arith.constant 0 : i32
    %scan3A_198 = arith.constant 32 : i32
    %scan3A_199 = arith.addi %scan3A_197, %scan3A_198 : i32
    %scan3A_200 = arith.constant 1 : i32
    scf.for %scan3A_224 = %scan3A_197 to %scan3A_199 step %scan3A_200  : i32 {
      %mul3A_225 = arith.constant 16 : i32
      %mul3A_226 = arith.muli %scan3A_224, %mul3A_225 : i32
      %multiple_of3A_227 = tpu.assume_multiple %mul3A_226, 16 : i32
      %get3A = arith.constant 7 : i32
      %get3A_228 = arith.index_cast %get3A : i32 to index
      %get3A_229 = arith.index_cast %multiple_of3A_227 : i32 to index
      %get3A_230 = tpu.vector_load %arg21[%get3A_228, %get3A_229] {strides = array<i32>} : memref<8x512xi32, #tpu.memory_space<vmem>>, vector<1x16xi32>,
      %get3A_231 = vector.shape_cast %get3A_230 : vector<1x16xi32> to vector<16xi32>
      %slice3A = vector.extract_strided_slice %get3A_231 {offsets = [0], sizes = [1], strides = [1]} : vector<16xi32> to vector<1xi32>
      %squeeze3A = vector.extract %slice3A[0] : i32 from vector<1xi32>
      %add3A_232 = arith.constant 0 : i32
      %add3A_233 = arith.addi %multiple_of3A_227, %add3A_232 : i32
      %dma_start3A_234 = arith.constant 144 : i32
      %dma_start3A_235 = tpu.memref_slice %arg20[%add3A_233, %dma_start3A_234] : memref<512x177xf32, #tpu.memory_space<vmem>> -> memref<1x16xf32, #tpu.memory_space<vmem>>
      %dma_start3A_236 = arith.constant 0 : i32
      %dma_start3A_237 = tpu.memref_slice %arg17[%squeeze3A, %dma_start3A_236] : memref<10001x16xf32, #tpu.memory_space<hbm>> -> memref<1x16xf32, #tpu.memory_space<hbm>>
      %dma_start3A_238 = arith.constant 144 : i32
      %dma_start3A_239 = tpu.memref_slice %arg20[%add3A_233, %dma_start3A_238] : memref<512x177xf32, #tpu.memory_space<vmem>> -> memref<1x16xf32, #tpu.memory_space<vmem>>
      %dma_start3A_240 = arith.constant 0 : i32
      %dma_start3A_241 = tpu.memref_slice %arg17[%squeeze3A, %dma_start3A_240] : memref<10001x16xf32, #tpu.memory_space<hbm>> -> memref<1x16xf32, #tpu.memory_space<hbm>>
      tpu.enqueue_dma source(%dma_start3A_241 : memref<1x16xf32, #tpu.memory_space<hbm>>) target(%dma_start3A_239 : memref<1x16xf32, #tpu.memory_space<vmem>>) target_semaphore(%arg23 : memref<!tpu.dma_semaphore, #tpu.memory_space<semaphore_mem>>)
      %slice3A_242 = vector.extract_strided_slice %get3A_231 {offsets = [1], sizes = [1], strides = [1]} : vector<16xi32> to vector<1xi32>
      %squeeze3A_243 = vector.extract %slice3A_242[0] : i32 from vector<1xi32>
      %add3A_244 = arith.constant 1 : i32
      %add3A_245 = arith.addi %multiple_of3A_227, %add3A_244 : i32
      %dma_start3A_246 = arith.constant 144 : i32
      %dma_start3A_247 = tpu.memref_slice %arg20[%add3A_245, %dma_start3A_246] : memref<512x177xf32, #tpu.memory_space<vmem>> -> memref<1x16xf32, #tpu.memory_space<vmem>>
      %dma_start3A_248 = arith.constant 0 : i32
      %dma_start3A_249 = tpu.memref_slice %arg17[%squeeze3A_243, %dma_start3A_248] : memref<10001x16xf32, #tpu.memory_space<hbm>> -> memref<1x16xf32, #tpu.memory_space<hbm>>
      %dma_start3A_250 = arith.constant 144 : i32
      %dma_start3A_251 = tpu.memref_slice %arg20[%add3A_245, %dma_start3A_250] : memref<512x177xf32, #tpu.memory_space<vmem>> -> memref<1x16xf32, #tpu.memory_space<vmem>>
      %dma_start3A_252 = arith.constant 0 : i32
      %dma_start3A_253 = tpu.memref_slice %arg17[%squeeze3A_243, %dma_start3A_252] : memref<10001x16xf32, #tpu.memory_space<hbm>> -> memref<1x16xf32, #tpu.memory_space<hbm>>
      tpu.enqueue_dma source(%dma_start3A_253 : memref<1x16xf32, #tpu.memory_space<hbm>>) target(%dma_start3A_251 : memref<1x16xf32, #tpu.memory_space<vmem>>) target_semaphore(%arg23 : memref<!tpu.dma_semaphore, #tpu.memory_space<semaphore_mem>>)
      %slice3A_254 = vector.extract_strided_slice %get3A_231 {offsets = [2], sizes = [1], strides = [1]} : vector<16xi32> to vector<1xi32>
      %squeeze3A_255 = vector.extract %slice3A_254[0] : i32 from vector<1xi32>
      %add3A_256 = arith.constant 2 : i32
      %add3A_257 = arith.addi %multiple_of3A_227, %add3A_256 : i32
      %dma_start3A_258 = arith.constant 144 : i32
      %dma_start3A_259 = tpu.memref_slice %arg20[%add3A_257, %dma_start3A_258] : memref<512x177xf32, #tpu.memory_space<vmem>> -> memref<1x16xf32, #tpu.memory_space<vmem>>
      %dma_start3A_260 = arith.constant 0 : i32
      %dma_start3A_261 = tpu.memref_slice %arg17[%squeeze3A_255, %dma_start3A_260] : memref<10001x16xf32, #tpu.memory_space<hbm>> -> memref<1x16xf32, #tpu.memory_space<hbm>>
      %dma_start3A_262 = arith.constant 144 : i32
      %dma_start3A_263 = tpu.memref_slice %arg20[%add3A_257, %dma_start3A_262] : memref<512x177xf32, #tpu.memory_space<vmem>> -> memref<1x16xf32, #tpu.memory_space<vmem>>
      %dma_start3A_264 = arith.constant 0 : i32
      %dma_start3A_265 = tpu.memref_slice %arg17[%squeeze3A_255, %dma_start3A_264] : memref<10001x16xf32, #tpu.memory_space<hbm>> -> memref<1x16xf32, #tpu.memory_space<hbm>>
      tpu.enqueue_dma source(%dma_start3A_265 : memref<1x16xf32, #tpu.memory_space<hbm>>) target(%dma_start3A_263 : memref<1x16xf32, #tpu.memory_space<vmem>>) target_semaphore(%arg23 : memref<!tpu.dma_semaphore, #tpu.memory_space<semaphore_mem>>)
      %slice3A_266 = vector.extract_strided_slice %get3A_231 {offsets = [3], sizes = [1], strides = [1]} : vector<16xi32> to vector<1xi32>
      %squeeze3A_267 = vector.extract %slice3A_266[0] : i32 from vector<1xi32>
      %add3A_268 = arith.constant 3 : i32
      %add3A_269 = arith.addi %multiple_of3A_227, %add3A_268 : i32
      %dma_start3A_270 = arith.constant 144 : i32
      %dma_start3A_271 = tpu.memref_slice %arg20[%add3A_269, %dma_start3A_270] : memref<512x177xf32, #tpu.memory_space<vmem>> -> memref<1x16xf32, #tpu.memory_space<vmem>>
      %dma_start3A_272 = arith.constant 0 : i32
      %dma_start3A_273 = tpu.memref_slice %arg17[%squeeze3A_267, %dma_start3A_272] : memref<10001x16xf32, #tpu.memory_space<hbm>> -> memref<1x16xf32, #tpu.memory_space<hbm>>
      %dma_start3A_274 = arith.constant 144 : i32
      %dma_start3A_275 = tpu.memref_slice %arg20[%add3A_269, %dma_start3A_274] : memref<512x177xf32, #tpu.memory_space<vmem>> -> memref<1x16xf32, #tpu.memory_space<vmem>>
      %dma_start3A_276 = arith.constant 0 : i32
      %dma_start3A_277 = tpu.memref_slice %arg17[%squeeze3A_267, %dma_start3A_276] : memref<10001x16xf32, #tpu.memory_space<hbm>> -> memref<1x16xf32, #tpu.memory_space<hbm>>
      tpu.enqueue_dma source(%dma_start3A_277 : memref<1x16xf32, #tpu.memory_space<hbm>>) target(%dma_start3A_275 : memref<1x16xf32, #tpu.memory_space<vmem>>) target_semaphore(%arg23 : memref<!tpu.dma_semaphore, #tpu.memory_space<semaphore_mem>>)
      %slice3A_278 = vector.extract_strided_slice %get3A_231 {offsets = [4], sizes = [1], strides = [1]} : vector<16xi32> to vector<1xi32>
      %squeeze3A_279 = vector.extract %slice3A_278[0] : i32 from vector<1xi32>
      %add3A_280 = arith.constant 4 : i32
      %add3A_281 = arith.addi %multiple_of3A_227, %add3A_280 : i32
      %dma_start3A_282 = arith.constant 144 : i32
      %dma_start3A_283 = tpu.memref_slice %arg20[%add3A_281, %dma_start3A_282] : memref<512x177xf32, #tpu.memory_space<vmem>> -> memref<1x16xf32, #tpu.memory_space<vmem>>
      %dma_start3A_284 = arith.constant 0 : i32
      %dma_start3A_285 = tpu.memref_slice %arg17[%squeeze3A_279, %dma_start3A_284] : memref<10001x16xf32, #tpu.memory_space<hbm>> -> memref<1x16xf32, #tpu.memory_space<hbm>>
      %dma_start3A_286 = arith.constant 144 : i32
      %dma_start3A_287 = tpu.memref_slice %arg20[%add3A_281, %dma_start3A_286] : memref<512x177xf32, #tpu.memory_space<vmem>> -> memref<1x16xf32, #tpu.memory_space<vmem>>
      %dma_start3A_288 = arith.constant 0 : i32
      %dma_start3A_289 = tpu.memref_slice %arg17[%squeeze3A_279, %dma_start3A_288] : memref<10001x16xf32, #tpu.memory_space<hbm>> -> memref<1x16xf32, #tpu.memory_space<hbm>>
      tpu.enqueue_dma source(%dma_start3A_289 : memref<1x16xf32, #tpu.memory_space<hbm>>) target(%dma_start3A_287 : memref<1x16xf32, #tpu.memory_space<vmem>>) target_semaphore(%arg23 : memref<!tpu.dma_semaphore, #tpu.memory_space<semaphore_mem>>)
      %slice3A_290 = vector.extract_strided_slice %get3A_231 {offsets = [5], sizes = [1], strides = [1]} : vector<16xi32> to vector<1xi32>
      %squeeze3A_291 = vector.extract %slice3A_290[0] : i32 from vector<1xi32>
      %add3A_292 = arith.constant 5 : i32
      %add3A_293 = arith.addi %multiple_of3A_227, %add3A_292 : i32
      %dma_start3A_294 = arith.constant 144 : i32
      %dma_start3A_295 = tpu.memref_slice %arg20[%add3A_293, %dma_start3A_294] : memref<512x177xf32, #tpu.memory_space<vmem>> -> memref<1x16xf32, #tpu.memory_space<vmem>>
      %dma_start3A_296 = arith.constant 0 : i32
      %dma_start3A_297 = tpu.memref_slice %arg17[%squeeze3A_291, %dma_start3A_296] : memref<10001x16xf32, #tpu.memory_space<hbm>> -> memref<1x16xf32, #tpu.memory_space<hbm>>
      %dma_start3A_298 = arith.constant 144 : i32
      %dma_start3A_299 = tpu.memref_slice %arg20[%add3A_293, %dma_start3A_298] : memref<512x177xf32, #tpu.memory_space<vmem>> -> memref<1x16xf32, #tpu.memory_space<vmem>>
      %dma_start3A_300 = arith.constant 0 : i32
      %dma_start3A_301 = tpu.memref_slice %arg17[%squeeze3A_291, %dma_start3A_300] : memref<10001x16xf32, #tpu.memory_space<hbm>> -> memref<1x16xf32, #tpu.memory_space<hbm>>
      tpu.enqueue_dma source(%dma_start3A_301 : memref<1x16xf32, #tpu.memory_space<hbm>>) target(%dma_start3A_299 : memref<1x16xf32, #tpu.memory_space<vmem>>) target_semaphore(%arg23 : memref<!tpu.dma_semaphore, #tpu.memory_space<semaphore_mem>>)
      %slice3A_302 = vector.extract_strided_slice %get3A_231 {offsets = [6], sizes = [1], strides = [1]} : vector<16xi32> to vector<1xi32>
      %squeeze3A_303 = vector.extract %slice3A_302[0] : i32 from vector<1xi32>
      %add3A_304 = arith.constant 6 : i32
      %add3A_305 = arith.addi %multiple_of3A_227, %add3A_304 : i32
      %dma_start3A_306 = arith.constant 144 : i32
      %dma_start3A_307 = tpu.memref_slice %arg20[%add3A_305, %dma_start3A_306] : memref<512x177xf32, #tpu.memory_space<vmem>> -> memref<1x16xf32, #tpu.memory_space<vmem>>
      %dma_start3A_308 = arith.constant 0 : i32
      %dma_start3A_309 = tpu.memref_slice %arg17[%squeeze3A_303, %dma_start3A_308] : memref<10001x16xf32, #tpu.memory_space<hbm>> -> memref<1x16xf32, #tpu.memory_space<hbm>>
      %dma_start3A_310 = arith.constant 144 : i32
      %dma_start3A_311 = tpu.memref_slice %arg20[%add3A_305, %dma_start3A_310] : memref<512x177xf32, #tpu.memory_space<vmem>> -> memref<1x16xf32, #tpu.memory_space<vmem>>
      %dma_start3A_312 = arith.constant 0 : i32
      %dma_start3A_313 = tpu.memref_slice %arg17[%squeeze3A_303, %dma_start3A_312] : memref<10001x16xf32, #tpu.memory_space<hbm>> -> memref<1x16xf32, #tpu.memory_space<hbm>>
      tpu.enqueue_dma source(%dma_start3A_313 : memref<1x16xf32, #tpu.memory_space<hbm>>) target(%dma_start3A_311 : memref<1x16xf32, #tpu.memory_space<vmem>>) target_semaphore(%arg23 : memref<!tpu.dma_semaphore, #tpu.memory_space<semaphore_mem>>)
      %slice3A_314 = vector.extract_strided_slice %get3A_231 {offsets = [7], sizes = [1], strides = [1]} : vector<16xi32> to vector<1xi32>
      %squeeze3A_315 = vector.extract %slice3A_314[0] : i32 from vector<1xi32>
      %add3A_316 = arith.constant 7 : i32
      %add3A_317 = arith.addi %multiple_of3A_227, %add3A_316 : i32
      %dma_start3A_318 = arith.constant 144 : i32
      %dma_start3A_319 = tpu.memref_slice %arg20[%add3A_317, %dma_start3A_318] : memref<512x177xf32, #tpu.memory_space<vmem>> -> memref<1x16xf32, #tpu.memory_space<vmem>>
      %dma_start3A_320 = arith.constant 0 : i32
      %dma_start3A_321 = tpu.memref_slice %arg17[%squeeze3A_315, %dma_start3A_320] : memref<10001x16xf32, #tpu.memory_space<hbm>> -> memref<1x16xf32, #tpu.memory_space<hbm>>
      %dma_start3A_322 = arith.constant 144 : i32
      %dma_start3A_323 = tpu.memref_slice %arg20[%add3A_317, %dma_start3A_322] : memref<512x177xf32, #tpu.memory_space<vmem>> -> memref<1x16xf32, #tpu.memory_space<vmem>>
      %dma_start3A_324 = arith.constant 0 : i32
      %dma_start3A_325 = tpu.memref_slice %arg17[%squeeze3A_315, %dma_start3A_324] : memref<10001x16xf32, #tpu.memory_space<hbm>> -> memref<1x16xf32, #tpu.memory_space<hbm>>
      tpu.enqueue_dma source(%dma_start3A_325 : memref<1x16xf32, #tpu.memory_space<hbm>>) target(%dma_start3A_323 : memref<1x16xf32, #tpu.memory_space<vmem>>) target_semaphore(%arg23 : memref<!tpu.dma_semaphore, #tpu.memory_space<semaphore_mem>>)
      %slice3A_326 = vector.extract_strided_slice %get3A_231 {offsets = [8], sizes = [1], strides = [1]} : vector<16xi32> to vector<1xi32>
      %squeeze3A_327 = vector.extract %slice3A_326[0] : i32 from vector<1xi32>
      %add3A_328 = arith.constant 8 : i32
      %add3A_329 = arith.addi %multiple_of3A_227, %add3A_328 : i32
      %dma_start3A_330 = arith.constant 144 : i32
      %dma_start3A_331 = tpu.memref_slice %arg20[%add3A_329, %dma_start3A_330] : memref<512x177xf32, #tpu.memory_space<vmem>> -> memref<1x16xf32, #tpu.memory_space<vmem>>
      %dma_start3A_332 = arith.constant 0 : i32
      %dma_start3A_333 = tpu.memref_slice %arg17[%squeeze3A_327, %dma_start3A_332] : memref<10001x16xf32, #tpu.memory_space<hbm>> -> memref<1x16xf32, #tpu.memory_space<hbm>>
      %dma_start3A_334 = arith.constant 144 : i32
      %dma_start3A_335 = tpu.memref_slice %arg20[%add3A_329, %dma_start3A_334] : memref<512x177xf32, #tpu.memory_space<vmem>> -> memref<1x16xf32, #tpu.memory_space<vmem>>
      %dma_start3A_336 = arith.constant 0 : i32
      %dma_start3A_337 = tpu.memref_slice %arg17[%squeeze3A_327, %dma_start3A_336] : memref<10001x16xf32, #tpu.memory_space<hbm>> -> memref<1x16xf32, #tpu.memory_space<hbm>>
      tpu.enqueue_dma source(%dma_start3A_337 : memref<1x16xf32, #tpu.memory_space<hbm>>) target(%dma_start3A_335 : memref<1x16xf32, #tpu.memory_space<vmem>>) target_semaphore(%arg23 : memref<!tpu.dma_semaphore, #tpu.memory_space<semaphore_mem>>)
      %slice3A_338 = vector.extract_strided_slice %get3A_231 {offsets = [9], sizes = [1], strides = [1]} : vector<16xi32> to vector<1xi32>
      %squeeze3A_339 = vector.extract %slice3A_338[0] : i32 from vector<1xi32>
      %add3A_340 = arith.constant 9 : i32
      %add3A_341 = arith.addi %multiple_of3A_227, %add3A_340 : i32
      %dma_start3A_342 = arith.constant 144 : i32
      %dma_start3A_343 = tpu.memref_slice %arg20[%add3A_341, %dma_start3A_342] : memref<512x177xf32, #tpu.memory_space<vmem>> -> memref<1x16xf32, #tpu.memory_space<vmem>>
      %dma_start3A_344 = arith.constant 0 : i32
      %dma_start3A_345 = tpu.memref_slice %arg17[%squeeze3A_339, %dma_start3A_344] : memref<10001x16xf32, #tpu.memory_space<hbm>> -> memref<1x16xf32, #tpu.memory_space<hbm>>
      %dma_start3A_346 = arith.constant 144 : i32
      %dma_start3A_347 = tpu.memref_slice %arg20[%add3A_341, %dma_start3A_346] : memref<512x177xf32, #tpu.memory_space<vmem>> -> memref<1x16xf32, #tpu.memory_space<vmem>>
      %dma_start3A_348 = arith.constant 0 : i32
      %dma_start3A_349 = tpu.memref_slice %arg17[%squeeze3A_339, %dma_start3A_348] : memref<10001x16xf32, #tpu.memory_space<hbm>> -> memref<1x16xf32, #tpu.memory_space<hbm>>
      tpu.enqueue_dma source(%dma_start3A_349 : memref<1x16xf32, #tpu.memory_space<hbm>>) target(%dma_start3A_347 : memref<1x16xf32, #tpu.memory_space<vmem>>) target_semaphore(%arg23 : memref<!tpu.dma_semaphore, #tpu.memory_space<semaphore_mem>>)
      %slice3A_350 = vector.extract_strided_slice %get3A_231 {offsets = [10], sizes = [1], strides = [1]} : vector<16xi32> to vector<1xi32>
      %squeeze3A_351 = vector.extract %slice3A_350[0] : i32 from vector<1xi32>
      %add3A_352 = arith.constant 10 : i32
      %add3A_353 = arith.addi %multiple_of3A_227, %add3A_352 : i32
      %dma_start3A_354 = arith.constant 144 : i32
      %dma_start3A_355 = tpu.memref_slice %arg20[%add3A_353, %dma_start3A_354] : memref<512x177xf32, #tpu.memory_space<vmem>> -> memref<1x16xf32, #tpu.memory_space<vmem>>
      %dma_start3A_356 = arith.constant 0 : i32
      %dma_start3A_357 = tpu.memref_slice %arg17[%squeeze3A_351, %dma_start3A_356] : memref<10001x16xf32, #tpu.memory_space<hbm>> -> memref<1x16xf32, #tpu.memory_space<hbm>>
      %dma_start3A_358 = arith.constant 144 : i32
      %dma_start3A_359 = tpu.memref_slice %arg20[%add3A_353, %dma_start3A_358] : memref<512x177xf32, #tpu.memory_space<vmem>> -> memref<1x16xf32, #tpu.memory_space<vmem>>
      %dma_start3A_360 = arith.constant 0 : i32
      %dma_start3A_361 = tpu.memref_slice %arg17[%squeeze3A_351, %dma_start3A_360] : memref<10001x16xf32, #tpu.memory_space<hbm>> -> memref<1x16xf32, #tpu.memory_space<hbm>>
      tpu.enqueue_dma source(%dma_start3A_361 : memref<1x16xf32, #tpu.memory_space<hbm>>) target(%dma_start3A_359 : memref<1x16xf32, #tpu.memory_space<vmem>>) target_semaphore(%arg23 : memref<!tpu.dma_semaphore, #tpu.memory_space<semaphore_mem>>)
      %slice3A_362 = vector.extract_strided_slice %get3A_231 {offsets = [11], sizes = [1], strides = [1]} : vector<16xi32> to vector<1xi32>
      %squeeze3A_363 = vector.extract %slice3A_362[0] : i32 from vector<1xi32>
      %add3A_364 = arith.constant 11 : i32
      %add3A_365 = arith.addi %multiple_of3A_227, %add3A_364 : i32
      %dma_start3A_366 = arith.constant 144 : i32
      %dma_start3A_367 = tpu.memref_slice %arg20[%add3A_365, %dma_start3A_366] : memref<512x177xf32, #tpu.memory_space<vmem>> -> memref<1x16xf32, #tpu.memory_space<vmem>>
      %dma_start3A_368 = arith.constant 0 : i32
      %dma_start3A_369 = tpu.memref_slice %arg17[%squeeze3A_363, %dma_start3A_368] : memref<10001x16xf32, #tpu.memory_space<hbm>> -> memref<1x16xf32, #tpu.memory_space<hbm>>
      %dma_start3A_370 = arith.constant 144 : i32
      %dma_start3A_371 = tpu.memref_slice %arg20[%add3A_365, %dma_start3A_370] : memref<512x177xf32, #tpu.memory_space<vmem>> -> memref<1x16xf32, #tpu.memory_space<vmem>>
      %dma_start3A_372 = arith.constant 0 : i32
      %dma_start3A_373 = tpu.memref_slice %arg17[%squeeze3A_363, %dma_start3A_372] : memref<10001x16xf32, #tpu.memory_space<hbm>> -> memref<1x16xf32, #tpu.memory_space<hbm>>
      tpu.enqueue_dma source(%dma_start3A_373 : memref<1x16xf32, #tpu.memory_space<hbm>>) target(%dma_start3A_371 : memref<1x16xf32, #tpu.memory_space<vmem>>) target_semaphore(%arg23 : memref<!tpu.dma_semaphore, #tpu.memory_space<semaphore_mem>>)
      %slice3A_374 = vector.extract_strided_slice %get3A_231 {offsets = [12], sizes = [1], strides = [1]} : vector<16xi32> to vector<1xi32>
      %squeeze3A_375 = vector.extract %slice3A_374[0] : i32 from vector<1xi32>
      %add3A_376 = arith.constant 12 : i32
      %add3A_377 = arith.addi %multiple_of3A_227, %add3A_376 : i32
      %dma_start3A_378 = arith.constant 144 : i32
      %dma_start3A_379 = tpu.memref_slice %arg20[%add3A_377, %dma_start3A_378] : memref<512x177xf32, #tpu.memory_space<vmem>> -> memref<1x16xf32, #tpu.memory_space<vmem>>
      %dma_start3A_380 = arith.constant 0 : i32
      %dma_start3A_381 = tpu.memref_slice %arg17[%squeeze3A_375, %dma_start3A_380] : memref<10001x16xf32, #tpu.memory_space<hbm>> -> memref<1x16xf32, #tpu.memory_space<hbm>>
      %dma_start3A_382 = arith.constant 144 : i32
      %dma_start3A_383 = tpu.memref_slice %arg20[%add3A_377, %dma_start3A_382] : memref<512x177xf32, #tpu.memory_space<vmem>> -> memref<1x16xf32, #tpu.memory_space<vmem>>
      %dma_start3A_384 = arith.constant 0 : i32
      %dma_start3A_385 = tpu.memref_slice %arg17[%squeeze3A_375, %dma_start3A_384] : memref<10001x16xf32, #tpu.memory_space<hbm>> -> memref<1x16xf32, #tpu.memory_space<hbm>>
      tpu.enqueue_dma source(%dma_start3A_385 : memref<1x16xf32, #tpu.memory_space<hbm>>) target(%dma_start3A_383 : memref<1x16xf32, #tpu.memory_space<vmem>>) target_semaphore(%arg23 : memref<!tpu.dma_semaphore, #tpu.memory_space<semaphore_mem>>)
      %slice3A_386 = vector.extract_strided_slice %get3A_231 {offsets = [13], sizes = [1], strides = [1]} : vector<16xi32> to vector<1xi32>
      %squeeze3A_387 = vector.extract %slice3A_386[0] : i32 from vector<1xi32>
      %add3A_388 = arith.constant 13 : i32
      %add3A_389 = arith.addi %multiple_of3A_227, %add3A_388 : i32
      %dma_start3A_390 = arith.constant 144 : i32
      %dma_start3A_391 = tpu.memref_slice %arg20[%add3A_389, %dma_start3A_390] : memref<512x177xf32, #tpu.memory_space<vmem>> -> memref<1x16xf32, #tpu.memory_space<vmem>>
      %dma_start3A_392 = arith.constant 0 : i32
      %dma_start3A_393 = tpu.memref_slice %arg17[%squeeze3A_387, %dma_start3A_392] : memref<10001x16xf32, #tpu.memory_space<hbm>> -> memref<1x16xf32, #tpu.memory_space<hbm>>
      %dma_start3A_394 = arith.constant 144 : i32
      %dma_start3A_395 = tpu.memref_slice %arg20[%add3A_389, %dma_start3A_394] : memref<512x177xf32, #tpu.memory_space<vmem>> -> memref<1x16xf32, #tpu.memory_space<vmem>>
      %dma_start3A_396 = arith.constant 0 : i32
      %dma_start3A_397 = tpu.memref_slice %arg17[%squeeze3A_387, %dma_start3A_396] : memref<10001x16xf32, #tpu.memory_space<hbm>> -> memref<1x16xf32, #tpu.memory_space<hbm>>
      tpu.enqueue_dma source(%dma_start3A_397 : memref<1x16xf32, #tpu.memory_space<hbm>>) target(%dma_start3A_395 : memref<1x16xf32, #tpu.memory_space<vmem>>) target_semaphore(%arg23 : memref<!tpu.dma_semaphore, #tpu.memory_space<semaphore_mem>>)
      %slice3A_398 = vector.extract_strided_slice %get3A_231 {offsets = [14], sizes = [1], strides = [1]} : vector<16xi32> to vector<1xi32>
      %squeeze3A_399 = vector.extract %slice3A_398[0] : i32 from vector<1xi32>
      %add3A_400 = arith.constant 14 : i32
      %add3A_401 = arith.addi %multiple_of3A_227, %add3A_400 : i32
      %dma_start3A_402 = arith.constant 144 : i32
      %dma_start3A_403 = tpu.memref_slice %arg20[%add3A_401, %dma_start3A_402] : memref<512x177xf32, #tpu.memory_space<vmem>> -> memref<1x16xf32, #tpu.memory_space<vmem>>
      %dma_start3A_404 = arith.constant 0 : i32
      %dma_start3A_405 = tpu.memref_slice %arg17[%squeeze3A_399, %dma_start3A_404] : memref<10001x16xf32, #tpu.memory_space<hbm>> -> memref<1x16xf32, #tpu.memory_space<hbm>>
      %dma_start3A_406 = arith.constant 144 : i32
      %dma_start3A_407 = tpu.memref_slice %arg20[%add3A_401, %dma_start3A_406] : memref<512x177xf32, #tpu.memory_space<vmem>> -> memref<1x16xf32, #tpu.memory_space<vmem>>
      %dma_start3A_408 = arith.constant 0 : i32
      %dma_start3A_409 = tpu.memref_slice %arg17[%squeeze3A_399, %dma_start3A_408] : memref<10001x16xf32, #tpu.memory_space<hbm>> -> memref<1x16xf32, #tpu.memory_space<hbm>>
      tpu.enqueue_dma source(%dma_start3A_409 : memref<1x16xf32, #tpu.memory_space<hbm>>) target(%dma_start3A_407 : memref<1x16xf32, #tpu.memory_space<vmem>>) target_semaphore(%arg23 : memref<!tpu.dma_semaphore, #tpu.memory_space<semaphore_mem>>)
      %slice3A_410 = vector.extract_strided_slice %get3A_231 {offsets = [15], sizes = [1], strides = [1]} : vector<16xi32> to vector<1xi32>
      %squeeze3A_411 = vector.extract %slice3A_410[0] : i32 from vector<1xi32>
      %add3A_412 = arith.constant 15 : i32
      %add3A_413 = arith.addi %multiple_of3A_227, %add3A_412 : i32
      %dma_start3A_414 = arith.constant 144 : i32
      %dma_start3A_415 = tpu.memref_slice %arg20[%add3A_413, %dma_start3A_414] : memref<512x177xf32, #tpu.memory_space<vmem>> -> memref<1x16xf32, #tpu.memory_space<vmem>>
      %dma_start3A_416 = arith.constant 0 : i32
      %dma_start3A_417 = tpu.memref_slice %arg17[%squeeze3A_411, %dma_start3A_416] : memref<10001x16xf32, #tpu.memory_space<hbm>> -> memref<1x16xf32, #tpu.memory_space<hbm>>
      %dma_start3A_418 = arith.constant 144 : i32
      %dma_start3A_419 = tpu.memref_slice %arg20[%add3A_413, %dma_start3A_418] : memref<512x177xf32, #tpu.memory_space<vmem>> -> memref<1x16xf32, #tpu.memory_space<vmem>>
      %dma_start3A_420 = arith.constant 0 : i32
      %dma_start3A_421 = tpu.memref_slice %arg17[%squeeze3A_411, %dma_start3A_420] : memref<10001x16xf32, #tpu.memory_space<hbm>> -> memref<1x16xf32, #tpu.memory_space<hbm>>
      tpu.enqueue_dma source(%dma_start3A_421 : memref<1x16xf32, #tpu.memory_space<hbm>>) target(%dma_start3A_419 : memref<1x16xf32, #tpu.memory_space<vmem>>) target_semaphore(%arg23 : memref<!tpu.dma_semaphore, #tpu.memory_space<semaphore_mem>>)
    }
    %scan3A_201 = arith.constant 32 : i32
    %dma_wait3A_202 = arith.constant 0 : i32
    %dma_wait3A_203 = arith.constant 0 : i32
    %dma_wait3A_204 = tpu.memref_slice %arg20[%dma_wait3A_202, %dma_wait3A_203] : memref<512x177xf32, #tpu.memory_space<vmem>> -> memref<512x160xf32, #tpu.memory_space<vmem>>
    %dma_wait3A_205 = arith.constant 0 : i32
    %dma_wait3A_206 = arith.constant 0 : i32
    %dma_wait3A_207 = tpu.memref_slice %arg19[%dma_wait3A_205, %dma_wait3A_206] : memref<16384x177xf32, #tpu.memory_space<hbm>> -> memref<512x160xf32, #tpu.memory_space<hbm>>
    %dma_wait3A_208 = arith.constant 0 : i32
    %dma_wait3A_209 = arith.constant 0 : i32
    %dma_wait3A_210 = tpu.memref_slice %arg20[%dma_wait3A_208, %dma_wait3A_209] : memref<512x177xf32, #tpu.memory_space<vmem>> -> memref<512x160xf32, #tpu.memory_space<vmem>>
    %dma_wait3A_211 = arith.constant 0 : i32
    %dma_wait3A_212 = arith.constant 0 : i32
    %dma_wait3A_213 = tpu.memref_slice %arg19[%dma_wait3A_211, %dma_wait3A_212] : memref<16384x177xf32, #tpu.memory_space<hbm>> -> memref<512x160xf32, #tpu.memory_space<hbm>>
    tpu.wait_dma2 semaphore(%arg23 : memref<!tpu.dma_semaphore, #tpu.memory_space<semaphore_mem>>) src(%dma_wait3A_213 : memref<512x160xf32, #tpu.memory_space<hbm>>) dst(%dma_wait3A_210 : memref<512x160xf32, #tpu.memory_space<vmem>>)
    %dma_wait3A_214 = arith.constant 0 : i32
    %dma_wait3A_215 = arith.constant 160 : i32
    %dma_wait3A_216 = tpu.memref_slice %arg20[%dma_wait3A_214, %dma_wait3A_215] : memref<512x177xf32, #tpu.memory_space<vmem>> -> memref<512x17xf32, #tpu.memory_space<vmem>>
    %dma_wait3A_217 = arith.constant 0 : i32
    %dma_wait3A_218 = tpu.memref_slice %arg18[%multiple_of3A, %dma_wait3A_217] : memref<16384x17xf32, #tpu.memory_space<hbm>> -> memref<512x17xf32, #tpu.memory_space<hbm>>
    %dma_wait3A_219 = arith.constant 0 : i32
    %dma_wait3A_220 = arith.constant 160 : i32
    %dma_wait3A_221 = tpu.memref_slice %arg20[%dma_wait3A_219, %dma_wait3A_220] : memref<512x177xf32, #tpu.memory_space<vmem>> -> memref<512x17xf32, #tpu.memory_space<vmem>>
    %dma_wait3A_222 = arith.constant 0 : i32
    %dma_wait3A_223 = tpu.memref_slice %arg18[%multiple_of3A, %dma_wait3A_222] : memref<16384x17xf32, #tpu.memory_space<hbm>> -> memref<512x17xf32, #tpu.memory_space<hbm>>
    tpu.wait_dma2 semaphore(%arg24 : memref<!tpu.dma_semaphore, #tpu.memory_space<semaphore_mem>>) src(%dma_wait3A_223 : memref<512x17xf32, #tpu.memory_space<hbm>>) dst(%dma_wait3A_221 : memref<512x17xf32, #tpu.memory_space<vmem>>)
    "tpu.region"() ({
      %run_scoped3A = tpu.sem_alloc : memref<!tpu.dma_semaphore, #tpu.memory_space<semaphore_mem>>
      %dma_start3A_224 = arith.constant 0 : i32
      %dma_start3A_225 = tpu.memref_slice %arg19[%multiple_of3A, %dma_start3A_224] : memref<16384x177xf32, #tpu.memory_space<hbm>> -> memref<512x177xf32, #tpu.memory_space<hbm>>
      %dma_start3A_226 = arith.constant 0 : i32
      %dma_start3A_227 = tpu.memref_slice %arg19[%multiple_of3A, %dma_start3A_226] : memref<16384x177xf32, #tpu.memory_space<hbm>> -> memref<512x177xf32, #tpu.memory_space<hbm>>
      tpu.enqueue_dma source(%arg20 : memref<512x177xf32, #tpu.memory_space<vmem>>) target(%dma_start3A_227 : memref<512x177xf32, #tpu.memory_space<hbm>>) target_semaphore(%run_scoped3A : memref<!tpu.dma_semaphore, #tpu.memory_space<semaphore_mem>>)
      %dma_wait3A_228 = arith.constant 0 : i32
      %dma_wait3A_229 = tpu.memref_slice %arg19[%multiple_of3A, %dma_wait3A_228] : memref<16384x177xf32, #tpu.memory_space<hbm>> -> memref<512x177xf32, #tpu.memory_space<hbm>>
      %dma_wait3A_230 = arith.constant 0 : i32
      %dma_wait3A_231 = tpu.memref_slice %arg19[%multiple_of3A, %dma_wait3A_230] : memref<16384x177xf32, #tpu.memory_space<hbm>> -> memref<512x177xf32, #tpu.memory_space<hbm>>
      tpu.wait_dma2 semaphore(%run_scoped3A : memref<!tpu.dma_semaphore, #tpu.memory_space<semaphore_mem>>) src(%arg20 : memref<512x177xf32, #tpu.memory_space<vmem>>) dst(%dma_wait3A_231 : memref<512x177xf32, #tpu.memory_space<hbm>>)
      tpu.yield
    }) : () -> ()
    return
  }
}

</mosaic_0001>

<sc_bundles>
// kernel: kernel.3.cloned.1.call-start
scs
__scs_entry_jumppad:
0x0: {  	(pc) =	sbr.rel $0x88, $3  }
0x1: {  	(tag) =	ssettag $0x0;
	lr =	simm.s32 $0x1  }
0x2: {  	[smem:$0x3F8F] =	sst lr;
	_ =	strace $0xD0000000  }
0x3: {  	_ = 	snop  }
0x4: {  	_ = 	snop  }
0x5: {  	_ = 	snop  }
0x6: {  	_ = 	snop  }
0x7: {  	_ = 	snop  }
__scs_overlays_trampoline_lowered:
0x8: {  	[smem:$0x3F9E] =	sst s0  }
0x9: {  	[smem:$0x3F9F] =	sst s1  }
0xa: {  	[smem:$0x3FA0] =	sst s2  }
0xb: {  	[smem:$0x3FA1] =	sst s3  }
0xc: {  	[smem:$0x3FA2] =	sst s4  }
0xd: {  	[smem:$0x3FA3] =	sst s5  }
0xe: {  	[smem:$0x3FA4] =	sst s6  }
0xf: {  	[smem:$0x3FA5] =	sst s7  }
0x10: {  	[smem:$0x3FA6] =	sst s8  }
0x11: {  	[smem:$0x3FA7] =	sst s9;
	s0 =	simm.s32 @!p0 $0x0  }
0x12: {  	s1 =	sld [smem:$0x3F8D];
	s0 =	simm.s32 @p0 $0x1  }
0x13: {  	[smem:$0x3FA8] =	sst s0;
	s0 =	simm.s32 @!p1 $0x0  }
0x14: {  	s2 =	sld [smem:$0x3F8C];
	s0 =	simm.s32 @p1 $0x1  }
0x15: {  	[smem:$0x3FA9] =	sst s0;
	s0 =	simm.s32 @!p2 $0x0  }
0x16: {  	s3 =	sld [smem:$0x3FDB];
	s0 =	simm.s32 @p2 $0x1  }
0x17: {  	s4 =	simm.s32 $0x1BF5;
	[smem:$0x3FAB] =	sst s0  }
0x18: {  	s0 =	sld [smem:$0x3F8E];
	_ =	swait.ge [sflag:s4], $0x0  }
0x19: {  	s7 =	sld [smem:$0x3F8F]  }
0x1a: {  	s8 =	sadd.s32 $0xFFFFE003, lr  }
0x1b: {  	s9 =	sadd.s32 $0xFFFFFEF7, lr;
	s5 =	simm.s32 $0xFFFFFFFF;
	p2 =	slt.u32 s8, $0xFFFFF086  }
0x1c: {  	p1 =	slt.u32 s9, $0xF7A;
	s5 =	simm.s32 @!p2 $0x0  }
0x1d: {  	s5 =	simm.s32 @p1 $0x1;
	p0 =	seq.s32 s7, s2  }
0x1e: {  	s7 =	smul.u32 @!p0 $0xF7A, s2;
	p2 =	seq.s32 @!p0 s5, $0x0  }
0x1f: {  	s9 =	smul.u32 $0xF7A, s1;
	s8 =	simm.s32 @!p0 $0x1BF5;
	p2 =	por !p2, p0  }
0x20: {  	[sflag:s8] =	ssyncset.s32 @!p0 $0xFFFFF086;
	s6 =	sadd.s32 @!p0 s3, s7;
	s7 =	simm.s32 @!p0 $0x108  }
0x21: {  	s3 =	sadd.s32 s3, s9;
	s6 =	sadd.s32 @!p0 $0x88, s6;
	s7 =	simm.s32 @p2 $0x1082  }
0x22: {  	[simem:s7], [sflag:s8] =	dma.local @!p0 [hbm:s6], $0xF7A  }
0x23: {  	s9 =	sor.u32 $0xD0000000, s2;
	s6 =	simm.s32 $0x108;
	_ =	swait.ge @!p0 [sflag:s8], $0x0  }
0x24: {  	s3 =	sadd.s32 $0x88, s3;
	s6 =	simm.s32 @!p1 $0x1082;
	[sflag:s4] =	ssyncset.s32 $0xFFFFF086  }
0x25: {  	[simem:s6], [sflag:s4] =	dma.local [hbm:s3], $0xF7A  }
0x26: {  	[smem:$0x3F8F] =	sst s1;
	(tag) =	ssettag s2;
	_ =	strace s9  }
0x27: {  	s1 =	sld [smem:$0x3F9F]  }
0x28: {  	s2 =	sld [smem:$0x3FA0]  }
0x29: {  	s4 =	sld [smem:$0x3FA2]  }
0x2a: {  	p0 =	seq.s32 s5, $0x0;
	s5 =	sld [smem:$0x3FA3]  }
0x2b: {  	s6 =	sld [smem:$0x3FA4]  }
0x2c: {  	s7 =	sld [smem:$0x3FA5]  }
0x2d: {  	s3 =	simm.s32 $0x108;
	s8 =	sld [smem:$0x3FA6]  }
0x2e: {  	s3 =	simm.s32 @!p0 $0x1082;
	s9 =	sld [smem:$0x3FA7]  }
0x2f: {  	lr =	sadd.s32 s0, s3;
	s0 =	sld [smem:$0x3F9E]  }
0x30: {  	s3 =	sld [smem:$0x3FA1]  }
0x31: {  	[smem:$0x3FAA] =	sst s10  }
0x32: {  	s10 =	sld [smem:$0x3FA8];
	_ =	sdelay $0x3  }
0x33: {  	p0 =	seq.s32 s10, $0x1;
	s10 =	sld [smem:$0x3FAA];
	_ =	sdelay $0x3  }
0x34: {  	[smem:$0x3FAA] =	sst s10  }
0x35: {  	s10 =	sld [smem:$0x3FA9];
	_ =	sdelay $0x3  }
0x36: {  	p1 =	seq.s32 s10, $0x1;
	s10 =	sld [smem:$0x3FAA];
	_ =	sdelay $0x3  }
0x37: {  	[smem:$0x3FAA] =	sst s10  }
0x38: {  	s10 =	sld [smem:$0x3FAB]  }
0x39: {  	_ = 	snop;
	(pc) =	sbr.ind lr, $3  }
0x3a: {  	_ = 	snop  }
0x3b: {  	_ = 	snop  }
0x3c: {  	p2 =	seq.s32 s10, $0x1;
	s10 =	sld [smem:$0x3FAA]  }
0x3d: {  	_ =	shalt  }
0x3e: {  	_ =	shalt  }
0x3f: {  	_ =	shalt  }
0x40: {  	_ =	shalt  }
0x41: {  	_ =	shalt  }
0x42: {  	_ =	shalt  }
0x43: {  	_ =	shalt  }
0x44: {  	_ =	shalt  }
0x45: {  	_ =	shalt  }
0x46: {  	_ =	shalt  }
0x47: {  	_ =	shalt  }
0x48: {  	_ =	shalt  }
0x49: {  	_ =	shalt  }
0x4a: {  	_ =	shalt  }
0x4b: {  	_ =	shalt  }
0x4c: {  	_ =	shalt  }
0x4d: {  	_ =	shalt  }
0x4e: {  	_ =	shalt  }
0x4f: {  	_ =	shalt  }
0x50: {  	_ =	shalt  }
0x51: {  	_ =	shalt  }
0x52: {  	_ =	shalt  }
0x53: {  	_ =	shalt  }
0x54: {  	_ =	shalt  }
0x55: {  	_ =	shalt  }
0x56: {  	_ =	shalt  }
0x57: {  	_ =	shalt  }
0x58: {  	_ =	shalt  }
0x59: {  	_ =	shalt  }
0x5a: {  	_ =	shalt  }
0x5b: {  	_ =	shalt  }
0x5c: {  	_ =	shalt  }
0x5d: {  	_ =	shalt  }
0x5e: {  	_ =	shalt  }
0x5f: {  	_ =	shalt  }
0x60: {  	_ =	shalt  }
0x61: {  	_ =	shalt  }
0x62: {  	_ =	shalt  }
0x63: {  	_ =	shalt  }
0x64: {  	_ =	shalt  }
0x65: {  	_ =	shalt  }
0x66: {  	_ =	shalt  }
0x67: {  	_ =	shalt  }
0x68: {  	_ =	shalt  }
0x69: {  	_ =	shalt  }
0x6a: {  	_ =	shalt  }
0x6b: {  	_ =	shalt  }
0x6c: {  	_ =	shalt  }
0x6d: {  	_ =	shalt  }
0x6e: {  	_ =	shalt  }
0x6f: {  	_ =	shalt  }
0x70: {  	_ =	shalt  }
0x71: {  	_ =	shalt  }
0x72: {  	_ =	shalt  }
0x73: {  	_ =	shalt  }
0x74: {  	_ =	shalt  }
0x75: {  	_ =	shalt  }
0x76: {  	_ =	shalt  }
0x77: {  	_ =	shalt  }
0x78: {  	_ =	shalt  }
0x79: {  	_ =	shalt  }
0x7a: {  	_ =	shalt  }
0x7b: {  	_ =	shalt  }
0x7c: {  	_ =	shalt  }
0x7d: {  	_ =	shalt  }
0x7e: {  	_ =	shalt  }
0x7f: {  	_ =	shalt  }
0x80: {  	_ =	shalt  }
0x81: {  	_ =	shalt  }
0x82: {  	_ =	shalt  }
0x83: {  	_ =	shalt  }
0x84: {  	_ =	shalt  }
0x85: {  	_ =	shalt  }
0x86: {  	_ =	shalt  }
0x87: {  	_ =	shalt  }
.Lfunc_end0:
.L_simem_size_0:
called_computation_lowered:
.L_overlay_start_0:
0x88: {  	s2 =	sld [smem:$0x3FD9]  }
0x89: {  	s3 =	sld [smem:$0x3FFE];
	_ =	sdelay $0x1  }
0x8a: {  	s1 =	srdreg.scid  }
0x8b: {  	s0 =	sand.u32 $0x1, s1  }
0x8c: {  	s17 =	sshll.u32 s0, $0xA;
	s2 =	sadd.s32 s3, s2  }
0x8d: {  	s2 =	sadd.s32 s2, s17  }
0x8e: {  	[smem:$0x3FB6] =	sst s2  }
0x8f: {  	_ = 	snop  }
0x90: {  	s2 =	sld [smem:$0x3FC9]  }
0x91: {  	s18 =	sld [smem:$0x3FC7]  }
0x92: {  	s4 =	sld [smem:$0x3FC5]  }
0x93: {  	s5 =	sld [smem:$0x3FC3]  }
0x94: {  	s6 =	sld [smem:$0x3FC1]  }
0x95: {  	s7 =	sld [smem:$0x3FBF]  }
0x96: {  	s8 =	sld [smem:$0x3FBD]  }
0x97: {  	s9 =	sld [smem:$0x3FBB]  }
0x98: {  	s10 =	sld [smem:$0x3FD0];
	(tm) =	ssettm $0x1  }
0x99: {  	s11 =	sld [smem:$0x3FFB];
	_ =	sdelay $0x3  }
0x9a: {  	_ =	strace s11  }
0x9b: {  	s11 =	sld [smem:$0x3FFC];
	_ =	sdelay $0x3  }
0x9c: {  	_ =	strace s11  }
0x9d: {  	s11 =	sld [smem:$0x3FFD];
	_ =	sdelay $0x3  }
0x9e: {  	_ =	strace s11  }
0x9f: {  	_ =	strace $0x8FFFFFFF  }
0xa0: {  	s19 =	sld [smem:$0x3FDB];
	_ =	sdelay $0x1  }
0xa1: {  	s12 =	simm.s32 $_scs_section_size  }
0xa2: {  	s13 =	simm.s32 $_size__tile_overlayer_lowered;
	s14 =	simm.s32 $_tile_overlayer_lowered  }
0xa3: {  	s22 =	simm.s32 $0x1BFF;
	s21 =	sshll.u32 s14, $0x1;
	s11 =	sadd.s32 s12, s19  }
0xa4: {  	s15 =	simm.s32 $0x0;
	s20 =	sshll.u32 s13, $0x1;
	s13 =	sadd.s32 s21, s11  }
0xa5: {  	[timem:s15], [sflag:s22] =	dma.local [hbm:s13], s20  }
0xa6: {  	_ =	swait.ge [sflag:s22], s20  }
0xa7: {  	s12 =	ssub.s32 $0x0, s20;
	[sflag:s22] =	ssyncset.done $0x0  }
0xa8: {  	[sflag:s22] =	ssyncadd.s32 s12;
	_ =	sdelay $0x1  }
0xa9: {  	s23 =	simm.s32 $0x1B8B  }
0xaa: {  	_ =	swait.ge [sflag:s23], $0x1  }
0xab: {  	[sflag:s23] =	ssyncset.done $0x0  }
0xac: {  	s25 =	simm.s32 $0x1B8E;
	s24 =	sld [smem:$0x3FFE];
	[sflag:s23] =	ssyncadd.s32 $0xFFFFFFFF  }
0xad: {  	s26 =	simm.s32 $execute0_lowered;
	[smem:$0x3FD2] =	sst s25  }
0xae: {  	s13 =	sshll.u32 s26, $0x1;
	_ =	strace $0x80000046;
	[dreg:$0x1] =	wrdreg $0xFFFFFFFF  }
0xaf: {  	s28 =	simm.s32 $_size_execute0_lowered;
	s11 =	sadd.s32 s11, s13;
	[dreg:$0x0] =	wrdreg $0x0  }
0xb0: {  	s13 =	sshll.u32 s28, $0x1;
	[dreg:$0x2] =	wrdreg s11  }
0xb1: {  	[dreg:$0x3] =	wrdreg s13  }
0xb2: {  	[dreg:$0x4] =	wrdreg $0xC0  }
0xb3: {  	_ =	task [dreg:s15], $0x5FFFF  }
0xb4: {  	[dreg:$0x1] =	wrdreg $0xFFFFFFFF  }
0xb5: {  	[dreg:$0x0] =	wrdreg $0x60  }
0xb6: {  	[dreg:$0x2] =	wrdreg s2  }
0xb7: {  	[dreg:$0x3] =	wrdreg s18  }
0xb8: {  	[dreg:$0x4] =	wrdreg s4  }
0xb9: {  	[dreg:$0x5] =	wrdreg s5  }
0xba: {  	[dreg:$0x6] =	wrdreg s6  }
0xbb: {  	[dreg:$0x7] =	wrdreg s7  }
0xbc: {  	[dreg:$0x8] =	wrdreg s8  }
0xbd: {  	[dreg:$0x9] =	wrdreg s9  }
0xbe: {  	[dreg:$0xa] =	wrdreg s24  }
0xbf: {  	[dreg:$0xb] =	wrdreg s10  }
0xc0: {  	[dreg:$0xc] =	wrdreg $0x9  }
0xc1: {  	_ =	task.clear_ibuf [dreg:s15], $0xDFFFF;
	_ =	strace $0x90000046  }
0xc2: {  	s29 =	simm.s32 $0x9;
	_ =	strace $0x80000048  }
0xc3: {  	_ =	swait.ge [sflag:s29], $0x1  }
0xc4: {  	[sflag:s29] =	ssyncadd.s32 $0xFFFFFFFF  }
0xc5: {  	_ =	strace $0x90000048  }
0xc6: {  	_ =	sfence  }
0xc7: {  	s30 =	sld [smem:$0x0];
	_ =	sdelay $0x2  }
0xc8: {  	s31 =	sshll.u32 s1, $0xD;
	s1 =	sshrl.u32 s1, $0x2  }
0xc9: {  	s3 =	sand.u32 $0x4000, s31;
	s1 =	sadd.s32 s1, s30  }
0xca: {  	s0 =	sor.u32 s3, s0;
	s1 =	sshll.u32 s1, $0x11  }
0xcb: {  	s0 =	sor.u32 s1, s0  }
0xcc: {  	s0 =	sadd.s32 $0x8F2B, s0  }
0xcd: {  	[sflag:s0] =	ssyncadd.remote.s32 $0x1  }
0xce: {  	_ =	sfence.sel $0xFFFF  }
0xcf: {  	[dreg:$0x0] =	wrdreg $0xFFFFFFFF;
	(pc) =	sbr.abs _section_cstart, $3  }
0xd0: {  	[dreg:$0x1] =	wrdreg $0xFFFFFFFF  }
0xd1: {  	_ =	task.clear_ibuf [dreg:s15], $0x2FFFF;
	_ =	strace $0x9FFFFFFF  }
0xd2: {  	(tm) =	ssettm $0x7FFFFFFF  }
0xd3: {  	_ =	shalt  }
tec
execute0_lowered:
.L_overlay_start_1:
0x0: {  	(tag) =	ssettag $0x1  }
0x1: {  	s0 =	rddreg [dreg:$0x0]  }
0x2: {  	s2 =	rddreg [dreg:$0x1]  }
0x3: {  	s12 =	rddreg [dreg:$0x2]  }
0x4: {  	s13 =	rddreg [dreg:$0x3]  }
0x5: {  	s14 =	rddreg [dreg:$0x4]  }
0x6: {  	s15 =	rddreg [dreg:$0x5]  }
0x7: {  	s16 =	rddreg [dreg:$0x6]  }
0x8: {  	s17 =	rddreg [dreg:$0x7]  }
0x9: {  	s11 =	rddreg [dreg:$0x8]  }
0xa: {  	s18 =	rddreg [dreg:$0x9];
	s5 =	srdreg.scid  }
0xb: {  	s1 =	simm.s32 $0x0;
	s6 =	stileid.u32;
	s9 =	sand.u32 $0x1, s5  }
0xc: {  	[smem:$0x7FF] =	sst s1;
	s8 =	sshll.u32 s6, $0xA;
	s10 =	sshll.u32 s9, $0x9  }
0xd: {  	s3 =	sadd.s32 $0x1315000, s11;
	s4 =	sadd.s32 $0xF44600, s11;
	s19 =	sor.u32 s10, s8  }
0xe: {  	s5 =	sadd.s32 $0x21B600, s11;
	s21 =	ssub.s32 $0x2, s9;
	s31 =	sshrl.u32 s19, $0x3  }
0xf: {  	_ =	strace $0x80000047;
	s22 =	sshrl.u32 s21, $0x1;
	s0 =	sadd.s32 s0, s31  }
0x10: {  	s21 =	ssub.s32 s21, s22;
	s22 =	sadd.s32 s2, s31;
	[dreg:$0xb] =	wrdreg s0  }
0x11: {  	s6 =	sadd.s32 $0x1EA800, s11;
	s23 =	sadd.s32 s12, s31;
	[dreg:$0xc] =	wrdreg s22  }
0x12: {  	s7 =	sadd.s32 $0x1B9A00, s11;
	s24 =	sadd.s32 s13, s31;
	[dreg:$0xd] =	wrdreg s23  }
0x13: {  	s9 =	sadd.s32 $0x13000, s11;
	s26 =	sadd.s32 s14, s31;
	[dreg:$0xe] =	wrdreg s24  }
0x14: {  	s8 =	sadd.s32 $0x188C00, s11;
	s28 =	sadd.s32 s15, s31;
	[dreg:$0xf] =	wrdreg s26  }
0x15: {  	s20 =	smul.u32 $0x3, s19;
	s29 =	sadd.s32 s16, s31;
	[dreg:$0x10] =	wrdreg s28  }
0x16: {  	s25 =	smul.u32 $0x17, s19;
	s30 =	sadd.s32 s17, s31;
	[dreg:$0x11] =	wrdreg s29  }
0x17: {  	s10 =	sadd.s32 $0xE000, s11;
	s31 =	smax.u32 s21, $0x1;
	[dreg:$0x12] =	wrdreg s30  }
0x18: {  	s11 =	sadd.s32 s20, s11;
	s0 =	sadd.s32 s18, s25;
	[dreg:$0x14] =	wrdreg s31  }
0x19: {  	s12 =	simm.s32 $0x0;
	s11 =	sadd.s32 $0x2000, s11;
	[dreg:$0x13] =	wrdreg s0  }
.LBB2_1:
0x1a: {  	[dreg:$0x15] =	wrdreg s12;
	s12 =	simm.s32 $0xA0  }
0x1b: {  	s13 =	simm.s32 $0x3;
	s15 =	sadd.s32 $0x0, s11;
	s14 =	simm.s32 $0x158  }
.LBB2_2:
0x1c: {  	[tilespmem:s12], [sflag:$0x3] =	stream.linear.gather [hbm4b:s15+s1], $0x18, $0x38;
	[tilespmem:$0x18000] =	vst v63  }
0x1d: {  	s15 =	smov.u32 s13;
	s12 =	smov.u32 s14;
	p0 =	sne.s32 s13, $0x5FD  }
.Ltmp0:
0x1e: {  	s13 =	sadd.s32 $0x3, s13;
	(pc) =	sbr.rel @p0 .LBB2_2-.Ltmp0, $2  }
0x1f: {  	_ =	sdelay $0x2  }
0x20: {  	s14 =	sadd.s32 $0xB8, s14;
	s15 =	sadd.s32 s15, s11  }
0x21: {  	[tilespmem:s12], [sflag:$0x3] =	stream.linear.gather [hbm4b:s15+s1], $0x18, $0x38;
	[tilespmem:$0x18000] =	vst v63  }
0x22: {  	s23 =	simm.s32 $0x0;
	s15 =	simm.s32 $0x17000;
	s0 =	rddreg [dreg:$0xb]  }
0x23: {  	[tilespmem:s15], [sflag:$0x1] =	stream.linear.gather [hbm4b:s0+s23], $0x200, $0x38;
	[tilespmem:$0x18000] =	vst v63  }
0x24: {  	s16 =	rddreg [dreg:$0xc];
	s2 =	simm.s32 $0x17200  }
0x25: {  	[tilespmem:s2], [sflag:$0x1] =	stream.linear.gather [hbm4b:s16+s23], $0x200, $0x38;
	[tilespmem:$0x18000] =	vst v63  }
0x26: {  	s17 =	rddreg [dreg:$0xd];
	s18 =	simm.s32 $0x17400  }
0x27: {  	[tilespmem:s18], [sflag:$0x1] =	stream.linear.gather [hbm4b:s17+s23], $0x200, $0x38;
	[tilespmem:$0x18000] =	vst v63  }
0x28: {  	s19 =	rddreg [dreg:$0xe];
	s20 =	simm.s32 $0x17600  }
0x29: {  	[tilespmem:s20], [sflag:$0x1] =	stream.linear.gather [hbm4b:s19+s23], $0x200, $0x38;
	[tilespmem:$0x18000] =	vst v63  }
0x2a: {  	s21 =	rddreg [dreg:$0xf];
	s22 =	simm.s32 $0x17800  }
0x2b: {  	[tilespmem:s22], [sflag:$0x1] =	stream.linear.gather [hbm4b:s21+s23], $0x200, $0x38;
	[tilespmem:$0x18000] =	vst v63  }
0x2c: {  	s24 =	rddreg [dreg:$0x10];
	s25 =	simm.s32 $0x17A00  }
0x2d: {  	[tilespmem:s25], [sflag:$0x1] =	stream.linear.gather [hbm4b:s24+s23], $0x200, $0x38;
	[tilespmem:$0x18000] =	vst v63  }
0x2e: {  	s26 =	rddreg [dreg:$0x11];
	s28 =	simm.s32 $0x17C00  }
0x2f: {  	[tilespmem:s28], [sflag:$0x1] =	stream.linear.gather [hbm4b:s26+s23], $0x200, $0x38;
	[tilespmem:$0x18000] =	vst v63  }
0x30: {  	s29 =	rddreg [dreg:$0x12];
	s30 =	simm.s32 $0x17E00;
	s31 =	simm.s32 $0x1  }
0x31: {  	[tilespmem:s30], [sflag:$0x1] =	stream.linear.gather [hbm4b:s29+s23], $0x200, $0x38;
	[tilespmem:$0x18000] =	vst v63  }
0x32: {  	_ =	swait.ge [sflag:s31], $0x200  }
0x33: {  	[sflag:s31] =	ssyncset.done $0x0  }
0x34: {  	[sflag:s31] =	ssyncadd.s32 $0xFFFFFE00  }
0x35: {  	_ =	swait.ge [sflag:s31], $0x200  }
0x36: {  	[sflag:s31] =	ssyncset.done $0x0  }
0x37: {  	[sflag:s31] =	ssyncadd.s32 $0xFFFFFE00  }
0x38: {  	_ =	swait.ge [sflag:s31], $0x200  }
0x39: {  	[sflag:s31] =	ssyncset.done $0x0  }
0x3a: {  	[sflag:s31] =	ssyncadd.s32 $0xFFFFFE00  }
0x3b: {  	_ =	swait.ge [sflag:s31], $0x200  }
0x3c: {  	[sflag:s31] =	ssyncset.done $0x0  }
0x3d: {  	[sflag:s31] =	ssyncadd.s32 $0xFFFFFE00  }
0x3e: {  	_ =	swait.ge [sflag:s31], $0x200  }
0x3f: {  	[sflag:s31] =	ssyncset.done $0x0  }
0x40: {  	[sflag:s31] =	ssyncadd.s32 $0xFFFFFE00  }
0x41: {  	_ =	swait.ge [sflag:s31], $0x200  }
0x42: {  	[sflag:s31] =	ssyncset.done $0x0  }
0x43: {  	[sflag:s31] =	ssyncadd.s32 $0xFFFFFE00  }
0x44: {  	_ =	swait.ge [sflag:s31], $0x200  }
0x45: {  	[sflag:s31] =	ssyncset.done $0x0  }
0x46: {  	[sflag:s31] =	ssyncadd.s32 $0xFFFFFE00  }
0x47: {  	_ =	swait.ge [sflag:s31], $0x200  }
0x48: {  	[sflag:s31] =	ssyncset.done $0x0  }
0x49: {  	[sflag:s31] =	ssyncadd.s32 $0xFFFFFE00  }
0x4a: {  	v0 =	vld [tilespmem:s15+$0x0];
	_ =	sdelay $0x4  }
0x4b: {  	v0 =	vshll.u32 v0, $0x2  }
0x4c: {  	(v2sf) =	vpush v0, $0x0  }
0x4d: {  	(v2sf) =	vpush v0, $0x1  }
0x4e: {  	(v2sf) =	vpush v0, $0x3;
	_ =	sdelay $0x1  }
0x4f: {  	(v2sf) =	vpush v0, $0x2;
	_ =	sdelay $0x1  }
0x50: {  	(v2sf) =	vpush v0, $0x4;
	_ =	sdelay $0x2  }
0x51: {  	(v2sf) =	vpush v0, $0x5  }
0x52: {  	s25 =	simm.s32 $0x2E00;
	s24 =	simm.s32 $0x0;
	s26 =	simm.s32 $0x17010;
	(v2sf) =	vpush v0, $0x6  }
.LBB2_4:
0x53: {  	p0 =	sne.s32 s25, $0x59200  }
0x54: {  	s19 =	sadd.s32 $0x228, s24;
	s17 =	sadd.s32 $0x398, s24;
	s28 =	smov.u32 s25  }
0x55: {  	s25 =	sadd.s32 $0x2E00, s25;
	s16 =	sadd.s32 $0x508, s24;
	s15 =	sadd.s32 $0x5C0, s24;
	(v2sf) =	vpush v0, $0x7  }
0x56: {  	s18 =	sadd.s32 $0x450, s24;
	s14 =	sadd.s32 $0x678, s24;
	s12 =	sadd.s32 $0x958, s24  }
0x57: {  	s20 =	sadd.s32 $0xB8, s24;
	s29 =	sadd.s32 $0x730, s24;
	s13 =	spop (v2sf);
	(v2sf) =	vpush v0, $0x8  }
0x58: {  	s21 =	sand.u32 $0x1FFFFFFC, s13;
	s13 =	sadd.s32 $0x8A0, s24;
	s31 =	spop (v2sf)  }
0x59: {  	s21 =	sadd.s32 s3, s21;
	s31 =	sand.u32 $0x1FFFFFFC, s31;
	s0 =	spop (v2sf);
	(v2sf) =	vpush v0, $0x9  }
0x5a: {  	[tilespmem:s24], [sflag:$0x2] =	stream.linear.gather [hbm4b:s21+s23], $0x20, $0x38;
	[tilespmem:$0x18000] =	vst v63  }
0x5b: {  	s21 =	sadd.s32 s3, s31;
	s0 =	sand.u32 $0x1FFFFFFC, s0;
	s31 =	spop (v2sf);
	(v2sf) =	vpush v0, $0xA  }
0x5c: {  	[tilespmem:s20], [sflag:$0x2] =	stream.linear.gather [hbm4b:s21+s23], $0x20, $0x38;
	[tilespmem:$0x18000] =	vst v63  }
0x5d: {  	s20 =	sand.u32 $0x1FFFFFFC, s31;
	s21 =	sadd.s32 $0x2E0, s24;
	s31 =	spop (v2sf);
	(v2sf) =	vpush v0, $0xB  }
0x5e: {  	s2 =	sadd.s32 $0x170, s24;
	s20 =	sadd.s32 s3, s20;
	s31 =	sand.u32 $0x1FFFFFFC, s31  }
0x5f: {  	[tilespmem:s2], [sflag:$0x2] =	stream.linear.gather [hbm4b:s20+s23], $0x20, $0x38;
	(v2sf) =	vpush v0, $0xC;
	[tilespmem:$0x18000] =	vst v63  }
0x60: {  	s0 =	sadd.s32 s3, s0;
	s2 =	sadd.s32 $0x7E8, s24;
	s20 =	spop (v2sf)  }
0x61: {  	[tilespmem:s19], [sflag:$0x2] =	stream.linear.gather [hbm4b:s0+s23], $0x20, $0x38;
	(v2sf) =	vpush v0, $0xD;
	[tilespmem:$0x18000] =	vst v63  }
0x62: {  	s0 =	sadd.s32 s3, s31;
	s19 =	sand.u32 $0x1FFFFFFC, s20;
	s20 =	spop (v2sf)  }
0x63: {  	[tilespmem:s21], [sflag:$0x2] =	stream.linear.gather [hbm4b:s0+s23], $0x20, $0x38;
	(v2sf) =	vpush v0, $0xE;
	[tilespmem:$0x18000] =	vst v63  }
0x64: {  	s0 =	sadd.s32 s3, s19;
	s19 =	sand.u32 $0x1FFFFFFC, s20;
	s20 =	spop (v2sf)  }
0x65: {  	[tilespmem:s17], [sflag:$0x2] =	stream.linear.gather [hbm4b:s0+s23], $0x20, $0x38;
	(v2sf) =	vpush v0, $0xF;
	[tilespmem:$0x18000] =	vst v63  }
0x66: {  	s0 =	sadd.s32 s3, s19;
	s17 =	sand.u32 $0x1FFFFFFC, s20;
	s19 =	spop (v2sf)  }
0x67: {  	[tilespmem:s18], [sflag:$0x2] =	stream.linear.gather [hbm4b:s0+s23], $0x20, $0x38;
	[tilespmem:$0x18000] =	vst v63  }
0x68: {  	s0 =	sadd.s32 s3, s17;
	s17 =	sand.u32 $0x1FFFFFFC, s19;
	s18 =	spop (v2sf)  }
0x69: {  	[tilespmem:s16], [sflag:$0x2] =	stream.linear.gather [hbm4b:s0+s23], $0x20, $0x38;
	[tilespmem:$0x18000] =	vst v63  }
0x6a: {  	s0 =	sadd.s32 s3, s17;
	s16 =	sand.u32 $0x1FFFFFFC, s18;
	s17 =	spop (v2sf)  }
0x6b: {  	[tilespmem:s15], [sflag:$0x2] =	stream.linear.gather [hbm4b:s0+s23], $0x20, $0x38;
	[tilespmem:$0x18000] =	vst v63  }
0x6c: {  	s0 =	sadd.s32 s3, s16;
	s15 =	sand.u32 $0x1FFFFFFC, s17;
	s16 =	spop (v2sf)  }
0x6d: {  	[tilespmem:s14], [sflag:$0x2] =	stream.linear.gather [hbm4b:s0+s23], $0x20, $0x38;
	[tilespmem:$0x18000] =	vst v63  }
0x6e: {  	s0 =	sadd.s32 s3, s15;
	s14 =	sand.u32 $0x1FFFFFFC, s16;
	s15 =	spop (v2sf)  }
0x6f: {  	[tilespmem:s29], [sflag:$0x2] =	stream.linear.gather [hbm4b:s0+s23], $0x20, $0x38;
	[tilespmem:$0x18000] =	vst v63  }
0x70: {  	s0 =	sadd.s32 s3, s14;
	s14 =	sand.u32 $0x1FFFFFFC, s15;
	s15 =	spop (v2sf)  }
0x71: {  	[tilespmem:s2], [sflag:$0x2] =	stream.linear.gather [hbm4b:s0+s23], $0x20, $0x38;
	[tilespmem:$0x18000] =	vst v63  }
0x72: {  	s0 =	sadd.s32 s3, s14;
	s2 =	sand.u32 $0x1FFFFFFC, s15;
	s14 =	spop (v2sf)  }
0x73: {  	[tilespmem:s13], [sflag:$0x2] =	stream.linear.gather [hbm4b:s0+s23], $0x20, $0x38;
	[tilespmem:$0x18000] =	vst v63  }
0x74: {  	s0 =	sadd.s32 s3, s2;
	s2 =	sand.u32 $0x1FFFFFFC, s14;
	s13 =	spop (v2sf)  }
0x75: {  	[tilespmem:s12], [sflag:$0x2] =	stream.linear.gather [hbm4b:s0+s23], $0x20, $0x38;
	[tilespmem:$0x18000] =	vst v63  }
0x76: {  	s2 =	sadd.s32 s3, s2;
	s0 =	sadd.s32 $0xA10, s24;
	s12 =	sand.u32 $0x1FFFFFFC, s13  }
0x77: {  	[tilespmem:s0], [sflag:$0x2] =	stream.linear.gather [hbm4b:s2+s23], $0x20, $0x38;
	[tilespmem:$0x18000] =	vst v63  }
0x78: {  	s0 =	sadd.s32 $0xAC8, s24;
	s2 =	sadd.s32 s3, s12  }
0x79: {  	[tilespmem:s0], [sflag:$0x2] =	stream.linear.gather [hbm4b:s2+s23], $0x20, $0x38;
	[tilespmem:$0x18000] =	vst v63  }
0x7a: {  	v0 =	vld [tilespmem:s26+$0x0];
	_ =	sdelay $0x4  }
0x7b: {  	v0 =	vshll.u32 v0, $0x2  }
0x7c: {  	(v2sf) =	vpush v0, $0x0  }
0x7d: {  	(v2sf) =	vpush v0, $0x1  }
0x7e: {  	(v2sf) =	vpush v0, $0x3;
	_ =	sdelay $0x1  }
0x7f: {  	(v2sf) =	vpush v0, $0x2;
	_ =	sdelay $0x1  }
0x80: {  	(v2sf) =	vpush v0, $0x4  }
.Ltmp1:
0x81: {  	(pc) =	sbr.rel @p0 .LBB2_4-.Ltmp1, $3  }
0x82: {  	_ = 	snop  }
0x83: {  	(v2sf) =	vpush v0, $0x5;
	_ =	sdelay $0x1  }
0x84: {  	s24 =	sshra.s32 s28, $0x2;
	s26 =	sadd.s32 $0x10, s26;
	(v2sf) =	vpush v0, $0x6  }
0x85: {  	s0 =	sadd.s32 $0x228, s24  }
0x86: {  	s2 =	sadd.s32 $0x398, s24;
	s14 =	sadd.s32 $0x508, s24;
	s15 =	sadd.s32 $0x5C0, s24;
	(v2sf) =	vpush v0, $0x7  }
0x87: {  	s16 =	sadd.s32 $0x450, s24;
	s17 =	sadd.s32 $0x678, s24;
	s12 =	sadd.s32 $0x958, s24  }
0x88: {  	s18 =	sadd.s32 $0xB8, s24;
	s19 =	sadd.s32 $0x730, s24;
	s13 =	spop (v2sf);
	(v2sf) =	vpush v0, $0x8  }
0x89: {  	s26 =	sadd.s32 $0x170, s24;
	s20 =	sand.u32 $0x1FFFFFFC, s13;
	s21 =	spop (v2sf)  }
0x8a: {  	s20 =	sadd.s32 s3, s20;
	s21 =	sand.u32 $0x1FFFFFFC, s21;
	s25 =	spop (v2sf);
	(v2sf) =	vpush v0, $0x9  }
0x8b: {  	[tilespmem:s24], [sflag:$0x2] =	stream.linear.gather [hbm4b:s20+s23], $0x20, $0x38;
	[tilespmem:$0x18000] =	vst v63  }
0x8c: {  	s13 =	sadd.s32 $0x8A0, s24;
	s28 =	sadd.s32 s3, s21;
	s30 =	spop (v2sf);
	(v2sf) =	vpush v0, $0xA  }
0x8d: {  	[tilespmem:s18], [sflag:$0x2] =	stream.linear.gather [hbm4b:s28+s23], $0x20, $0x38;
	[tilespmem:$0x18000] =	vst v63  }
0x8e: {  	s29 =	sand.u32 $0x1FFFFFFC, s25;
	s31 =	sand.u32 $0x1FFFFFFC, s30;
	s22 =	spop (v2sf);
	(v2sf) =	vpush v0, $0xB  }
0x8f: {  	s20 =	sadd.s32 $0x2E0, s24;
	s21 =	sadd.s32 $0x7E8, s24;
	s18 =	sadd.s32 s3, s31  }
0x90: {  	[tilespmem:s26], [sflag:$0x2] =	stream.linear.gather [hbm4b:s18+s23], $0x20, $0x38;
	(v2sf) =	vpush v0, $0xC;
	[tilespmem:$0x18000] =	vst v63  }
0x91: {  	s25 =	sand.u32 $0x1FFFFFFC, s22;
	s26 =	sadd.s32 s3, s29;
	s28 =	spop (v2sf)  }
0x92: {  	[tilespmem:s0], [sflag:$0x2] =	stream.linear.gather [hbm4b:s26+s23], $0x20, $0x38;
	(v2sf) =	vpush v0, $0xD;
	[tilespmem:$0x18000] =	vst v63  }
0x93: {  	s29 =	sadd.s32 s3, s25;
	s30 =	sand.u32 $0x1FFFFFFC, s28;
	s31 =	spop (v2sf)  }
0x94: {  	[tilespmem:s20], [sflag:$0x2] =	stream.linear.gather [hbm4b:s29+s23], $0x20, $0x38;
	(v2sf) =	vpush v0, $0xE;
	[tilespmem:$0x18000] =	vst v63  }
0x95: {  	s22 =	sadd.s32 s3, s30;
	s26 =	sand.u32 $0x1FFFFFFC, s31;
	s28 =	spop (v2sf)  }
0x96: {  	(v2sf) =	vpush v0, $0xF;
	[tilespmem:s2], [sflag:$0x2] =	stream.linear.gather [hbm4b:s22+s23], $0x20, $0x38;
	[tilespmem:$0x18000] =	vst v63  }
0x97: {  	s29 =	sadd.s32 s3, s26;
	s30 =	sand.u32 $0x1FFFFFFC, s28;
	s31 =	spop (v2sf)  }
0x98: {  	[tilespmem:s16], [sflag:$0x2] =	stream.linear.gather [hbm4b:s29+s23], $0x20, $0x38;
	[tilespmem:$0x18000] =	vst v63  }
0x99: {  	s16 =	sadd.s32 s3, s30;
	s20 =	sand.u32 $0x1FFFFFFC, s31;
	s22 =	spop (v2sf)  }
0x9a: {  	[tilespmem:s14], [sflag:$0x2] =	stream.linear.gather [hbm4b:s16+s23], $0x20, $0x38;
	[tilespmem:$0x18000] =	vst v63  }
0x9b: {  	s25 =	sadd.s32 s3, s20;
	s26 =	sand.u32 $0x1FFFFFFC, s22;
	s28 =	spop (v2sf)  }
0x9c: {  	[tilespmem:s15], [sflag:$0x2] =	stream.linear.gather [hbm4b:s25+s23], $0x20, $0x38;
	[tilespmem:$0x18000] =	vst v63  }
0x9d: {  	s29 =	sadd.s32 s3, s26;
	s30 =	sand.u32 $0x1FFFFFFC, s28;
	s31 =	spop (v2sf)  }
0x9e: {  	[tilespmem:s17], [sflag:$0x2] =	stream.linear.gather [hbm4b:s29+s23], $0x20, $0x38;
	[tilespmem:$0x18000] =	vst v63  }
0x9f: {  	s2 =	sadd.s32 s3, s30;
	s14 =	sand.u32 $0x1FFFFFFC, s31;
	s15 =	spop (v2sf)  }
0xa0: {  	[tilespmem:s19], [sflag:$0x2] =	stream.linear.gather [hbm4b:s2+s23], $0x20, $0x38;
	[tilespmem:$0x18000] =	vst v63  }
0xa1: {  	s16 =	sadd.s32 s3, s14;
	s17 =	sand.u32 $0x1FFFFFFC, s15;
	s18 =	spop (v2sf)  }
0xa2: {  	[tilespmem:s21], [sflag:$0x2] =	stream.linear.gather [hbm4b:s16+s23], $0x20, $0x38;
	[tilespmem:$0x18000] =	vst v63  }
0xa3: {  	s19 =	sadd.s32 s3, s17;
	s20 =	sand.u32 $0x1FFFFFFC, s18;
	s21 =	spop (v2sf)  }
0xa4: {  	[tilespmem:s13], [sflag:$0x2] =	stream.linear.gather [hbm4b:s19+s23], $0x20, $0x38;
	[tilespmem:$0x18000] =	vst v63  }
0xa5: {  	s22 =	sadd.s32 s3, s20;
	s25 =	sand.u32 $0x1FFFFFFC, s21;
	s26 =	spop (v2sf)  }
0xa6: {  	[tilespmem:s12], [sflag:$0x2] =	stream.linear.gather [hbm4b:s22+s23], $0x20, $0x38;
	[tilespmem:$0x18000] =	vst v63  }
0xa7: {  	s28 =	sadd.s32 $0xA10, s24;
	s2 =	sadd.s32 s3, s25;
	s29 =	sand.u32 $0x1FFFFFFC, s26  }
0xa8: {  	[tilespmem:s28], [sflag:$0x2] =	stream.linear.gather [hbm4b:s2+s23], $0x20, $0x38;
	[tilespmem:$0x18000] =	vst v63  }
0xa9: {  	s30 =	sadd.s32 $0xAC8, s24;
	s25 =	simm.s32 $0x17200;
	s31 =	sadd.s32 s3, s29  }
0xaa: {  	[tilespmem:s30], [sflag:$0x2] =	stream.linear.gather [hbm4b:s31+s23], $0x20, $0x38;
	[tilespmem:$0x18000] =	vst v63  }
0xab: {  	v0 =	vld [tilespmem:s25+$0x0];
	_ =	sdelay $0x4  }
0xac: {  	v0 =	vshll.u32 v0, $0x2  }
0xad: {  	(v2sf) =	vpush v0, $0x0  }
0xae: {  	(v2sf) =	vpush v0, $0x1  }
0xaf: {  	(v2sf) =	vpush v0, $0x2;
	_ =	sdelay $0x1  }
0xb0: {  	(v2sf) =	vpush v0, $0x4;
	_ =	sdelay $0x1  }
0xb1: {  	(v2sf) =	vpush v0, $0x3  }
0xb2: {  	(v2sf) =	vpush v0, $0x5  }
0xb3: {  	s24 =	simm.s32 $0x0;
	s26 =	simm.s32 $0x2E00;
	(v2sf) =	vpush v0, $0x6  }
.LBB2_6:
0xb4: {  	p0 =	sne.s32 s26, $0x59200  }
0xb5: {  	s0 =	sadd.s32 $0xD8, s24;
	s13 =	sadd.s32 $0x808, s24;
	s28 =	smov.u32 s26  }
0xb6: {  	s26 =	sadd.s32 $0x2E00, s26;
	s16 =	sadd.s32 $0x528, s24;
	s29 =	sadd.s32 $0x8C0, s24;
	(v2sf) =	vpush v0, $0x7  }
0xb7: {  	s18 =	sadd.s32 $0x3B8, s24;
	s14 =	sadd.s32 $0x5E0, s24;
	s12 =	sadd.s32 $0x978, s24  }
0xb8: {  	s2 =	sadd.s32 $0x20, s24;
	s19 =	sadd.s32 $0x300, s24;
	(v2sf) =	vpush v0, $0x8  }
0xb9: {  	s23 =	simm.s32 $0x0;
	s20 =	sadd.s32 $0x470, s24;
	s25 =	sadd.s32 $0x10, s25  }
0xba: {  	s21 =	sadd.s32 $0x190, s24;
	s15 =	sadd.s32 $0x750, s24;
	s17 =	spop (v2sf);
	(v2sf) =	vpush v0, $0x9  }
0xbb: {  	s31 =	sand.u32 $0x1FFFFFFC, s17;
	s17 =	sadd.s32 $0x698, s24;
	s22 =	spop (v2sf)  }
0xbc: {  	s31 =	sadd.s32 s4, s31;
	s22 =	sand.u32 $0x1FFFFFFC, s22;
	s30 =	spop (v2sf);
	(v2sf) =	vpush v0, $0xA  }
0xbd: {  	[tilespmem:s2], [sflag:$0x2] =	stream.linear.gather [hbm4b:s31+s23], $0x20, $0x38;
	[tilespmem:$0x18000] =	vst v63  }
0xbe: {  	s2 =	sadd.s32 s4, s22;
	s22 =	sadd.s32 $0x248, s24;
	s31 =	spop (v2sf);
	(v2sf) =	vpush v0, $0xB  }
0xbf: {  	[tilespmem:s0], [sflag:$0x2] =	stream.linear.gather [hbm4b:s2+s23], $0x20, $0x38;
	[tilespmem:$0x18000] =	vst v63  }
0xc0: {  	s0 =	sand.u32 $0x1FFFFFFC, s30;
	s2 =	sand.u32 $0x1FFFFFFC, s31;
	s30 =	spop (v2sf);
	(v2sf) =	vpush v0, $0xC  }
0xc1: {  	s0 =	sadd.s32 s4, s0;
	s30 =	sand.u32 $0x1FFFFFFC, s30;
	s31 =	spop (v2sf)  }
0xc2: {  	[tilespmem:s21], [sflag:$0x2] =	stream.linear.gather [hbm4b:s0+s23], $0x20, $0x38;
	(v2sf) =	vpush v0, $0xD;
	[tilespmem:$0x18000] =	vst v63  }
0xc3: {  	s0 =	sadd.s32 s4, s30;
	s21 =	sand.u32 $0x1FFFFFFC, s31;
	s30 =	spop (v2sf)  }
0xc4: {  	[tilespmem:s22], [sflag:$0x2] =	stream.linear.gather [hbm4b:s0+s23], $0x20, $0x38;
	(v2sf) =	vpush v0, $0xE;
	[tilespmem:$0x18000] =	vst v63  }
0xc5: {  	s0 =	sadd.s32 s4, s2;
	s2 =	sand.u32 $0x1FFFFFFC, s30;
	s22 =	spop (v2sf)  }
0xc6: {  	[tilespmem:s19], [sflag:$0x2] =	stream.linear.gather [hbm4b:s0+s23], $0x20, $0x38;
	(v2sf) =	vpush v0, $0xF;
	[tilespmem:$0x18000] =	vst v63  }
0xc7: {  	s0 =	sadd.s32 s4, s21;
	s19 =	sand.u32 $0x1FFFFFFC, s22;
	s21 =	spop (v2sf)  }
0xc8: {  	[tilespmem:s18], [sflag:$0x2] =	stream.linear.gather [hbm4b:s0+s23], $0x20, $0x38;
	[tilespmem:$0x18000] =	vst v63  }
0xc9: {  	s0 =	sadd.s32 s4, s2;
	s2 =	sand.u32 $0x1FFFFFFC, s21;
	s18 =	spop (v2sf)  }
0xca: {  	[tilespmem:s20], [sflag:$0x2] =	stream.linear.gather [hbm4b:s0+s23], $0x20, $0x38;
	[tilespmem:$0x18000] =	vst v63  }
0xcb: {  	s0 =	sadd.s32 s4, s19;
	s18 =	sand.u32 $0x1FFFFFFC, s18;
	s19 =	spop (v2sf)  }
0xcc: {  	[tilespmem:s16], [sflag:$0x2] =	stream.linear.gather [hbm4b:s0+s23], $0x20, $0x38;
	[tilespmem:$0x18000] =	vst v63  }
0xcd: {  	s0 =	sadd.s32 s4, s2;
	s2 =	sand.u32 $0x1FFFFFFC, s19;
	s16 =	spop (v2sf)  }
0xce: {  	[tilespmem:s14], [sflag:$0x2] =	stream.linear.gather [hbm4b:s0+s23], $0x20, $0x38;
	[tilespmem:$0x18000] =	vst v63  }
0xcf: {  	s0 =	sadd.s32 s4, s18;
	s14 =	sand.u32 $0x1FFFFFFC, s16;
	s16 =	spop (v2sf)  }
0xd0: {  	[tilespmem:s17], [sflag:$0x2] =	stream.linear.gather [hbm4b:s0+s23], $0x20, $0x38;
	[tilespmem:$0x18000] =	vst v63  }
0xd1: {  	s0 =	sadd.s32 s4, s2;
	s2 =	sand.u32 $0x1FFFFFFC, s16;
	s16 =	spop (v2sf)  }
0xd2: {  	[tilespmem:s15], [sflag:$0x2] =	stream.linear.gather [hbm4b:s0+s23], $0x20, $0x38;
	[tilespmem:$0x18000] =	vst v63  }
0xd3: {  	s0 =	sadd.s32 s4, s14;
	s14 =	sand.u32 $0x1FFFFFFC, s16;
	s15 =	spop (v2sf)  }
0xd4: {  	[tilespmem:s13], [sflag:$0x2] =	stream.linear.gather [hbm4b:s0+s23], $0x20, $0x38;
	[tilespmem:$0x18000] =	vst v63  }
0xd5: {  	s0 =	sadd.s32 s4, s2;
	s2 =	sand.u32 $0x1FFFFFFC, s15;
	s13 =	spop (v2sf)  }
0xd6: {  	[tilespmem:s29], [sflag:$0x2] =	stream.linear.gather [hbm4b:s0+s23], $0x20, $0x38;
	[tilespmem:$0x18000] =	vst v63  }
0xd7: {  	s0 =	sadd.s32 s4, s14;
	s13 =	sand.u32 $0x1FFFFFFC, s13  }
0xd8: {  	[tilespmem:s12], [sflag:$0x2] =	stream.linear.gather [hbm4b:s0+s23], $0x20, $0x38;
	[tilespmem:$0x18000] =	vst v63  }
0xd9: {  	s2 =	sadd.s32 s4, s2;
	s0 =	sadd.s32 $0xA30, s24  }
0xda: {  	[tilespmem:s0], [sflag:$0x2] =	stream.linear.gather [hbm4b:s2+s23], $0x20, $0x38;
	[tilespmem:$0x18000] =	vst v63  }
0xdb: {  	s0 =	sadd.s32 $0xAE8, s24;
	s2 =	sadd.s32 s4, s13  }
0xdc: {  	[tilespmem:s0], [sflag:$0x2] =	stream.linear.gather [hbm4b:s2+s23], $0x20, $0x38;
	[tilespmem:$0x18000] =	vst v63  }
0xdd: {  	v0 =	vld [tilespmem:s25+$0x0];
	_ =	sdelay $0x4  }
0xde: {  	v0 =	vshll.u32 v0, $0x2  }
0xdf: {  	(v2sf) =	vpush v0, $0x0  }
0xe0: {  	(v2sf) =	vpush v0, $0x1  }
0xe1: {  	(v2sf) =	vpush v0, $0x2;
	_ =	sdelay $0x1  }
0xe2: {  	(v2sf) =	vpush v0, $0x4  }
.Ltmp2:
0xe3: {  	(pc) =	sbr.rel @p0 .LBB2_6-.Ltmp2, $3  }
0xe4: {  	(v2sf) =	vpush v0, $0x3  }
0xe5: {  	(v2sf) =	vpush v0, $0x5;
	_ =	sdelay $0x1  }
0xe6: {  	s24 =	sshra.s32 s28, $0x2;
	(v2sf) =	vpush v0, $0x6  }
0xe7: {  	_ =	sdelay $0x1  }
0xe8: {  	s0 =	sadd.s32 $0xD8, s24;
	s14 =	sadd.s32 $0x808, s24  }
0xe9: {  	s2 =	sadd.s32 $0x528, s24;
	s12 =	sadd.s32 $0x8C0, s24;
	(v2sf) =	vpush v0, $0x7;
	s15 =	sadd.s32 $0x3B8, s24  }
0xea: {  	s16 =	sadd.s32 $0x5E0, s24;
	s13 =	sadd.s32 $0x978, s24;
	s17 =	sadd.s32 $0x20, s24  }
0xeb: {  	s18 =	sadd.s32 $0x300, s24;
	s19 =	sadd.s32 $0x470, s24;
	(v2sf) =	vpush v0, $0x8;
	s20 =	spop (v2sf)  }
0xec: {  	s21 =	sadd.s32 $0x190, s24;
	s20 =	sand.u32 $0x1FFFFFFC, s20;
	s22 =	spop (v2sf)  }
0xed: {  	(v2sf) =	vpush v0, $0x9;
	s20 =	sadd.s32 s4, s20;
	s22 =	sand.u32 $0x1FFFFFFC, s22;
	s25 =	spop (v2sf)  }
0xee: {  	[tilespmem:s17], [sflag:$0x2] =	stream.linear.gather [hbm4b:s20+s23], $0x20, $0x38;
	[tilespmem:$0x18000] =	vst v63  }
0xef: {  	(v2sf) =	vpush v0, $0xA;
	s26 =	sadd.s32 s4, s22;
	s29 =	sand.u32 $0x1FFFFFFC, s25;
	s28 =	spop (v2sf)  }
0xf0: {  	[tilespmem:s0], [sflag:$0x2] =	stream.linear.gather [hbm4b:s26+s23], $0x20, $0x38;
	[tilespmem:$0x18000] =	vst v63  }
0xf1: {  	s17 =	sadd.s32 $0x750, s24;
	(v2sf) =	vpush v0, $0xB;
	s20 =	sadd.s32 s4, s29;
	s30 =	spop (v2sf)  }
0xf2: {  	s0 =	sadd.s32 $0x698, s24;
	s26 =	sadd.s32 $0x248, s24;
	s25 =	sand.u32 $0x1FFFFFFC, s30  }
0xf3: {  	(v2sf) =	vpush v0, $0xC;
	[tilespmem:s21], [sflag:$0x2] =	stream.linear.gather [hbm4b:s20+s23], $0x20, $0x38;
	[tilespmem:$0x18000] =	vst v63  }
0xf4: {  	s31 =	sand.u32 $0x1FFFFFFC, s28;
	s28 =	spop (v2sf);
	s29 =	sadd.s32 s4, s25  }
0xf5: {  	(v2sf) =	vpush v0, $0xD;
	[tilespmem:s26], [sflag:$0x2] =	stream.linear.gather [hbm4b:s29+s23], $0x20, $0x38;
	[tilespmem:$0x18000] =	vst v63  }
0xf6: {  	s20 =	sadd.s32 s4, s31;
	s21 =	sand.u32 $0x1FFFFFFC, s28;
	s30 =	spop (v2sf)  }
0xf7: {  	(v2sf) =	vpush v0, $0xE;
	[tilespmem:s18], [sflag:$0x2] =	stream.linear.gather [hbm4b:s20+s23], $0x20, $0x38;
	[tilespmem:$0x18000] =	vst v63  }
0xf8: {  	s21 =	sadd.s32 s4, s21;
	s31 =	sand.u32 $0x1FFFFFFC, s30;
	s22 =	spop (v2sf)  }
0xf9: {  	(v2sf) =	vpush v0, $0xF;
	[tilespmem:s15], [sflag:$0x2] =	stream.linear.gather [hbm4b:s21+s23], $0x20, $0x38;
	[tilespmem:$0x18000] =	vst v63  }
0xfa: {  	s25 =	sand.u32 $0x1FFFFFFC, s22;
	s26 =	spop (v2sf);
	s18 =	sadd.s32 s4, s31  }
0xfb: {  	[tilespmem:s19], [sflag:$0x2] =	stream.linear.gather [hbm4b:s18+s23], $0x20, $0x38;
	[tilespmem:$0x18000] =	vst v63  }
0xfc: {  	s28 =	sand.u32 $0x1FFFFFFC, s26;
	s15 =	sadd.s32 s4, s25;
	s29 =	spop (v2sf)  }
0xfd: {  	[tilespmem:s2], [sflag:$0x2] =	stream.linear.gather [hbm4b:s15+s23], $0x20, $0x38;
	[tilespmem:$0x18000] =	vst v63  }
0xfe: {  	s18 =	sadd.s32 s4, s28;
	s30 =	sand.u32 $0x1FFFFFFC, s29;
	s31 =	spop (v2sf)  }
0xff: {  	[tilespmem:s16], [sflag:$0x2] =	stream.linear.gather [hbm4b:s18+s23], $0x20, $0x38;
	[tilespmem:$0x18000] =	vst v63  }
0x100: {  	s15 =	sand.u32 $0x1FFFFFFC, s31;
	s2 =	sadd.s32 s4, s30;
	s18 =	spop (v2sf)  }
0x101: {  	[tilespmem:s0], [sflag:$0x2] =	stream.linear.gather [hbm4b:s2+s23], $0x20, $0x38;
	[tilespmem:$0x18000] =	vst v63  }
0x102: {  	s15 =	sadd.s32 s4, s15;
	s19 =	sand.u32 $0x1FFFFFFC, s18;
	s20 =	spop (v2sf)  }
0x103: {  	[tilespmem:s17], [sflag:$0x2] =	stream.linear.gather [hbm4b:s15+s23], $0x20, $0x38;
	[tilespmem:$0x18000] =	vst v63  }
0x104: {  	s0 =	sadd.s32 s4, s19;
	s2 =	sand.u32 $0x1FFFFFFC, s20;
	s21 =	spop (v2sf)  }
0x105: {  	[tilespmem:s14], [sflag:$0x2] =	stream.linear.gather [hbm4b:s0+s23], $0x20, $0x38;
	[tilespmem:$0x18000] =	vst v63  }
0x106: {  	s22 =	sand.u32 $0x1FFFFFFC, s21;
	s2 =	sadd.s32 s4, s2;
	s25 =	spop (v2sf)  }
0x107: {  	[tilespmem:s12], [sflag:$0x2] =	stream.linear.gather [hbm4b:s2+s23], $0x20, $0x38;
	[tilespmem:$0x18000] =	vst v63  }
0x108: {  	s26 =	sand.u32 $0x1FFFFFFC, s25;
	s28 =	spop (v2sf);
	s0 =	sadd.s32 s4, s22  }
0x109: {  	[tilespmem:s13], [sflag:$0x2] =	stream.linear.gather [hbm4b:s0+s23], $0x20, $0x38;
	[tilespmem:$0x18000] =	vst v63  }
0x10a: {  	s30 =	sadd.s32 $0xA30, s24;
	s29 =	sand.u32 $0x1FFFFFFC, s28;
	s2 =	sadd.s32 s4, s26  }
0x10b: {  	[tilespmem:s30], [sflag:$0x2] =	stream.linear.gather [hbm4b:s2+s23], $0x20, $0x38;
	[tilespmem:$0x18000] =	vst v63  }
0x10c: {  	s31 =	sadd.s32 $0xAE8, s24;
	s25 =	simm.s32 $0x17400;
	s0 =	sadd.s32 s4, s29  }
0x10d: {  	[tilespmem:s31], [sflag:$0x2] =	stream.linear.gather [hbm4b:s0+s23], $0x20, $0x38;
	[tilespmem:$0x18000] =	vst v63  }
0x10e: {  	v0 =	vld [tilespmem:s25+$0x0];
	_ =	sdelay $0x4  }
0x10f: {  	v0 =	vshll.u32 v0, $0x1  }
0x110: {  	(v2sf) =	vpush v0, $0x0  }
0x111: {  	(v2sf) =	vpush v0, $0x1  }
0x112: {  	(v2sf) =	vpush v0, $0x2;
	_ =	sdelay $0x1  }
0x113: {  	(v2sf) =	vpush v0, $0x4;
	_ =	sdelay $0x1  }
0x114: {  	(v2sf) =	vpush v0, $0x3  }
0x115: {  	(v2sf) =	vpush v0, $0x5  }
0x116: {  	s24 =	simm.s32 $0x0;
	s26 =	simm.s32 $0x2E00;
	(v2sf) =	vpush v0, $0x6  }
.LBB2_8:
0x117: {  	p0 =	sne.s32 s26, $0x59200  }
0x118: {  	s0 =	sadd.s32 $0xF8, s24;
	s29 =	sadd.s32 $0x828, s24;
	s28 =	smov.u32 s26  }
0x119: {  	s26 =	sadd.s32 $0x2E00, s26;
	s16 =	sadd.s32 $0x548, s24;
	s12 =	sadd.s32 $0x8E0, s24;
	(v2sf) =	vpush v0, $0x7  }
0x11a: {  	s18 =	sadd.s32 $0x3D8, s24;
	s15 =	sadd.s32 $0x600, s24;
	s13 =	sadd.s32 $0x998, s24  }
0x11b: {  	s2 =	sadd.s32 $0x40, s24;
	s19 =	sadd.s32 $0x320, s24;
	(v2sf) =	vpush v0, $0x8  }
0x11c: {  	s20 =	sadd.s32 $0x490, s24;
	s25 =	sadd.s32 $0x10, s25  }
0x11d: {  	s21 =	sadd.s32 $0x1B0, s24;
	s14 =	sadd.s32 $0x770, s24;
	s17 =	spop (v2sf);
	(v2sf) =	vpush v0, $0x9  }
0x11e: {  	s22 =	sand.u32 $0x1FFFFFFE, s17;
	s17 =	sadd.s32 $0x6B8, s24;
	s30 =	spop (v2sf)  }
0x11f: {  	s22 =	sadd.s32 s5, s22;
	s30 =	sand.u32 $0x1FFFFFFE, s30;
	s31 =	spop (v2sf);
	(v2sf) =	vpush v0, $0xA  }
0x120: {  	[tilespmem:s2], [sflag:$0x2] =	stream.linear.gather [hbm4b:s22+s23], $0x10, $0x38;
	[tilespmem:$0x18000] =	vst v63  }
0x121: {  	s2 =	sadd.s32 s5, s30;
	s22 =	sadd.s32 $0x268, s24;
	s30 =	spop (v2sf);
	(v2sf) =	vpush v0, $0xB  }
0x122: {  	[tilespmem:s0], [sflag:$0x2] =	stream.linear.gather [hbm4b:s2+s23], $0x10, $0x38;
	[tilespmem:$0x18000] =	vst v63  }
0x123: {  	s0 =	sand.u32 $0x1FFFFFFE, s31;
	s2 =	sand.u32 $0x1FFFFFFE, s30;
	s30 =	spop (v2sf);
	(v2sf) =	vpush v0, $0xC  }
0x124: {  	s0 =	sadd.s32 s5, s0;
	s30 =	sand.u32 $0x1FFFFFFE, s30;
	s31 =	spop (v2sf)  }
0x125: {  	[tilespmem:s21], [sflag:$0x2] =	stream.linear.gather [hbm4b:s0+s23], $0x10, $0x38;
	(v2sf) =	vpush v0, $0xD;
	[tilespmem:$0x18000] =	vst v63  }
0x126: {  	s0 =	sadd.s32 s5, s30;
	s21 =	sand.u32 $0x1FFFFFFE, s31;
	s30 =	spop (v2sf)  }
0x127: {  	[tilespmem:s22], [sflag:$0x2] =	stream.linear.gather [hbm4b:s0+s23], $0x10, $0x38;
	(v2sf) =	vpush v0, $0xE;
	[tilespmem:$0x18000] =	vst v63  }
0x128: {  	s0 =	sadd.s32 s5, s2;
	s2 =	sand.u32 $0x1FFFFFFE, s30;
	s22 =	spop (v2sf)  }
0x129: {  	[tilespmem:s19], [sflag:$0x2] =	stream.linear.gather [hbm4b:s0+s23], $0x10, $0x38;
	(v2sf) =	vpush v0, $0xF;
	[tilespmem:$0x18000] =	vst v63  }
0x12a: {  	s0 =	sadd.s32 s5, s21;
	s19 =	sand.u32 $0x1FFFFFFE, s22;
	s21 =	spop (v2sf)  }
0x12b: {  	[tilespmem:s18], [sflag:$0x2] =	stream.linear.gather [hbm4b:s0+s23], $0x10, $0x38;
	[tilespmem:$0x18000] =	vst v63  }
0x12c: {  	s0 =	sadd.s32 s5, s2;
	s2 =	sand.u32 $0x1FFFFFFE, s21;
	s18 =	spop (v2sf)  }
0x12d: {  	[tilespmem:s20], [sflag:$0x2] =	stream.linear.gather [hbm4b:s0+s23], $0x10, $0x38;
	[tilespmem:$0x18000] =	vst v63  }
0x12e: {  	s0 =	sadd.s32 s5, s19;
	s18 =	sand.u32 $0x1FFFFFFE, s18;
	s19 =	spop (v2sf)  }
0x12f: {  	[tilespmem:s16], [sflag:$0x2] =	stream.linear.gather [hbm4b:s0+s23], $0x10, $0x38;
	[tilespmem:$0x18000] =	vst v63  }
0x130: {  	s0 =	sadd.s32 s5, s2;
	s2 =	sand.u32 $0x1FFFFFFE, s19;
	s16 =	spop (v2sf)  }
0x131: {  	[tilespmem:s15], [sflag:$0x2] =	stream.linear.gather [hbm4b:s0+s23], $0x10, $0x38;
	[tilespmem:$0x18000] =	vst v63  }
0x132: {  	s0 =	sadd.s32 s5, s18;
	s15 =	sand.u32 $0x1FFFFFFE, s16;
	s16 =	spop (v2sf)  }
0x133: {  	[tilespmem:s17], [sflag:$0x2] =	stream.linear.gather [hbm4b:s0+s23], $0x10, $0x38;
	[tilespmem:$0x18000] =	vst v63  }
0x134: {  	s0 =	sadd.s32 s5, s2;
	s2 =	sand.u32 $0x1FFFFFFE, s16;
	s16 =	spop (v2sf)  }
0x135: {  	[tilespmem:s14], [sflag:$0x2] =	stream.linear.gather [hbm4b:s0+s23], $0x10, $0x38;
	[tilespmem:$0x18000] =	vst v63  }
0x136: {  	s0 =	sadd.s32 s5, s15;
	s14 =	sand.u32 $0x1FFFFFFE, s16;
	s15 =	spop (v2sf)  }
0x137: {  	[tilespmem:s29], [sflag:$0x2] =	stream.linear.gather [hbm4b:s0+s23], $0x10, $0x38;
	[tilespmem:$0x18000] =	vst v63  }
0x138: {  	s0 =	sadd.s32 s5, s2;
	s2 =	sand.u32 $0x1FFFFFFE, s15;
	s15 =	spop (v2sf)  }
0x139: {  	[tilespmem:s12], [sflag:$0x2] =	stream.linear.gather [hbm4b:s0+s23], $0x10, $0x38;
	[tilespmem:$0x18000] =	vst v63  }
0x13a: {  	s0 =	sadd.s32 s5, s14;
	s12 =	sand.u32 $0x1FFFFFFE, s15  }
0x13b: {  	[tilespmem:s13], [sflag:$0x2] =	stream.linear.gather [hbm4b:s0+s23], $0x10, $0x38;
	[tilespmem:$0x18000] =	vst v63  }
0x13c: {  	s2 =	sadd.s32 s5, s2;
	s0 =	sadd.s32 $0xA50, s24  }
0x13d: {  	[tilespmem:s0], [sflag:$0x2] =	stream.linear.gather [hbm4b:s2+s23], $0x10, $0x38;
	[tilespmem:$0x18000] =	vst v63  }
0x13e: {  	s0 =	sadd.s32 $0xB08, s24;
	s2 =	sadd.s32 s5, s12  }
0x13f: {  	[tilespmem:s0], [sflag:$0x2] =	stream.linear.gather [hbm4b:s2+s23], $0x10, $0x38;
	[tilespmem:$0x18000] =	vst v63  }
0x140: {  	v0 =	vld [tilespmem:s25+$0x0];
	_ =	sdelay $0x4  }
0x141: {  	v0 =	vshll.u32 v0, $0x1  }
0x142: {  	(v2sf) =	vpush v0, $0x0  }
0x143: {  	(v2sf) =	vpush v0, $0x1  }
0x144: {  	(v2sf) =	vpush v0, $0x2;
	_ =	sdelay $0x1  }
0x145: {  	(v2sf) =	vpush v0, $0x4  }
.Ltmp3:
0x146: {  	(pc) =	sbr.rel @p0 .LBB2_8-.Ltmp3, $3  }
0x147: {  	(v2sf) =	vpush v0, $0x3  }
0x148: {  	(v2sf) =	vpush v0, $0x5;
	_ =	sdelay $0x1  }
0x149: {  	s24 =	sshra.s32 s28, $0x2;
	(v2sf) =	vpush v0, $0x6  }
0x14a: {  	_ =	sdelay $0x1  }
0x14b: {  	s0 =	sadd.s32 $0xF8, s24;
	s14 =	sadd.s32 $0x828, s24  }
0x14c: {  	s2 =	sadd.s32 $0x548, s24;
	s12 =	sadd.s32 $0x8E0, s24;
	(v2sf) =	vpush v0, $0x7;
	s15 =	sadd.s32 $0x3D8, s24  }
0x14d: {  	s16 =	sadd.s32 $0x600, s24;
	s13 =	sadd.s32 $0x998, s24;
	s17 =	sadd.s32 $0x40, s24  }
0x14e: {  	s18 =	sadd.s32 $0x320, s24;
	s19 =	sadd.s32 $0x490, s24;
	(v2sf) =	vpush v0, $0x8;
	s20 =	spop (v2sf)  }
0x14f: {  	s21 =	sadd.s32 $0x1B0, s24;
	s20 =	sand.u32 $0x1FFFFFFE, s20;
	s22 =	spop (v2sf)  }
0x150: {  	(v2sf) =	vpush v0, $0x9;
	s20 =	sadd.s32 s5, s20;
	s22 =	sand.u32 $0x1FFFFFFE, s22;
	s25 =	spop (v2sf)  }
0x151: {  	[tilespmem:s17], [sflag:$0x2] =	stream.linear.gather [hbm4b:s20+s23], $0x10, $0x38;
	[tilespmem:$0x18000] =	vst v63  }
0x152: {  	(v2sf) =	vpush v0, $0xA;
	s26 =	sadd.s32 s5, s22;
	s29 =	sand.u32 $0x1FFFFFFE, s25;
	s28 =	spop (v2sf)  }
0x153: {  	[tilespmem:s0], [sflag:$0x2] =	stream.linear.gather [hbm4b:s26+s23], $0x10, $0x38;
	[tilespmem:$0x18000] =	vst v63  }
0x154: {  	s17 =	sadd.s32 $0x770, s24;
	(v2sf) =	vpush v0, $0xB;
	s20 =	sadd.s32 s5, s29;
	s30 =	spop (v2sf)  }
0x155: {  	s0 =	sadd.s32 $0x6B8, s24;
	s26 =	sadd.s32 $0x268, s24;
	s25 =	sand.u32 $0x1FFFFFFE, s30  }
0x156: {  	(v2sf) =	vpush v0, $0xC;
	[tilespmem:s21], [sflag:$0x2] =	stream.linear.gather [hbm4b:s20+s23], $0x10, $0x38;
	[tilespmem:$0x18000] =	vst v63  }
0x157: {  	s31 =	sand.u32 $0x1FFFFFFE, s28;
	s28 =	spop (v2sf);
	s29 =	sadd.s32 s5, s25  }
0x158: {  	(v2sf) =	vpush v0, $0xD;
	[tilespmem:s26], [sflag:$0x2] =	stream.linear.gather [hbm4b:s29+s23], $0x10, $0x38;
	[tilespmem:$0x18000] =	vst v63  }
0x159: {  	s20 =	sadd.s32 s5, s31;
	s21 =	sand.u32 $0x1FFFFFFE, s28;
	s30 =	spop (v2sf)  }
0x15a: {  	(v2sf) =	vpush v0, $0xE;
	[tilespmem:s18], [sflag:$0x2] =	stream.linear.gather [hbm4b:s20+s23], $0x10, $0x38;
	[tilespmem:$0x18000] =	vst v63  }
0x15b: {  	s21 =	sadd.s32 s5, s21;
	s31 =	sand.u32 $0x1FFFFFFE, s30;
	s22 =	spop (v2sf)  }
0x15c: {  	(v2sf) =	vpush v0, $0xF;
	[tilespmem:s15], [sflag:$0x2] =	stream.linear.gather [hbm4b:s21+s23], $0x10, $0x38;
	[tilespmem:$0x18000] =	vst v63  }
0x15d: {  	s25 =	sand.u32 $0x1FFFFFFE, s22;
	s26 =	spop (v2sf);
	s18 =	sadd.s32 s5, s31  }
0x15e: {  	[tilespmem:s19], [sflag:$0x2] =	stream.linear.gather [hbm4b:s18+s23], $0x10, $0x38;
	[tilespmem:$0x18000] =	vst v63  }
0x15f: {  	s28 =	sand.u32 $0x1FFFFFFE, s26;
	s15 =	sadd.s32 s5, s25;
	s29 =	spop (v2sf)  }
0x160: {  	[tilespmem:s2], [sflag:$0x2] =	stream.linear.gather [hbm4b:s15+s23], $0x10, $0x38;
	[tilespmem:$0x18000] =	vst v63  }
0x161: {  	s18 =	sadd.s32 s5, s28;
	s30 =	sand.u32 $0x1FFFFFFE, s29;
	s31 =	spop (v2sf)  }
0x162: {  	[tilespmem:s16], [sflag:$0x2] =	stream.linear.gather [hbm4b:s18+s23], $0x10, $0x38;
	[tilespmem:$0x18000] =	vst v63  }
0x163: {  	s15 =	sand.u32 $0x1FFFFFFE, s31;
	s2 =	sadd.s32 s5, s30;
	s18 =	spop (v2sf)  }
0x164: {  	[tilespmem:s0], [sflag:$0x2] =	stream.linear.gather [hbm4b:s2+s23], $0x10, $0x38;
	[tilespmem:$0x18000] =	vst v63  }
0x165: {  	s15 =	sadd.s32 s5, s15;
	s19 =	sand.u32 $0x1FFFFFFE, s18;
	s20 =	spop (v2sf)  }
0x166: {  	[tilespmem:s17], [sflag:$0x2] =	stream.linear.gather [hbm4b:s15+s23], $0x10, $0x38;
	[tilespmem:$0x18000] =	vst v63  }
0x167: {  	s0 =	sadd.s32 s5, s19;
	s2 =	sand.u32 $0x1FFFFFFE, s20;
	s21 =	spop (v2sf)  }
0x168: {  	[tilespmem:s14], [sflag:$0x2] =	stream.linear.gather [hbm4b:s0+s23], $0x10, $0x38;
	[tilespmem:$0x18000] =	vst v63  }
0x169: {  	s22 =	sand.u32 $0x1FFFFFFE, s21;
	s2 =	sadd.s32 s5, s2;
	s25 =	spop (v2sf)  }
0x16a: {  	[tilespmem:s12], [sflag:$0x2] =	stream.linear.gather [hbm4b:s2+s23], $0x10, $0x38;
	[tilespmem:$0x18000] =	vst v63  }
0x16b: {  	s26 =	sand.u32 $0x1FFFFFFE, s25;
	s28 =	spop (v2sf);
	s0 =	sadd.s32 s5, s22  }
0x16c: {  	[tilespmem:s13], [sflag:$0x2] =	stream.linear.gather [hbm4b:s0+s23], $0x10, $0x38;
	[tilespmem:$0x18000] =	vst v63  }
0x16d: {  	s30 =	sadd.s32 $0xA50, s24;
	s29 =	sand.u32 $0x1FFFFFFE, s28;
	s2 =	sadd.s32 s5, s26  }
0x16e: {  	[tilespmem:s30], [sflag:$0x2] =	stream.linear.gather [hbm4b:s2+s23], $0x10, $0x38;
	[tilespmem:$0x18000] =	vst v63  }
0x16f: {  	s31 =	sadd.s32 $0xB08, s24;
	s25 =	simm.s32 $0x17600;
	s0 =	sadd.s32 s5, s29  }
0x170: {  	[tilespmem:s31], [sflag:$0x2] =	stream.linear.gather [hbm4b:s0+s23], $0x10, $0x38;
	[tilespmem:$0x18000] =	vst v63  }
0x171: {  	v0 =	vld [tilespmem:s25+$0x0];
	_ =	sdelay $0x4  }
0x172: {  	v0 =	vshll.u32 v0, $0x1  }
0x173: {  	(v2sf) =	vpush v0, $0x0  }
0x174: {  	(v2sf) =	vpush v0, $0x1  }
0x175: {  	(v2sf) =	vpush v0, $0x2;
	_ =	sdelay $0x1  }
0x176: {  	(v2sf) =	vpush v0, $0x4;
	_ =	sdelay $0x1  }
0x177: {  	(v2sf) =	vpush v0, $0x3  }
0x178: {  	(v2sf) =	vpush v0, $0x5  }
0x179: {  	s24 =	simm.s32 $0x0;
	s26 =	simm.s32 $0x2E00;
	(v2sf) =	vpush v0, $0x6  }
.LBB2_10:
0x17a: {  	p0 =	sne.s32 s26, $0x59200  }
0x17b: {  	s0 =	sadd.s32 $0x108, s24;
	s13 =	sadd.s32 $0x838, s24;
	s28 =	smov.u32 s26  }
0x17c: {  	s26 =	sadd.s32 $0x2E00, s26;
	s16 =	sadd.s32 $0x558, s24;
	s12 =	sadd.s32 $0x8F0, s24;
	(v2sf) =	vpush v0, $0x7  }
0x17d: {  	s18 =	sadd.s32 $0x3E8, s24;
	s14 =	sadd.s32 $0x610, s24;
	s29 =	sadd.s32 $0x9A8, s24  }
0x17e: {  	s2 =	sadd.s32 $0x50, s24;
	s19 =	sadd.s32 $0x330, s24;
	(v2sf) =	vpush v0, $0x8  }
0x17f: {  	s23 =	simm.s32 $0x0;
	s20 =	sadd.s32 $0x4A0, s24;
	s25 =	sadd.s32 $0x10, s25  }
0x180: {  	s21 =	sadd.s32 $0x1C0, s24;
	s15 =	sadd.s32 $0x780, s24;
	s17 =	spop (v2sf);
	(v2sf) =	vpush v0, $0x9  }
0x181: {  	s22 =	sand.u32 $0x1FFFFFFE, s17;
	s17 =	sadd.s32 $0x6C8, s24;
	s30 =	spop (v2sf)  }
0x182: {  	s22 =	sadd.s32 s6, s22;
	s30 =	sand.u32 $0x1FFFFFFE, s30;
	s31 =	spop (v2sf);
	(v2sf) =	vpush v0, $0xA  }
0x183: {  	[tilespmem:s2], [sflag:$0x2] =	stream.linear.gather [hbm4b:s22+s23], $0x10, $0x38;
	[tilespmem:$0x18000] =	vst v63  }
0x184: {  	s2 =	sadd.s32 s6, s30;
	s22 =	sadd.s32 $0x278, s24;
	s30 =	spop (v2sf);
	(v2sf) =	vpush v0, $0xB  }
0x185: {  	[tilespmem:s0], [sflag:$0x2] =	stream.linear.gather [hbm4b:s2+s23], $0x10, $0x38;
	[tilespmem:$0x18000] =	vst v63  }
0x186: {  	s0 =	sand.u32 $0x1FFFFFFE, s31;
	s2 =	sand.u32 $0x1FFFFFFE, s30;
	s30 =	spop (v2sf);
	(v2sf) =	vpush v0, $0xC  }
0x187: {  	s0 =	sadd.s32 s6, s0;
	s30 =	sand.u32 $0x1FFFFFFE, s30;
	s31 =	spop (v2sf)  }
0x188: {  	[tilespmem:s21], [sflag:$0x2] =	stream.linear.gather [hbm4b:s0+s23], $0x10, $0x38;
	(v2sf) =	vpush v0, $0xD;
	[tilespmem:$0x18000] =	vst v63  }
0x189: {  	s0 =	sadd.s32 s6, s30;
	s21 =	sand.u32 $0x1FFFFFFE, s31;
	s30 =	spop (v2sf)  }
0x18a: {  	[tilespmem:s22], [sflag:$0x2] =	stream.linear.gather [hbm4b:s0+s23], $0x10, $0x38;
	(v2sf) =	vpush v0, $0xE;
	[tilespmem:$0x18000] =	vst v63  }
0x18b: {  	s0 =	sadd.s32 s6, s2;
	s2 =	sand.u32 $0x1FFFFFFE, s30;
	s22 =	spop (v2sf)  }
0x18c: {  	[tilespmem:s19], [sflag:$0x2] =	stream.linear.gather [hbm4b:s0+s23], $0x10, $0x38;
	(v2sf) =	vpush v0, $0xF;
	[tilespmem:$0x18000] =	vst v63  }
0x18d: {  	s0 =	sadd.s32 s6, s21;
	s19 =	sand.u32 $0x1FFFFFFE, s22;
	s21 =	spop (v2sf)  }
0x18e: {  	[tilespmem:s18], [sflag:$0x2] =	stream.linear.gather [hbm4b:s0+s23], $0x10, $0x38;
	[tilespmem:$0x18000] =	vst v63  }
0x18f: {  	s0 =	sadd.s32 s6, s2;
	s2 =	sand.u32 $0x1FFFFFFE, s21;
	s18 =	spop (v2sf)  }
0x190: {  	[tilespmem:s20], [sflag:$0x2] =	stream.linear.gather [hbm4b:s0+s23], $0x10, $0x38;
	[tilespmem:$0x18000] =	vst v63  }
0x191: {  	s0 =	sadd.s32 s6, s19;
	s18 =	sand.u32 $0x1FFFFFFE, s18;
	s19 =	spop (v2sf)  }
0x192: {  	[tilespmem:s16], [sflag:$0x2] =	stream.linear.gather [hbm4b:s0+s23], $0x10, $0x38;
	[tilespmem:$0x18000] =	vst v63  }
0x193: {  	s0 =	sadd.s32 s6, s2;
	s2 =	sand.u32 $0x1FFFFFFE, s19;
	s16 =	spop (v2sf)  }
0x194: {  	[tilespmem:s14], [sflag:$0x2] =	stream.linear.gather [hbm4b:s0+s23], $0x10, $0x38;
	[tilespmem:$0x18000] =	vst v63  }
0x195: {  	s0 =	sadd.s32 s6, s18;
	s14 =	sand.u32 $0x1FFFFFFE, s16;
	s16 =	spop (v2sf)  }
0x196: {  	[tilespmem:s17], [sflag:$0x2] =	stream.linear.gather [hbm4b:s0+s23], $0x10, $0x38;
	[tilespmem:$0x18000] =	vst v63  }
0x197: {  	s0 =	sadd.s32 s6, s2;
	s2 =	sand.u32 $0x1FFFFFFE, s16;
	s16 =	spop (v2sf)  }
0x198: {  	[tilespmem:s15], [sflag:$0x2] =	stream.linear.gather [hbm4b:s0+s23], $0x10, $0x38;
	[tilespmem:$0x18000] =	vst v63  }
0x199: {  	s0 =	sadd.s32 s6, s14;
	s14 =	sand.u32 $0x1FFFFFFE, s16;
	s15 =	spop (v2sf)  }
0x19a: {  	[tilespmem:s13], [sflag:$0x2] =	stream.linear.gather [hbm4b:s0+s23], $0x10, $0x38;
	[tilespmem:$0x18000] =	vst v63  }
0x19b: {  	s0 =	sadd.s32 s6, s2;
	s2 =	sand.u32 $0x1FFFFFFE, s15;
	s13 =	spop (v2sf)  }
0x19c: {  	[tilespmem:s12], [sflag:$0x2] =	stream.linear.gather [hbm4b:s0+s23], $0x10, $0x38;
	[tilespmem:$0x18000] =	vst v63  }
0x19d: {  	s0 =	sadd.s32 s6, s14;
	s12 =	sand.u32 $0x1FFFFFFE, s13  }
0x19e: {  	[tilespmem:s29], [sflag:$0x2] =	stream.linear.gather [hbm4b:s0+s23], $0x10, $0x38;
	[tilespmem:$0x18000] =	vst v63  }
0x19f: {  	s2 =	sadd.s32 s6, s2;
	s0 =	sadd.s32 $0xA60, s24  }
0x1a0: {  	[tilespmem:s0], [sflag:$0x2] =	stream.linear.gather [hbm4b:s2+s23], $0x10, $0x38;
	[tilespmem:$0x18000] =	vst v63  }
0x1a1: {  	s0 =	sadd.s32 $0xB18, s24;
	s2 =	sadd.s32 s6, s12  }
0x1a2: {  	[tilespmem:s0], [sflag:$0x2] =	stream.linear.gather [hbm4b:s2+s23], $0x10, $0x38;
	[tilespmem:$0x18000] =	vst v63  }
0x1a3: {  	v0 =	vld [tilespmem:s25+$0x0];
	_ =	sdelay $0x4  }
0x1a4: {  	v0 =	vshll.u32 v0, $0x1  }
0x1a5: {  	(v2sf) =	vpush v0, $0x0  }
0x1a6: {  	(v2sf) =	vpush v0, $0x1  }
0x1a7: {  	(v2sf) =	vpush v0, $0x2;
	_ =	sdelay $0x1  }
0x1a8: {  	(v2sf) =	vpush v0, $0x4  }
.Ltmp4:
0x1a9: {  	(pc) =	sbr.rel @p0 .LBB2_10-.Ltmp4, $3  }
0x1aa: {  	(v2sf) =	vpush v0, $0x3  }
0x1ab: {  	(v2sf) =	vpush v0, $0x5;
	_ =	sdelay $0x1  }
0x1ac: {  	s24 =	sshra.s32 s28, $0x2;
	(v2sf) =	vpush v0, $0x6  }
0x1ad: {  	_ =	sdelay $0x1  }
0x1ae: {  	s0 =	sadd.s32 $0x108, s24;
	s14 =	sadd.s32 $0x838, s24  }
0x1af: {  	s2 =	sadd.s32 $0x558, s24;
	s12 =	sadd.s32 $0x8F0, s24;
	(v2sf) =	vpush v0, $0x7;
	s15 =	sadd.s32 $0x3E8, s24  }
0x1b0: {  	s16 =	sadd.s32 $0x610, s24;
	s13 =	sadd.s32 $0x9A8, s24;
	s17 =	sadd.s32 $0x50, s24  }
0x1b1: {  	s18 =	sadd.s32 $0x330, s24;
	s19 =	sadd.s32 $0x4A0, s24;
	(v2sf) =	vpush v0, $0x8;
	s20 =	spop (v2sf)  }
0x1b2: {  	s21 =	sadd.s32 $0x1C0, s24;
	s20 =	sand.u32 $0x1FFFFFFE, s20;
	s22 =	spop (v2sf)  }
0x1b3: {  	(v2sf) =	vpush v0, $0x9;
	s20 =	sadd.s32 s6, s20;
	s22 =	sand.u32 $0x1FFFFFFE, s22;
	s25 =	spop (v2sf)  }
0x1b4: {  	[tilespmem:s17], [sflag:$0x2] =	stream.linear.gather [hbm4b:s20+s23], $0x10, $0x38;
	[tilespmem:$0x18000] =	vst v63  }
0x1b5: {  	(v2sf) =	vpush v0, $0xA;
	s26 =	sadd.s32 s6, s22;
	s29 =	sand.u32 $0x1FFFFFFE, s25;
	s28 =	spop (v2sf)  }
0x1b6: {  	[tilespmem:s0], [sflag:$0x2] =	stream.linear.gather [hbm4b:s26+s23], $0x10, $0x38;
	[tilespmem:$0x18000] =	vst v63  }
0x1b7: {  	s17 =	sadd.s32 $0x780, s24;
	(v2sf) =	vpush v0, $0xB;
	s20 =	sadd.s32 s6, s29;
	s30 =	spop (v2sf)  }
0x1b8: {  	s0 =	sadd.s32 $0x6C8, s24;
	s26 =	sadd.s32 $0x278, s24;
	s25 =	sand.u32 $0x1FFFFFFE, s30  }
0x1b9: {  	(v2sf) =	vpush v0, $0xC;
	[tilespmem:s21], [sflag:$0x2] =	stream.linear.gather [hbm4b:s20+s23], $0x10, $0x38;
	[tilespmem:$0x18000] =	vst v63  }
0x1ba: {  	s31 =	sand.u32 $0x1FFFFFFE, s28;
	s28 =	spop (v2sf);
	s29 =	sadd.s32 s6, s25  }
0x1bb: {  	(v2sf) =	vpush v0, $0xD;
	[tilespmem:s26], [sflag:$0x2] =	stream.linear.gather [hbm4b:s29+s23], $0x10, $0x38;
	[tilespmem:$0x18000] =	vst v63  }
0x1bc: {  	s20 =	sadd.s32 s6, s31;
	s21 =	sand.u32 $0x1FFFFFFE, s28;
	s30 =	spop (v2sf)  }
0x1bd: {  	(v2sf) =	vpush v0, $0xE;
	[tilespmem:s18], [sflag:$0x2] =	stream.linear.gather [hbm4b:s20+s23], $0x10, $0x38;
	[tilespmem:$0x18000] =	vst v63  }
0x1be: {  	s21 =	sadd.s32 s6, s21;
	s31 =	sand.u32 $0x1FFFFFFE, s30;
	s22 =	spop (v2sf)  }
0x1bf: {  	(v2sf) =	vpush v0, $0xF;
	[tilespmem:s15], [sflag:$0x2] =	stream.linear.gather [hbm4b:s21+s23], $0x10, $0x38;
	[tilespmem:$0x18000] =	vst v63  }
0x1c0: {  	s25 =	sand.u32 $0x1FFFFFFE, s22;
	s26 =	spop (v2sf);
	s18 =	sadd.s32 s6, s31  }
0x1c1: {  	[tilespmem:s19], [sflag:$0x2] =	stream.linear.gather [hbm4b:s18+s23], $0x10, $0x38;
	[tilespmem:$0x18000] =	vst v63  }
0x1c2: {  	s28 =	sand.u32 $0x1FFFFFFE, s26;
	s15 =	sadd.s32 s6, s25;
	s29 =	spop (v2sf)  }
0x1c3: {  	[tilespmem:s2], [sflag:$0x2] =	stream.linear.gather [hbm4b:s15+s23], $0x10, $0x38;
	[tilespmem:$0x18000] =	vst v63  }
0x1c4: {  	s18 =	sadd.s32 s6, s28;
	s30 =	sand.u32 $0x1FFFFFFE, s29;
	s31 =	spop (v2sf)  }
0x1c5: {  	[tilespmem:s16], [sflag:$0x2] =	stream.linear.gather [hbm4b:s18+s23], $0x10, $0x38;
	[tilespmem:$0x18000] =	vst v63  }
0x1c6: {  	s15 =	sand.u32 $0x1FFFFFFE, s31;
	s2 =	sadd.s32 s6, s30;
	s18 =	spop (v2sf)  }
0x1c7: {  	[tilespmem:s0], [sflag:$0x2] =	stream.linear.gather [hbm4b:s2+s23], $0x10, $0x38;
	[tilespmem:$0x18000] =	vst v63  }
0x1c8: {  	s15 =	sadd.s32 s6, s15;
	s19 =	sand.u32 $0x1FFFFFFE, s18;
	s20 =	spop (v2sf)  }
0x1c9: {  	[tilespmem:s17], [sflag:$0x2] =	stream.linear.gather [hbm4b:s15+s23], $0x10, $0x38;
	[tilespmem:$0x18000] =	vst v63  }
0x1ca: {  	s0 =	sadd.s32 s6, s19;
	s2 =	sand.u32 $0x1FFFFFFE, s20;
	s21 =	spop (v2sf)  }
0x1cb: {  	[tilespmem:s14], [sflag:$0x2] =	stream.linear.gather [hbm4b:s0+s23], $0x10, $0x38;
	[tilespmem:$0x18000] =	vst v63  }
0x1cc: {  	s22 =	sand.u32 $0x1FFFFFFE, s21;
	s2 =	sadd.s32 s6, s2;
	s25 =	spop (v2sf)  }
0x1cd: {  	[tilespmem:s12], [sflag:$0x2] =	stream.linear.gather [hbm4b:s2+s23], $0x10, $0x38;
	[tilespmem:$0x18000] =	vst v63  }
0x1ce: {  	s26 =	sand.u32 $0x1FFFFFFE, s25;
	s28 =	spop (v2sf);
	s0 =	sadd.s32 s6, s22  }
0x1cf: {  	[tilespmem:s13], [sflag:$0x2] =	stream.linear.gather [hbm4b:s0+s23], $0x10, $0x38;
	[tilespmem:$0x18000] =	vst v63  }
0x1d0: {  	s30 =	sadd.s32 $0xA60, s24;
	s29 =	sand.u32 $0x1FFFFFFE, s28;
	s2 =	sadd.s32 s6, s26  }
0x1d1: {  	[tilespmem:s30], [sflag:$0x2] =	stream.linear.gather [hbm4b:s2+s23], $0x10, $0x38;
	[tilespmem:$0x18000] =	vst v63  }
0x1d2: {  	s31 =	sadd.s32 $0xB18, s24;
	s25 =	simm.s32 $0x17800;
	s0 =	sadd.s32 s6, s29  }
0x1d3: {  	[tilespmem:s31], [sflag:$0x2] =	stream.linear.gather [hbm4b:s0+s23], $0x10, $0x38;
	[tilespmem:$0x18000] =	vst v63  }
0x1d4: {  	v0 =	vld [tilespmem:s25+$0x0];
	_ =	sdelay $0x4  }
0x1d5: {  	v0 =	vshll.u32 v0, $0x1  }
0x1d6: {  	(v2sf) =	vpush v0, $0x0  }
0x1d7: {  	(v2sf) =	vpush v0, $0x1  }
0x1d8: {  	(v2sf) =	vpush v0, $0x2;
	_ =	sdelay $0x1  }
0x1d9: {  	(v2sf) =	vpush v0, $0x4;
	_ =	sdelay $0x1  }
0x1da: {  	(v2sf) =	vpush v0, $0x3  }
0x1db: {  	(v2sf) =	vpush v0, $0x5  }
0x1dc: {  	s24 =	simm.s32 $0x0;
	s26 =	simm.s32 $0x2E00;
	(v2sf) =	vpush v0, $0x6  }
.LBB2_12:
0x1dd: {  	p0 =	sne.s32 s26, $0x59200  }
0x1de: {  	s0 =	sadd.s32 $0x118, s24;
	s29 =	sadd.s32 $0x848, s24;
	s28 =	smov.u32 s26  }
0x1df: {  	s26 =	sadd.s32 $0x2E00, s26;
	s16 =	sadd.s32 $0x568, s24;
	s12 =	sadd.s32 $0x900, s24;
	(v2sf) =	vpush v0, $0x7  }
0x1e0: {  	s18 =	sadd.s32 $0x3F8, s24;
	s15 =	sadd.s32 $0x620, s24;
	s13 =	sadd.s32 $0x9B8, s24  }
0x1e1: {  	s2 =	sadd.s32 $0x60, s24;
	s19 =	sadd.s32 $0x340, s24;
	(v2sf) =	vpush v0, $0x8  }
0x1e2: {  	s20 =	sadd.s32 $0x4B0, s24;
	s25 =	sadd.s32 $0x10, s25  }
0x1e3: {  	s21 =	sadd.s32 $0x1D0, s24;
	s14 =	sadd.s32 $0x790, s24;
	s17 =	spop (v2sf);
	(v2sf) =	vpush v0, $0x9  }
0x1e4: {  	s22 =	sand.u32 $0x1FFFFFFE, s17;
	s17 =	sadd.s32 $0x6D8, s24;
	s30 =	spop (v2sf)  }
0x1e5: {  	s22 =	sadd.s32 s7, s22;
	s30 =	sand.u32 $0x1FFFFFFE, s30;
	s31 =	spop (v2sf);
	(v2sf) =	vpush v0, $0xA  }
0x1e6: {  	[tilespmem:s2], [sflag:$0x2] =	stream.linear.gather [hbm4b:s22+s23], $0x10, $0x38;
	[tilespmem:$0x18000] =	vst v63  }
0x1e7: {  	s2 =	sadd.s32 s7, s30;
	s22 =	sadd.s32 $0x288, s24;
	s30 =	spop (v2sf);
	(v2sf) =	vpush v0, $0xB  }
0x1e8: {  	[tilespmem:s0], [sflag:$0x2] =	stream.linear.gather [hbm4b:s2+s23], $0x10, $0x38;
	[tilespmem:$0x18000] =	vst v63  }
0x1e9: {  	s0 =	sand.u32 $0x1FFFFFFE, s31;
	s2 =	sand.u32 $0x1FFFFFFE, s30;
	s30 =	spop (v2sf);
	(v2sf) =	vpush v0, $0xC  }
0x1ea: {  	s0 =	sadd.s32 s7, s0;
	s30 =	sand.u32 $0x1FFFFFFE, s30;
	s31 =	spop (v2sf)  }
0x1eb: {  	[tilespmem:s21], [sflag:$0x2] =	stream.linear.gather [hbm4b:s0+s23], $0x10, $0x38;
	(v2sf) =	vpush v0, $0xD;
	[tilespmem:$0x18000] =	vst v63  }
0x1ec: {  	s0 =	sadd.s32 s7, s30;
	s21 =	sand.u32 $0x1FFFFFFE, s31;
	s30 =	spop (v2sf)  }
0x1ed: {  	[tilespmem:s22], [sflag:$0x2] =	stream.linear.gather [hbm4b:s0+s23], $0x10, $0x38;
	(v2sf) =	vpush v0, $0xE;
	[tilespmem:$0x18000] =	vst v63  }
0x1ee: {  	s0 =	sadd.s32 s7, s2;
	s2 =	sand.u32 $0x1FFFFFFE, s30;
	s22 =	spop (v2sf)  }
0x1ef: {  	[tilespmem:s19], [sflag:$0x2] =	stream.linear.gather [hbm4b:s0+s23], $0x10, $0x38;
	(v2sf) =	vpush v0, $0xF;
	[tilespmem:$0x18000] =	vst v63  }
0x1f0: {  	s0 =	sadd.s32 s7, s21;
	s19 =	sand.u32 $0x1FFFFFFE, s22;
	s21 =	spop (v2sf)  }
0x1f1: {  	[tilespmem:s18], [sflag:$0x2] =	stream.linear.gather [hbm4b:s0+s23], $0x10, $0x38;
	[tilespmem:$0x18000] =	vst v63  }
0x1f2: {  	s0 =	sadd.s32 s7, s2;
	s2 =	sand.u32 $0x1FFFFFFE, s21;
	s18 =	spop (v2sf)  }
0x1f3: {  	[tilespmem:s20], [sflag:$0x2] =	stream.linear.gather [hbm4b:s0+s23], $0x10, $0x38;
	[tilespmem:$0x18000] =	vst v63  }
0x1f4: {  	s0 =	sadd.s32 s7, s19;
	s18 =	sand.u32 $0x1FFFFFFE, s18;
	s19 =	spop (v2sf)  }
0x1f5: {  	[tilespmem:s16], [sflag:$0x2] =	stream.linear.gather [hbm4b:s0+s23], $0x10, $0x38;
	[tilespmem:$0x18000] =	vst v63  }
0x1f6: {  	s0 =	sadd.s32 s7, s2;
	s2 =	sand.u32 $0x1FFFFFFE, s19;
	s16 =	spop (v2sf)  }
0x1f7: {  	[tilespmem:s15], [sflag:$0x2] =	stream.linear.gather [hbm4b:s0+s23], $0x10, $0x38;
	[tilespmem:$0x18000] =	vst v63  }
0x1f8: {  	s0 =	sadd.s32 s7, s18;
	s15 =	sand.u32 $0x1FFFFFFE, s16;
	s16 =	spop (v2sf)  }
0x1f9: {  	[tilespmem:s17], [sflag:$0x2] =	stream.linear.gather [hbm4b:s0+s23], $0x10, $0x38;
	[tilespmem:$0x18000] =	vst v63  }
0x1fa: {  	s0 =	sadd.s32 s7, s2;
	s2 =	sand.u32 $0x1FFFFFFE, s16;
	s16 =	spop (v2sf)  }
0x1fb: {  	[tilespmem:s14], [sflag:$0x2] =	stream.linear.gather [hbm4b:s0+s23], $0x10, $0x38;
	[tilespmem:$0x18000] =	vst v63  }
0x1fc: {  	s0 =	sadd.s32 s7, s15;
	s14 =	sand.u32 $0x1FFFFFFE, s16;
	s15 =	spop (v2sf)  }
0x1fd: {  	[tilespmem:s29], [sflag:$0x2] =	stream.linear.gather [hbm4b:s0+s23], $0x10, $0x38;
	[tilespmem:$0x18000] =	vst v63  }
0x1fe: {  	s0 =	sadd.s32 s7, s2;
	s2 =	sand.u32 $0x1FFFFFFE, s15;
	s15 =	spop (v2sf)  }
0x1ff: {  	[tilespmem:s12], [sflag:$0x2] =	stream.linear.gather [hbm4b:s0+s23], $0x10, $0x38;
	[tilespmem:$0x18000] =	vst v63  }
0x200: {  	s0 =	sadd.s32 s7, s14;
	s12 =	sand.u32 $0x1FFFFFFE, s15  }
0x201: {  	[tilespmem:s13], [sflag:$0x2] =	stream.linear.gather [hbm4b:s0+s23], $0x10, $0x38;
	[tilespmem:$0x18000] =	vst v63  }
0x202: {  	s2 =	sadd.s32 s7, s2;
	s0 =	sadd.s32 $0xA70, s24  }
0x203: {  	[tilespmem:s0], [sflag:$0x2] =	stream.linear.gather [hbm4b:s2+s23], $0x10, $0x38;
	[tilespmem:$0x18000] =	vst v63  }
0x204: {  	s0 =	sadd.s32 $0xB28, s24;
	s2 =	sadd.s32 s7, s12  }
0x205: {  	[tilespmem:s0], [sflag:$0x2] =	stream.linear.gather [hbm4b:s2+s23], $0x10, $0x38;
	[tilespmem:$0x18000] =	vst v63  }
0x206: {  	v0 =	vld [tilespmem:s25+$0x0];
	_ =	sdelay $0x4  }
0x207: {  	v0 =	vshll.u32 v0, $0x1  }
0x208: {  	(v2sf) =	vpush v0, $0x0  }
0x209: {  	(v2sf) =	vpush v0, $0x1  }
0x20a: {  	(v2sf) =	vpush v0, $0x2;
	_ =	sdelay $0x1  }
0x20b: {  	(v2sf) =	vpush v0, $0x4  }
.Ltmp5:
0x20c: {  	(pc) =	sbr.rel @p0 .LBB2_12-.Ltmp5, $3  }
0x20d: {  	(v2sf) =	vpush v0, $0x3  }
0x20e: {  	(v2sf) =	vpush v0, $0x5;
	_ =	sdelay $0x1  }
0x20f: {  	s24 =	sshra.s32 s28, $0x2;
	(v2sf) =	vpush v0, $0x6  }
0x210: {  	_ =	sdelay $0x1  }
0x211: {  	s0 =	sadd.s32 $0x118, s24;
	s14 =	sadd.s32 $0x848, s24  }
0x212: {  	s2 =	sadd.s32 $0x568, s24;
	s12 =	sadd.s32 $0x900, s24;
	(v2sf) =	vpush v0, $0x7;
	s15 =	sadd.s32 $0x3F8, s24  }
0x213: {  	s16 =	sadd.s32 $0x620, s24;
	s13 =	sadd.s32 $0x9B8, s24;
	s17 =	sadd.s32 $0x60, s24  }
0x214: {  	s18 =	sadd.s32 $0x340, s24;
	s19 =	sadd.s32 $0x4B0, s24;
	(v2sf) =	vpush v0, $0x8;
	s20 =	spop (v2sf)  }
0x215: {  	s21 =	sadd.s32 $0x1D0, s24;
	s20 =	sand.u32 $0x1FFFFFFE, s20;
	s22 =	spop (v2sf)  }
0x216: {  	(v2sf) =	vpush v0, $0x9;
	s20 =	sadd.s32 s7, s20;
	s22 =	sand.u32 $0x1FFFFFFE, s22;
	s25 =	spop (v2sf)  }
0x217: {  	[tilespmem:s17], [sflag:$0x2] =	stream.linear.gather [hbm4b:s20+s23], $0x10, $0x38;
	[tilespmem:$0x18000] =	vst v63  }
0x218: {  	(v2sf) =	vpush v0, $0xA;
	s26 =	sadd.s32 s7, s22;
	s29 =	sand.u32 $0x1FFFFFFE, s25;
	s28 =	spop (v2sf)  }
0x219: {  	[tilespmem:s0], [sflag:$0x2] =	stream.linear.gather [hbm4b:s26+s23], $0x10, $0x38;
	[tilespmem:$0x18000] =	vst v63  }
0x21a: {  	s17 =	sadd.s32 $0x790, s24;
	(v2sf) =	vpush v0, $0xB;
	s20 =	sadd.s32 s7, s29;
	s30 =	spop (v2sf)  }
0x21b: {  	s0 =	sadd.s32 $0x6D8, s24;
	s26 =	sadd.s32 $0x288, s24;
	s25 =	sand.u32 $0x1FFFFFFE, s30  }
0x21c: {  	(v2sf) =	vpush v0, $0xC;
	[tilespmem:s21], [sflag:$0x2] =	stream.linear.gather [hbm4b:s20+s23], $0x10, $0x38;
	[tilespmem:$0x18000] =	vst v63  }
0x21d: {  	s31 =	sand.u32 $0x1FFFFFFE, s28;
	s28 =	spop (v2sf);
	s29 =	sadd.s32 s7, s25  }
0x21e: {  	(v2sf) =	vpush v0, $0xD;
	[tilespmem:s26], [sflag:$0x2] =	stream.linear.gather [hbm4b:s29+s23], $0x10, $0x38;
	[tilespmem:$0x18000] =	vst v63  }
0x21f: {  	s20 =	sadd.s32 s7, s31;
	s21 =	sand.u32 $0x1FFFFFFE, s28;
	s30 =	spop (v2sf)  }
0x220: {  	(v2sf) =	vpush v0, $0xE;
	[tilespmem:s18], [sflag:$0x2] =	stream.linear.gather [hbm4b:s20+s23], $0x10, $0x38;
	[tilespmem:$0x18000] =	vst v63  }
0x221: {  	s21 =	sadd.s32 s7, s21;
	s31 =	sand.u32 $0x1FFFFFFE, s30;
	s22 =	spop (v2sf)  }
0x222: {  	(v2sf) =	vpush v0, $0xF;
	[tilespmem:s15], [sflag:$0x2] =	stream.linear.gather [hbm4b:s21+s23], $0x10, $0x38;
	[tilespmem:$0x18000] =	vst v63  }
0x223: {  	s25 =	sand.u32 $0x1FFFFFFE, s22;
	s26 =	spop (v2sf);
	s18 =	sadd.s32 s7, s31  }
0x224: {  	[tilespmem:s19], [sflag:$0x2] =	stream.linear.gather [hbm4b:s18+s23], $0x10, $0x38;
	[tilespmem:$0x18000] =	vst v63  }
0x225: {  	s28 =	sand.u32 $0x1FFFFFFE, s26;
	s15 =	sadd.s32 s7, s25;
	s29 =	spop (v2sf)  }
0x226: {  	[tilespmem:s2], [sflag:$0x2] =	stream.linear.gather [hbm4b:s15+s23], $0x10, $0x38;
	[tilespmem:$0x18000] =	vst v63  }
0x227: {  	s18 =	sadd.s32 s7, s28;
	s30 =	sand.u32 $0x1FFFFFFE, s29;
	s31 =	spop (v2sf)  }
0x228: {  	[tilespmem:s16], [sflag:$0x2] =	stream.linear.gather [hbm4b:s18+s23], $0x10, $0x38;
	[tilespmem:$0x18000] =	vst v63  }
0x229: {  	s15 =	sand.u32 $0x1FFFFFFE, s31;
	s2 =	sadd.s32 s7, s30;
	s18 =	spop (v2sf)  }
0x22a: {  	[tilespmem:s0], [sflag:$0x2] =	stream.linear.gather [hbm4b:s2+s23], $0x10, $0x38;
	[tilespmem:$0x18000] =	vst v63  }
0x22b: {  	s15 =	sadd.s32 s7, s15;
	s19 =	sand.u32 $0x1FFFFFFE, s18;
	s20 =	spop (v2sf)  }
0x22c: {  	[tilespmem:s17], [sflag:$0x2] =	stream.linear.gather [hbm4b:s15+s23], $0x10, $0x38;
	[tilespmem:$0x18000] =	vst v63  }
0x22d: {  	s0 =	sadd.s32 s7, s19;
	s2 =	sand.u32 $0x1FFFFFFE, s20;
	s21 =	spop (v2sf)  }
0x22e: {  	[tilespmem:s14], [sflag:$0x2] =	stream.linear.gather [hbm4b:s0+s23], $0x10, $0x38;
	[tilespmem:$0x18000] =	vst v63  }
0x22f: {  	s22 =	sand.u32 $0x1FFFFFFE, s21;
	s2 =	sadd.s32 s7, s2;
	s25 =	spop (v2sf)  }
0x230: {  	[tilespmem:s12], [sflag:$0x2] =	stream.linear.gather [hbm4b:s2+s23], $0x10, $0x38;
	[tilespmem:$0x18000] =	vst v63  }
0x231: {  	s26 =	sand.u32 $0x1FFFFFFE, s25;
	s28 =	spop (v2sf);
	s0 =	sadd.s32 s7, s22  }
0x232: {  	[tilespmem:s13], [sflag:$0x2] =	stream.linear.gather [hbm4b:s0+s23], $0x10, $0x38;
	[tilespmem:$0x18000] =	vst v63  }
0x233: {  	s30 =	sadd.s32 $0xA70, s24;
	s29 =	sand.u32 $0x1FFFFFFE, s28;
	s2 =	sadd.s32 s7, s26  }
0x234: {  	[tilespmem:s30], [sflag:$0x2] =	stream.linear.gather [hbm4b:s2+s23], $0x10, $0x38;
	[tilespmem:$0x18000] =	vst v63  }
0x235: {  	s31 =	sadd.s32 $0xB28, s24;
	s25 =	simm.s32 $0x17A00;
	s0 =	sadd.s32 s7, s29  }
0x236: {  	[tilespmem:s31], [sflag:$0x2] =	stream.linear.gather [hbm4b:s0+s23], $0x10, $0x38;
	[tilespmem:$0x18000] =	vst v63  }
0x237: {  	v0 =	vld [tilespmem:s25+$0x0];
	_ =	sdelay $0x4  }
0x238: {  	v0 =	vshll.u32 v0, $0x1  }
0x239: {  	(v2sf) =	vpush v0, $0x0  }
0x23a: {  	(v2sf) =	vpush v0, $0x1  }
0x23b: {  	(v2sf) =	vpush v0, $0x2;
	_ =	sdelay $0x1  }
0x23c: {  	(v2sf) =	vpush v0, $0x4;
	_ =	sdelay $0x1  }
0x23d: {  	(v2sf) =	vpush v0, $0x3  }
0x23e: {  	(v2sf) =	vpush v0, $0x5  }
0x23f: {  	s24 =	simm.s32 $0x0;
	s26 =	simm.s32 $0x2E00;
	(v2sf) =	vpush v0, $0x6  }
.LBB2_14:
0x240: {  	p0 =	sne.s32 s26, $0x59200  }
0x241: {  	s0 =	sadd.s32 $0x128, s24;
	s13 =	sadd.s32 $0x858, s24;
	s28 =	smov.u32 s26  }
0x242: {  	s26 =	sadd.s32 $0x2E00, s26;
	s16 =	sadd.s32 $0x578, s24;
	s12 =	sadd.s32 $0x910, s24;
	(v2sf) =	vpush v0, $0x7  }
0x243: {  	s18 =	sadd.s32 $0x408, s24;
	s14 =	sadd.s32 $0x630, s24;
	s29 =	sadd.s32 $0x9C8, s24  }
0x244: {  	s2 =	sadd.s32 $0x70, s24;
	s19 =	sadd.s32 $0x350, s24;
	(v2sf) =	vpush v0, $0x8  }
0x245: {  	s23 =	simm.s32 $0x0;
	s20 =	sadd.s32 $0x4C0, s24;
	s25 =	sadd.s32 $0x10, s25  }
0x246: {  	s21 =	sadd.s32 $0x1E0, s24;
	s15 =	sadd.s32 $0x7A0, s24;
	s17 =	spop (v2sf);
	(v2sf) =	vpush v0, $0x9  }
0x247: {  	s22 =	sand.u32 $0x1FFFFFFE, s17;
	s17 =	sadd.s32 $0x6E8, s24;
	s30 =	spop (v2sf)  }
0x248: {  	s22 =	sadd.s32 s8, s22;
	s30 =	sand.u32 $0x1FFFFFFE, s30;
	s31 =	spop (v2sf);
	(v2sf) =	vpush v0, $0xA  }
0x249: {  	[tilespmem:s2], [sflag:$0x2] =	stream.linear.gather [hbm4b:s22+s23], $0x10, $0x38;
	[tilespmem:$0x18000] =	vst v63  }
0x24a: {  	s2 =	sadd.s32 s8, s30;
	s22 =	sadd.s32 $0x298, s24;
	s30 =	spop (v2sf);
	(v2sf) =	vpush v0, $0xB  }
0x24b: {  	[tilespmem:s0], [sflag:$0x2] =	stream.linear.gather [hbm4b:s2+s23], $0x10, $0x38;
	[tilespmem:$0x18000] =	vst v63  }
0x24c: {  	s0 =	sand.u32 $0x1FFFFFFE, s31;
	s2 =	sand.u32 $0x1FFFFFFE, s30;
	s30 =	spop (v2sf);
	(v2sf) =	vpush v0, $0xC  }
0x24d: {  	s0 =	sadd.s32 s8, s0;
	s30 =	sand.u32 $0x1FFFFFFE, s30;
	s31 =	spop (v2sf)  }
0x24e: {  	[tilespmem:s21], [sflag:$0x2] =	stream.linear.gather [hbm4b:s0+s23], $0x10, $0x38;
	(v2sf) =	vpush v0, $0xD;
	[tilespmem:$0x18000] =	vst v63  }
0x24f: {  	s0 =	sadd.s32 s8, s30;
	s21 =	sand.u32 $0x1FFFFFFE, s31;
	s30 =	spop (v2sf)  }
0x250: {  	[tilespmem:s22], [sflag:$0x2] =	stream.linear.gather [hbm4b:s0+s23], $0x10, $0x38;
	(v2sf) =	vpush v0, $0xE;
	[tilespmem:$0x18000] =	vst v63  }
0x251: {  	s0 =	sadd.s32 s8, s2;
	s2 =	sand.u32 $0x1FFFFFFE, s30;
	s22 =	spop (v2sf)  }
0x252: {  	[tilespmem:s19], [sflag:$0x2] =	stream.linear.gather [hbm4b:s0+s23], $0x10, $0x38;
	(v2sf) =	vpush v0, $0xF;
	[tilespmem:$0x18000] =	vst v63  }
0x253: {  	s0 =	sadd.s32 s8, s21;
	s19 =	sand.u32 $0x1FFFFFFE, s22;
	s21 =	spop (v2sf)  }
0x254: {  	[tilespmem:s18], [sflag:$0x2] =	stream.linear.gather [hbm4b:s0+s23], $0x10, $0x38;
	[tilespmem:$0x18000] =	vst v63  }
0x255: {  	s0 =	sadd.s32 s8, s2;
	s2 =	sand.u32 $0x1FFFFFFE, s21;
	s18 =	spop (v2sf)  }
0x256: {  	[tilespmem:s20], [sflag:$0x2] =	stream.linear.gather [hbm4b:s0+s23], $0x10, $0x38;
	[tilespmem:$0x18000] =	vst v63  }
0x257: {  	s0 =	sadd.s32 s8, s19;
	s18 =	sand.u32 $0x1FFFFFFE, s18;
	s19 =	spop (v2sf)  }
0x258: {  	[tilespmem:s16], [sflag:$0x2] =	stream.linear.gather [hbm4b:s0+s23], $0x10, $0x38;
	[tilespmem:$0x18000] =	vst v63  }
0x259: {  	s0 =	sadd.s32 s8, s2;
	s2 =	sand.u32 $0x1FFFFFFE, s19;
	s16 =	spop (v2sf)  }
0x25a: {  	[tilespmem:s14], [sflag:$0x2] =	stream.linear.gather [hbm4b:s0+s23], $0x10, $0x38;
	[tilespmem:$0x18000] =	vst v63  }
0x25b: {  	s0 =	sadd.s32 s8, s18;
	s14 =	sand.u32 $0x1FFFFFFE, s16;
	s16 =	spop (v2sf)  }
0x25c: {  	[tilespmem:s17], [sflag:$0x2] =	stream.linear.gather [hbm4b:s0+s23], $0x10, $0x38;
	[tilespmem:$0x18000] =	vst v63  }
0x25d: {  	s0 =	sadd.s32 s8, s2;
	s2 =	sand.u32 $0x1FFFFFFE, s16;
	s16 =	spop (v2sf)  }
0x25e: {  	[tilespmem:s15], [sflag:$0x2] =	stream.linear.gather [hbm4b:s0+s23], $0x10, $0x38;
	[tilespmem:$0x18000] =	vst v63  }
0x25f: {  	s0 =	sadd.s32 s8, s14;
	s14 =	sand.u32 $0x1FFFFFFE, s16;
	s15 =	spop (v2sf)  }
0x260: {  	[tilespmem:s13], [sflag:$0x2] =	stream.linear.gather [hbm4b:s0+s23], $0x10, $0x38;
	[tilespmem:$0x18000] =	vst v63  }
0x261: {  	s0 =	sadd.s32 s8, s2;
	s2 =	sand.u32 $0x1FFFFFFE, s15;
	s13 =	spop (v2sf)  }
0x262: {  	[tilespmem:s12], [sflag:$0x2] =	stream.linear.gather [hbm4b:s0+s23], $0x10, $0x38;
	[tilespmem:$0x18000] =	vst v63  }
0x263: {  	s0 =	sadd.s32 s8, s14;
	s12 =	sand.u32 $0x1FFFFFFE, s13  }
0x264: {  	[tilespmem:s29], [sflag:$0x2] =	stream.linear.gather [hbm4b:s0+s23], $0x10, $0x38;
	[tilespmem:$0x18000] =	vst v63  }
0x265: {  	s2 =	sadd.s32 s8, s2;
	s0 =	sadd.s32 $0xA80, s24  }
0x266: {  	[tilespmem:s0], [sflag:$0x2] =	stream.linear.gather [hbm4b:s2+s23], $0x10, $0x38;
	[tilespmem:$0x18000] =	vst v63  }
0x267: {  	s0 =	sadd.s32 $0xB38, s24;
	s2 =	sadd.s32 s8, s12  }
0x268: {  	[tilespmem:s0], [sflag:$0x2] =	stream.linear.gather [hbm4b:s2+s23], $0x10, $0x38;
	[tilespmem:$0x18000] =	vst v63  }
0x269: {  	v0 =	vld [tilespmem:s25+$0x0];
	_ =	sdelay $0x4  }
0x26a: {  	v0 =	vshll.u32 v0, $0x1  }
0x26b: {  	(v2sf) =	vpush v0, $0x0  }
0x26c: {  	(v2sf) =	vpush v0, $0x1  }
0x26d: {  	(v2sf) =	vpush v0, $0x2;
	_ =	sdelay $0x1  }
0x26e: {  	(v2sf) =	vpush v0, $0x4  }
.Ltmp6:
0x26f: {  	(pc) =	sbr.rel @p0 .LBB2_14-.Ltmp6, $3  }
0x270: {  	(v2sf) =	vpush v0, $0x3  }
0x271: {  	(v2sf) =	vpush v0, $0x5;
	_ =	sdelay $0x1  }
0x272: {  	s24 =	sshra.s32 s28, $0x2;
	(v2sf) =	vpush v0, $0x6  }
0x273: {  	_ =	sdelay $0x1  }
0x274: {  	s0 =	sadd.s32 $0x128, s24;
	s14 =	sadd.s32 $0x858, s24  }
0x275: {  	s2 =	sadd.s32 $0x578, s24;
	s12 =	sadd.s32 $0x910, s24;
	(v2sf) =	vpush v0, $0x7;
	s15 =	sadd.s32 $0x408, s24  }
0x276: {  	s16 =	sadd.s32 $0x630, s24;
	s13 =	sadd.s32 $0x9C8, s24;
	s17 =	sadd.s32 $0x70, s24  }
0x277: {  	s18 =	sadd.s32 $0x350, s24;
	s19 =	sadd.s32 $0x4C0, s24;
	(v2sf) =	vpush v0, $0x8;
	s20 =	spop (v2sf)  }
0x278: {  	s21 =	sadd.s32 $0x1E0, s24;
	s20 =	sand.u32 $0x1FFFFFFE, s20;
	s22 =	spop (v2sf)  }
0x279: {  	(v2sf) =	vpush v0, $0x9;
	s20 =	sadd.s32 s8, s20;
	s22 =	sand.u32 $0x1FFFFFFE, s22;
	s25 =	spop (v2sf)  }
0x27a: {  	[tilespmem:s17], [sflag:$0x2] =	stream.linear.gather [hbm4b:s20+s23], $0x10, $0x38;
	[tilespmem:$0x18000] =	vst v63  }
0x27b: {  	(v2sf) =	vpush v0, $0xA;
	s26 =	sadd.s32 s8, s22;
	s29 =	sand.u32 $0x1FFFFFFE, s25;
	s28 =	spop (v2sf)  }
0x27c: {  	[tilespmem:s0], [sflag:$0x2] =	stream.linear.gather [hbm4b:s26+s23], $0x10, $0x38;
	[tilespmem:$0x18000] =	vst v63  }
0x27d: {  	s17 =	sadd.s32 $0x7A0, s24;
	(v2sf) =	vpush v0, $0xB;
	s20 =	sadd.s32 s8, s29;
	s30 =	spop (v2sf)  }
0x27e: {  	s0 =	sadd.s32 $0x6E8, s24;
	s26 =	sadd.s32 $0x298, s24;
	s25 =	sand.u32 $0x1FFFFFFE, s30  }
0x27f: {  	(v2sf) =	vpush v0, $0xC;
	[tilespmem:s21], [sflag:$0x2] =	stream.linear.gather [hbm4b:s20+s23], $0x10, $0x38;
	[tilespmem:$0x18000] =	vst v63  }
0x280: {  	s31 =	sand.u32 $0x1FFFFFFE, s28;
	s28 =	spop (v2sf);
	s29 =	sadd.s32 s8, s25  }
0x281: {  	(v2sf) =	vpush v0, $0xD;
	[tilespmem:s26], [sflag:$0x2] =	stream.linear.gather [hbm4b:s29+s23], $0x10, $0x38;
	[tilespmem:$0x18000] =	vst v63  }
0x282: {  	s20 =	sadd.s32 s8, s31;
	s21 =	sand.u32 $0x1FFFFFFE, s28;
	s30 =	spop (v2sf)  }
0x283: {  	(v2sf) =	vpush v0, $0xE;
	[tilespmem:s18], [sflag:$0x2] =	stream.linear.gather [hbm4b:s20+s23], $0x10, $0x38;
	[tilespmem:$0x18000] =	vst v63  }
0x284: {  	s21 =	sadd.s32 s8, s21;
	s31 =	sand.u32 $0x1FFFFFFE, s30;
	s22 =	spop (v2sf)  }
0x285: {  	(v2sf) =	vpush v0, $0xF;
	[tilespmem:s15], [sflag:$0x2] =	stream.linear.gather [hbm4b:s21+s23], $0x10, $0x38;
	[tilespmem:$0x18000] =	vst v63  }
0x286: {  	s25 =	sand.u32 $0x1FFFFFFE, s22;
	s26 =	spop (v2sf);
	s18 =	sadd.s32 s8, s31  }
0x287: {  	[tilespmem:s19], [sflag:$0x2] =	stream.linear.gather [hbm4b:s18+s23], $0x10, $0x38;
	[tilespmem:$0x18000] =	vst v63  }
0x288: {  	s28 =	sand.u32 $0x1FFFFFFE, s26;
	s15 =	sadd.s32 s8, s25;
	s29 =	spop (v2sf)  }
0x289: {  	[tilespmem:s2], [sflag:$0x2] =	stream.linear.gather [hbm4b:s15+s23], $0x10, $0x38;
	[tilespmem:$0x18000] =	vst v63  }
0x28a: {  	s18 =	sadd.s32 s8, s28;
	s30 =	sand.u32 $0x1FFFFFFE, s29;
	s31 =	spop (v2sf)  }
0x28b: {  	[tilespmem:s16], [sflag:$0x2] =	stream.linear.gather [hbm4b:s18+s23], $0x10, $0x38;
	[tilespmem:$0x18000] =	vst v63  }
0x28c: {  	s15 =	sand.u32 $0x1FFFFFFE, s31;
	s2 =	sadd.s32 s8, s30;
	s18 =	spop (v2sf)  }
0x28d: {  	[tilespmem:s0], [sflag:$0x2] =	stream.linear.gather [hbm4b:s2+s23], $0x10, $0x38;
	[tilespmem:$0x18000] =	vst v63  }
0x28e: {  	s15 =	sadd.s32 s8, s15;
	s19 =	sand.u32 $0x1FFFFFFE, s18;
	s20 =	spop (v2sf)  }
0x28f: {  	[tilespmem:s17], [sflag:$0x2] =	stream.linear.gather [hbm4b:s15+s23], $0x10, $0x38;
	[tilespmem:$0x18000] =	vst v63  }
0x290: {  	s0 =	sadd.s32 s8, s19;
	s2 =	sand.u32 $0x1FFFFFFE, s20;
	s21 =	spop (v2sf)  }
0x291: {  	[tilespmem:s14], [sflag:$0x2] =	stream.linear.gather [hbm4b:s0+s23], $0x10, $0x38;
	[tilespmem:$0x18000] =	vst v63  }
0x292: {  	s22 =	sand.u32 $0x1FFFFFFE, s21;
	s2 =	sadd.s32 s8, s2;
	s25 =	spop (v2sf)  }
0x293: {  	[tilespmem:s12], [sflag:$0x2] =	stream.linear.gather [hbm4b:s2+s23], $0x10, $0x38;
	[tilespmem:$0x18000] =	vst v63  }
0x294: {  	s26 =	sand.u32 $0x1FFFFFFE, s25;
	s28 =	spop (v2sf);
	s0 =	sadd.s32 s8, s22  }
0x295: {  	[tilespmem:s13], [sflag:$0x2] =	stream.linear.gather [hbm4b:s0+s23], $0x10, $0x38;
	[tilespmem:$0x18000] =	vst v63  }
0x296: {  	s30 =	sadd.s32 $0xA80, s24;
	s29 =	sand.u32 $0x1FFFFFFE, s28;
	s2 =	sadd.s32 s8, s26  }
0x297: {  	[tilespmem:s30], [sflag:$0x2] =	stream.linear.gather [hbm4b:s2+s23], $0x10, $0x38;
	[tilespmem:$0x18000] =	vst v63  }
0x298: {  	s31 =	sadd.s32 $0xB38, s24;
	s25 =	simm.s32 $0x17C00;
	s0 =	sadd.s32 s8, s29  }
0x299: {  	[tilespmem:s31], [sflag:$0x2] =	stream.linear.gather [hbm4b:s0+s23], $0x10, $0x38;
	[tilespmem:$0x18000] =	vst v63  }
0x29a: {  	v0 =	vld [tilespmem:s25+$0x0];
	_ =	sdelay $0x4  }
0x29b: {  	v0 =	vshll.u32 v0, $0x1  }
0x29c: {  	(v2sf) =	vpush v0, $0x0  }
0x29d: {  	(v2sf) =	vpush v0, $0x1  }
0x29e: {  	(v2sf) =	vpush v0, $0x2;
	_ =	sdelay $0x1  }
0x29f: {  	(v2sf) =	vpush v0, $0x4;
	_ =	sdelay $0x1  }
0x2a0: {  	(v2sf) =	vpush v0, $0x3  }
0x2a1: {  	(v2sf) =	vpush v0, $0x5  }
0x2a2: {  	s24 =	simm.s32 $0x0;
	s26 =	simm.s32 $0x2E00;
	(v2sf) =	vpush v0, $0x6  }
.LBB2_16:
0x2a3: {  	p0 =	sne.s32 s26, $0x59200  }
0x2a4: {  	s0 =	sadd.s32 $0x138, s24;
	s29 =	sadd.s32 $0x868, s24;
	s28 =	smov.u32 s26  }
0x2a5: {  	s26 =	sadd.s32 $0x2E00, s26;
	s16 =	sadd.s32 $0x588, s24;
	s12 =	sadd.s32 $0x920, s24;
	(v2sf) =	vpush v0, $0x7  }
0x2a6: {  	s18 =	sadd.s32 $0x418, s24;
	s15 =	sadd.s32 $0x640, s24;
	s13 =	sadd.s32 $0x9D8, s24  }
0x2a7: {  	s2 =	sadd.s32 $0x80, s24;
	s19 =	sadd.s32 $0x360, s24;
	(v2sf) =	vpush v0, $0x8  }
0x2a8: {  	s20 =	sadd.s32 $0x4D0, s24;
	s25 =	sadd.s32 $0x10, s25  }
0x2a9: {  	s21 =	sadd.s32 $0x1F0, s24;
	s14 =	sadd.s32 $0x7B0, s24;
	s17 =	spop (v2sf);
	(v2sf) =	vpush v0, $0x9  }
0x2aa: {  	s22 =	sand.u32 $0x1FFFFFFE, s17;
	s17 =	sadd.s32 $0x6F8, s24;
	s30 =	spop (v2sf)  }
0x2ab: {  	s22 =	sadd.s32 s9, s22;
	s30 =	sand.u32 $0x1FFFFFFE, s30;
	s31 =	spop (v2sf);
	(v2sf) =	vpush v0, $0xA  }
0x2ac: {  	[tilespmem:s2], [sflag:$0x2] =	stream.linear.gather [hbm4b:s22+s23], $0x10, $0x38;
	[tilespmem:$0x18000] =	vst v63  }
0x2ad: {  	s2 =	sadd.s32 s9, s30;
	s22 =	sadd.s32 $0x2A8, s24;
	s30 =	spop (v2sf);
	(v2sf) =	vpush v0, $0xB  }
0x2ae: {  	[tilespmem:s0], [sflag:$0x2] =	stream.linear.gather [hbm4b:s2+s23], $0x10, $0x38;
	[tilespmem:$0x18000] =	vst v63  }
0x2af: {  	s0 =	sand.u32 $0x1FFFFFFE, s31;
	s2 =	sand.u32 $0x1FFFFFFE, s30;
	s30 =	spop (v2sf);
	(v2sf) =	vpush v0, $0xC  }
0x2b0: {  	s0 =	sadd.s32 s9, s0;
	s30 =	sand.u32 $0x1FFFFFFE, s30;
	s31 =	spop (v2sf)  }
0x2b1: {  	[tilespmem:s21], [sflag:$0x2] =	stream.linear.gather [hbm4b:s0+s23], $0x10, $0x38;
	(v2sf) =	vpush v0, $0xD;
	[tilespmem:$0x18000] =	vst v63  }
0x2b2: {  	s0 =	sadd.s32 s9, s30;
	s21 =	sand.u32 $0x1FFFFFFE, s31;
	s30 =	spop (v2sf)  }
0x2b3: {  	[tilespmem:s22], [sflag:$0x2] =	stream.linear.gather [hbm4b:s0+s23], $0x10, $0x38;
	(v2sf) =	vpush v0, $0xE;
	[tilespmem:$0x18000] =	vst v63  }
0x2b4: {  	s0 =	sadd.s32 s9, s2;
	s2 =	sand.u32 $0x1FFFFFFE, s30;
	s22 =	spop (v2sf)  }
0x2b5: {  	[tilespmem:s19], [sflag:$0x2] =	stream.linear.gather [hbm4b:s0+s23], $0x10, $0x38;
	(v2sf) =	vpush v0, $0xF;
	[tilespmem:$0x18000] =	vst v63  }
0x2b6: {  	s0 =	sadd.s32 s9, s21;
	s19 =	sand.u32 $0x1FFFFFFE, s22;
	s21 =	spop (v2sf)  }
0x2b7: {  	[tilespmem:s18], [sflag:$0x2] =	stream.linear.gather [hbm4b:s0+s23], $0x10, $0x38;
	[tilespmem:$0x18000] =	vst v63  }
0x2b8: {  	s0 =	sadd.s32 s9, s2;
	s2 =	sand.u32 $0x1FFFFFFE, s21;
	s18 =	spop (v2sf)  }
0x2b9: {  	[tilespmem:s20], [sflag:$0x2] =	stream.linear.gather [hbm4b:s0+s23], $0x10, $0x38;
	[tilespmem:$0x18000] =	vst v63  }
0x2ba: {  	s0 =	sadd.s32 s9, s19;
	s18 =	sand.u32 $0x1FFFFFFE, s18;
	s19 =	spop (v2sf)  }
0x2bb: {  	[tilespmem:s16], [sflag:$0x2] =	stream.linear.gather [hbm4b:s0+s23], $0x10, $0x38;
	[tilespmem:$0x18000] =	vst v63  }
0x2bc: {  	s0 =	sadd.s32 s9, s2;
	s2 =	sand.u32 $0x1FFFFFFE, s19;
	s16 =	spop (v2sf)  }
0x2bd: {  	[tilespmem:s15], [sflag:$0x2] =	stream.linear.gather [hbm4b:s0+s23], $0x10, $0x38;
	[tilespmem:$0x18000] =	vst v63  }
0x2be: {  	s0 =	sadd.s32 s9, s18;
	s15 =	sand.u32 $0x1FFFFFFE, s16;
	s16 =	spop (v2sf)  }
0x2bf: {  	[tilespmem:s17], [sflag:$0x2] =	stream.linear.gather [hbm4b:s0+s23], $0x10, $0x38;
	[tilespmem:$0x18000] =	vst v63  }
0x2c0: {  	s0 =	sadd.s32 s9, s2;
	s2 =	sand.u32 $0x1FFFFFFE, s16;
	s16 =	spop (v2sf)  }
0x2c1: {  	[tilespmem:s14], [sflag:$0x2] =	stream.linear.gather [hbm4b:s0+s23], $0x10, $0x38;
	[tilespmem:$0x18000] =	vst v63  }
0x2c2: {  	s0 =	sadd.s32 s9, s15;
	s14 =	sand.u32 $0x1FFFFFFE, s16;
	s15 =	spop (v2sf)  }
0x2c3: {  	[tilespmem:s29], [sflag:$0x2] =	stream.linear.gather [hbm4b:s0+s23], $0x10, $0x38;
	[tilespmem:$0x18000] =	vst v63  }
0x2c4: {  	s0 =	sadd.s32 s9, s2;
	s2 =	sand.u32 $0x1FFFFFFE, s15;
	s15 =	spop (v2sf)  }
0x2c5: {  	[tilespmem:s12], [sflag:$0x2] =	stream.linear.gather [hbm4b:s0+s23], $0x10, $0x38;
	[tilespmem:$0x18000] =	vst v63  }
0x2c6: {  	s0 =	sadd.s32 s9, s14;
	s12 =	sand.u32 $0x1FFFFFFE, s15  }
0x2c7: {  	[tilespmem:s13], [sflag:$0x2] =	stream.linear.gather [hbm4b:s0+s23], $0x10, $0x38;
	[tilespmem:$0x18000] =	vst v63  }
0x2c8: {  	s2 =	sadd.s32 s9, s2;
	s0 =	sadd.s32 $0xA90, s24  }
0x2c9: {  	[tilespmem:s0], [sflag:$0x2] =	stream.linear.gather [hbm4b:s2+s23], $0x10, $0x38;
	[tilespmem:$0x18000] =	vst v63  }
0x2ca: {  	s0 =	sadd.s32 $0xB48, s24;
	s2 =	sadd.s32 s9, s12  }
0x2cb: {  	[tilespmem:s0], [sflag:$0x2] =	stream.linear.gather [hbm4b:s2+s23], $0x10, $0x38;
	[tilespmem:$0x18000] =	vst v63  }
0x2cc: {  	v0 =	vld [tilespmem:s25+$0x0];
	_ =	sdelay $0x4  }
0x2cd: {  	v0 =	vshll.u32 v0, $0x1  }
0x2ce: {  	(v2sf) =	vpush v0, $0x0  }
0x2cf: {  	(v2sf) =	vpush v0, $0x1  }
0x2d0: {  	(v2sf) =	vpush v0, $0x2;
	_ =	sdelay $0x1  }
0x2d1: {  	(v2sf) =	vpush v0, $0x4  }
.Ltmp7:
0x2d2: {  	(pc) =	sbr.rel @p0 .LBB2_16-.Ltmp7, $3  }
0x2d3: {  	(v2sf) =	vpush v0, $0x3  }
0x2d4: {  	(v2sf) =	vpush v0, $0x5;
	_ =	sdelay $0x1  }
0x2d5: {  	s24 =	sshra.s32 s28, $0x2;
	(v2sf) =	vpush v0, $0x6  }
0x2d6: {  	_ =	sdelay $0x1  }
0x2d7: {  	s0 =	sadd.s32 $0x138, s24;
	s14 =	sadd.s32 $0x868, s24  }
0x2d8: {  	s2 =	sadd.s32 $0x588, s24;
	s12 =	sadd.s32 $0x920, s24;
	(v2sf) =	vpush v0, $0x7;
	s15 =	sadd.s32 $0x418, s24  }
0x2d9: {  	s16 =	sadd.s32 $0x640, s24;
	s13 =	sadd.s32 $0x9D8, s24;
	s17 =	sadd.s32 $0x80, s24  }
0x2da: {  	s18 =	sadd.s32 $0x360, s24;
	s19 =	sadd.s32 $0x4D0, s24;
	(v2sf) =	vpush v0, $0x8;
	s20 =	spop (v2sf)  }
0x2db: {  	s21 =	sadd.s32 $0x1F0, s24;
	s20 =	sand.u32 $0x1FFFFFFE, s20;
	s22 =	spop (v2sf)  }
0x2dc: {  	(v2sf) =	vpush v0, $0x9;
	s20 =	sadd.s32 s9, s20;
	s22 =	sand.u32 $0x1FFFFFFE, s22;
	s25 =	spop (v2sf)  }
0x2dd: {  	[tilespmem:s17], [sflag:$0x2] =	stream.linear.gather [hbm4b:s20+s23], $0x10, $0x38;
	[tilespmem:$0x18000] =	vst v63  }
0x2de: {  	(v2sf) =	vpush v0, $0xA;
	s26 =	sadd.s32 s9, s22;
	s29 =	sand.u32 $0x1FFFFFFE, s25;
	s28 =	spop (v2sf)  }
0x2df: {  	[tilespmem:s0], [sflag:$0x2] =	stream.linear.gather [hbm4b:s26+s23], $0x10, $0x38;
	[tilespmem:$0x18000] =	vst v63  }
0x2e0: {  	s17 =	sadd.s32 $0x7B0, s24;
	(v2sf) =	vpush v0, $0xB;
	s20 =	sadd.s32 s9, s29;
	s30 =	spop (v2sf)  }
0x2e1: {  	s0 =	sadd.s32 $0x6F8, s24;
	s26 =	sadd.s32 $0x2A8, s24;
	s25 =	sand.u32 $0x1FFFFFFE, s30  }
0x2e2: {  	(v2sf) =	vpush v0, $0xC;
	[tilespmem:s21], [sflag:$0x2] =	stream.linear.gather [hbm4b:s20+s23], $0x10, $0x38;
	[tilespmem:$0x18000] =	vst v63  }
0x2e3: {  	s31 =	sand.u32 $0x1FFFFFFE, s28;
	s28 =	spop (v2sf);
	s29 =	sadd.s32 s9, s25  }
0x2e4: {  	(v2sf) =	vpush v0, $0xD;
	[tilespmem:s26], [sflag:$0x2] =	stream.linear.gather [hbm4b:s29+s23], $0x10, $0x38;
	[tilespmem:$0x18000] =	vst v63  }
0x2e5: {  	s20 =	sadd.s32 s9, s31;
	s21 =	sand.u32 $0x1FFFFFFE, s28;
	s30 =	spop (v2sf)  }
0x2e6: {  	(v2sf) =	vpush v0, $0xE;
	[tilespmem:s18], [sflag:$0x2] =	stream.linear.gather [hbm4b:s20+s23], $0x10, $0x38;
	[tilespmem:$0x18000] =	vst v63  }
0x2e7: {  	s21 =	sadd.s32 s9, s21;
	s31 =	sand.u32 $0x1FFFFFFE, s30;
	s22 =	spop (v2sf)  }
0x2e8: {  	(v2sf) =	vpush v0, $0xF;
	[tilespmem:s15], [sflag:$0x2] =	stream.linear.gather [hbm4b:s21+s23], $0x10, $0x38;
	[tilespmem:$0x18000] =	vst v63  }
0x2e9: {  	s25 =	sand.u32 $0x1FFFFFFE, s22;
	s26 =	spop (v2sf);
	s18 =	sadd.s32 s9, s31  }
0x2ea: {  	[tilespmem:s19], [sflag:$0x2] =	stream.linear.gather [hbm4b:s18+s23], $0x10, $0x38;
	[tilespmem:$0x18000] =	vst v63  }
0x2eb: {  	s28 =	sand.u32 $0x1FFFFFFE, s26;
	s15 =	sadd.s32 s9, s25;
	s29 =	spop (v2sf)  }
0x2ec: {  	[tilespmem:s2], [sflag:$0x2] =	stream.linear.gather [hbm4b:s15+s23], $0x10, $0x38;
	[tilespmem:$0x18000] =	vst v63  }
0x2ed: {  	s18 =	sadd.s32 s9, s28;
	s30 =	sand.u32 $0x1FFFFFFE, s29;
	s31 =	spop (v2sf)  }
0x2ee: {  	[tilespmem:s16], [sflag:$0x2] =	stream.linear.gather [hbm4b:s18+s23], $0x10, $0x38;
	[tilespmem:$0x18000] =	vst v63  }
0x2ef: {  	s15 =	sand.u32 $0x1FFFFFFE, s31;
	s2 =	sadd.s32 s9, s30;
	s18 =	spop (v2sf)  }
0x2f0: {  	[tilespmem:s0], [sflag:$0x2] =	stream.linear.gather [hbm4b:s2+s23], $0x10, $0x38;
	[tilespmem:$0x18000] =	vst v63  }
0x2f1: {  	s15 =	sadd.s32 s9, s15;
	s19 =	sand.u32 $0x1FFFFFFE, s18;
	s20 =	spop (v2sf)  }
0x2f2: {  	[tilespmem:s17], [sflag:$0x2] =	stream.linear.gather [hbm4b:s15+s23], $0x10, $0x38;
	[tilespmem:$0x18000] =	vst v63  }
0x2f3: {  	s0 =	sadd.s32 s9, s19;
	s2 =	sand.u32 $0x1FFFFFFE, s20;
	s21 =	spop (v2sf)  }
0x2f4: {  	[tilespmem:s14], [sflag:$0x2] =	stream.linear.gather [hbm4b:s0+s23], $0x10, $0x38;
	[tilespmem:$0x18000] =	vst v63  }
0x2f5: {  	s22 =	sand.u32 $0x1FFFFFFE, s21;
	s2 =	sadd.s32 s9, s2;
	s25 =	spop (v2sf)  }
0x2f6: {  	[tilespmem:s12], [sflag:$0x2] =	stream.linear.gather [hbm4b:s2+s23], $0x10, $0x38;
	[tilespmem:$0x18000] =	vst v63  }
0x2f7: {  	s26 =	sand.u32 $0x1FFFFFFE, s25;
	s28 =	spop (v2sf);
	s0 =	sadd.s32 s9, s22  }
0x2f8: {  	[tilespmem:s13], [sflag:$0x2] =	stream.linear.gather [hbm4b:s0+s23], $0x10, $0x38;
	[tilespmem:$0x18000] =	vst v63  }
0x2f9: {  	s30 =	sadd.s32 $0xA90, s24;
	s29 =	sand.u32 $0x1FFFFFFE, s28;
	s2 =	sadd.s32 s9, s26  }
0x2fa: {  	[tilespmem:s30], [sflag:$0x2] =	stream.linear.gather [hbm4b:s2+s23], $0x10, $0x38;
	[tilespmem:$0x18000] =	vst v63  }
0x2fb: {  	s31 =	sadd.s32 $0xB48, s24;
	s24 =	simm.s32 $0x17E00;
	s0 =	sadd.s32 s9, s29  }
0x2fc: {  	[tilespmem:s31], [sflag:$0x2] =	stream.linear.gather [hbm4b:s0+s23], $0x10, $0x38;
	[tilespmem:$0x18000] =	vst v63  }
0x2fd: {  	v0 =	vld [tilespmem:s24+$0x0];
	_ =	sdelay $0x4  }
0x2fe: {  	v0 =	vshll.u32 v0, $0x1  }
0x2ff: {  	(v2sf) =	vpush v0, $0x0  }
0x300: {  	(v2sf) =	vpush v0, $0x1  }
0x301: {  	(v2sf) =	vpush v0, $0x2;
	_ =	sdelay $0x1  }
0x302: {  	(v2sf) =	vpush v0, $0x4;
	_ =	sdelay $0x1  }
0x303: {  	(v2sf) =	vpush v0, $0x3  }
0x304: {  	(v2sf) =	vpush v0, $0x5  }
0x305: {  	s25 =	simm.s32 $0x2E00;
	s23 =	simm.s32 $0x0;
	(v2sf) =	vpush v0, $0x6  }
.LBB2_18:
0x306: {  	p0 =	sne.s32 s25, $0x59200  }
0x307: {  	s0 =	sadd.s32 $0x148, s23;
	s28 =	sadd.s32 $0x878, s23;
	s26 =	smov.u32 s25  }
0x308: {  	s25 =	sadd.s32 $0x2E00, s25;
	s16 =	sadd.s32 $0x598, s23;
	s12 =	sadd.s32 $0x930, s23;
	(v2sf) =	vpush v0, $0x7  }
0x309: {  	s18 =	sadd.s32 $0x428, s23;
	s15 =	sadd.s32 $0x650, s23;
	s13 =	sadd.s32 $0x9E8, s23  }
0x30a: {  	s2 =	sadd.s32 $0x90, s23;
	s19 =	sadd.s32 $0x370, s23;
	(v2sf) =	vpush v0, $0x8  }
0x30b: {  	s20 =	sadd.s32 $0x4E0, s23;
	s24 =	sadd.s32 $0x10, s24  }
0x30c: {  	s21 =	sadd.s32 $0x200, s23;
	s14 =	sadd.s32 $0x7C0, s23;
	s17 =	spop (v2sf);
	(v2sf) =	vpush v0, $0x9  }
0x30d: {  	s22 =	sand.u32 $0x1FFFFFFE, s17;
	s17 =	sadd.s32 $0x708, s23;
	s29 =	spop (v2sf)  }
0x30e: {  	s22 =	sadd.s32 s10, s22;
	s29 =	sand.u32 $0x1FFFFFFE, s29;
	s30 =	spop (v2sf);
	(v2sf) =	vpush v0, $0xA  }
0x30f: {  	[tilespmem:s2], [sflag:$0x2] =	stream.linear.gather [hbm4b:s22+s1], $0x10, $0x38;
	[tilespmem:$0x18000] =	vst v63  }
0x310: {  	s2 =	sadd.s32 s10, s29;
	s22 =	sadd.s32 $0x2B8, s23;
	s29 =	spop (v2sf);
	(v2sf) =	vpush v0, $0xB  }
0x311: {  	[tilespmem:s0], [sflag:$0x2] =	stream.linear.gather [hbm4b:s2+s1], $0x10, $0x38;
	[tilespmem:$0x18000] =	vst v63  }
0x312: {  	s0 =	sand.u32 $0x1FFFFFFE, s30;
	s2 =	sand.u32 $0x1FFFFFFE, s29;
	s29 =	spop (v2sf);
	(v2sf) =	vpush v0, $0xC  }
0x313: {  	s0 =	sadd.s32 s10, s0;
	s29 =	sand.u32 $0x1FFFFFFE, s29;
	s30 =	spop (v2sf)  }
0x314: {  	[tilespmem:s21], [sflag:$0x2] =	stream.linear.gather [hbm4b:s0+s1], $0x10, $0x38;
	(v2sf) =	vpush v0, $0xD;
	[tilespmem:$0x18000] =	vst v63  }
0x315: {  	s0 =	sadd.s32 s10, s29;
	s21 =	sand.u32 $0x1FFFFFFE, s30;
	s29 =	spop (v2sf)  }
0x316: {  	[tilespmem:s22], [sflag:$0x2] =	stream.linear.gather [hbm4b:s0+s1], $0x10, $0x38;
	(v2sf) =	vpush v0, $0xE;
	[tilespmem:$0x18000] =	vst v63  }
0x317: {  	s0 =	sadd.s32 s10, s2;
	s2 =	sand.u32 $0x1FFFFFFE, s29;
	s22 =	spop (v2sf)  }
0x318: {  	[tilespmem:s19], [sflag:$0x2] =	stream.linear.gather [hbm4b:s0+s1], $0x10, $0x38;
	(v2sf) =	vpush v0, $0xF;
	[tilespmem:$0x18000] =	vst v63  }
0x319: {  	s0 =	sadd.s32 s10, s21;
	s19 =	sand.u32 $0x1FFFFFFE, s22;
	s21 =	spop (v2sf)  }
0x31a: {  	[tilespmem:s18], [sflag:$0x2] =	stream.linear.gather [hbm4b:s0+s1], $0x10, $0x38;
	[tilespmem:$0x18000] =	vst v63  }
0x31b: {  	s0 =	sadd.s32 s10, s2;
	s2 =	sand.u32 $0x1FFFFFFE, s21;
	s18 =	spop (v2sf)  }
0x31c: {  	[tilespmem:s20], [sflag:$0x2] =	stream.linear.gather [hbm4b:s0+s1], $0x10, $0x38;
	[tilespmem:$0x18000] =	vst v63  }
0x31d: {  	s0 =	sadd.s32 s10, s19;
	s18 =	sand.u32 $0x1FFFFFFE, s18;
	s19 =	spop (v2sf)  }
0x31e: {  	[tilespmem:s16], [sflag:$0x2] =	stream.linear.gather [hbm4b:s0+s1], $0x10, $0x38;
	[tilespmem:$0x18000] =	vst v63  }
0x31f: {  	s0 =	sadd.s32 s10, s2;
	s2 =	sand.u32 $0x1FFFFFFE, s19;
	s16 =	spop (v2sf)  }
0x320: {  	[tilespmem:s15], [sflag:$0x2] =	stream.linear.gather [hbm4b:s0+s1], $0x10, $0x38;
	[tilespmem:$0x18000] =	vst v63  }
0x321: {  	s0 =	sadd.s32 s10, s18;
	s15 =	sand.u32 $0x1FFFFFFE, s16;
	s16 =	spop (v2sf)  }
0x322: {  	[tilespmem:s17], [sflag:$0x2] =	stream.linear.gather [hbm4b:s0+s1], $0x10, $0x38;
	[tilespmem:$0x18000] =	vst v63  }
0x323: {  	s0 =	sadd.s32 s10, s2;
	s2 =	sand.u32 $0x1FFFFFFE, s16;
	s16 =	spop (v2sf)  }
0x324: {  	[tilespmem:s14], [sflag:$0x2] =	stream.linear.gather [hbm4b:s0+s1], $0x10, $0x38;
	[tilespmem:$0x18000] =	vst v63  }
0x325: {  	s0 =	sadd.s32 s10, s15;
	s14 =	sand.u32 $0x1FFFFFFE, s16;
	s15 =	spop (v2sf)  }
0x326: {  	[tilespmem:s28], [sflag:$0x2] =	stream.linear.gather [hbm4b:s0+s1], $0x10, $0x38;
	[tilespmem:$0x18000] =	vst v63  }
0x327: {  	s0 =	sadd.s32 s10, s2;
	s2 =	sand.u32 $0x1FFFFFFE, s15;
	s15 =	spop (v2sf)  }
0x328: {  	[tilespmem:s12], [sflag:$0x2] =	stream.linear.gather [hbm4b:s0+s1], $0x10, $0x38;
	[tilespmem:$0x18000] =	vst v63  }
0x329: {  	s0 =	sadd.s32 s10, s14;
	s12 =	sand.u32 $0x1FFFFFFE, s15  }
0x32a: {  	[tilespmem:s13], [sflag:$0x2] =	stream.linear.gather [hbm4b:s0+s1], $0x10, $0x38;
	[tilespmem:$0x18000] =	vst v63  }
0x32b: {  	s2 =	sadd.s32 s10, s2;
	s0 =	sadd.s32 $0xAA0, s23  }
0x32c: {  	[tilespmem:s0], [sflag:$0x2] =	stream.linear.gather [hbm4b:s2+s1], $0x10, $0x38;
	[tilespmem:$0x18000] =	vst v63  }
0x32d: {  	s0 =	sadd.s32 $0xB58, s23;
	s2 =	sadd.s32 s10, s12  }
0x32e: {  	[tilespmem:s0], [sflag:$0x2] =	stream.linear.gather [hbm4b:s2+s1], $0x10, $0x38;
	[tilespmem:$0x18000] =	vst v63  }
0x32f: {  	v0 =	vld [tilespmem:s24+$0x0];
	_ =	sdelay $0x4  }
0x330: {  	v0 =	vshll.u32 v0, $0x1  }
0x331: {  	(v2sf) =	vpush v0, $0x0  }
0x332: {  	(v2sf) =	vpush v0, $0x1  }
0x333: {  	(v2sf) =	vpush v0, $0x2;
	_ =	sdelay $0x1  }
0x334: {  	(v2sf) =	vpush v0, $0x4  }
.Ltmp8:
0x335: {  	(pc) =	sbr.rel @p0 .LBB2_18-.Ltmp8, $3  }
0x336: {  	(v2sf) =	vpush v0, $0x3  }
0x337: {  	(v2sf) =	vpush v0, $0x5;
	_ =	sdelay $0x1  }
0x338: {  	s23 =	sshra.s32 s26, $0x2;
	(v2sf) =	vpush v0, $0x6  }
0x339: {  	_ =	sdelay $0x1  }
0x33a: {  	s0 =	sadd.s32 $0x148, s23;
	s14 =	sadd.s32 $0x878, s23  }
0x33b: {  	s2 =	sadd.s32 $0x598, s23;
	s12 =	sadd.s32 $0x930, s23;
	(v2sf) =	vpush v0, $0x7;
	s15 =	sadd.s32 $0x428, s23  }
0x33c: {  	s16 =	sadd.s32 $0x650, s23;
	s13 =	sadd.s32 $0x9E8, s23;
	s17 =	sadd.s32 $0x90, s23  }
0x33d: {  	s18 =	sadd.s32 $0x370, s23;
	s19 =	sadd.s32 $0x4E0, s23;
	(v2sf) =	vpush v0, $0x8;
	s20 =	spop (v2sf)  }
0x33e: {  	s21 =	sadd.s32 $0x200, s23;
	s20 =	sand.u32 $0x1FFFFFFE, s20;
	s22 =	spop (v2sf)  }
0x33f: {  	(v2sf) =	vpush v0, $0x9;
	s20 =	sadd.s32 s10, s20;
	s22 =	sand.u32 $0x1FFFFFFE, s22;
	s24 =	spop (v2sf)  }
0x340: {  	[tilespmem:s17], [sflag:$0x2] =	stream.linear.gather [hbm4b:s20+s1], $0x10, $0x38;
	[tilespmem:$0x18000] =	vst v63  }
0x341: {  	s25 =	sadd.s32 $0x2B8, s23;
	(v2sf) =	vpush v0, $0xA;
	s26 =	sadd.s32 s10, s22;
	s28 =	spop (v2sf)  }
0x342: {  	[tilespmem:s0], [sflag:$0x2] =	stream.linear.gather [hbm4b:s26+s1], $0x10, $0x38;
	[tilespmem:$0x18000] =	vst v63  }
0x343: {  	s17 =	sadd.s32 $0x7C0, s23;
	s29 =	sand.u32 $0x1FFFFFFE, s24;
	(v2sf) =	vpush v0, $0xB;
	s30 =	spop (v2sf)  }
0x344: {  	s20 =	sadd.s32 s10, s29;
	s0 =	sadd.s32 $0x708, s23;
	s24 =	sand.u32 $0x1FFFFFFE, s30  }
0x345: {  	(v2sf) =	vpush v0, $0xC;
	[tilespmem:s21], [sflag:$0x2] =	stream.linear.gather [hbm4b:s20+s1], $0x10, $0x38;
	[tilespmem:$0x18000] =	vst v63  }
0x346: {  	s31 =	sand.u32 $0x1FFFFFFE, s28;
	s26 =	spop (v2sf);
	s28 =	sadd.s32 s10, s24  }
0x347: {  	(v2sf) =	vpush v0, $0xD;
	[tilespmem:s25], [sflag:$0x2] =	stream.linear.gather [hbm4b:s28+s1], $0x10, $0x38;
	[tilespmem:$0x18000] =	vst v63  }
0x348: {  	s20 =	sadd.s32 s10, s31;
	s21 =	sand.u32 $0x1FFFFFFE, s26;
	s29 =	spop (v2sf)  }
0x349: {  	(v2sf) =	vpush v0, $0xE;
	[tilespmem:s18], [sflag:$0x2] =	stream.linear.gather [hbm4b:s20+s1], $0x10, $0x38;
	[tilespmem:$0x18000] =	vst v63  }
0x34a: {  	s21 =	sadd.s32 s10, s21;
	s30 =	sand.u32 $0x1FFFFFFE, s29;
	s31 =	spop (v2sf)  }
0x34b: {  	(v2sf) =	vpush v0, $0xF;
	[tilespmem:s15], [sflag:$0x2] =	stream.linear.gather [hbm4b:s21+s1], $0x10, $0x38;
	[tilespmem:$0x18000] =	vst v63  }
0x34c: {  	s22 =	spop (v2sf);
	s18 =	sadd.s32 s10, s30;
	s21 =	sand.u32 $0x1FFFFFFE, s31  }
0x34d: {  	[tilespmem:s19], [sflag:$0x2] =	stream.linear.gather [hbm4b:s18+s1], $0x10, $0x38;
	[tilespmem:$0x18000] =	vst v63  }
0x34e: {  	s24 =	sand.u32 $0x1FFFFFFE, s22;
	s15 =	sadd.s32 s10, s21;
	s25 =	spop (v2sf)  }
0x34f: {  	[tilespmem:s2], [sflag:$0x2] =	stream.linear.gather [hbm4b:s15+s1], $0x10, $0x38;
	[tilespmem:$0x18000] =	vst v63  }
0x350: {  	s18 =	sadd.s32 s10, s24;
	s26 =	sand.u32 $0x1FFFFFFE, s25;
	s28 =	spop (v2sf)  }
0x351: {  	[tilespmem:s16], [sflag:$0x2] =	stream.linear.gather [hbm4b:s18+s1], $0x10, $0x38;
	[tilespmem:$0x18000] =	vst v63  }
0x352: {  	s15 =	sand.u32 $0x1FFFFFFE, s28;
	s2 =	sadd.s32 s10, s26;
	s29 =	spop (v2sf)  }
0x353: {  	[tilespmem:s0], [sflag:$0x2] =	stream.linear.gather [hbm4b:s2+s1], $0x10, $0x38;
	[tilespmem:$0x18000] =	vst v63  }
0x354: {  	s15 =	sadd.s32 s10, s15;
	s30 =	sand.u32 $0x1FFFFFFE, s29;
	s31 =	spop (v2sf)  }
0x355: {  	[tilespmem:s17], [sflag:$0x2] =	stream.linear.gather [hbm4b:s15+s1], $0x10, $0x38;
	[tilespmem:$0x18000] =	vst v63  }
0x356: {  	s0 =	sadd.s32 s10, s30;
	s2 =	sand.u32 $0x1FFFFFFE, s31;
	s16 =	spop (v2sf)  }
0x357: {  	[tilespmem:s14], [sflag:$0x2] =	stream.linear.gather [hbm4b:s0+s1], $0x10, $0x38;
	[tilespmem:$0x18000] =	vst v63  }
0x358: {  	s17 =	sand.u32 $0x1FFFFFFE, s16;
	s2 =	sadd.s32 s10, s2;
	s18 =	spop (v2sf)  }
0x359: {  	[tilespmem:s12], [sflag:$0x2] =	stream.linear.gather [hbm4b:s2+s1], $0x10, $0x38;
	[tilespmem:$0x18000] =	vst v63  }
0x35a: {  	s19 =	sand.u32 $0x1FFFFFFE, s18;
	s20 =	spop (v2sf);
	s0 =	sadd.s32 s10, s17  }
0x35b: {  	[tilespmem:s13], [sflag:$0x2] =	stream.linear.gather [hbm4b:s0+s1], $0x10, $0x38;
	[tilespmem:$0x18000] =	vst v63  }
0x35c: {  	s22 =	sadd.s32 $0xAA0, s23;
	s21 =	sand.u32 $0x1FFFFFFE, s20;
	s2 =	sadd.s32 s10, s19  }
0x35d: {  	[tilespmem:s22], [sflag:$0x2] =	stream.linear.gather [hbm4b:s2+s1], $0x10, $0x38;
	[tilespmem:$0x18000] =	vst v63  }
0x35e: {  	s24 =	sadd.s32 $0xB58, s23;
	s25 =	simm.s32 $0x2;
	s0 =	sadd.s32 s10, s21  }
0x35f: {  	[tilespmem:s24], [sflag:$0x2] =	stream.linear.gather [hbm4b:s0+s1], $0x10, $0x38;
	[tilespmem:$0x18000] =	vst v63  }
0x360: {  	_ =	swait.ge [sflag:s25], $0x14000  }
0x361: {  	[sflag:s25] =	ssyncset.done $0x0  }
0x362: {  	s26 =	simm.s32 $0x3;
	[sflag:s25] =	ssyncadd.s32 $0xFFFEC000  }
0x363: {  	_ =	swait.ge [sflag:s26], $0x3000  }
0x364: {  	[sflag:s26] =	ssyncset.done $0x0  }
0x365: {  	s29 =	simm.s32 $0x4;
	s28 =	rddreg [dreg:$0x13];
	[sflag:s26] =	ssyncadd.s32 $0xFFFFD000  }
0x366: {  	[hbm4b:s28+s1] =	stream.linear.scatter [tilespmem:s1], [sflag:$0x4], $0x17000, $0x38;
	[tilespmem:$0x18000] =	vst v63  }
0x367: {  	_ =	swait.ge [sflag:s29], $0x17000  }
0x368: {  	s30 =	rddreg [dreg:$0x15]  }
0x369: {  	s31 =	rddreg [dreg:$0x14];
	s12 =	sadd.s32 $0x1, s30  }
0x36a: {  	p0 =	sne.s32 s12, s31  }
.Ltmp9:
0x36b: {  	_ = 	snop;
	(pc) =	sbr.rel @p0 .LBB2_1-.Ltmp9, $3  }
0x36c: {  	_ =	sdelay $0x1  }
0x36d: {  	[sflag:s29] =	ssyncset.done $0x0  }
0x36e: {  	[sflag:s29] =	ssyncadd.s32 $0xFFFE9000  }
0x36f: {  	_ =	sfence.sel $0x180000  }
0x370: {  	[bflag:$0x0] =	sbarrier.arrive $0xFFFF  }
0x371: {  	_ =	strace $0x90000047  }
0x372: {  	s0 =	stileid.u32;
	[bflag:$0x2] =	sbarrier.arrive $0xFFFF  }
0x373: {  	p0 =	sne.s32 s0, $0x0;
	s0 =	rddreg [dreg:$0xa]  }
0x374: {  	s0 =	sadd.s32 @!p0 $0x100000, s0  }
0x375: {  	[sflag:s0] =	ssyncadd.tile.s32 @!p0 $0x1;
	_ =	shalt  }
.Lfunc_end2:
_tile_overlayer_lowered:
.L_overlay_start_2:
0x376: {  	(tag) =	ssettag $0x2  }
0x377: {  	s0 =	rddreg [dreg:$0x0];
	s2 =	stileid.u32  }
0x378: {  	s1 =	rddreg [dreg:$0x1];
	p0 =	sne.s32 s2, $0x0  }
0x379: {  	s3 =	rddreg [dreg:$0x2];
	[bflag:$0x3] =	sbarrier.arrive $0xFFFF;
	s2 =	simm.s32 @!p0 $0x1C04  }
0x37a: {  	[timem:s3], [sflag:s2] =	dma.local @!p0 [hbm:s0], s1  }
0x37b: {  	s0 =	simm.s32 @!p0 $0x4  }
0x37c: {  	_ =	swait.ge @!p0 [sflag:s0], s1  }
0x37d: {  	s1 =	ssub.s32 @!p0 $0x0, s1;
	[sflag:s0] =	ssyncset.done @!p0 $0x0  }
0x37e: {  	[sflag:s0] =	ssyncadd.s32 @!p0 s1  }
0x37f: {  	[bflag:$0x3] =	sbarrier.arrive $0xFFFF  }
0x380: {  	_ =	shalt  }

</sc_bundles>
